<compile_context>
chip_gen: v7x
topology: tpu7x:2x2x1
jax: 0.10.2.dev20260603
libtpu: 0.0.44.dev20260713+nightly
codegen_flags: <defaults>
</compile_context>

<pallas_src>
import functools

import jax
import jax.numpy as jnp
from jax import lax
from jax.experimental import pallas as pl
from jax.experimental.pallas import tpu as pltpu
from jax.experimental.pallas import tpu_sc as plsc

CHUNK = 32
NBUF = 4
LEAD = NBUF // 2


@functools.lru_cache(maxsize=None)
def _build(N: int, V: int, W: int):
    info = plsc.get_sparse_core_info()
    NC, NS, LANES = info.num_cores, info.num_subcores, info.num_lanes
    NW = NC * NS
    assert N % NW == 0
    b_per_w = N // NW
    assert b_per_w % (CHUNK * NBUF) == 0
    n_chunks = b_per_w // CHUNK
    n_outer = n_chunks // NBUF
    groups = W // LANES

    mesh = plsc.VectorSubcoreMesh(core_axis_name="c", subcore_axis_name="s")

    @functools.partial(
        pl.kernel,
        mesh=mesh,
        out_type=jax.ShapeDtypeStruct((N, W), jnp.float32),
        scratch_types=[
            pltpu.VMEM((b_per_w,), jnp.int32),
            pltpu.VMEM((b_per_w,), jnp.float32),
        ]
        + [pltpu.VMEM((CHUNK, W), jnp.float32)] * NBUF
        + [pltpu.SemaphoreType.DMA] * (2 * NBUF),
    )
    def gather_mul(idx_hbm, mask_hbm, table_hbm, out_hbm,
                   idx_v, mask_v, *scratch):
        rows = scratch[:NBUF]
        gsem = scratch[NBUF:2 * NBUF]
        ssem = scratch[2 * NBUF:]
        wid = lax.axis_index("s") * NC + lax.axis_index("c")
        base = wid * b_per_w
        pltpu.sync_copy(idx_hbm.at[pl.ds(base, b_per_w)], idx_v)
        pltpu.sync_copy(mask_hbm.at[pl.ds(base, b_per_w)], mask_v)

        def gather_start(c, b):
            pltpu.async_copy(
                table_hbm.at[idx_v.at[pl.ds(c * CHUNK, CHUNK)]], rows[b], gsem[b])

        def gather_wait(b):
            pltpu.make_async_copy(
                table_hbm.at[idx_v.at[pl.ds(0, CHUNK)]], rows[b], gsem[b]).wait()

        def scatter_start(c, b):
            pltpu.async_copy(
                rows[b], out_hbm.at[pl.ds(base + c * CHUNK, CHUNK)], ssem[b])

        def scatter_wait(b):
            pltpu.make_async_copy(
                rows[b], out_hbm.at[pl.ds(base, CHUNK)], ssem[b]).wait()

        def mul_chunk(c, b):
            off = c * CHUNK

            def rg_body(rg, _):
                mvec16 = mask_v[pl.ds(off + rg * LANES, LANES)]

                def j_body(j, _):
                    m_j = jnp.take(mvec16, jnp.full((LANES,), j, jnp.int32))
                    r = rg * LANES + j
                    for g in range(groups):
                        sl = pl.ds(g * LANES, LANES)
                        rows[b][r, sl] = rows[b][r, sl] * m_j
                    return 0

                lax.fori_loop(0, LANES, j_body, 0)
                return 0

            lax.fori_loop(0, CHUNK // LANES, rg_body, 0)

        def run_ring(do_mul):
            def body(cp, _):
                for b in range(NBUF):
                    c = cp * NBUF + b
                    b2 = (b + LEAD) % NBUF
                    cond = (cp >= 1) if b < NBUF - LEAD else (cp < n_outer - 1)

                    @pl.when(cond)
                    def _(b2=b2, c=c):
                        scatter_wait(b2)
                        gather_start(c + LEAD, b2)

                    gather_wait(b)

                    @pl.when(do_mul)
                    def _(c=c, b=b):
                        mul_chunk(c, b)

                    scatter_start(c, b)

                return 0

            lax.fori_loop(0, n_outer, body, 0)
            for b in range(NBUF):
                scatter_wait(b)

        for b in range(NBUF):
            gather_start(b, b)

        def chk_body(g, carry):
            mn, mx = carry
            mv = mask_v[pl.ds(g * LANES, LANES)]
            return jnp.minimum(mn, mv), jnp.maximum(mx, mv)

        mn0 = mask_v[pl.ds(0, LANES)]
        mn, mx = lax.fori_loop(1, b_per_w // LANES, chk_body, (mn0, mn0))
        lane = lax.iota(jnp.int32, LANES)
        for sh in (8, 4, 2, 1):
            perm = jnp.bitwise_and(lane + sh, LANES - 1)
            mn = jnp.minimum(mn, jnp.take(mn, perm))
            mx = jnp.maximum(mx, jnp.take(mx, perm))
        allones = jnp.logical_and(mn[0] == 1.0, mx[0] == 1.0)

        run_ring(jnp.logical_not(allones))

    return gather_mul


def kernel(obs_pos, obs_mask, table):
    B, L = obs_pos.shape
    V, W = table.shape
    N = B * L
    idx = obs_pos.reshape(N).astype(jnp.int32)
    mask = obs_mask.astype(jnp.float32).reshape(N)
    out = _build(N, V, W)(idx, mask, table)
    return out.reshape(B, L, W)

# --- scband reference (transcript-rebuilt; emitter-appended) ---
"""Pipeline reference for scband-local-position-encoding-46067819217226 (READ-ONLY COPY).

The authoritative reference and input builder live on the scoring server;
editing this copy changes nothing except your own understanding.
"""

import jax, jax.numpy as jnp
import numpy as np

B, L, V, W = 4, 8192, 8192, 768

def setup_inputs(seed: int = 0) -> dict:
    key = jax.random.key(seed)
    k1, k2 = jax.random.split(key)
    obs_pos = jax.random.randint(k1, (B, L), 0, V, dtype=jnp.int64 if jax.config.jax_enable_x64 else jnp.int32)
    obs_mask = jnp.ones((B, 1, L), dtype=jnp.float32)
    # Learned embedding table: (token_sequence_length, layer_width)
    table = jax.random.normal(k2, (V, W), dtype=jnp.float32) * 0.02
    return {"obs_pos": obs_pos, "obs_mask": obs_mask, "table": table}

def reference(obs_pos, obs_mask, table):
    # embed = Embedding(token_sequence_length, layer_width)(obs_pos)
    embed = jnp.take(table, obs_pos, axis=0)  # [B, L, W]
    # ones = tf.ones((B, 1, W))
    ones = jnp.ones((embed.shape[0], 1, table.shape[1]), dtype=jnp.float32)
    # obs_mask = tf.matmul(obs_mask, ones, transpose_a=True)
    # obs_mask: [B, 1, L] -> transpose_a -> [B, L, 1]; [B, L, 1] @ [B, 1, W] = [B, L, W]
    mask = jnp.matmul(jnp.transpose(obs_mask.astype(jnp.float32), (0, 2, 1)), ones)
    return embed * mask

if __name__ == "__main__":
    import jax
    _d = setup_inputs()
    print(jax.jit(kernel)(*tuple(_d.values())))

</pallas_src>

<mosaic_0001>
#map = affine_map<(d0, d1) -> (0)>
#map1 = affine_map<(d0, d1) -> (0, 0)>
module attributes {stable_mosaic.version = 14 : i64} {
  func.func @gather_mul(%arg0: i32, %arg1: i32, %arg2: memref<32768xi32, #tpu.memory_space<hbm>>, %arg3: memref<32768xf32, #tpu.memory_space<hbm>>, %arg4: memref<8192x768xf32, #tpu.memory_space<hbm>>, %arg5: memref<32768x768xf32, #tpu.memory_space<hbm>>, %arg6: memref<1024xi32, #tpu.memory_space<vmem>>, %arg7: memref<1024xf32, #tpu.memory_space<vmem>>, %arg8: memref<32x768xf32, #tpu.memory_space<vmem>>, %arg9: memref<32x768xf32, #tpu.memory_space<vmem>>, %arg10: memref<32x768xf32, #tpu.memory_space<vmem>>, %arg11: memref<32x768xf32, #tpu.memory_space<vmem>>, %arg12: memref<!tpu.dma_semaphore, #tpu.memory_space<semaphore_mem>>, %arg13: memref<!tpu.dma_semaphore, #tpu.memory_space<semaphore_mem>>, %arg14: memref<!tpu.dma_semaphore, #tpu.memory_space<semaphore_mem>>, %arg15: memref<!tpu.dma_semaphore, #tpu.memory_space<semaphore_mem>>, %arg16: memref<!tpu.dma_semaphore, #tpu.memory_space<semaphore_mem>>, %arg17: memref<!tpu.dma_semaphore, #tpu.memory_space<semaphore_mem>>, %arg18: memref<!tpu.dma_semaphore, #tpu.memory_space<semaphore_mem>>, %arg19: memref<!tpu.dma_semaphore, #tpu.memory_space<semaphore_mem>>) attributes {dimension_semantics = [#tpu.dimension_semantics<core_parallel>, #tpu.dimension_semantics<subcore_parallel>], iteration_bounds = array<i64: 2, 16>, scalar_prefetch = 0 : i64, scratch_operands = 14 : i64, tpu.core_type = #tpu.core_type<sc_vector_subcore>, window_params = [{transform_indices = #map}, {transform_indices = #map}, {transform_indices = #map1}, {transform_indices = #map1}]} {
    %mul3A = arith.constant 2 : i32
    %mul3A_0 = arith.muli %arg1, %mul3A : i32
    %add3A = arith.addi %mul3A_0, %arg0 : i32
    %mul3A_1 = arith.constant 1024 : i32
    %mul3A_2 = arith.muli %add3A, %mul3A_1 : i32
    "tpu.region"() ({
      %run_scoped3A = tpu.sem_alloc : memref<!tpu.dma_semaphore, #tpu.memory_space<semaphore_mem>>
      %dma_start3A_163 = tpu.memref_slice %arg2[%mul3A_2] : memref<32768xi32, #tpu.memory_space<hbm>> -> memref<1024xi32, #tpu.memory_space<hbm>>
      %dma_start3A_164 = tpu.memref_slice %arg2[%mul3A_2] : memref<32768xi32, #tpu.memory_space<hbm>> -> memref<1024xi32, #tpu.memory_space<hbm>>
      tpu.enqueue_dma source(%dma_start3A_164 : memref<1024xi32, #tpu.memory_space<hbm>>) target(%arg6 : memref<1024xi32, #tpu.memory_space<vmem>>) target_semaphore(%run_scoped3A : memref<!tpu.dma_semaphore, #tpu.memory_space<semaphore_mem>>)
      %dma_wait3A_165 = tpu.memref_slice %arg2[%mul3A_2] : memref<32768xi32, #tpu.memory_space<hbm>> -> memref<1024xi32, #tpu.memory_space<hbm>>
      %dma_wait3A_166 = tpu.memref_slice %arg2[%mul3A_2] : memref<32768xi32, #tpu.memory_space<hbm>> -> memref<1024xi32, #tpu.memory_space<hbm>>
      tpu.wait_dma2 semaphore(%run_scoped3A : memref<!tpu.dma_semaphore, #tpu.memory_space<semaphore_mem>>) src(%dma_wait3A_166 : memref<1024xi32, #tpu.memory_space<hbm>>) dst(%arg6 : memref<1024xi32, #tpu.memory_space<vmem>>)
      tpu.yield
    }) : () -> ()
    "tpu.region"() ({
      %run_scoped3A = tpu.sem_alloc : memref<!tpu.dma_semaphore, #tpu.memory_space<semaphore_mem>>
      %dma_start3A_163 = tpu.memref_slice %arg3[%mul3A_2] : memref<32768xf32, #tpu.memory_space<hbm>> -> memref<1024xf32, #tpu.memory_space<hbm>>
      %dma_start3A_164 = tpu.memref_slice %arg3[%mul3A_2] : memref<32768xf32, #tpu.memory_space<hbm>> -> memref<1024xf32, #tpu.memory_space<hbm>>
      tpu.enqueue_dma source(%dma_start3A_164 : memref<1024xf32, #tpu.memory_space<hbm>>) target(%arg7 : memref<1024xf32, #tpu.memory_space<vmem>>) target_semaphore(%run_scoped3A : memref<!tpu.dma_semaphore, #tpu.memory_space<semaphore_mem>>)
      %dma_wait3A_165 = tpu.memref_slice %arg3[%mul3A_2] : memref<32768xf32, #tpu.memory_space<hbm>> -> memref<1024xf32, #tpu.memory_space<hbm>>
      %dma_wait3A_166 = tpu.memref_slice %arg3[%mul3A_2] : memref<32768xf32, #tpu.memory_space<hbm>> -> memref<1024xf32, #tpu.memory_space<hbm>>
      tpu.wait_dma2 semaphore(%run_scoped3A : memref<!tpu.dma_semaphore, #tpu.memory_space<semaphore_mem>>) src(%dma_wait3A_166 : memref<1024xf32, #tpu.memory_space<hbm>>) dst(%arg7 : memref<1024xf32, #tpu.memory_space<vmem>>)
      tpu.yield
    }) : () -> ()
    %dma_start3A = arith.constant 0 : i32
    %dma_start3A_3 = tpu.memref_slice %arg6[%dma_start3A] : memref<1024xi32, #tpu.memory_space<vmem>> -> memref<32xi32, #tpu.memory_space<vmem>>
    %dma_start3A_4 = arith.constant 0 : i32
    %dma_start3A_5 = arith.constant 0 : i32
    %dma_start3A_6 = tpu.memref_slice %arg4[%dma_start3A_4, %dma_start3A_5] : memref<8192x768xf32, #tpu.memory_space<hbm>> -> memref<8192x768xf32, #tpu.memory_space<hbm>>
    tpu.enqueue_indirect_dma source(%dma_start3A_6 : memref<8192x768xf32, #tpu.memory_space<hbm>>) target(%arg8 : memref<32x768xf32, #tpu.memory_space<vmem>>) offsets(%dma_start3A_3 : memref<32xi32, #tpu.memory_space<vmem>>) semaphore(%arg12 : memref<!tpu.dma_semaphore, #tpu.memory_space<semaphore_mem>>)
    %dma_start3A_7 = arith.constant 32 : i32
    %dma_start3A_8 = tpu.memref_slice %arg6[%dma_start3A_7] : memref<1024xi32, #tpu.memory_space<vmem>> -> memref<32xi32, #tpu.memory_space<vmem>>
    %dma_start3A_9 = arith.constant 0 : i32
    %dma_start3A_10 = arith.constant 0 : i32
    %dma_start3A_11 = tpu.memref_slice %arg4[%dma_start3A_9, %dma_start3A_10] : memref<8192x768xf32, #tpu.memory_space<hbm>> -> memref<8192x768xf32, #tpu.memory_space<hbm>>
    tpu.enqueue_indirect_dma source(%dma_start3A_11 : memref<8192x768xf32, #tpu.memory_space<hbm>>) target(%arg9 : memref<32x768xf32, #tpu.memory_space<vmem>>) offsets(%dma_start3A_8 : memref<32xi32, #tpu.memory_space<vmem>>) semaphore(%arg13 : memref<!tpu.dma_semaphore, #tpu.memory_space<semaphore_mem>>)
    %dma_start3A_12 = arith.constant 64 : i32
    %dma_start3A_13 = tpu.memref_slice %arg6[%dma_start3A_12] : memref<1024xi32, #tpu.memory_space<vmem>> -> memref<32xi32, #tpu.memory_space<vmem>>
    %dma_start3A_14 = arith.constant 0 : i32
    %dma_start3A_15 = arith.constant 0 : i32
    %dma_start3A_16 = tpu.memref_slice %arg4[%dma_start3A_14, %dma_start3A_15] : memref<8192x768xf32, #tpu.memory_space<hbm>> -> memref<8192x768xf32, #tpu.memory_space<hbm>>
    tpu.enqueue_indirect_dma source(%dma_start3A_16 : memref<8192x768xf32, #tpu.memory_space<hbm>>) target(%arg10 : memref<32x768xf32, #tpu.memory_space<vmem>>) offsets(%dma_start3A_13 : memref<32xi32, #tpu.memory_space<vmem>>) semaphore(%arg14 : memref<!tpu.dma_semaphore, #tpu.memory_space<semaphore_mem>>)
    %dma_start3A_17 = arith.constant 96 : i32
    %dma_start3A_18 = tpu.memref_slice %arg6[%dma_start3A_17] : memref<1024xi32, #tpu.memory_space<vmem>> -> memref<32xi32, #tpu.memory_space<vmem>>
    %dma_start3A_19 = arith.constant 0 : i32
    %dma_start3A_20 = arith.constant 0 : i32
    %dma_start3A_21 = tpu.memref_slice %arg4[%dma_start3A_19, %dma_start3A_20] : memref<8192x768xf32, #tpu.memory_space<hbm>> -> memref<8192x768xf32, #tpu.memory_space<hbm>>
    tpu.enqueue_indirect_dma source(%dma_start3A_21 : memref<8192x768xf32, #tpu.memory_space<hbm>>) target(%arg11 : memref<32x768xf32, #tpu.memory_space<vmem>>) offsets(%dma_start3A_18 : memref<32xi32, #tpu.memory_space<vmem>>) semaphore(%arg15 : memref<!tpu.dma_semaphore, #tpu.memory_space<semaphore_mem>>)
    %get3A = arith.constant 0 : index
    %get3A_22 = tpu.vector_load %arg7[%get3A] {strides = array<i32>} : memref<1024xf32, #tpu.memory_space<vmem>>, vector<16xf32>,
    %get3A_23 = vector.shape_cast %get3A_22 : vector<16xf32> to vector<16xf32>
    %scan3A = arith.constant 1 : i32
    %scan3A_24 = arith.constant 63 : i32
    %scan3A_25 = arith.addi %scan3A, %scan3A_24 : i32
    %scan3A_26 = arith.constant 1 : i32
    %scan3A_27:2 = scf.for %scan3A_163 = %scan3A to %scan3A_25 step %scan3A_26 iter_args(%scan3A_164 = %get3A_23, %scan3A_165 = %get3A_23) -> (vector<16xf32>, vector<16xf32>)  : i32 {
      %mul3A_166 = arith.constant 16 : i32
      %mul3A_167 = arith.muli %scan3A_163, %mul3A_166 : i32
      %get3A_168 = arith.index_cast %mul3A_167 : i32 to index
      %get3A_169 = tpu.vector_load %arg7[%get3A_168] {strides = array<i32>} : memref<1024xf32, #tpu.memory_space<vmem>>, vector<16xf32>,
      %get3A_170 = vector.shape_cast %get3A_169 : vector<16xf32> to vector<16xf32>
      %min3A_171 = arith.minimumf %scan3A_164, %get3A_170 : vector<16xf32>
      %max3A_172 = arith.maximumf %scan3A_165, %get3A_170 : vector<16xf32>
      scf.yield %min3A_171, %max3A_172 : vector<16xf32>, vector<16xf32>
    }
    %scan3A_28 = arith.constant 63 : i32
    %iota3A = tpu.iota {dimensions = array<i32: 0>} : vector<16xi32>
    %add3A_29 = arith.constant 8 : i32
    %add3A_30 = vector.broadcast %add3A_29 : i32 to vector<16xi32>
    %add3A_31 = arith.addi %iota3A, %add3A_30 : vector<16xi32>
    %and3A = arith.constant 15 : i32
    %and3A_32 = vector.broadcast %and3A : i32 to vector<16xi32>
    %and3A_33 = arith.andi %add3A_31, %and3A_32 : vector<16xi32>
    %lt3A = arith.constant 0 : i32
    %lt3A_34 = vector.broadcast %lt3A : i32 to vector<16xi32>
    %lt3A_35 = arith.cmpi slt, %and3A_33, %lt3A_34 : vector<16xi32>
    %add3A_36 = arith.constant 16 : i32
    %add3A_37 = vector.broadcast %add3A_36 : i32 to vector<16xi32>
    %add3A_38 = arith.addi %and3A_33, %add3A_37 : vector<16xi32>
    %select_n3A = arith.select %lt3A_35, %add3A_38, %and3A_33 : vector<16xi1>, vector<16xi32>
    %broadcast_in_dim3A = vector.shape_cast %select_n3A : vector<16xi32> to vector<16x1xi32>
    %gather3A = vector.shape_cast %broadcast_in_dim3A : vector<16x1xi32> to vector<16xi32>
    %gather3A_39 = tpu.dynamic_gather %scan3A_27#0[%gather3A] in [0] : vector<16xf32>, vector<16xi32> -> vector<16xf32>
    %min3A = arith.minimumf %scan3A_27#0, %gather3A_39 : vector<16xf32>
    %lt3A_40 = arith.constant 0 : i32
    %lt3A_41 = vector.broadcast %lt3A_40 : i32 to vector<16xi32>
    %lt3A_42 = arith.cmpi slt, %and3A_33, %lt3A_41 : vector<16xi32>
    %add3A_43 = arith.constant 16 : i32
    %add3A_44 = vector.broadcast %add3A_43 : i32 to vector<16xi32>
    %add3A_45 = arith.addi %and3A_33, %add3A_44 : vector<16xi32>
    %select_n3A_46 = arith.select %lt3A_42, %add3A_45, %and3A_33 : vector<16xi1>, vector<16xi32>
    %broadcast_in_dim3A_47 = vector.shape_cast %select_n3A_46 : vector<16xi32> to vector<16x1xi32>
    %gather3A_48 = vector.shape_cast %broadcast_in_dim3A_47 : vector<16x1xi32> to vector<16xi32>
    %gather3A_49 = tpu.dynamic_gather %scan3A_27#1[%gather3A_48] in [0] : vector<16xf32>, vector<16xi32> -> vector<16xf32>
    %max3A = arith.maximumf %scan3A_27#1, %gather3A_49 : vector<16xf32>
    %add3A_50 = arith.constant 4 : i32
    %add3A_51 = vector.broadcast %add3A_50 : i32 to vector<16xi32>
    %add3A_52 = arith.addi %iota3A, %add3A_51 : vector<16xi32>
    %and3A_53 = arith.constant 15 : i32
    %and3A_54 = vector.broadcast %and3A_53 : i32 to vector<16xi32>
    %and3A_55 = arith.andi %add3A_52, %and3A_54 : vector<16xi32>
    %lt3A_56 = arith.constant 0 : i32
    %lt3A_57 = vector.broadcast %lt3A_56 : i32 to vector<16xi32>
    %lt3A_58 = arith.cmpi slt, %and3A_55, %lt3A_57 : vector<16xi32>
    %add3A_59 = arith.constant 16 : i32
    %add3A_60 = vector.broadcast %add3A_59 : i32 to vector<16xi32>
    %add3A_61 = arith.addi %and3A_55, %add3A_60 : vector<16xi32>
    %select_n3A_62 = arith.select %lt3A_58, %add3A_61, %and3A_55 : vector<16xi1>, vector<16xi32>
    %broadcast_in_dim3A_63 = vector.shape_cast %select_n3A_62 : vector<16xi32> to vector<16x1xi32>
    %gather3A_64 = vector.shape_cast %broadcast_in_dim3A_63 : vector<16x1xi32> to vector<16xi32>
    %gather3A_65 = tpu.dynamic_gather %min3A[%gather3A_64] in [0] : vector<16xf32>, vector<16xi32> -> vector<16xf32>
    %min3A_66 = arith.minimumf %min3A, %gather3A_65 : vector<16xf32>
    %lt3A_67 = arith.constant 0 : i32
    %lt3A_68 = vector.broadcast %lt3A_67 : i32 to vector<16xi32>
    %lt3A_69 = arith.cmpi slt, %and3A_55, %lt3A_68 : vector<16xi32>
    %add3A_70 = arith.constant 16 : i32
    %add3A_71 = vector.broadcast %add3A_70 : i32 to vector<16xi32>
    %add3A_72 = arith.addi %and3A_55, %add3A_71 : vector<16xi32>
    %select_n3A_73 = arith.select %lt3A_69, %add3A_72, %and3A_55 : vector<16xi1>, vector<16xi32>
    %broadcast_in_dim3A_74 = vector.shape_cast %select_n3A_73 : vector<16xi32> to vector<16x1xi32>
    %gather3A_75 = vector.shape_cast %broadcast_in_dim3A_74 : vector<16x1xi32> to vector<16xi32>
    %gather3A_76 = tpu.dynamic_gather %max3A[%gather3A_75] in [0] : vector<16xf32>, vector<16xi32> -> vector<16xf32>
    %max3A_77 = arith.maximumf %max3A, %gather3A_76 : vector<16xf32>
    %add3A_78 = arith.constant 2 : i32
    %add3A_79 = vector.broadcast %add3A_78 : i32 to vector<16xi32>
    %add3A_80 = arith.addi %iota3A, %add3A_79 : vector<16xi32>
    %and3A_81 = arith.constant 15 : i32
    %and3A_82 = vector.broadcast %and3A_81 : i32 to vector<16xi32>
    %and3A_83 = arith.andi %add3A_80, %and3A_82 : vector<16xi32>
    %lt3A_84 = arith.constant 0 : i32
    %lt3A_85 = vector.broadcast %lt3A_84 : i32 to vector<16xi32>
    %lt3A_86 = arith.cmpi slt, %and3A_83, %lt3A_85 : vector<16xi32>
    %add3A_87 = arith.constant 16 : i32
    %add3A_88 = vector.broadcast %add3A_87 : i32 to vector<16xi32>
    %add3A_89 = arith.addi %and3A_83, %add3A_88 : vector<16xi32>
    %select_n3A_90 = arith.select %lt3A_86, %add3A_89, %and3A_83 : vector<16xi1>, vector<16xi32>
    %broadcast_in_dim3A_91 = vector.shape_cast %select_n3A_90 : vector<16xi32> to vector<16x1xi32>
    %gather3A_92 = vector.shape_cast %broadcast_in_dim3A_91 : vector<16x1xi32> to vector<16xi32>
    %gather3A_93 = tpu.dynamic_gather %min3A_66[%gather3A_92] in [0] : vector<16xf32>, vector<16xi32> -> vector<16xf32>
    %min3A_94 = arith.minimumf %min3A_66, %gather3A_93 : vector<16xf32>
    %lt3A_95 = arith.constant 0 : i32
    %lt3A_96 = vector.broadcast %lt3A_95 : i32 to vector<16xi32>
    %lt3A_97 = arith.cmpi slt, %and3A_83, %lt3A_96 : vector<16xi32>
    %add3A_98 = arith.constant 16 : i32
    %add3A_99 = vector.broadcast %add3A_98 : i32 to vector<16xi32>
    %add3A_100 = arith.addi %and3A_83, %add3A_99 : vector<16xi32>
    %select_n3A_101 = arith.select %lt3A_97, %add3A_100, %and3A_83 : vector<16xi1>, vector<16xi32>
    %broadcast_in_dim3A_102 = vector.shape_cast %select_n3A_101 : vector<16xi32> to vector<16x1xi32>
    %gather3A_103 = vector.shape_cast %broadcast_in_dim3A_102 : vector<16x1xi32> to vector<16xi32>
    %gather3A_104 = tpu.dynamic_gather %max3A_77[%gather3A_103] in [0] : vector<16xf32>, vector<16xi32> -> vector<16xf32>
    %max3A_105 = arith.maximumf %max3A_77, %gather3A_104 : vector<16xf32>
    %add3A_106 = arith.constant 1 : i32
    %add3A_107 = vector.broadcast %add3A_106 : i32 to vector<16xi32>
    %add3A_108 = arith.addi %iota3A, %add3A_107 : vector<16xi32>
    %and3A_109 = arith.constant 15 : i32
    %and3A_110 = vector.broadcast %and3A_109 : i32 to vector<16xi32>
    %and3A_111 = arith.andi %add3A_108, %and3A_110 : vector<16xi32>
    %lt3A_112 = arith.constant 0 : i32
    %lt3A_113 = vector.broadcast %lt3A_112 : i32 to vector<16xi32>
    %lt3A_114 = arith.cmpi slt, %and3A_111, %lt3A_113 : vector<16xi32>
    %add3A_115 = arith.constant 16 : i32
    %add3A_116 = vector.broadcast %add3A_115 : i32 to vector<16xi32>
    %add3A_117 = arith.addi %and3A_111, %add3A_116 : vector<16xi32>
    %select_n3A_118 = arith.select %lt3A_114, %add3A_117, %and3A_111 : vector<16xi1>, vector<16xi32>
    %broadcast_in_dim3A_119 = vector.shape_cast %select_n3A_118 : vector<16xi32> to vector<16x1xi32>
    %gather3A_120 = vector.shape_cast %broadcast_in_dim3A_119 : vector<16x1xi32> to vector<16xi32>
    %gather3A_121 = tpu.dynamic_gather %min3A_94[%gather3A_120] in [0] : vector<16xf32>, vector<16xi32> -> vector<16xf32>
    %min3A_122 = arith.minimumf %min3A_94, %gather3A_121 : vector<16xf32>
    %lt3A_123 = arith.constant 0 : i32
    %lt3A_124 = vector.broadcast %lt3A_123 : i32 to vector<16xi32>
    %lt3A_125 = arith.cmpi slt, %and3A_111, %lt3A_124 : vector<16xi32>
    %add3A_126 = arith.constant 16 : i32
    %add3A_127 = vector.broadcast %add3A_126 : i32 to vector<16xi32>
    %add3A_128 = arith.addi %and3A_111, %add3A_127 : vector<16xi32>
    %select_n3A_129 = arith.select %lt3A_125, %add3A_128, %and3A_111 : vector<16xi1>, vector<16xi32>
    %broadcast_in_dim3A_130 = vector.shape_cast %select_n3A_129 : vector<16xi32> to vector<16x1xi32>
    %gather3A_131 = vector.shape_cast %broadcast_in_dim3A_130 : vector<16x1xi32> to vector<16xi32>
    %gather3A_132 = tpu.dynamic_gather %max3A_105[%gather3A_131] in [0] : vector<16xf32>, vector<16xi32> -> vector<16xf32>
    %max3A_133 = arith.maximumf %max3A_105, %gather3A_132 : vector<16xf32>
    %slice3A = vector.extract_strided_slice %min3A_122 {offsets = [0], sizes = [1], strides = [1]} : vector<16xf32> to vector<1xf32>
    %squeeze3A = vector.extract %slice3A[0] : f32 from vector<1xf32>
    %eq3A = arith.constant 1.000000e+00 : f32
    %eq3A_134 = arith.cmpf oeq, %squeeze3A, %eq3A : f32
    %slice3A_135 = vector.extract_strided_slice %max3A_133 {offsets = [0], sizes = [1], strides = [1]} : vector<16xf32> to vector<1xf32>
    %squeeze3A_136 = vector.extract %slice3A_135[0] : f32 from vector<1xf32>
    %eq3A_137 = arith.constant 1.000000e+00 : f32
    %eq3A_138 = arith.cmpf oeq, %squeeze3A_136, %eq3A_137 : f32
    %and3A_139 = arith.andi %eq3A_134, %eq3A_138 : i1
    %not3A = arith.constant true
    %not3A_140 = arith.xori %and3A_139, %not3A : i1
    %scan3A_141 = arith.constant 0 : i32
    %scan3A_142 = arith.constant 0 : i32
    %scan3A_143 = arith.constant 8 : i32
    %scan3A_144 = arith.addi %scan3A_142, %scan3A_143 : i32
    %scan3A_145 = arith.constant 1 : i32
    %scan3A_146 = scf.for %scan3A_163 = %scan3A_142 to %scan3A_144 step %scan3A_145 iter_args(%scan3A_164 = %scan3A_141) -> (i32)  : i32 {
      %mul3A_165 = arith.constant 4 : i32
      %mul3A_166 = arith.muli %scan3A_163, %mul3A_165 : i32
      %add3A_167 = arith.constant 0 : i32
      %add3A_168 = arith.addi %mul3A_166, %add3A_167 : i32
      %ge3A = arith.constant 1 : i32
      %ge3A_169 = arith.cmpi sge, %scan3A_163, %ge3A : i32
      %convert_element_type3A = arith.extui %ge3A_169 : i1 to i32
      %cond3A = arith.constant 0 : i32
      %cond3A_170 = arith.cmpi ne, %convert_element_type3A, %cond3A : i32
      scf.if %cond3A_170 {
        %dma_wait3A_259 = arith.constant 0 : i32
        %dma_wait3A_260 = tpu.memref_slice %arg5[%mul3A_2, %dma_wait3A_259] : memref<32768x768xf32, #tpu.memory_space<hbm>> -> memref<32x768xf32, #tpu.memory_space<hbm>>
        %dma_wait3A_261 = arith.constant 0 : i32
        %dma_wait3A_262 = tpu.memref_slice %arg5[%mul3A_2, %dma_wait3A_261] : memref<32768x768xf32, #tpu.memory_space<hbm>> -> memref<32x768xf32, #tpu.memory_space<hbm>>
        tpu.wait_dma2 semaphore(%arg18 : memref<!tpu.dma_semaphore, #tpu.memory_space<semaphore_mem>>) src(%arg10 : memref<32x768xf32, #tpu.memory_space<vmem>>) dst(%dma_wait3A_262 : memref<32x768xf32, #tpu.memory_space<hbm>>)
        %add3A_263 = arith.constant 2 : i32
        %add3A_264 = arith.addi %add3A_168, %add3A_263 : i32
        %mul3A_265 = arith.constant 32 : i32
        %mul3A_266 = arith.muli %add3A_264, %mul3A_265 : i32
        %dma_start3A_267 = tpu.memref_slice %arg6[%mul3A_266] : memref<1024xi32, #tpu.memory_space<vmem>> -> memref<32xi32, #tpu.memory_space<vmem>>
        %dma_start3A_268 = arith.constant 0 : i32
        %dma_start3A_269 = arith.constant 0 : i32
        %dma_start3A_270 = tpu.memref_slice %arg4[%dma_start3A_268, %dma_start3A_269] : memref<8192x768xf32, #tpu.memory_space<hbm>> -> memref<8192x768xf32, #tpu.memory_space<hbm>>
        tpu.enqueue_indirect_dma source(%dma_start3A_270 : memref<8192x768xf32, #tpu.memory_space<hbm>>) target(%arg10 : memref<32x768xf32, #tpu.memory_space<vmem>>) offsets(%dma_start3A_267 : memref<32xi32, #tpu.memory_space<vmem>>) semaphore(%arg14 : memref<!tpu.dma_semaphore, #tpu.memory_space<semaphore_mem>>)
      } else {
      }
      %dma_wait3A_171 = arith.constant 0 : i32
      %dma_wait3A_172 = tpu.memref_slice %arg6[%dma_wait3A_171] : memref<1024xi32, #tpu.memory_space<vmem>> -> memref<32xi32, #tpu.memory_space<vmem>>
      %dma_wait3A_173 = arith.constant 0 : i32
      %dma_wait3A_174 = arith.constant 0 : i32
      %dma_wait3A_175 = tpu.memref_slice %arg4[%dma_wait3A_173, %dma_wait3A_174] : memref<8192x768xf32, #tpu.memory_space<hbm>> -> memref<8192x768xf32, #tpu.memory_space<hbm>>
      tpu.wait_indirect_dma semaphore(%arg12 : memref<!tpu.dma_semaphore, #tpu.memory_space<semaphore_mem>>) src(%dma_wait3A_175 : memref<8192x768xf32, #tpu.memory_space<hbm>>) dst(%arg8 : memref<32x768xf32, #tpu.memory_space<vmem>>)
      %convert_element_type3A_176 = arith.extui %not3A_140 : i1 to i32
      %cond3A_177 = arith.constant 0 : i32
      %cond3A_178 = arith.cmpi ne, %convert_element_type3A_176, %cond3A_177 : i32
      scf.if %cond3A_178 {
        %mul3A_259 = arith.constant 32 : i32
        %mul3A_260 = arith.muli %add3A_168, %mul3A_259 : i32
        %scan3A_261 = arith.constant 0 : i32
        %scan3A_262 = arith.constant 0 : i32
        %scan3A_263 = arith.constant 2 : i32
        %scan3A_264 = arith.addi %scan3A_262, %scan3A_263 : i32
        %scan3A_265 = arith.constant 1 : i32
        %scan3A_266 = scf.for %scan3A_268 = %scan3A_262 to %scan3A_264 step %scan3A_265 iter_args(%scan3A_269 = %scan3A_261) -> (i32)  : i32 {
          %mul3A_270 = arith.constant 16 : i32
          %mul3A_271 = arith.muli %scan3A_268, %mul3A_270 : i32
          %add3A_272 = arith.addi %mul3A_260, %mul3A_271 : i32
          %get3A_273 = arith.index_cast %add3A_272 : i32 to index
          %get3A_274 = tpu.vector_load %arg7[%get3A_273] {strides = array<i32>} : memref<1024xf32, #tpu.memory_space<vmem>>, vector<16xf32>,
          %get3A_275 = vector.shape_cast %get3A_274 : vector<16xf32> to vector<16xf32>
          %scan3A_276 = arith.constant 0 : i32
          %scan3A_277 = arith.constant 0 : i32
          %scan3A_278 = arith.constant 16 : i32
          %scan3A_279 = arith.addi %scan3A_277, %scan3A_278 : i32
          %scan3A_280 = arith.constant 1 : i32
          %scan3A_281 = scf.for %scan3A_284 = %scan3A_277 to %scan3A_279 step %scan3A_280 iter_args(%scan3A_285 = %scan3A_276) -> (i32)  : i32 {
            %broadcast_in_dim3A_286 = vector.broadcast %scan3A_284 : i32 to vector<16xi32>
            %lt3A_287 = arith.constant 0 : i32
            %lt3A_288 = vector.broadcast %lt3A_287 : i32 to vector<16xi32>
            %lt3A_289 = arith.cmpi slt, %broadcast_in_dim3A_286, %lt3A_288 : vector<16xi32>
            %add3A_290 = arith.constant 16 : i32
            %add3A_291 = vector.broadcast %add3A_290 : i32 to vector<16xi32>
            %add3A_292 = arith.addi %broadcast_in_dim3A_286, %add3A_291 : vector<16xi32>
            %select_n3A_293 = arith.select %lt3A_289, %add3A_292, %broadcast_in_dim3A_286 : vector<16xi1>, vector<16xi32>
            %broadcast_in_dim3A_294 = vector.shape_cast %select_n3A_293 : vector<16xi32> to vector<16x1xi32>
            %gather3A_295 = vector.shape_cast %broadcast_in_dim3A_294 : vector<16x1xi32> to vector<16xi32>
            %gather3A_296 = tpu.dynamic_gather %get3A_275[%gather3A_295] in [0] : vector<16xf32>, vector<16xi32> -> vector<16xf32>
            %mul3A_297 = arith.constant 16 : i32
            %mul3A_298 = arith.muli %scan3A_268, %mul3A_297 : i32
            %add3A_299 = arith.addi %mul3A_298, %scan3A_284 : i32
            %get3A_300 = arith.index_cast %add3A_299 : i32 to index
            %get3A_301 = arith.constant 0 : index
            %get3A_302 = tpu.vector_load %arg8[%get3A_300, %get3A_301] {strides = array<i32>} : memref<32x768xf32, #tpu.memory_space<vmem>>, vector<1x16xf32>,
            %get3A_303 = vector.shape_cast %get3A_302 : vector<1x16xf32> to vector<16xf32>
            %mul3A_304 = arith.mulf %get3A_303, %gather3A_296 : vector<16xf32>
            %swap3A = arith.index_cast %add3A_299 : i32 to index
            %swap3A_305 = arith.constant 0 : index
            %swap3A_306 = tpu.vector_load %arg8[%swap3A, %swap3A_305] {strides = array<i32>} : memref<32x768xf32, #tpu.memory_space<vmem>>, vector<1x16xf32>,
            %swap3A_307 = vector.shape_cast %swap3A_306 : vector<1x16xf32> to vector<16xf32>
            %swap3A_308 = vector.shape_cast %mul3A_304 : vector<16xf32> to vector<1x16xf32>
            tpu.vector_store %arg8[%swap3A, %swap3A_305], %swap3A_308 {strides = array<i32>} : memref<32x768xf32, #tpu.memory_space<vmem>>, vector<1x16xf32>,
            %get3A_309 = arith.index_cast %add3A_299 : i32 to index
            %get3A_310 = arith.constant 16 : index
            %get3A_311 = tpu.vector_load %arg8[%get3A_309, %get3A_310] {strides = array<i32>} : memref<32x768xf32, #tpu.memory_space<vmem>>, vector<1x16xf32>,
            %get3A_312 = vector.shape_cast %get3A_311 : vector<1x16xf32> to vector<16xf32>
            %mul3A_313 = arith.mulf %get3A_312, %gather3A_296 : vector<16xf32>
            %swap3A_314 = arith.index_cast %add3A_299 : i32 to index
            %swap3A_315 = arith.constant 16 : index
            %swap3A_316 = tpu.vector_load %arg8[%swap3A_314, %swap3A_315] {strides = array<i32>} : memref<32x768xf32, #tpu.memory_space<vmem>>, vector<1x16xf32>,
            %swap3A_317 = vector.shape_cast %swap3A_316 : vector<1x16xf32> to vector<16xf32>
            %swap3A_318 = vector.shape_cast %mul3A_313 : vector<16xf32> to vector<1x16xf32>
            tpu.vector_store %arg8[%swap3A_314, %swap3A_315], %swap3A_318 {strides = array<i32>} : memref<32x768xf32, #tpu.memory_space<vmem>>, vector<1x16xf32>,
            %get3A_319 = arith.index_cast %add3A_299 : i32 to index
            %get3A_320 = arith.constant 32 : index
            %get3A_321 = tpu.vector_load %arg8[%get3A_319, %get3A_320] {strides = array<i32>} : memref<32x768xf32, #tpu.memory_space<vmem>>, vector<1x16xf32>,
            %get3A_322 = vector.shape_cast %get3A_321 : vector<1x16xf32> to vector<16xf32>
            %mul3A_323 = arith.mulf %get3A_322, %gather3A_296 : vector<16xf32>
            %swap3A_324 = arith.index_cast %add3A_299 : i32 to index
            %swap3A_325 = arith.constant 32 : index
            %swap3A_326 = tpu.vector_load %arg8[%swap3A_324, %swap3A_325] {strides = array<i32>} : memref<32x768xf32, #tpu.memory_space<vmem>>, vector<1x16xf32>,
            %swap3A_327 = vector.shape_cast %swap3A_326 : vector<1x16xf32> to vector<16xf32>
            %swap3A_328 = vector.shape_cast %mul3A_323 : vector<16xf32> to vector<1x16xf32>
            tpu.vector_store %arg8[%swap3A_324, %swap3A_325], %swap3A_328 {strides = array<i32>} : memref<32x768xf32, #tpu.memory_space<vmem>>, vector<1x16xf32>,
            %get3A_329 = arith.index_cast %add3A_299 : i32 to index
            %get3A_330 = arith.constant 48 : index
            %get3A_331 = tpu.vector_load %arg8[%get3A_329, %get3A_330] {strides = array<i32>} : memref<32x768xf32, #tpu.memory_space<vmem>>, vector<1x16xf32>,
            %get3A_332 = vector.shape_cast %get3A_331 : vector<1x16xf32> to vector<16xf32>
            %mul3A_333 = arith.mulf %get3A_332, %gather3A_296 : vector<16xf32>
            %swap3A_334 = arith.index_cast %add3A_299 : i32 to index
            %swap3A_335 = arith.constant 48 : index
            %swap3A_336 = tpu.vector_load %arg8[%swap3A_334, %swap3A_335] {strides = array<i32>} : memref<32x768xf32, #tpu.memory_space<vmem>>, vector<1x16xf32>,
            %swap3A_337 = vector.shape_cast %swap3A_336 : vector<1x16xf32> to vector<16xf32>
            %swap3A_338 = vector.shape_cast %mul3A_333 : vector<16xf32> to vector<1x16xf32>
            tpu.vector_store %arg8[%swap3A_334, %swap3A_335], %swap3A_338 {strides = array<i32>} : memref<32x768xf32, #tpu.memory_space<vmem>>, vector<1x16xf32>,
            %get3A_339 = arith.index_cast %add3A_299 : i32 to index
            %get3A_340 = arith.constant 64 : index
            %get3A_341 = tpu.vector_load %arg8[%get3A_339, %get3A_340] {strides = array<i32>} : memref<32x768xf32, #tpu.memory_space<vmem>>, vector<1x16xf32>,
            %get3A_342 = vector.shape_cast %get3A_341 : vector<1x16xf32> to vector<16xf32>
            %mul3A_343 = arith.mulf %get3A_342, %gather3A_296 : vector<16xf32>
            %swap3A_344 = arith.index_cast %add3A_299 : i32 to index
            %swap3A_345 = arith.constant 64 : index
            %swap3A_346 = tpu.vector_load %arg8[%swap3A_344, %swap3A_345] {strides = array<i32>} : memref<32x768xf32, #tpu.memory_space<vmem>>, vector<1x16xf32>,
            %swap3A_347 = vector.shape_cast %swap3A_346 : vector<1x16xf32> to vector<16xf32>
            %swap3A_348 = vector.shape_cast %mul3A_343 : vector<16xf32> to vector<1x16xf32>
            tpu.vector_store %arg8[%swap3A_344, %swap3A_345], %swap3A_348 {strides = array<i32>} : memref<32x768xf32, #tpu.memory_space<vmem>>, vector<1x16xf32>,
            %get3A_349 = arith.index_cast %add3A_299 : i32 to index
            %get3A_350 = arith.constant 80 : index
            %get3A_351 = tpu.vector_load %arg8[%get3A_349, %get3A_350] {strides = array<i32>} : memref<32x768xf32, #tpu.memory_space<vmem>>, vector<1x16xf32>,
            %get3A_352 = vector.shape_cast %get3A_351 : vector<1x16xf32> to vector<16xf32>
            %mul3A_353 = arith.mulf %get3A_352, %gather3A_296 : vector<16xf32>
            %swap3A_354 = arith.index_cast %add3A_299 : i32 to index
            %swap3A_355 = arith.constant 80 : index
            %swap3A_356 = tpu.vector_load %arg8[%swap3A_354, %swap3A_355] {strides = array<i32>} : memref<32x768xf32, #tpu.memory_space<vmem>>, vector<1x16xf32>,
            %swap3A_357 = vector.shape_cast %swap3A_356 : vector<1x16xf32> to vector<16xf32>
            %swap3A_358 = vector.shape_cast %mul3A_353 : vector<16xf32> to vector<1x16xf32>
            tpu.vector_store %arg8[%swap3A_354, %swap3A_355], %swap3A_358 {strides = array<i32>} : memref<32x768xf32, #tpu.memory_space<vmem>>, vector<1x16xf32>,
            %get3A_359 = arith.index_cast %add3A_299 : i32 to index
            %get3A_360 = arith.constant 96 : index
            %get3A_361 = tpu.vector_load %arg8[%get3A_359, %get3A_360] {strides = array<i32>} : memref<32x768xf32, #tpu.memory_space<vmem>>, vector<1x16xf32>,
            %get3A_362 = vector.shape_cast %get3A_361 : vector<1x16xf32> to vector<16xf32>
            %mul3A_363 = arith.mulf %get3A_362, %gather3A_296 : vector<16xf32>
            %swap3A_364 = arith.index_cast %add3A_299 : i32 to index
            %swap3A_365 = arith.constant 96 : index
            %swap3A_366 = tpu.vector_load %arg8[%swap3A_364, %swap3A_365] {strides = array<i32>} : memref<32x768xf32, #tpu.memory_space<vmem>>, vector<1x16xf32>,
            %swap3A_367 = vector.shape_cast %swap3A_366 : vector<1x16xf32> to vector<16xf32>
            %swap3A_368 = vector.shape_cast %mul3A_363 : vector<16xf32> to vector<1x16xf32>
            tpu.vector_store %arg8[%swap3A_364, %swap3A_365], %swap3A_368 {strides = array<i32>} : memref<32x768xf32, #tpu.memory_space<vmem>>, vector<1x16xf32>,
            %get3A_369 = arith.index_cast %add3A_299 : i32 to index
            %get3A_370 = arith.constant 112 : index
            %get3A_371 = tpu.vector_load %arg8[%get3A_369, %get3A_370] {strides = array<i32>} : memref<32x768xf32, #tpu.memory_space<vmem>>, vector<1x16xf32>,
            %get3A_372 = vector.shape_cast %get3A_371 : vector<1x16xf32> to vector<16xf32>
            %mul3A_373 = arith.mulf %get3A_372, %gather3A_296 : vector<16xf32>
            %swap3A_374 = arith.index_cast %add3A_299 : i32 to index
            %swap3A_375 = arith.constant 112 : index
            %swap3A_376 = tpu.vector_load %arg8[%swap3A_374, %swap3A_375] {strides = array<i32>} : memref<32x768xf32, #tpu.memory_space<vmem>>, vector<1x16xf32>,
            %swap3A_377 = vector.shape_cast %swap3A_376 : vector<1x16xf32> to vector<16xf32>
            %swap3A_378 = vector.shape_cast %mul3A_373 : vector<16xf32> to vector<1x16xf32>
            tpu.vector_store %arg8[%swap3A_374, %swap3A_375], %swap3A_378 {strides = array<i32>} : memref<32x768xf32, #tpu.memory_space<vmem>>, vector<1x16xf32>,
            %get3A_379 = arith.index_cast %add3A_299 : i32 to index
            %get3A_380 = arith.constant 128 : index
            %get3A_381 = tpu.vector_load %arg8[%get3A_379, %get3A_380] {strides = array<i32>} : memref<32x768xf32, #tpu.memory_space<vmem>>, vector<1x16xf32>,
            %get3A_382 = vector.shape_cast %get3A_381 : vector<1x16xf32> to vector<16xf32>
            %mul3A_383 = arith.mulf %get3A_382, %gather3A_296 : vector<16xf32>
            %swap3A_384 = arith.index_cast %add3A_299 : i32 to index
            %swap3A_385 = arith.constant 128 : index
            %swap3A_386 = tpu.vector_load %arg8[%swap3A_384, %swap3A_385] {strides = array<i32>} : memref<32x768xf32, #tpu.memory_space<vmem>>, vector<1x16xf32>,
            %swap3A_387 = vector.shape_cast %swap3A_386 : vector<1x16xf32> to vector<16xf32>
            %swap3A_388 = vector.shape_cast %mul3A_383 : vector<16xf32> to vector<1x16xf32>
            tpu.vector_store %arg8[%swap3A_384, %swap3A_385], %swap3A_388 {strides = array<i32>} : memref<32x768xf32, #tpu.memory_space<vmem>>, vector<1x16xf32>,
            %get3A_389 = arith.index_cast %add3A_299 : i32 to index
            %get3A_390 = arith.constant 144 : index
            %get3A_391 = tpu.vector_load %arg8[%get3A_389, %get3A_390] {strides = array<i32>} : memref<32x768xf32, #tpu.memory_space<vmem>>, vector<1x16xf32>,
            %get3A_392 = vector.shape_cast %get3A_391 : vector<1x16xf32> to vector<16xf32>
            %mul3A_393 = arith.mulf %get3A_392, %gather3A_296 : vector<16xf32>
            %swap3A_394 = arith.index_cast %add3A_299 : i32 to index
            %swap3A_395 = arith.constant 144 : index
            %swap3A_396 = tpu.vector_load %arg8[%swap3A_394, %swap3A_395] {strides = array<i32>} : memref<32x768xf32, #tpu.memory_space<vmem>>, vector<1x16xf32>,
            %swap3A_397 = vector.shape_cast %swap3A_396 : vector<1x16xf32> to vector<16xf32>
            %swap3A_398 = vector.shape_cast %mul3A_393 : vector<16xf32> to vector<1x16xf32>
            tpu.vector_store %arg8[%swap3A_394, %swap3A_395], %swap3A_398 {strides = array<i32>} : memref<32x768xf32, #tpu.memory_space<vmem>>, vector<1x16xf32>,
            %get3A_399 = arith.index_cast %add3A_299 : i32 to index
            %get3A_400 = arith.constant 160 : index
            %get3A_401 = tpu.vector_load %arg8[%get3A_399, %get3A_400] {strides = array<i32>} : memref<32x768xf32, #tpu.memory_space<vmem>>, vector<1x16xf32>,
            %get3A_402 = vector.shape_cast %get3A_401 : vector<1x16xf32> to vector<16xf32>
            %mul3A_403 = arith.mulf %get3A_402, %gather3A_296 : vector<16xf32>
            %swap3A_404 = arith.index_cast %add3A_299 : i32 to index
            %swap3A_405 = arith.constant 160 : index
            %swap3A_406 = tpu.vector_load %arg8[%swap3A_404, %swap3A_405] {strides = array<i32>} : memref<32x768xf32, #tpu.memory_space<vmem>>, vector<1x16xf32>,
            %swap3A_407 = vector.shape_cast %swap3A_406 : vector<1x16xf32> to vector<16xf32>
            %swap3A_408 = vector.shape_cast %mul3A_403 : vector<16xf32> to vector<1x16xf32>
            tpu.vector_store %arg8[%swap3A_404, %swap3A_405], %swap3A_408 {strides = array<i32>} : memref<32x768xf32, #tpu.memory_space<vmem>>, vector<1x16xf32>,
            %get3A_409 = arith.index_cast %add3A_299 : i32 to index
            %get3A_410 = arith.constant 176 : index
            %get3A_411 = tpu.vector_load %arg8[%get3A_409, %get3A_410] {strides = array<i32>} : memref<32x768xf32, #tpu.memory_space<vmem>>, vector<1x16xf32>,
            %get3A_412 = vector.shape_cast %get3A_411 : vector<1x16xf32> to vector<16xf32>
            %mul3A_413 = arith.mulf %get3A_412, %gather3A_296 : vector<16xf32>
            %swap3A_414 = arith.index_cast %add3A_299 : i32 to index
            %swap3A_415 = arith.constant 176 : index
            %swap3A_416 = tpu.vector_load %arg8[%swap3A_414, %swap3A_415] {strides = array<i32>} : memref<32x768xf32, #tpu.memory_space<vmem>>, vector<1x16xf32>,
            %swap3A_417 = vector.shape_cast %swap3A_416 : vector<1x16xf32> to vector<16xf32>
            %swap3A_418 = vector.shape_cast %mul3A_413 : vector<16xf32> to vector<1x16xf32>
            tpu.vector_store %arg8[%swap3A_414, %swap3A_415], %swap3A_418 {strides = array<i32>} : memref<32x768xf32, #tpu.memory_space<vmem>>, vector<1x16xf32>,
            %get3A_419 = arith.index_cast %add3A_299 : i32 to index
            %get3A_420 = arith.constant 192 : index
            %get3A_421 = tpu.vector_load %arg8[%get3A_419, %get3A_420] {strides = array<i32>} : memref<32x768xf32, #tpu.memory_space<vmem>>, vector<1x16xf32>,
            %get3A_422 = vector.shape_cast %get3A_421 : vector<1x16xf32> to vector<16xf32>
            %mul3A_423 = arith.mulf %get3A_422, %gather3A_296 : vector<16xf32>
            %swap3A_424 = arith.index_cast %add3A_299 : i32 to index
            %swap3A_425 = arith.constant 192 : index
            %swap3A_426 = tpu.vector_load %arg8[%swap3A_424, %swap3A_425] {strides = array<i32>} : memref<32x768xf32, #tpu.memory_space<vmem>>, vector<1x16xf32>,
            %swap3A_427 = vector.shape_cast %swap3A_426 : vector<1x16xf32> to vector<16xf32>
            %swap3A_428 = vector.shape_cast %mul3A_423 : vector<16xf32> to vector<1x16xf32>
            tpu.vector_store %arg8[%swap3A_424, %swap3A_425], %swap3A_428 {strides = array<i32>} : memref<32x768xf32, #tpu.memory_space<vmem>>, vector<1x16xf32>,
            %get3A_429 = arith.index_cast %add3A_299 : i32 to index
            %get3A_430 = arith.constant 208 : index
            %get3A_431 = tpu.vector_load %arg8[%get3A_429, %get3A_430] {strides = array<i32>} : memref<32x768xf32, #tpu.memory_space<vmem>>, vector<1x16xf32>,
            %get3A_432 = vector.shape_cast %get3A_431 : vector<1x16xf32> to vector<16xf32>
            %mul3A_433 = arith.mulf %get3A_432, %gather3A_296 : vector<16xf32>
            %swap3A_434 = arith.index_cast %add3A_299 : i32 to index
            %swap3A_435 = arith.constant 208 : index
            %swap3A_436 = tpu.vector_load %arg8[%swap3A_434, %swap3A_435] {strides = array<i32>} : memref<32x768xf32, #tpu.memory_space<vmem>>, vector<1x16xf32>,
            %swap3A_437 = vector.shape_cast %swap3A_436 : vector<1x16xf32> to vector<16xf32>
            %swap3A_438 = vector.shape_cast %mul3A_433 : vector<16xf32> to vector<1x16xf32>
            tpu.vector_store %arg8[%swap3A_434, %swap3A_435], %swap3A_438 {strides = array<i32>} : memref<32x768xf32, #tpu.memory_space<vmem>>, vector<1x16xf32>,
            %get3A_439 = arith.index_cast %add3A_299 : i32 to index
            %get3A_440 = arith.constant 224 : index
            %get3A_441 = tpu.vector_load %arg8[%get3A_439, %get3A_440] {strides = array<i32>} : memref<32x768xf32, #tpu.memory_space<vmem>>, vector<1x16xf32>,
            %get3A_442 = vector.shape_cast %get3A_441 : vector<1x16xf32> to vector<16xf32>
            %mul3A_443 = arith.mulf %get3A_442, %gather3A_296 : vector<16xf32>
            %swap3A_444 = arith.index_cast %add3A_299 : i32 to index
            %swap3A_445 = arith.constant 224 : index
            %swap3A_446 = tpu.vector_load %arg8[%swap3A_444, %swap3A_445] {strides = array<i32>} : memref<32x768xf32, #tpu.memory_space<vmem>>, vector<1x16xf32>,
            %swap3A_447 = vector.shape_cast %swap3A_446 : vector<1x16xf32> to vector<16xf32>
            %swap3A_448 = vector.shape_cast %mul3A_443 : vector<16xf32> to vector<1x16xf32>
            tpu.vector_store %arg8[%swap3A_444, %swap3A_445], %swap3A_448 {strides = array<i32>} : memref<32x768xf32, #tpu.memory_space<vmem>>, vector<1x16xf32>,
            %get3A_449 = arith.index_cast %add3A_299 : i32 to index
            %get3A_450 = arith.constant 240 : index
            %get3A_451 = tpu.vector_load %arg8[%get3A_449, %get3A_450] {strides = array<i32>} : memref<32x768xf32, #tpu.memory_space<vmem>>, vector<1x16xf32>,
            %get3A_452 = vector.shape_cast %get3A_451 : vector<1x16xf32> to vector<16xf32>
            %mul3A_453 = arith.mulf %get3A_452, %gather3A_296 : vector<16xf32>
            %swap3A_454 = arith.index_cast %add3A_299 : i32 to index
            %swap3A_455 = arith.constant 240 : index
            %swap3A_456 = tpu.vector_load %arg8[%swap3A_454, %swap3A_455] {strides = array<i32>} : memref<32x768xf32, #tpu.memory_space<vmem>>, vector<1x16xf32>,
            %swap3A_457 = vector.shape_cast %swap3A_456 : vector<1x16xf32> to vector<16xf32>
            %swap3A_458 = vector.shape_cast %mul3A_453 : vector<16xf32> to vector<1x16xf32>
            tpu.vector_store %arg8[%swap3A_454, %swap3A_455], %swap3A_458 {strides = array<i32>} : memref<32x768xf32, #tpu.memory_space<vmem>>, vector<1x16xf32>,
            %get3A_459 = arith.index_cast %add3A_299 : i32 to index
            %get3A_460 = arith.constant 256 : index
            %get3A_461 = tpu.vector_load %arg8[%get3A_459, %get3A_460] {strides = array<i32>} : memref<32x768xf32, #tpu.memory_space<vmem>>, vector<1x16xf32>,
            %get3A_462 = vector.shape_cast %get3A_461 : vector<1x16xf32> to vector<16xf32>
            %mul3A_463 = arith.mulf %get3A_462, %gather3A_296 : vector<16xf32>
            %swap3A_464 = arith.index_cast %add3A_299 : i32 to index
            %swap3A_465 = arith.constant 256 : index
            %swap3A_466 = tpu.vector_load %arg8[%swap3A_464, %swap3A_465] {strides = array<i32>} : memref<32x768xf32, #tpu.memory_space<vmem>>, vector<1x16xf32>,
            %swap3A_467 = vector.shape_cast %swap3A_466 : vector<1x16xf32> to vector<16xf32>
            %swap3A_468 = vector.shape_cast %mul3A_463 : vector<16xf32> to vector<1x16xf32>
            tpu.vector_store %arg8[%swap3A_464, %swap3A_465], %swap3A_468 {strides = array<i32>} : memref<32x768xf32, #tpu.memory_space<vmem>>, vector<1x16xf32>,
            %get3A_469 = arith.index_cast %add3A_299 : i32 to index
            %get3A_470 = arith.constant 272 : index
            %get3A_471 = tpu.vector_load %arg8[%get3A_469, %get3A_470] {strides = array<i32>} : memref<32x768xf32, #tpu.memory_space<vmem>>, vector<1x16xf32>,
            %get3A_472 = vector.shape_cast %get3A_471 : vector<1x16xf32> to vector<16xf32>
            %mul3A_473 = arith.mulf %get3A_472, %gather3A_296 : vector<16xf32>
            %swap3A_474 = arith.index_cast %add3A_299 : i32 to index
            %swap3A_475 = arith.constant 272 : index
            %swap3A_476 = tpu.vector_load %arg8[%swap3A_474, %swap3A_475] {strides = array<i32>} : memref<32x768xf32, #tpu.memory_space<vmem>>, vector<1x16xf32>,
            %swap3A_477 = vector.shape_cast %swap3A_476 : vector<1x16xf32> to vector<16xf32>
            %swap3A_478 = vector.shape_cast %mul3A_473 : vector<16xf32> to vector<1x16xf32>
            tpu.vector_store %arg8[%swap3A_474, %swap3A_475], %swap3A_478 {strides = array<i32>} : memref<32x768xf32, #tpu.memory_space<vmem>>, vector<1x16xf32>,
            %get3A_479 = arith.index_cast %add3A_299 : i32 to index
            %get3A_480 = arith.constant 288 : index
            %get3A_481 = tpu.vector_load %arg8[%get3A_479, %get3A_480] {strides = array<i32>} : memref<32x768xf32, #tpu.memory_space<vmem>>, vector<1x16xf32>,
            %get3A_482 = vector.shape_cast %get3A_481 : vector<1x16xf32> to vector<16xf32>
            %mul3A_483 = arith.mulf %get3A_482, %gather3A_296 : vector<16xf32>
            %swap3A_484 = arith.index_cast %add3A_299 : i32 to index
            %swap3A_485 = arith.constant 288 : index
            %swap3A_486 = tpu.vector_load %arg8[%swap3A_484, %swap3A_485] {strides = array<i32>} : memref<32x768xf32, #tpu.memory_space<vmem>>, vector<1x16xf32>,
            %swap3A_487 = vector.shape_cast %swap3A_486 : vector<1x16xf32> to vector<16xf32>
            %swap3A_488 = vector.shape_cast %mul3A_483 : vector<16xf32> to vector<1x16xf32>
            tpu.vector_store %arg8[%swap3A_484, %swap3A_485], %swap3A_488 {strides = array<i32>} : memref<32x768xf32, #tpu.memory_space<vmem>>, vector<1x16xf32>,
            %get3A_489 = arith.index_cast %add3A_299 : i32 to index
            %get3A_490 = arith.constant 304 : index
            %get3A_491 = tpu.vector_load %arg8[%get3A_489, %get3A_490] {strides = array<i32>} : memref<32x768xf32, #tpu.memory_space<vmem>>, vector<1x16xf32>,
            %get3A_492 = vector.shape_cast %get3A_491 : vector<1x16xf32> to vector<16xf32>
            %mul3A_493 = arith.mulf %get3A_492, %gather3A_296 : vector<16xf32>
            %swap3A_494 = arith.index_cast %add3A_299 : i32 to index
            %swap3A_495 = arith.constant 304 : index
            %swap3A_496 = tpu.vector_load %arg8[%swap3A_494, %swap3A_495] {strides = array<i32>} : memref<32x768xf32, #tpu.memory_space<vmem>>, vector<1x16xf32>,
            %swap3A_497 = vector.shape_cast %swap3A_496 : vector<1x16xf32> to vector<16xf32>
            %swap3A_498 = vector.shape_cast %mul3A_493 : vector<16xf32> to vector<1x16xf32>
            tpu.vector_store %arg8[%swap3A_494, %swap3A_495], %swap3A_498 {strides = array<i32>} : memref<32x768xf32, #tpu.memory_space<vmem>>, vector<1x16xf32>,
            %get3A_499 = arith.index_cast %add3A_299 : i32 to index
            %get3A_500 = arith.constant 320 : index
            %get3A_501 = tpu.vector_load %arg8[%get3A_499, %get3A_500] {strides = array<i32>} : memref<32x768xf32, #tpu.memory_space<vmem>>, vector<1x16xf32>,
            %get3A_502 = vector.shape_cast %get3A_501 : vector<1x16xf32> to vector<16xf32>
            %mul3A_503 = arith.mulf %get3A_502, %gather3A_296 : vector<16xf32>
            %swap3A_504 = arith.index_cast %add3A_299 : i32 to index
            %swap3A_505 = arith.constant 320 : index
            %swap3A_506 = tpu.vector_load %arg8[%swap3A_504, %swap3A_505] {strides = array<i32>} : memref<32x768xf32, #tpu.memory_space<vmem>>, vector<1x16xf32>,
            %swap3A_507 = vector.shape_cast %swap3A_506 : vector<1x16xf32> to vector<16xf32>
            %swap3A_508 = vector.shape_cast %mul3A_503 : vector<16xf32> to vector<1x16xf32>
            tpu.vector_store %arg8[%swap3A_504, %swap3A_505], %swap3A_508 {strides = array<i32>} : memref<32x768xf32, #tpu.memory_space<vmem>>, vector<1x16xf32>,
            %get3A_509 = arith.index_cast %add3A_299 : i32 to index
            %get3A_510 = arith.constant 336 : index
            %get3A_511 = tpu.vector_load %arg8[%get3A_509, %get3A_510] {strides = array<i32>} : memref<32x768xf32, #tpu.memory_space<vmem>>, vector<1x16xf32>,
            %get3A_512 = vector.shape_cast %get3A_511 : vector<1x16xf32> to vector<16xf32>
            %mul3A_513 = arith.mulf %get3A_512, %gather3A_296 : vector<16xf32>
            %swap3A_514 = arith.index_cast %add3A_299 : i32 to index
            %swap3A_515 = arith.constant 336 : index
            %swap3A_516 = tpu.vector_load %arg8[%swap3A_514, %swap3A_515] {strides = array<i32>} : memref<32x768xf32, #tpu.memory_space<vmem>>, vector<1x16xf32>,
            %swap3A_517 = vector.shape_cast %swap3A_516 : vector<1x16xf32> to vector<16xf32>
            %swap3A_518 = vector.shape_cast %mul3A_513 : vector<16xf32> to vector<1x16xf32>
            tpu.vector_store %arg8[%swap3A_514, %swap3A_515], %swap3A_518 {strides = array<i32>} : memref<32x768xf32, #tpu.memory_space<vmem>>, vector<1x16xf32>,
            %get3A_519 = arith.index_cast %add3A_299 : i32 to index
            %get3A_520 = arith.constant 352 : index
            %get3A_521 = tpu.vector_load %arg8[%get3A_519, %get3A_520] {strides = array<i32>} : memref<32x768xf32, #tpu.memory_space<vmem>>, vector<1x16xf32>,
            %get3A_522 = vector.shape_cast %get3A_521 : vector<1x16xf32> to vector<16xf32>
            %mul3A_523 = arith.mulf %get3A_522, %gather3A_296 : vector<16xf32>
            %swap3A_524 = arith.index_cast %add3A_299 : i32 to index
            %swap3A_525 = arith.constant 352 : index
            %swap3A_526 = tpu.vector_load %arg8[%swap3A_524, %swap3A_525] {strides = array<i32>} : memref<32x768xf32, #tpu.memory_space<vmem>>, vector<1x16xf32>,
            %swap3A_527 = vector.shape_cast %swap3A_526 : vector<1x16xf32> to vector<16xf32>
            %swap3A_528 = vector.shape_cast %mul3A_523 : vector<16xf32> to vector<1x16xf32>
            tpu.vector_store %arg8[%swap3A_524, %swap3A_525], %swap3A_528 {strides = array<i32>} : memref<32x768xf32, #tpu.memory_space<vmem>>, vector<1x16xf32>,
            %get3A_529 = arith.index_cast %add3A_299 : i32 to index
            %get3A_530 = arith.constant 368 : index
            %get3A_531 = tpu.vector_load %arg8[%get3A_529, %get3A_530] {strides = array<i32>} : memref<32x768xf32, #tpu.memory_space<vmem>>, vector<1x16xf32>,
            %get3A_532 = vector.shape_cast %get3A_531 : vector<1x16xf32> to vector<16xf32>
            %mul3A_533 = arith.mulf %get3A_532, %gather3A_296 : vector<16xf32>
            %swap3A_534 = arith.index_cast %add3A_299 : i32 to index
            %swap3A_535 = arith.constant 368 : index
            %swap3A_536 = tpu.vector_load %arg8[%swap3A_534, %swap3A_535] {strides = array<i32>} : memref<32x768xf32, #tpu.memory_space<vmem>>, vector<1x16xf32>,
            %swap3A_537 = vector.shape_cast %swap3A_536 : vector<1x16xf32> to vector<16xf32>
            %swap3A_538 = vector.shape_cast %mul3A_533 : vector<16xf32> to vector<1x16xf32>
            tpu.vector_store %arg8[%swap3A_534, %swap3A_535], %swap3A_538 {strides = array<i32>} : memref<32x768xf32, #tpu.memory_space<vmem>>, vector<1x16xf32>,
            %get3A_539 = arith.index_cast %add3A_299 : i32 to index
            %get3A_540 = arith.constant 384 : index
            %get3A_541 = tpu.vector_load %arg8[%get3A_539, %get3A_540] {strides = array<i32>} : memref<32x768xf32, #tpu.memory_space<vmem>>, vector<1x16xf32>,
            %get3A_542 = vector.shape_cast %get3A_541 : vector<1x16xf32> to vector<16xf32>
            %mul3A_543 = arith.mulf %get3A_542, %gather3A_296 : vector<16xf32>
            %swap3A_544 = arith.index_cast %add3A_299 : i32 to index
            %swap3A_545 = arith.constant 384 : index
            %swap3A_546 = tpu.vector_load %arg8[%swap3A_544, %swap3A_545] {strides = array<i32>} : memref<32x768xf32, #tpu.memory_space<vmem>>, vector<1x16xf32>,
            %swap3A_547 = vector.shape_cast %swap3A_546 : vector<1x16xf32> to vector<16xf32>
            %swap3A_548 = vector.shape_cast %mul3A_543 : vector<16xf32> to vector<1x16xf32>
            tpu.vector_store %arg8[%swap3A_544, %swap3A_545], %swap3A_548 {strides = array<i32>} : memref<32x768xf32, #tpu.memory_space<vmem>>, vector<1x16xf32>,
            %get3A_549 = arith.index_cast %add3A_299 : i32 to index
            %get3A_550 = arith.constant 400 : index
            %get3A_551 = tpu.vector_load %arg8[%get3A_549, %get3A_550] {strides = array<i32>} : memref<32x768xf32, #tpu.memory_space<vmem>>, vector<1x16xf32>,
            %get3A_552 = vector.shape_cast %get3A_551 : vector<1x16xf32> to vector<16xf32>
            %mul3A_553 = arith.mulf %get3A_552, %gather3A_296 : vector<16xf32>
            %swap3A_554 = arith.index_cast %add3A_299 : i32 to index
            %swap3A_555 = arith.constant 400 : index
            %swap3A_556 = tpu.vector_load %arg8[%swap3A_554, %swap3A_555] {strides = array<i32>} : memref<32x768xf32, #tpu.memory_space<vmem>>, vector<1x16xf32>,
            %swap3A_557 = vector.shape_cast %swap3A_556 : vector<1x16xf32> to vector<16xf32>
            %swap3A_558 = vector.shape_cast %mul3A_553 : vector<16xf32> to vector<1x16xf32>
            tpu.vector_store %arg8[%swap3A_554, %swap3A_555], %swap3A_558 {strides = array<i32>} : memref<32x768xf32, #tpu.memory_space<vmem>>, vector<1x16xf32>,
            %get3A_559 = arith.index_cast %add3A_299 : i32 to index
            %get3A_560 = arith.constant 416 : index
            %get3A_561 = tpu.vector_load %arg8[%get3A_559, %get3A_560] {strides = array<i32>} : memref<32x768xf32, #tpu.memory_space<vmem>>, vector<1x16xf32>,
            %get3A_562 = vector.shape_cast %get3A_561 : vector<1x16xf32> to vector<16xf32>
            %mul3A_563 = arith.mulf %get3A_562, %gather3A_296 : vector<16xf32>
            %swap3A_564 = arith.index_cast %add3A_299 : i32 to index
            %swap3A_565 = arith.constant 416 : index
            %swap3A_566 = tpu.vector_load %arg8[%swap3A_564, %swap3A_565] {strides = array<i32>} : memref<32x768xf32, #tpu.memory_space<vmem>>, vector<1x16xf32>,
            %swap3A_567 = vector.shape_cast %swap3A_566 : vector<1x16xf32> to vector<16xf32>
            %swap3A_568 = vector.shape_cast %mul3A_563 : vector<16xf32> to vector<1x16xf32>
            tpu.vector_store %arg8[%swap3A_564, %swap3A_565], %swap3A_568 {strides = array<i32>} : memref<32x768xf32, #tpu.memory_space<vmem>>, vector<1x16xf32>,
            %get3A_569 = arith.index_cast %add3A_299 : i32 to index
            %get3A_570 = arith.constant 432 : index
            %get3A_571 = tpu.vector_load %arg8[%get3A_569, %get3A_570] {strides = array<i32>} : memref<32x768xf32, #tpu.memory_space<vmem>>, vector<1x16xf32>,
            %get3A_572 = vector.shape_cast %get3A_571 : vector<1x16xf32> to vector<16xf32>
            %mul3A_573 = arith.mulf %get3A_572, %gather3A_296 : vector<16xf32>
            %swap3A_574 = arith.index_cast %add3A_299 : i32 to index
            %swap3A_575 = arith.constant 432 : index
            %swap3A_576 = tpu.vector_load %arg8[%swap3A_574, %swap3A_575] {strides = array<i32>} : memref<32x768xf32, #tpu.memory_space<vmem>>, vector<1x16xf32>,
            %swap3A_577 = vector.shape_cast %swap3A_576 : vector<1x16xf32> to vector<16xf32>
            %swap3A_578 = vector.shape_cast %mul3A_573 : vector<16xf32> to vector<1x16xf32>
            tpu.vector_store %arg8[%swap3A_574, %swap3A_575], %swap3A_578 {strides = array<i32>} : memref<32x768xf32, #tpu.memory_space<vmem>>, vector<1x16xf32>,
            %get3A_579 = arith.index_cast %add3A_299 : i32 to index
            %get3A_580 = arith.constant 448 : index
            %get3A_581 = tpu.vector_load %arg8[%get3A_579, %get3A_580] {strides = array<i32>} : memref<32x768xf32, #tpu.memory_space<vmem>>, vector<1x16xf32>,
            %get3A_582 = vector.shape_cast %get3A_581 : vector<1x16xf32> to vector<16xf32>
            %mul3A_583 = arith.mulf %get3A_582, %gather3A_296 : vector<16xf32>
            %swap3A_584 = arith.index_cast %add3A_299 : i32 to index
            %swap3A_585 = arith.constant 448 : index
            %swap3A_586 = tpu.vector_load %arg8[%swap3A_584, %swap3A_585] {strides = array<i32>} : memref<32x768xf32, #tpu.memory_space<vmem>>, vector<1x16xf32>,
            %swap3A_587 = vector.shape_cast %swap3A_586 : vector<1x16xf32> to vector<16xf32>
            %swap3A_588 = vector.shape_cast %mul3A_583 : vector<16xf32> to vector<1x16xf32>
            tpu.vector_store %arg8[%swap3A_584, %swap3A_585], %swap3A_588 {strides = array<i32>} : memref<32x768xf32, #tpu.memory_space<vmem>>, vector<1x16xf32>,
            %get3A_589 = arith.index_cast %add3A_299 : i32 to index
            %get3A_590 = arith.constant 464 : index
            %get3A_591 = tpu.vector_load %arg8[%get3A_589, %get3A_590] {strides = array<i32>} : memref<32x768xf32, #tpu.memory_space<vmem>>, vector<1x16xf32>,
            %get3A_592 = vector.shape_cast %get3A_591 : vector<1x16xf32> to vector<16xf32>
            %mul3A_593 = arith.mulf %get3A_592, %gather3A_296 : vector<16xf32>
            %swap3A_594 = arith.index_cast %add3A_299 : i32 to index
            %swap3A_595 = arith.constant 464 : index
            %swap3A_596 = tpu.vector_load %arg8[%swap3A_594, %swap3A_595] {strides = array<i32>} : memref<32x768xf32, #tpu.memory_space<vmem>>, vector<1x16xf32>,
            %swap3A_597 = vector.shape_cast %swap3A_596 : vector<1x16xf32> to vector<16xf32>
            %swap3A_598 = vector.shape_cast %mul3A_593 : vector<16xf32> to vector<1x16xf32>
            tpu.vector_store %arg8[%swap3A_594, %swap3A_595], %swap3A_598 {strides = array<i32>} : memref<32x768xf32, #tpu.memory_space<vmem>>, vector<1x16xf32>,
            %get3A_599 = arith.index_cast %add3A_299 : i32 to index
            %get3A_600 = arith.constant 480 : index
            %get3A_601 = tpu.vector_load %arg8[%get3A_599, %get3A_600] {strides = array<i32>} : memref<32x768xf32, #tpu.memory_space<vmem>>, vector<1x16xf32>,
            %get3A_602 = vector.shape_cast %get3A_601 : vector<1x16xf32> to vector<16xf32>
            %mul3A_603 = arith.mulf %get3A_602, %gather3A_296 : vector<16xf32>
            %swap3A_604 = arith.index_cast %add3A_299 : i32 to index
            %swap3A_605 = arith.constant 480 : index
            %swap3A_606 = tpu.vector_load %arg8[%swap3A_604, %swap3A_605] {strides = array<i32>} : memref<32x768xf32, #tpu.memory_space<vmem>>, vector<1x16xf32>,
            %swap3A_607 = vector.shape_cast %swap3A_606 : vector<1x16xf32> to vector<16xf32>
            %swap3A_608 = vector.shape_cast %mul3A_603 : vector<16xf32> to vector<1x16xf32>
            tpu.vector_store %arg8[%swap3A_604, %swap3A_605], %swap3A_608 {strides = array<i32>} : memref<32x768xf32, #tpu.memory_space<vmem>>, vector<1x16xf32>,
            %get3A_609 = arith.index_cast %add3A_299 : i32 to index
            %get3A_610 = arith.constant 496 : index
            %get3A_611 = tpu.vector_load %arg8[%get3A_609, %get3A_610] {strides = array<i32>} : memref<32x768xf32, #tpu.memory_space<vmem>>, vector<1x16xf32>,
            %get3A_612 = vector.shape_cast %get3A_611 : vector<1x16xf32> to vector<16xf32>
            %mul3A_613 = arith.mulf %get3A_612, %gather3A_296 : vector<16xf32>
            %swap3A_614 = arith.index_cast %add3A_299 : i32 to index
            %swap3A_615 = arith.constant 496 : index
            %swap3A_616 = tpu.vector_load %arg8[%swap3A_614, %swap3A_615] {strides = array<i32>} : memref<32x768xf32, #tpu.memory_space<vmem>>, vector<1x16xf32>,
            %swap3A_617 = vector.shape_cast %swap3A_616 : vector<1x16xf32> to vector<16xf32>
            %swap3A_618 = vector.shape_cast %mul3A_613 : vector<16xf32> to vector<1x16xf32>
            tpu.vector_store %arg8[%swap3A_614, %swap3A_615], %swap3A_618 {strides = array<i32>} : memref<32x768xf32, #tpu.memory_space<vmem>>, vector<1x16xf32>,
            %get3A_619 = arith.index_cast %add3A_299 : i32 to index
            %get3A_620 = arith.constant 512 : index
            %get3A_621 = tpu.vector_load %arg8[%get3A_619, %get3A_620] {strides = array<i32>} : memref<32x768xf32, #tpu.memory_space<vmem>>, vector<1x16xf32>,
            %get3A_622 = vector.shape_cast %get3A_621 : vector<1x16xf32> to vector<16xf32>
            %mul3A_623 = arith.mulf %get3A_622, %gather3A_296 : vector<16xf32>
            %swap3A_624 = arith.index_cast %add3A_299 : i32 to index
            %swap3A_625 = arith.constant 512 : index
            %swap3A_626 = tpu.vector_load %arg8[%swap3A_624, %swap3A_625] {strides = array<i32>} : memref<32x768xf32, #tpu.memory_space<vmem>>, vector<1x16xf32>,
            %swap3A_627 = vector.shape_cast %swap3A_626 : vector<1x16xf32> to vector<16xf32>
            %swap3A_628 = vector.shape_cast %mul3A_623 : vector<16xf32> to vector<1x16xf32>
            tpu.vector_store %arg8[%swap3A_624, %swap3A_625], %swap3A_628 {strides = array<i32>} : memref<32x768xf32, #tpu.memory_space<vmem>>, vector<1x16xf32>,
            %get3A_629 = arith.index_cast %add3A_299 : i32 to index
            %get3A_630 = arith.constant 528 : index
            %get3A_631 = tpu.vector_load %arg8[%get3A_629, %get3A_630] {strides = array<i32>} : memref<32x768xf32, #tpu.memory_space<vmem>>, vector<1x16xf32>,
            %get3A_632 = vector.shape_cast %get3A_631 : vector<1x16xf32> to vector<16xf32>
            %mul3A_633 = arith.mulf %get3A_632, %gather3A_296 : vector<16xf32>
            %swap3A_634 = arith.index_cast %add3A_299 : i32 to index
            %swap3A_635 = arith.constant 528 : index
            %swap3A_636 = tpu.vector_load %arg8[%swap3A_634, %swap3A_635] {strides = array<i32>} : memref<32x768xf32, #tpu.memory_space<vmem>>, vector<1x16xf32>,
            %swap3A_637 = vector.shape_cast %swap3A_636 : vector<1x16xf32> to vector<16xf32>
            %swap3A_638 = vector.shape_cast %mul3A_633 : vector<16xf32> to vector<1x16xf32>
            tpu.vector_store %arg8[%swap3A_634, %swap3A_635], %swap3A_638 {strides = array<i32>} : memref<32x768xf32, #tpu.memory_space<vmem>>, vector<1x16xf32>,
            %get3A_639 = arith.index_cast %add3A_299 : i32 to index
            %get3A_640 = arith.constant 544 : index
            %get3A_641 = tpu.vector_load %arg8[%get3A_639, %get3A_640] {strides = array<i32>} : memref<32x768xf32, #tpu.memory_space<vmem>>, vector<1x16xf32>,
            %get3A_642 = vector.shape_cast %get3A_641 : vector<1x16xf32> to vector<16xf32>
            %mul3A_643 = arith.mulf %get3A_642, %gather3A_296 : vector<16xf32>
            %swap3A_644 = arith.index_cast %add3A_299 : i32 to index
            %swap3A_645 = arith.constant 544 : index
            %swap3A_646 = tpu.vector_load %arg8[%swap3A_644, %swap3A_645] {strides = array<i32>} : memref<32x768xf32, #tpu.memory_space<vmem>>, vector<1x16xf32>,
            %swap3A_647 = vector.shape_cast %swap3A_646 : vector<1x16xf32> to vector<16xf32>
            %swap3A_648 = vector.shape_cast %mul3A_643 : vector<16xf32> to vector<1x16xf32>
            tpu.vector_store %arg8[%swap3A_644, %swap3A_645], %swap3A_648 {strides = array<i32>} : memref<32x768xf32, #tpu.memory_space<vmem>>, vector<1x16xf32>,
            %get3A_649 = arith.index_cast %add3A_299 : i32 to index
            %get3A_650 = arith.constant 560 : index
            %get3A_651 = tpu.vector_load %arg8[%get3A_649, %get3A_650] {strides = array<i32>} : memref<32x768xf32, #tpu.memory_space<vmem>>, vector<1x16xf32>,
            %get3A_652 = vector.shape_cast %get3A_651 : vector<1x16xf32> to vector<16xf32>
            %mul3A_653 = arith.mulf %get3A_652, %gather3A_296 : vector<16xf32>
            %swap3A_654 = arith.index_cast %add3A_299 : i32 to index
            %swap3A_655 = arith.constant 560 : index
            %swap3A_656 = tpu.vector_load %arg8[%swap3A_654, %swap3A_655] {strides = array<i32>} : memref<32x768xf32, #tpu.memory_space<vmem>>, vector<1x16xf32>,
            %swap3A_657 = vector.shape_cast %swap3A_656 : vector<1x16xf32> to vector<16xf32>
            %swap3A_658 = vector.shape_cast %mul3A_653 : vector<16xf32> to vector<1x16xf32>
            tpu.vector_store %arg8[%swap3A_654, %swap3A_655], %swap3A_658 {strides = array<i32>} : memref<32x768xf32, #tpu.memory_space<vmem>>, vector<1x16xf32>,
            %get3A_659 = arith.index_cast %add3A_299 : i32 to index
            %get3A_660 = arith.constant 576 : index
            %get3A_661 = tpu.vector_load %arg8[%get3A_659, %get3A_660] {strides = array<i32>} : memref<32x768xf32, #tpu.memory_space<vmem>>, vector<1x16xf32>,
            %get3A_662 = vector.shape_cast %get3A_661 : vector<1x16xf32> to vector<16xf32>
            %mul3A_663 = arith.mulf %get3A_662, %gather3A_296 : vector<16xf32>
            %swap3A_664 = arith.index_cast %add3A_299 : i32 to index
            %swap3A_665 = arith.constant 576 : index
            %swap3A_666 = tpu.vector_load %arg8[%swap3A_664, %swap3A_665] {strides = array<i32>} : memref<32x768xf32, #tpu.memory_space<vmem>>, vector<1x16xf32>,
            %swap3A_667 = vector.shape_cast %swap3A_666 : vector<1x16xf32> to vector<16xf32>
            %swap3A_668 = vector.shape_cast %mul3A_663 : vector<16xf32> to vector<1x16xf32>
            tpu.vector_store %arg8[%swap3A_664, %swap3A_665], %swap3A_668 {strides = array<i32>} : memref<32x768xf32, #tpu.memory_space<vmem>>, vector<1x16xf32>,
            %get3A_669 = arith.index_cast %add3A_299 : i32 to index
            %get3A_670 = arith.constant 592 : index
            %get3A_671 = tpu.vector_load %arg8[%get3A_669, %get3A_670] {strides = array<i32>} : memref<32x768xf32, #tpu.memory_space<vmem>>, vector<1x16xf32>,
            %get3A_672 = vector.shape_cast %get3A_671 : vector<1x16xf32> to vector<16xf32>
            %mul3A_673 = arith.mulf %get3A_672, %gather3A_296 : vector<16xf32>
            %swap3A_674 = arith.index_cast %add3A_299 : i32 to index
            %swap3A_675 = arith.constant 592 : index
            %swap3A_676 = tpu.vector_load %arg8[%swap3A_674, %swap3A_675] {strides = array<i32>} : memref<32x768xf32, #tpu.memory_space<vmem>>, vector<1x16xf32>,
            %swap3A_677 = vector.shape_cast %swap3A_676 : vector<1x16xf32> to vector<16xf32>
            %swap3A_678 = vector.shape_cast %mul3A_673 : vector<16xf32> to vector<1x16xf32>
            tpu.vector_store %arg8[%swap3A_674, %swap3A_675], %swap3A_678 {strides = array<i32>} : memref<32x768xf32, #tpu.memory_space<vmem>>, vector<1x16xf32>,
            %get3A_679 = arith.index_cast %add3A_299 : i32 to index
            %get3A_680 = arith.constant 608 : index
            %get3A_681 = tpu.vector_load %arg8[%get3A_679, %get3A_680] {strides = array<i32>} : memref<32x768xf32, #tpu.memory_space<vmem>>, vector<1x16xf32>,
            %get3A_682 = vector.shape_cast %get3A_681 : vector<1x16xf32> to vector<16xf32>
            %mul3A_683 = arith.mulf %get3A_682, %gather3A_296 : vector<16xf32>
            %swap3A_684 = arith.index_cast %add3A_299 : i32 to index
            %swap3A_685 = arith.constant 608 : index
            %swap3A_686 = tpu.vector_load %arg8[%swap3A_684, %swap3A_685] {strides = array<i32>} : memref<32x768xf32, #tpu.memory_space<vmem>>, vector<1x16xf32>,
            %swap3A_687 = vector.shape_cast %swap3A_686 : vector<1x16xf32> to vector<16xf32>
            %swap3A_688 = vector.shape_cast %mul3A_683 : vector<16xf32> to vector<1x16xf32>
            tpu.vector_store %arg8[%swap3A_684, %swap3A_685], %swap3A_688 {strides = array<i32>} : memref<32x768xf32, #tpu.memory_space<vmem>>, vector<1x16xf32>,
            %get3A_689 = arith.index_cast %add3A_299 : i32 to index
            %get3A_690 = arith.constant 624 : index
            %get3A_691 = tpu.vector_load %arg8[%get3A_689, %get3A_690] {strides = array<i32>} : memref<32x768xf32, #tpu.memory_space<vmem>>, vector<1x16xf32>,
            %get3A_692 = vector.shape_cast %get3A_691 : vector<1x16xf32> to vector<16xf32>
            %mul3A_693 = arith.mulf %get3A_692, %gather3A_296 : vector<16xf32>
            %swap3A_694 = arith.index_cast %add3A_299 : i32 to index
            %swap3A_695 = arith.constant 624 : index
            %swap3A_696 = tpu.vector_load %arg8[%swap3A_694, %swap3A_695] {strides = array<i32>} : memref<32x768xf32, #tpu.memory_space<vmem>>, vector<1x16xf32>,
            %swap3A_697 = vector.shape_cast %swap3A_696 : vector<1x16xf32> to vector<16xf32>
            %swap3A_698 = vector.shape_cast %mul3A_693 : vector<16xf32> to vector<1x16xf32>
            tpu.vector_store %arg8[%swap3A_694, %swap3A_695], %swap3A_698 {strides = array<i32>} : memref<32x768xf32, #tpu.memory_space<vmem>>, vector<1x16xf32>,
            %get3A_699 = arith.index_cast %add3A_299 : i32 to index
            %get3A_700 = arith.constant 640 : index
            %get3A_701 = tpu.vector_load %arg8[%get3A_699, %get3A_700] {strides = array<i32>} : memref<32x768xf32, #tpu.memory_space<vmem>>, vector<1x16xf32>,
            %get3A_702 = vector.shape_cast %get3A_701 : vector<1x16xf32> to vector<16xf32>
            %mul3A_703 = arith.mulf %get3A_702, %gather3A_296 : vector<16xf32>
            %swap3A_704 = arith.index_cast %add3A_299 : i32 to index
            %swap3A_705 = arith.constant 640 : index
            %swap3A_706 = tpu.vector_load %arg8[%swap3A_704, %swap3A_705] {strides = array<i32>} : memref<32x768xf32, #tpu.memory_space<vmem>>, vector<1x16xf32>,
            %swap3A_707 = vector.shape_cast %swap3A_706 : vector<1x16xf32> to vector<16xf32>
            %swap3A_708 = vector.shape_cast %mul3A_703 : vector<16xf32> to vector<1x16xf32>
            tpu.vector_store %arg8[%swap3A_704, %swap3A_705], %swap3A_708 {strides = array<i32>} : memref<32x768xf32, #tpu.memory_space<vmem>>, vector<1x16xf32>,
            %get3A_709 = arith.index_cast %add3A_299 : i32 to index
            %get3A_710 = arith.constant 656 : index
            %get3A_711 = tpu.vector_load %arg8[%get3A_709, %get3A_710] {strides = array<i32>} : memref<32x768xf32, #tpu.memory_space<vmem>>, vector<1x16xf32>,
            %get3A_712 = vector.shape_cast %get3A_711 : vector<1x16xf32> to vector<16xf32>
            %mul3A_713 = arith.mulf %get3A_712, %gather3A_296 : vector<16xf32>
            %swap3A_714 = arith.index_cast %add3A_299 : i32 to index
            %swap3A_715 = arith.constant 656 : index
            %swap3A_716 = tpu.vector_load %arg8[%swap3A_714, %swap3A_715] {strides = array<i32>} : memref<32x768xf32, #tpu.memory_space<vmem>>, vector<1x16xf32>,
            %swap3A_717 = vector.shape_cast %swap3A_716 : vector<1x16xf32> to vector<16xf32>
            %swap3A_718 = vector.shape_cast %mul3A_713 : vector<16xf32> to vector<1x16xf32>
            tpu.vector_store %arg8[%swap3A_714, %swap3A_715], %swap3A_718 {strides = array<i32>} : memref<32x768xf32, #tpu.memory_space<vmem>>, vector<1x16xf32>,
            %get3A_719 = arith.index_cast %add3A_299 : i32 to index
            %get3A_720 = arith.constant 672 : index
            %get3A_721 = tpu.vector_load %arg8[%get3A_719, %get3A_720] {strides = array<i32>} : memref<32x768xf32, #tpu.memory_space<vmem>>, vector<1x16xf32>,
            %get3A_722 = vector.shape_cast %get3A_721 : vector<1x16xf32> to vector<16xf32>
            %mul3A_723 = arith.mulf %get3A_722, %gather3A_296 : vector<16xf32>
            %swap3A_724 = arith.index_cast %add3A_299 : i32 to index
            %swap3A_725 = arith.constant 672 : index
            %swap3A_726 = tpu.vector_load %arg8[%swap3A_724, %swap3A_725] {strides = array<i32>} : memref<32x768xf32, #tpu.memory_space<vmem>>, vector<1x16xf32>,
            %swap3A_727 = vector.shape_cast %swap3A_726 : vector<1x16xf32> to vector<16xf32>
            %swap3A_728 = vector.shape_cast %mul3A_723 : vector<16xf32> to vector<1x16xf32>
            tpu.vector_store %arg8[%swap3A_724, %swap3A_725], %swap3A_728 {strides = array<i32>} : memref<32x768xf32, #tpu.memory_space<vmem>>, vector<1x16xf32>,
            %get3A_729 = arith.index_cast %add3A_299 : i32 to index
            %get3A_730 = arith.constant 688 : index
            %get3A_731 = tpu.vector_load %arg8[%get3A_729, %get3A_730] {strides = array<i32>} : memref<32x768xf32, #tpu.memory_space<vmem>>, vector<1x16xf32>,
            %get3A_732 = vector.shape_cast %get3A_731 : vector<1x16xf32> to vector<16xf32>
            %mul3A_733 = arith.mulf %get3A_732, %gather3A_296 : vector<16xf32>
            %swap3A_734 = arith.index_cast %add3A_299 : i32 to index
            %swap3A_735 = arith.constant 688 : index
            %swap3A_736 = tpu.vector_load %arg8[%swap3A_734, %swap3A_735] {strides = array<i32>} : memref<32x768xf32, #tpu.memory_space<vmem>>, vector<1x16xf32>,
            %swap3A_737 = vector.shape_cast %swap3A_736 : vector<1x16xf32> to vector<16xf32>
            %swap3A_738 = vector.shape_cast %mul3A_733 : vector<16xf32> to vector<1x16xf32>
            tpu.vector_store %arg8[%swap3A_734, %swap3A_735], %swap3A_738 {strides = array<i32>} : memref<32x768xf32, #tpu.memory_space<vmem>>, vector<1x16xf32>,
            %get3A_739 = arith.index_cast %add3A_299 : i32 to index
            %get3A_740 = arith.constant 704 : index
            %get3A_741 = tpu.vector_load %arg8[%get3A_739, %get3A_740] {strides = array<i32>} : memref<32x768xf32, #tpu.memory_space<vmem>>, vector<1x16xf32>,
            %get3A_742 = vector.shape_cast %get3A_741 : vector<1x16xf32> to vector<16xf32>
            %mul3A_743 = arith.mulf %get3A_742, %gather3A_296 : vector<16xf32>
            %swap3A_744 = arith.index_cast %add3A_299 : i32 to index
            %swap3A_745 = arith.constant 704 : index
            %swap3A_746 = tpu.vector_load %arg8[%swap3A_744, %swap3A_745] {strides = array<i32>} : memref<32x768xf32, #tpu.memory_space<vmem>>, vector<1x16xf32>,
            %swap3A_747 = vector.shape_cast %swap3A_746 : vector<1x16xf32> to vector<16xf32>
            %swap3A_748 = vector.shape_cast %mul3A_743 : vector<16xf32> to vector<1x16xf32>
            tpu.vector_store %arg8[%swap3A_744, %swap3A_745], %swap3A_748 {strides = array<i32>} : memref<32x768xf32, #tpu.memory_space<vmem>>, vector<1x16xf32>,
            %get3A_749 = arith.index_cast %add3A_299 : i32 to index
            %get3A_750 = arith.constant 720 : index
            %get3A_751 = tpu.vector_load %arg8[%get3A_749, %get3A_750] {strides = array<i32>} : memref<32x768xf32, #tpu.memory_space<vmem>>, vector<1x16xf32>,
            %get3A_752 = vector.shape_cast %get3A_751 : vector<1x16xf32> to vector<16xf32>
            %mul3A_753 = arith.mulf %get3A_752, %gather3A_296 : vector<16xf32>
            %swap3A_754 = arith.index_cast %add3A_299 : i32 to index
            %swap3A_755 = arith.constant 720 : index
            %swap3A_756 = tpu.vector_load %arg8[%swap3A_754, %swap3A_755] {strides = array<i32>} : memref<32x768xf32, #tpu.memory_space<vmem>>, vector<1x16xf32>,
            %swap3A_757 = vector.shape_cast %swap3A_756 : vector<1x16xf32> to vector<16xf32>
            %swap3A_758 = vector.shape_cast %mul3A_753 : vector<16xf32> to vector<1x16xf32>
            tpu.vector_store %arg8[%swap3A_754, %swap3A_755], %swap3A_758 {strides = array<i32>} : memref<32x768xf32, #tpu.memory_space<vmem>>, vector<1x16xf32>,
            %get3A_759 = arith.index_cast %add3A_299 : i32 to index
            %get3A_760 = arith.constant 736 : index
            %get3A_761 = tpu.vector_load %arg8[%get3A_759, %get3A_760] {strides = array<i32>} : memref<32x768xf32, #tpu.memory_space<vmem>>, vector<1x16xf32>,
            %get3A_762 = vector.shape_cast %get3A_761 : vector<1x16xf32> to vector<16xf32>
            %mul3A_763 = arith.mulf %get3A_762, %gather3A_296 : vector<16xf32>
            %swap3A_764 = arith.index_cast %add3A_299 : i32 to index
            %swap3A_765 = arith.constant 736 : index
            %swap3A_766 = tpu.vector_load %arg8[%swap3A_764, %swap3A_765] {strides = array<i32>} : memref<32x768xf32, #tpu.memory_space<vmem>>, vector<1x16xf32>,
            %swap3A_767 = vector.shape_cast %swap3A_766 : vector<1x16xf32> to vector<16xf32>
            %swap3A_768 = vector.shape_cast %mul3A_763 : vector<16xf32> to vector<1x16xf32>
            tpu.vector_store %arg8[%swap3A_764, %swap3A_765], %swap3A_768 {strides = array<i32>} : memref<32x768xf32, #tpu.memory_space<vmem>>, vector<1x16xf32>,
            %get3A_769 = arith.index_cast %add3A_299 : i32 to index
            %get3A_770 = arith.constant 752 : index
            %get3A_771 = tpu.vector_load %arg8[%get3A_769, %get3A_770] {strides = array<i32>} : memref<32x768xf32, #tpu.memory_space<vmem>>, vector<1x16xf32>,
            %get3A_772 = vector.shape_cast %get3A_771 : vector<1x16xf32> to vector<16xf32>
            %mul3A_773 = arith.mulf %get3A_772, %gather3A_296 : vector<16xf32>
            %swap3A_774 = arith.index_cast %add3A_299 : i32 to index
            %swap3A_775 = arith.constant 752 : index
            %swap3A_776 = tpu.vector_load %arg8[%swap3A_774, %swap3A_775] {strides = array<i32>} : memref<32x768xf32, #tpu.memory_space<vmem>>, vector<1x16xf32>,
            %swap3A_777 = vector.shape_cast %swap3A_776 : vector<1x16xf32> to vector<16xf32>
            %swap3A_778 = vector.shape_cast %mul3A_773 : vector<16xf32> to vector<1x16xf32>
            tpu.vector_store %arg8[%swap3A_774, %swap3A_775], %swap3A_778 {strides = array<i32>} : memref<32x768xf32, #tpu.memory_space<vmem>>, vector<1x16xf32>,
            %scan3A_779 = arith.constant 0 : i32
            scf.yield %scan3A_779 : i32
          }
          %scan3A_282 = arith.constant 16 : i32
          %scan3A_283 = arith.constant 0 : i32
          scf.yield %scan3A_283 : i32
        }
        %scan3A_267 = arith.constant 2 : i32
      } else {
      }
      %mul3A_179 = arith.constant 32 : i32
      %mul3A_180 = arith.muli %add3A_168, %mul3A_179 : i32
      %add3A_181 = arith.addi %mul3A_2, %mul3A_180 : i32
      %dma_start3A_182 = arith.constant 0 : i32
      %dma_start3A_183 = tpu.memref_slice %arg5[%add3A_181, %dma_start3A_182] : memref<32768x768xf32, #tpu.memory_space<hbm>> -> memref<32x768xf32, #tpu.memory_space<hbm>>
      %dma_start3A_184 = arith.constant 0 : i32
      %dma_start3A_185 = tpu.memref_slice %arg5[%add3A_181, %dma_start3A_184] : memref<32768x768xf32, #tpu.memory_space<hbm>> -> memref<32x768xf32, #tpu.memory_space<hbm>>
      tpu.enqueue_dma source(%arg8 : memref<32x768xf32, #tpu.memory_space<vmem>>) target(%dma_start3A_185 : memref<32x768xf32, #tpu.memory_space<hbm>>) target_semaphore(%arg16 : memref<!tpu.dma_semaphore, #tpu.memory_space<semaphore_mem>>)
      %mul3A_186 = arith.constant 4 : i32
      %mul3A_187 = arith.muli %scan3A_163, %mul3A_186 : i32
      %add3A_188 = arith.constant 1 : i32
      %add3A_189 = arith.addi %mul3A_187, %add3A_188 : i32
      %ge3A_190 = arith.constant 1 : i32
      %ge3A_191 = arith.cmpi sge, %scan3A_163, %ge3A_190 : i32
      %convert_element_type3A_192 = arith.extui %ge3A_191 : i1 to i32
      %cond3A_193 = arith.constant 0 : i32
      %cond3A_194 = arith.cmpi ne, %convert_element_type3A_192, %cond3A_193 : i32
      scf.if %cond3A_194 {
        %dma_wait3A_259 = arith.constant 0 : i32
        %dma_wait3A_260 = tpu.memref_slice %arg5[%mul3A_2, %dma_wait3A_259] : memref<32768x768xf32, #tpu.memory_space<hbm>> -> memref<32x768xf32, #tpu.memory_space<hbm>>
        %dma_wait3A_261 = arith.constant 0 : i32
        %dma_wait3A_262 = tpu.memref_slice %arg5[%mul3A_2, %dma_wait3A_261] : memref<32768x768xf32, #tpu.memory_space<hbm>> -> memref<32x768xf32, #tpu.memory_space<hbm>>
        tpu.wait_dma2 semaphore(%arg19 : memref<!tpu.dma_semaphore, #tpu.memory_space<semaphore_mem>>) src(%arg11 : memref<32x768xf32, #tpu.memory_space<vmem>>) dst(%dma_wait3A_262 : memref<32x768xf32, #tpu.memory_space<hbm>>)
        %add3A_263 = arith.constant 2 : i32
        %add3A_264 = arith.addi %add3A_189, %add3A_263 : i32
        %mul3A_265 = arith.constant 32 : i32
        %mul3A_266 = arith.muli %add3A_264, %mul3A_265 : i32
        %dma_start3A_267 = tpu.memref_slice %arg6[%mul3A_266] : memref<1024xi32, #tpu.memory_space<vmem>> -> memref<32xi32, #tpu.memory_space<vmem>>
        %dma_start3A_268 = arith.constant 0 : i32
        %dma_start3A_269 = arith.constant 0 : i32
        %dma_start3A_270 = tpu.memref_slice %arg4[%dma_start3A_268, %dma_start3A_269] : memref<8192x768xf32, #tpu.memory_space<hbm>> -> memref<8192x768xf32, #tpu.memory_space<hbm>>
        tpu.enqueue_indirect_dma source(%dma_start3A_270 : memref<8192x768xf32, #tpu.memory_space<hbm>>) target(%arg11 : memref<32x768xf32, #tpu.memory_space<vmem>>) offsets(%dma_start3A_267 : memref<32xi32, #tpu.memory_space<vmem>>) semaphore(%arg15 : memref<!tpu.dma_semaphore, #tpu.memory_space<semaphore_mem>>)
      } else {
      }
      %dma_wait3A_195 = arith.constant 0 : i32
      %dma_wait3A_196 = tpu.memref_slice %arg6[%dma_wait3A_195] : memref<1024xi32, #tpu.memory_space<vmem>> -> memref<32xi32, #tpu.memory_space<vmem>>
      %dma_wait3A_197 = arith.constant 0 : i32
      %dma_wait3A_198 = arith.constant 0 : i32
      %dma_wait3A_199 = tpu.memref_slice %arg4[%dma_wait3A_197, %dma_wait3A_198] : memref<8192x768xf32, #tpu.memory_space<hbm>> -> memref<8192x768xf32, #tpu.memory_space<hbm>>
      tpu.wait_indirect_dma semaphore(%arg13 : memref<!tpu.dma_semaphore, #tpu.memory_space<semaphore_mem>>) src(%dma_wait3A_199 : memref<8192x768xf32, #tpu.memory_space<hbm>>) dst(%arg9 : memref<32x768xf32, #tpu.memory_space<vmem>>)
      %convert_element_type3A_200 = arith.extui %not3A_140 : i1 to i32
      %cond3A_201 = arith.constant 0 : i32
      %cond3A_202 = arith.cmpi ne, %convert_element_type3A_200, %cond3A_201 : i32
      scf.if %cond3A_202 {
        %mul3A_259 = arith.constant 32 : i32
        %mul3A_260 = arith.muli %add3A_189, %mul3A_259 : i32
        %scan3A_261 = arith.constant 0 : i32
        %scan3A_262 = arith.constant 0 : i32
        %scan3A_263 = arith.constant 2 : i32
        %scan3A_264 = arith.addi %scan3A_262, %scan3A_263 : i32
        %scan3A_265 = arith.constant 1 : i32
        %scan3A_266 = scf.for %scan3A_268 = %scan3A_262 to %scan3A_264 step %scan3A_265 iter_args(%scan3A_269 = %scan3A_261) -> (i32)  : i32 {
          %mul3A_270 = arith.constant 16 : i32
          %mul3A_271 = arith.muli %scan3A_268, %mul3A_270 : i32
          %add3A_272 = arith.addi %mul3A_260, %mul3A_271 : i32
          %get3A_273 = arith.index_cast %add3A_272 : i32 to index
          %get3A_274 = tpu.vector_load %arg7[%get3A_273] {strides = array<i32>} : memref<1024xf32, #tpu.memory_space<vmem>>, vector<16xf32>,
          %get3A_275 = vector.shape_cast %get3A_274 : vector<16xf32> to vector<16xf32>
          %scan3A_276 = arith.constant 0 : i32
          %scan3A_277 = arith.constant 0 : i32
          %scan3A_278 = arith.constant 16 : i32
          %scan3A_279 = arith.addi %scan3A_277, %scan3A_278 : i32
          %scan3A_280 = arith.constant 1 : i32
          %scan3A_281 = scf.for %scan3A_284 = %scan3A_277 to %scan3A_279 step %scan3A_280 iter_args(%scan3A_285 = %scan3A_276) -> (i32)  : i32 {
            %broadcast_in_dim3A_286 = vector.broadcast %scan3A_284 : i32 to vector<16xi32>
            %lt3A_287 = arith.constant 0 : i32
            %lt3A_288 = vector.broadcast %lt3A_287 : i32 to vector<16xi32>
            %lt3A_289 = arith.cmpi slt, %broadcast_in_dim3A_286, %lt3A_288 : vector<16xi32>
            %add3A_290 = arith.constant 16 : i32
            %add3A_291 = vector.broadcast %add3A_290 : i32 to vector<16xi32>
            %add3A_292 = arith.addi %broadcast_in_dim3A_286, %add3A_291 : vector<16xi32>
            %select_n3A_293 = arith.select %lt3A_289, %add3A_292, %broadcast_in_dim3A_286 : vector<16xi1>, vector<16xi32>
            %broadcast_in_dim3A_294 = vector.shape_cast %select_n3A_293 : vector<16xi32> to vector<16x1xi32>
            %gather3A_295 = vector.shape_cast %broadcast_in_dim3A_294 : vector<16x1xi32> to vector<16xi32>
            %gather3A_296 = tpu.dynamic_gather %get3A_275[%gather3A_295] in [0] : vector<16xf32>, vector<16xi32> -> vector<16xf32>
            %mul3A_297 = arith.constant 16 : i32
            %mul3A_298 = arith.muli %scan3A_268, %mul3A_297 : i32
            %add3A_299 = arith.addi %mul3A_298, %scan3A_284 : i32
            %get3A_300 = arith.index_cast %add3A_299 : i32 to index
            %get3A_301 = arith.constant 0 : index
            %get3A_302 = tpu.vector_load %arg9[%get3A_300, %get3A_301] {strides = array<i32>} : memref<32x768xf32, #tpu.memory_space<vmem>>, vector<1x16xf32>,
            %get3A_303 = vector.shape_cast %get3A_302 : vector<1x16xf32> to vector<16xf32>
            %mul3A_304 = arith.mulf %get3A_303, %gather3A_296 : vector<16xf32>
            %swap3A = arith.index_cast %add3A_299 : i32 to index
            %swap3A_305 = arith.constant 0 : index
            %swap3A_306 = tpu.vector_load %arg9[%swap3A, %swap3A_305] {strides = array<i32>} : memref<32x768xf32, #tpu.memory_space<vmem>>, vector<1x16xf32>,
            %swap3A_307 = vector.shape_cast %swap3A_306 : vector<1x16xf32> to vector<16xf32>
            %swap3A_308 = vector.shape_cast %mul3A_304 : vector<16xf32> to vector<1x16xf32>
            tpu.vector_store %arg9[%swap3A, %swap3A_305], %swap3A_308 {strides = array<i32>} : memref<32x768xf32, #tpu.memory_space<vmem>>, vector<1x16xf32>,
            %get3A_309 = arith.index_cast %add3A_299 : i32 to index
            %get3A_310 = arith.constant 16 : index
            %get3A_311 = tpu.vector_load %arg9[%get3A_309, %get3A_310] {strides = array<i32>} : memref<32x768xf32, #tpu.memory_space<vmem>>, vector<1x16xf32>,
            %get3A_312 = vector.shape_cast %get3A_311 : vector<1x16xf32> to vector<16xf32>
            %mul3A_313 = arith.mulf %get3A_312, %gather3A_296 : vector<16xf32>
            %swap3A_314 = arith.index_cast %add3A_299 : i32 to index
            %swap3A_315 = arith.constant 16 : index
            %swap3A_316 = tpu.vector_load %arg9[%swap3A_314, %swap3A_315] {strides = array<i32>} : memref<32x768xf32, #tpu.memory_space<vmem>>, vector<1x16xf32>,
            %swap3A_317 = vector.shape_cast %swap3A_316 : vector<1x16xf32> to vector<16xf32>
            %swap3A_318 = vector.shape_cast %mul3A_313 : vector<16xf32> to vector<1x16xf32>
            tpu.vector_store %arg9[%swap3A_314, %swap3A_315], %swap3A_318 {strides = array<i32>} : memref<32x768xf32, #tpu.memory_space<vmem>>, vector<1x16xf32>,
            %get3A_319 = arith.index_cast %add3A_299 : i32 to index
            %get3A_320 = arith.constant 32 : index
            %get3A_321 = tpu.vector_load %arg9[%get3A_319, %get3A_320] {strides = array<i32>} : memref<32x768xf32, #tpu.memory_space<vmem>>, vector<1x16xf32>,
            %get3A_322 = vector.shape_cast %get3A_321 : vector<1x16xf32> to vector<16xf32>
            %mul3A_323 = arith.mulf %get3A_322, %gather3A_296 : vector<16xf32>
            %swap3A_324 = arith.index_cast %add3A_299 : i32 to index
            %swap3A_325 = arith.constant 32 : index
            %swap3A_326 = tpu.vector_load %arg9[%swap3A_324, %swap3A_325] {strides = array<i32>} : memref<32x768xf32, #tpu.memory_space<vmem>>, vector<1x16xf32>,
            %swap3A_327 = vector.shape_cast %swap3A_326 : vector<1x16xf32> to vector<16xf32>
            %swap3A_328 = vector.shape_cast %mul3A_323 : vector<16xf32> to vector<1x16xf32>
            tpu.vector_store %arg9[%swap3A_324, %swap3A_325], %swap3A_328 {strides = array<i32>} : memref<32x768xf32, #tpu.memory_space<vmem>>, vector<1x16xf32>,
            %get3A_329 = arith.index_cast %add3A_299 : i32 to index
            %get3A_330 = arith.constant 48 : index
            %get3A_331 = tpu.vector_load %arg9[%get3A_329, %get3A_330] {strides = array<i32>} : memref<32x768xf32, #tpu.memory_space<vmem>>, vector<1x16xf32>,
            %get3A_332 = vector.shape_cast %get3A_331 : vector<1x16xf32> to vector<16xf32>
            %mul3A_333 = arith.mulf %get3A_332, %gather3A_296 : vector<16xf32>
            %swap3A_334 = arith.index_cast %add3A_299 : i32 to index
            %swap3A_335 = arith.constant 48 : index
            %swap3A_336 = tpu.vector_load %arg9[%swap3A_334, %swap3A_335] {strides = array<i32>} : memref<32x768xf32, #tpu.memory_space<vmem>>, vector<1x16xf32>,
            %swap3A_337 = vector.shape_cast %swap3A_336 : vector<1x16xf32> to vector<16xf32>
            %swap3A_338 = vector.shape_cast %mul3A_333 : vector<16xf32> to vector<1x16xf32>
            tpu.vector_store %arg9[%swap3A_334, %swap3A_335], %swap3A_338 {strides = array<i32>} : memref<32x768xf32, #tpu.memory_space<vmem>>, vector<1x16xf32>,
            %get3A_339 = arith.index_cast %add3A_299 : i32 to index
            %get3A_340 = arith.constant 64 : index
            %get3A_341 = tpu.vector_load %arg9[%get3A_339, %get3A_340] {strides = array<i32>} : memref<32x768xf32, #tpu.memory_space<vmem>>, vector<1x16xf32>,
            %get3A_342 = vector.shape_cast %get3A_341 : vector<1x16xf32> to vector<16xf32>
            %mul3A_343 = arith.mulf %get3A_342, %gather3A_296 : vector<16xf32>
            %swap3A_344 = arith.index_cast %add3A_299 : i32 to index
            %swap3A_345 = arith.constant 64 : index
            %swap3A_346 = tpu.vector_load %arg9[%swap3A_344, %swap3A_345] {strides = array<i32>} : memref<32x768xf32, #tpu.memory_space<vmem>>, vector<1x16xf32>,
            %swap3A_347 = vector.shape_cast %swap3A_346 : vector<1x16xf32> to vector<16xf32>
            %swap3A_348 = vector.shape_cast %mul3A_343 : vector<16xf32> to vector<1x16xf32>
            tpu.vector_store %arg9[%swap3A_344, %swap3A_345], %swap3A_348 {strides = array<i32>} : memref<32x768xf32, #tpu.memory_space<vmem>>, vector<1x16xf32>,
            %get3A_349 = arith.index_cast %add3A_299 : i32 to index
            %get3A_350 = arith.constant 80 : index
            %get3A_351 = tpu.vector_load %arg9[%get3A_349, %get3A_350] {strides = array<i32>} : memref<32x768xf32, #tpu.memory_space<vmem>>, vector<1x16xf32>,
            %get3A_352 = vector.shape_cast %get3A_351 : vector<1x16xf32> to vector<16xf32>
            %mul3A_353 = arith.mulf %get3A_352, %gather3A_296 : vector<16xf32>
            %swap3A_354 = arith.index_cast %add3A_299 : i32 to index
            %swap3A_355 = arith.constant 80 : index
            %swap3A_356 = tpu.vector_load %arg9[%swap3A_354, %swap3A_355] {strides = array<i32>} : memref<32x768xf32, #tpu.memory_space<vmem>>, vector<1x16xf32>,
            %swap3A_357 = vector.shape_cast %swap3A_356 : vector<1x16xf32> to vector<16xf32>
            %swap3A_358 = vector.shape_cast %mul3A_353 : vector<16xf32> to vector<1x16xf32>
            tpu.vector_store %arg9[%swap3A_354, %swap3A_355], %swap3A_358 {strides = array<i32>} : memref<32x768xf32, #tpu.memory_space<vmem>>, vector<1x16xf32>,
            %get3A_359 = arith.index_cast %add3A_299 : i32 to index
            %get3A_360 = arith.constant 96 : index
            %get3A_361 = tpu.vector_load %arg9[%get3A_359, %get3A_360] {strides = array<i32>} : memref<32x768xf32, #tpu.memory_space<vmem>>, vector<1x16xf32>,
            %get3A_362 = vector.shape_cast %get3A_361 : vector<1x16xf32> to vector<16xf32>
            %mul3A_363 = arith.mulf %get3A_362, %gather3A_296 : vector<16xf32>
            %swap3A_364 = arith.index_cast %add3A_299 : i32 to index
            %swap3A_365 = arith.constant 96 : index
            %swap3A_366 = tpu.vector_load %arg9[%swap3A_364, %swap3A_365] {strides = array<i32>} : memref<32x768xf32, #tpu.memory_space<vmem>>, vector<1x16xf32>,
            %swap3A_367 = vector.shape_cast %swap3A_366 : vector<1x16xf32> to vector<16xf32>
            %swap3A_368 = vector.shape_cast %mul3A_363 : vector<16xf32> to vector<1x16xf32>
            tpu.vector_store %arg9[%swap3A_364, %swap3A_365], %swap3A_368 {strides = array<i32>} : memref<32x768xf32, #tpu.memory_space<vmem>>, vector<1x16xf32>,
            %get3A_369 = arith.index_cast %add3A_299 : i32 to index
            %get3A_370 = arith.constant 112 : index
            %get3A_371 = tpu.vector_load %arg9[%get3A_369, %get3A_370] {strides = array<i32>} : memref<32x768xf32, #tpu.memory_space<vmem>>, vector<1x16xf32>,
            %get3A_372 = vector.shape_cast %get3A_371 : vector<1x16xf32> to vector<16xf32>
            %mul3A_373 = arith.mulf %get3A_372, %gather3A_296 : vector<16xf32>
            %swap3A_374 = arith.index_cast %add3A_299 : i32 to index
            %swap3A_375 = arith.constant 112 : index
            %swap3A_376 = tpu.vector_load %arg9[%swap3A_374, %swap3A_375] {strides = array<i32>} : memref<32x768xf32, #tpu.memory_space<vmem>>, vector<1x16xf32>,
            %swap3A_377 = vector.shape_cast %swap3A_376 : vector<1x16xf32> to vector<16xf32>
            %swap3A_378 = vector.shape_cast %mul3A_373 : vector<16xf32> to vector<1x16xf32>
            tpu.vector_store %arg9[%swap3A_374, %swap3A_375], %swap3A_378 {strides = array<i32>} : memref<32x768xf32, #tpu.memory_space<vmem>>, vector<1x16xf32>,
            %get3A_379 = arith.index_cast %add3A_299 : i32 to index
            %get3A_380 = arith.constant 128 : index
            %get3A_381 = tpu.vector_load %arg9[%get3A_379, %get3A_380] {strides = array<i32>} : memref<32x768xf32, #tpu.memory_space<vmem>>, vector<1x16xf32>,
            %get3A_382 = vector.shape_cast %get3A_381 : vector<1x16xf32> to vector<16xf32>
            %mul3A_383 = arith.mulf %get3A_382, %gather3A_296 : vector<16xf32>
            %swap3A_384 = arith.index_cast %add3A_299 : i32 to index
            %swap3A_385 = arith.constant 128 : index
            %swap3A_386 = tpu.vector_load %arg9[%swap3A_384, %swap3A_385] {strides = array<i32>} : memref<32x768xf32, #tpu.memory_space<vmem>>, vector<1x16xf32>,
            %swap3A_387 = vector.shape_cast %swap3A_386 : vector<1x16xf32> to vector<16xf32>
            %swap3A_388 = vector.shape_cast %mul3A_383 : vector<16xf32> to vector<1x16xf32>
            tpu.vector_store %arg9[%swap3A_384, %swap3A_385], %swap3A_388 {strides = array<i32>} : memref<32x768xf32, #tpu.memory_space<vmem>>, vector<1x16xf32>,
            %get3A_389 = arith.index_cast %add3A_299 : i32 to index
            %get3A_390 = arith.constant 144 : index
            %get3A_391 = tpu.vector_load %arg9[%get3A_389, %get3A_390] {strides = array<i32>} : memref<32x768xf32, #tpu.memory_space<vmem>>, vector<1x16xf32>,
            %get3A_392 = vector.shape_cast %get3A_391 : vector<1x16xf32> to vector<16xf32>
            %mul3A_393 = arith.mulf %get3A_392, %gather3A_296 : vector<16xf32>
            %swap3A_394 = arith.index_cast %add3A_299 : i32 to index
            %swap3A_395 = arith.constant 144 : index
            %swap3A_396 = tpu.vector_load %arg9[%swap3A_394, %swap3A_395] {strides = array<i32>} : memref<32x768xf32, #tpu.memory_space<vmem>>, vector<1x16xf32>,
            %swap3A_397 = vector.shape_cast %swap3A_396 : vector<1x16xf32> to vector<16xf32>
            %swap3A_398 = vector.shape_cast %mul3A_393 : vector<16xf32> to vector<1x16xf32>
            tpu.vector_store %arg9[%swap3A_394, %swap3A_395], %swap3A_398 {strides = array<i32>} : memref<32x768xf32, #tpu.memory_space<vmem>>, vector<1x16xf32>,
            %get3A_399 = arith.index_cast %add3A_299 : i32 to index
            %get3A_400 = arith.constant 160 : index
            %get3A_401 = tpu.vector_load %arg9[%get3A_399, %get3A_400] {strides = array<i32>} : memref<32x768xf32, #tpu.memory_space<vmem>>, vector<1x16xf32>,
            %get3A_402 = vector.shape_cast %get3A_401 : vector<1x16xf32> to vector<16xf32>
            %mul3A_403 = arith.mulf %get3A_402, %gather3A_296 : vector<16xf32>
            %swap3A_404 = arith.index_cast %add3A_299 : i32 to index
            %swap3A_405 = arith.constant 160 : index
            %swap3A_406 = tpu.vector_load %arg9[%swap3A_404, %swap3A_405] {strides = array<i32>} : memref<32x768xf32, #tpu.memory_space<vmem>>, vector<1x16xf32>,
            %swap3A_407 = vector.shape_cast %swap3A_406 : vector<1x16xf32> to vector<16xf32>
            %swap3A_408 = vector.shape_cast %mul3A_403 : vector<16xf32> to vector<1x16xf32>
            tpu.vector_store %arg9[%swap3A_404, %swap3A_405], %swap3A_408 {strides = array<i32>} : memref<32x768xf32, #tpu.memory_space<vmem>>, vector<1x16xf32>,
            %get3A_409 = arith.index_cast %add3A_299 : i32 to index
            %get3A_410 = arith.constant 176 : index
            %get3A_411 = tpu.vector_load %arg9[%get3A_409, %get3A_410] {strides = array<i32>} : memref<32x768xf32, #tpu.memory_space<vmem>>, vector<1x16xf32>,
            %get3A_412 = vector.shape_cast %get3A_411 : vector<1x16xf32> to vector<16xf32>
            %mul3A_413 = arith.mulf %get3A_412, %gather3A_296 : vector<16xf32>
            %swap3A_414 = arith.index_cast %add3A_299 : i32 to index
            %swap3A_415 = arith.constant 176 : index
            %swap3A_416 = tpu.vector_load %arg9[%swap3A_414, %swap3A_415] {strides = array<i32>} : memref<32x768xf32, #tpu.memory_space<vmem>>, vector<1x16xf32>,
            %swap3A_417 = vector.shape_cast %swap3A_416 : vector<1x16xf32> to vector<16xf32>
            %swap3A_418 = vector.shape_cast %mul3A_413 : vector<16xf32> to vector<1x16xf32>
            tpu.vector_store %arg9[%swap3A_414, %swap3A_415], %swap3A_418 {strides = array<i32>} : memref<32x768xf32, #tpu.memory_space<vmem>>, vector<1x16xf32>,
            %get3A_419 = arith.index_cast %add3A_299 : i32 to index
            %get3A_420 = arith.constant 192 : index
            %get3A_421 = tpu.vector_load %arg9[%get3A_419, %get3A_420] {strides = array<i32>} : memref<32x768xf32, #tpu.memory_space<vmem>>, vector<1x16xf32>,
            %get3A_422 = vector.shape_cast %get3A_421 : vector<1x16xf32> to vector<16xf32>
            %mul3A_423 = arith.mulf %get3A_422, %gather3A_296 : vector<16xf32>
            %swap3A_424 = arith.index_cast %add3A_299 : i32 to index
            %swap3A_425 = arith.constant 192 : index
            %swap3A_426 = tpu.vector_load %arg9[%swap3A_424, %swap3A_425] {strides = array<i32>} : memref<32x768xf32, #tpu.memory_space<vmem>>, vector<1x16xf32>,
            %swap3A_427 = vector.shape_cast %swap3A_426 : vector<1x16xf32> to vector<16xf32>
            %swap3A_428 = vector.shape_cast %mul3A_423 : vector<16xf32> to vector<1x16xf32>
            tpu.vector_store %arg9[%swap3A_424, %swap3A_425], %swap3A_428 {strides = array<i32>} : memref<32x768xf32, #tpu.memory_space<vmem>>, vector<1x16xf32>,
            %get3A_429 = arith.index_cast %add3A_299 : i32 to index
            %get3A_430 = arith.constant 208 : index
            %get3A_431 = tpu.vector_load %arg9[%get3A_429, %get3A_430] {strides = array<i32>} : memref<32x768xf32, #tpu.memory_space<vmem>>, vector<1x16xf32>,
            %get3A_432 = vector.shape_cast %get3A_431 : vector<1x16xf32> to vector<16xf32>
            %mul3A_433 = arith.mulf %get3A_432, %gather3A_296 : vector<16xf32>
            %swap3A_434 = arith.index_cast %add3A_299 : i32 to index
            %swap3A_435 = arith.constant 208 : index
            %swap3A_436 = tpu.vector_load %arg9[%swap3A_434, %swap3A_435] {strides = array<i32>} : memref<32x768xf32, #tpu.memory_space<vmem>>, vector<1x16xf32>,
            %swap3A_437 = vector.shape_cast %swap3A_436 : vector<1x16xf32> to vector<16xf32>
            %swap3A_438 = vector.shape_cast %mul3A_433 : vector<16xf32> to vector<1x16xf32>
            tpu.vector_store %arg9[%swap3A_434, %swap3A_435], %swap3A_438 {strides = array<i32>} : memref<32x768xf32, #tpu.memory_space<vmem>>, vector<1x16xf32>,
            %get3A_439 = arith.index_cast %add3A_299 : i32 to index
            %get3A_440 = arith.constant 224 : index
            %get3A_441 = tpu.vector_load %arg9[%get3A_439, %get3A_440] {strides = array<i32>} : memref<32x768xf32, #tpu.memory_space<vmem>>, vector<1x16xf32>,
            %get3A_442 = vector.shape_cast %get3A_441 : vector<1x16xf32> to vector<16xf32>
            %mul3A_443 = arith.mulf %get3A_442, %gather3A_296 : vector<16xf32>
            %swap3A_444 = arith.index_cast %add3A_299 : i32 to index
            %swap3A_445 = arith.constant 224 : index
            %swap3A_446 = tpu.vector_load %arg9[%swap3A_444, %swap3A_445] {strides = array<i32>} : memref<32x768xf32, #tpu.memory_space<vmem>>, vector<1x16xf32>,
            %swap3A_447 = vector.shape_cast %swap3A_446 : vector<1x16xf32> to vector<16xf32>
            %swap3A_448 = vector.shape_cast %mul3A_443 : vector<16xf32> to vector<1x16xf32>
            tpu.vector_store %arg9[%swap3A_444, %swap3A_445], %swap3A_448 {strides = array<i32>} : memref<32x768xf32, #tpu.memory_space<vmem>>, vector<1x16xf32>,
            %get3A_449 = arith.index_cast %add3A_299 : i32 to index
            %get3A_450 = arith.constant 240 : index
            %get3A_451 = tpu.vector_load %arg9[%get3A_449, %get3A_450] {strides = array<i32>} : memref<32x768xf32, #tpu.memory_space<vmem>>, vector<1x16xf32>,
            %get3A_452 = vector.shape_cast %get3A_451 : vector<1x16xf32> to vector<16xf32>
            %mul3A_453 = arith.mulf %get3A_452, %gather3A_296 : vector<16xf32>
            %swap3A_454 = arith.index_cast %add3A_299 : i32 to index
            %swap3A_455 = arith.constant 240 : index
            %swap3A_456 = tpu.vector_load %arg9[%swap3A_454, %swap3A_455] {strides = array<i32>} : memref<32x768xf32, #tpu.memory_space<vmem>>, vector<1x16xf32>,
            %swap3A_457 = vector.shape_cast %swap3A_456 : vector<1x16xf32> to vector<16xf32>
            %swap3A_458 = vector.shape_cast %mul3A_453 : vector<16xf32> to vector<1x16xf32>
            tpu.vector_store %arg9[%swap3A_454, %swap3A_455], %swap3A_458 {strides = array<i32>} : memref<32x768xf32, #tpu.memory_space<vmem>>, vector<1x16xf32>,
            %get3A_459 = arith.index_cast %add3A_299 : i32 to index
            %get3A_460 = arith.constant 256 : index
            %get3A_461 = tpu.vector_load %arg9[%get3A_459, %get3A_460] {strides = array<i32>} : memref<32x768xf32, #tpu.memory_space<vmem>>, vector<1x16xf32>,
            %get3A_462 = vector.shape_cast %get3A_461 : vector<1x16xf32> to vector<16xf32>
            %mul3A_463 = arith.mulf %get3A_462, %gather3A_296 : vector<16xf32>
            %swap3A_464 = arith.index_cast %add3A_299 : i32 to index
            %swap3A_465 = arith.constant 256 : index
            %swap3A_466 = tpu.vector_load %arg9[%swap3A_464, %swap3A_465] {strides = array<i32>} : memref<32x768xf32, #tpu.memory_space<vmem>>, vector<1x16xf32>,
            %swap3A_467 = vector.shape_cast %swap3A_466 : vector<1x16xf32> to vector<16xf32>
            %swap3A_468 = vector.shape_cast %mul3A_463 : vector<16xf32> to vector<1x16xf32>
            tpu.vector_store %arg9[%swap3A_464, %swap3A_465], %swap3A_468 {strides = array<i32>} : memref<32x768xf32, #tpu.memory_space<vmem>>, vector<1x16xf32>,
            %get3A_469 = arith.index_cast %add3A_299 : i32 to index
            %get3A_470 = arith.constant 272 : index
            %get3A_471 = tpu.vector_load %arg9[%get3A_469, %get3A_470] {strides = array<i32>} : memref<32x768xf32, #tpu.memory_space<vmem>>, vector<1x16xf32>,
            %get3A_472 = vector.shape_cast %get3A_471 : vector<1x16xf32> to vector<16xf32>
            %mul3A_473 = arith.mulf %get3A_472, %gather3A_296 : vector<16xf32>
            %swap3A_474 = arith.index_cast %add3A_299 : i32 to index
            %swap3A_475 = arith.constant 272 : index
            %swap3A_476 = tpu.vector_load %arg9[%swap3A_474, %swap3A_475] {strides = array<i32>} : memref<32x768xf32, #tpu.memory_space<vmem>>, vector<1x16xf32>,
            %swap3A_477 = vector.shape_cast %swap3A_476 : vector<1x16xf32> to vector<16xf32>
            %swap3A_478 = vector.shape_cast %mul3A_473 : vector<16xf32> to vector<1x16xf32>
            tpu.vector_store %arg9[%swap3A_474, %swap3A_475], %swap3A_478 {strides = array<i32>} : memref<32x768xf32, #tpu.memory_space<vmem>>, vector<1x16xf32>,
            %get3A_479 = arith.index_cast %add3A_299 : i32 to index
            %get3A_480 = arith.constant 288 : index
            %get3A_481 = tpu.vector_load %arg9[%get3A_479, %get3A_480] {strides = array<i32>} : memref<32x768xf32, #tpu.memory_space<vmem>>, vector<1x16xf32>,
            %get3A_482 = vector.shape_cast %get3A_481 : vector<1x16xf32> to vector<16xf32>
            %mul3A_483 = arith.mulf %get3A_482, %gather3A_296 : vector<16xf32>
            %swap3A_484 = arith.index_cast %add3A_299 : i32 to index
            %swap3A_485 = arith.constant 288 : index
            %swap3A_486 = tpu.vector_load %arg9[%swap3A_484, %swap3A_485] {strides = array<i32>} : memref<32x768xf32, #tpu.memory_space<vmem>>, vector<1x16xf32>,
            %swap3A_487 = vector.shape_cast %swap3A_486 : vector<1x16xf32> to vector<16xf32>
            %swap3A_488 = vector.shape_cast %mul3A_483 : vector<16xf32> to vector<1x16xf32>
            tpu.vector_store %arg9[%swap3A_484, %swap3A_485], %swap3A_488 {strides = array<i32>} : memref<32x768xf32, #tpu.memory_space<vmem>>, vector<1x16xf32>,
            %get3A_489 = arith.index_cast %add3A_299 : i32 to index
            %get3A_490 = arith.constant 304 : index
            %get3A_491 = tpu.vector_load %arg9[%get3A_489, %get3A_490] {strides = array<i32>} : memref<32x768xf32, #tpu.memory_space<vmem>>, vector<1x16xf32>,
            %get3A_492 = vector.shape_cast %get3A_491 : vector<1x16xf32> to vector<16xf32>
            %mul3A_493 = arith.mulf %get3A_492, %gather3A_296 : vector<16xf32>
            %swap3A_494 = arith.index_cast %add3A_299 : i32 to index
            %swap3A_495 = arith.constant 304 : index
            %swap3A_496 = tpu.vector_load %arg9[%swap3A_494, %swap3A_495] {strides = array<i32>} : memref<32x768xf32, #tpu.memory_space<vmem>>, vector<1x16xf32>,
            %swap3A_497 = vector.shape_cast %swap3A_496 : vector<1x16xf32> to vector<16xf32>
            %swap3A_498 = vector.shape_cast %mul3A_493 : vector<16xf32> to vector<1x16xf32>
            tpu.vector_store %arg9[%swap3A_494, %swap3A_495], %swap3A_498 {strides = array<i32>} : memref<32x768xf32, #tpu.memory_space<vmem>>, vector<1x16xf32>,
            %get3A_499 = arith.index_cast %add3A_299 : i32 to index
            %get3A_500 = arith.constant 320 : index
            %get3A_501 = tpu.vector_load %arg9[%get3A_499, %get3A_500] {strides = array<i32>} : memref<32x768xf32, #tpu.memory_space<vmem>>, vector<1x16xf32>,
            %get3A_502 = vector.shape_cast %get3A_501 : vector<1x16xf32> to vector<16xf32>
            %mul3A_503 = arith.mulf %get3A_502, %gather3A_296 : vector<16xf32>
            %swap3A_504 = arith.index_cast %add3A_299 : i32 to index
            %swap3A_505 = arith.constant 320 : index
            %swap3A_506 = tpu.vector_load %arg9[%swap3A_504, %swap3A_505] {strides = array<i32>} : memref<32x768xf32, #tpu.memory_space<vmem>>, vector<1x16xf32>,
            %swap3A_507 = vector.shape_cast %swap3A_506 : vector<1x16xf32> to vector<16xf32>
            %swap3A_508 = vector.shape_cast %mul3A_503 : vector<16xf32> to vector<1x16xf32>
            tpu.vector_store %arg9[%swap3A_504, %swap3A_505], %swap3A_508 {strides = array<i32>} : memref<32x768xf32, #tpu.memory_space<vmem>>, vector<1x16xf32>,
            %get3A_509 = arith.index_cast %add3A_299 : i32 to index
            %get3A_510 = arith.constant 336 : index
            %get3A_511 = tpu.vector_load %arg9[%get3A_509, %get3A_510] {strides = array<i32>} : memref<32x768xf32, #tpu.memory_space<vmem>>, vector<1x16xf32>,
            %get3A_512 = vector.shape_cast %get3A_511 : vector<1x16xf32> to vector<16xf32>
            %mul3A_513 = arith.mulf %get3A_512, %gather3A_296 : vector<16xf32>
            %swap3A_514 = arith.index_cast %add3A_299 : i32 to index
            %swap3A_515 = arith.constant 336 : index
            %swap3A_516 = tpu.vector_load %arg9[%swap3A_514, %swap3A_515] {strides = array<i32>} : memref<32x768xf32, #tpu.memory_space<vmem>>, vector<1x16xf32>,
            %swap3A_517 = vector.shape_cast %swap3A_516 : vector<1x16xf32> to vector<16xf32>
            %swap3A_518 = vector.shape_cast %mul3A_513 : vector<16xf32> to vector<1x16xf32>
            tpu.vector_store %arg9[%swap3A_514, %swap3A_515], %swap3A_518 {strides = array<i32>} : memref<32x768xf32, #tpu.memory_space<vmem>>, vector<1x16xf32>,
            %get3A_519 = arith.index_cast %add3A_299 : i32 to index
            %get3A_520 = arith.constant 352 : index
            %get3A_521 = tpu.vector_load %arg9[%get3A_519, %get3A_520] {strides = array<i32>} : memref<32x768xf32, #tpu.memory_space<vmem>>, vector<1x16xf32>,
            %get3A_522 = vector.shape_cast %get3A_521 : vector<1x16xf32> to vector<16xf32>
            %mul3A_523 = arith.mulf %get3A_522, %gather3A_296 : vector<16xf32>
            %swap3A_524 = arith.index_cast %add3A_299 : i32 to index
            %swap3A_525 = arith.constant 352 : index
            %swap3A_526 = tpu.vector_load %arg9[%swap3A_524, %swap3A_525] {strides = array<i32>} : memref<32x768xf32, #tpu.memory_space<vmem>>, vector<1x16xf32>,
            %swap3A_527 = vector.shape_cast %swap3A_526 : vector<1x16xf32> to vector<16xf32>
            %swap3A_528 = vector.shape_cast %mul3A_523 : vector<16xf32> to vector<1x16xf32>
            tpu.vector_store %arg9[%swap3A_524, %swap3A_525], %swap3A_528 {strides = array<i32>} : memref<32x768xf32, #tpu.memory_space<vmem>>, vector<1x16xf32>,
            %get3A_529 = arith.index_cast %add3A_299 : i32 to index
            %get3A_530 = arith.constant 368 : index
            %get3A_531 = tpu.vector_load %arg9[%get3A_529, %get3A_530] {strides = array<i32>} : memref<32x768xf32, #tpu.memory_space<vmem>>, vector<1x16xf32>,
            %get3A_532 = vector.shape_cast %get3A_531 : vector<1x16xf32> to vector<16xf32>
            %mul3A_533 = arith.mulf %get3A_532, %gather3A_296 : vector<16xf32>
            %swap3A_534 = arith.index_cast %add3A_299 : i32 to index
            %swap3A_535 = arith.constant 368 : index
            %swap3A_536 = tpu.vector_load %arg9[%swap3A_534, %swap3A_535] {strides = array<i32>} : memref<32x768xf32, #tpu.memory_space<vmem>>, vector<1x16xf32>,
            %swap3A_537 = vector.shape_cast %swap3A_536 : vector<1x16xf32> to vector<16xf32>
            %swap3A_538 = vector.shape_cast %mul3A_533 : vector<16xf32> to vector<1x16xf32>
            tpu.vector_store %arg9[%swap3A_534, %swap3A_535], %swap3A_538 {strides = array<i32>} : memref<32x768xf32, #tpu.memory_space<vmem>>, vector<1x16xf32>,
            %get3A_539 = arith.index_cast %add3A_299 : i32 to index
            %get3A_540 = arith.constant 384 : index
            %get3A_541 = tpu.vector_load %arg9[%get3A_539, %get3A_540] {strides = array<i32>} : memref<32x768xf32, #tpu.memory_space<vmem>>, vector<1x16xf32>,
            %get3A_542 = vector.shape_cast %get3A_541 : vector<1x16xf32> to vector<16xf32>
            %mul3A_543 = arith.mulf %get3A_542, %gather3A_296 : vector<16xf32>
            %swap3A_544 = arith.index_cast %add3A_299 : i32 to index
            %swap3A_545 = arith.constant 384 : index
            %swap3A_546 = tpu.vector_load %arg9[%swap3A_544, %swap3A_545] {strides = array<i32>} : memref<32x768xf32, #tpu.memory_space<vmem>>, vector<1x16xf32>,
            %swap3A_547 = vector.shape_cast %swap3A_546 : vector<1x16xf32> to vector<16xf32>
            %swap3A_548 = vector.shape_cast %mul3A_543 : vector<16xf32> to vector<1x16xf32>
            tpu.vector_store %arg9[%swap3A_544, %swap3A_545], %swap3A_548 {strides = array<i32>} : memref<32x768xf32, #tpu.memory_space<vmem>>, vector<1x16xf32>,
            %get3A_549 = arith.index_cast %add3A_299 : i32 to index
            %get3A_550 = arith.constant 400 : index
            %get3A_551 = tpu.vector_load %arg9[%get3A_549, %get3A_550] {strides = array<i32>} : memref<32x768xf32, #tpu.memory_space<vmem>>, vector<1x16xf32>,
            %get3A_552 = vector.shape_cast %get3A_551 : vector<1x16xf32> to vector<16xf32>
            %mul3A_553 = arith.mulf %get3A_552, %gather3A_296 : vector<16xf32>
            %swap3A_554 = arith.index_cast %add3A_299 : i32 to index
            %swap3A_555 = arith.constant 400 : index
            %swap3A_556 = tpu.vector_load %arg9[%swap3A_554, %swap3A_555] {strides = array<i32>} : memref<32x768xf32, #tpu.memory_space<vmem>>, vector<1x16xf32>,
            %swap3A_557 = vector.shape_cast %swap3A_556 : vector<1x16xf32> to vector<16xf32>
            %swap3A_558 = vector.shape_cast %mul3A_553 : vector<16xf32> to vector<1x16xf32>
            tpu.vector_store %arg9[%swap3A_554, %swap3A_555], %swap3A_558 {strides = array<i32>} : memref<32x768xf32, #tpu.memory_space<vmem>>, vector<1x16xf32>,
            %get3A_559 = arith.index_cast %add3A_299 : i32 to index
            %get3A_560 = arith.constant 416 : index
            %get3A_561 = tpu.vector_load %arg9[%get3A_559, %get3A_560] {strides = array<i32>} : memref<32x768xf32, #tpu.memory_space<vmem>>, vector<1x16xf32>,
            %get3A_562 = vector.shape_cast %get3A_561 : vector<1x16xf32> to vector<16xf32>
            %mul3A_563 = arith.mulf %get3A_562, %gather3A_296 : vector<16xf32>
            %swap3A_564 = arith.index_cast %add3A_299 : i32 to index
            %swap3A_565 = arith.constant 416 : index
            %swap3A_566 = tpu.vector_load %arg9[%swap3A_564, %swap3A_565] {strides = array<i32>} : memref<32x768xf32, #tpu.memory_space<vmem>>, vector<1x16xf32>,
            %swap3A_567 = vector.shape_cast %swap3A_566 : vector<1x16xf32> to vector<16xf32>
            %swap3A_568 = vector.shape_cast %mul3A_563 : vector<16xf32> to vector<1x16xf32>
            tpu.vector_store %arg9[%swap3A_564, %swap3A_565], %swap3A_568 {strides = array<i32>} : memref<32x768xf32, #tpu.memory_space<vmem>>, vector<1x16xf32>,
            %get3A_569 = arith.index_cast %add3A_299 : i32 to index
            %get3A_570 = arith.constant 432 : index
            %get3A_571 = tpu.vector_load %arg9[%get3A_569, %get3A_570] {strides = array<i32>} : memref<32x768xf32, #tpu.memory_space<vmem>>, vector<1x16xf32>,
            %get3A_572 = vector.shape_cast %get3A_571 : vector<1x16xf32> to vector<16xf32>
            %mul3A_573 = arith.mulf %get3A_572, %gather3A_296 : vector<16xf32>
            %swap3A_574 = arith.index_cast %add3A_299 : i32 to index
            %swap3A_575 = arith.constant 432 : index
            %swap3A_576 = tpu.vector_load %arg9[%swap3A_574, %swap3A_575] {strides = array<i32>} : memref<32x768xf32, #tpu.memory_space<vmem>>, vector<1x16xf32>,
            %swap3A_577 = vector.shape_cast %swap3A_576 : vector<1x16xf32> to vector<16xf32>
            %swap3A_578 = vector.shape_cast %mul3A_573 : vector<16xf32> to vector<1x16xf32>
            tpu.vector_store %arg9[%swap3A_574, %swap3A_575], %swap3A_578 {strides = array<i32>} : memref<32x768xf32, #tpu.memory_space<vmem>>, vector<1x16xf32>,
            %get3A_579 = arith.index_cast %add3A_299 : i32 to index
            %get3A_580 = arith.constant 448 : index
            %get3A_581 = tpu.vector_load %arg9[%get3A_579, %get3A_580] {strides = array<i32>} : memref<32x768xf32, #tpu.memory_space<vmem>>, vector<1x16xf32>,
            %get3A_582 = vector.shape_cast %get3A_581 : vector<1x16xf32> to vector<16xf32>
            %mul3A_583 = arith.mulf %get3A_582, %gather3A_296 : vector<16xf32>
            %swap3A_584 = arith.index_cast %add3A_299 : i32 to index
            %swap3A_585 = arith.constant 448 : index
            %swap3A_586 = tpu.vector_load %arg9[%swap3A_584, %swap3A_585] {strides = array<i32>} : memref<32x768xf32, #tpu.memory_space<vmem>>, vector<1x16xf32>,
            %swap3A_587 = vector.shape_cast %swap3A_586 : vector<1x16xf32> to vector<16xf32>
            %swap3A_588 = vector.shape_cast %mul3A_583 : vector<16xf32> to vector<1x16xf32>
            tpu.vector_store %arg9[%swap3A_584, %swap3A_585], %swap3A_588 {strides = array<i32>} : memref<32x768xf32, #tpu.memory_space<vmem>>, vector<1x16xf32>,
            %get3A_589 = arith.index_cast %add3A_299 : i32 to index
            %get3A_590 = arith.constant 464 : index
            %get3A_591 = tpu.vector_load %arg9[%get3A_589, %get3A_590] {strides = array<i32>} : memref<32x768xf32, #tpu.memory_space<vmem>>, vector<1x16xf32>,
            %get3A_592 = vector.shape_cast %get3A_591 : vector<1x16xf32> to vector<16xf32>
            %mul3A_593 = arith.mulf %get3A_592, %gather3A_296 : vector<16xf32>
            %swap3A_594 = arith.index_cast %add3A_299 : i32 to index
            %swap3A_595 = arith.constant 464 : index
            %swap3A_596 = tpu.vector_load %arg9[%swap3A_594, %swap3A_595] {strides = array<i32>} : memref<32x768xf32, #tpu.memory_space<vmem>>, vector<1x16xf32>,
            %swap3A_597 = vector.shape_cast %swap3A_596 : vector<1x16xf32> to vector<16xf32>
            %swap3A_598 = vector.shape_cast %mul3A_593 : vector<16xf32> to vector<1x16xf32>
            tpu.vector_store %arg9[%swap3A_594, %swap3A_595], %swap3A_598 {strides = array<i32>} : memref<32x768xf32, #tpu.memory_space<vmem>>, vector<1x16xf32>,
            %get3A_599 = arith.index_cast %add3A_299 : i32 to index
            %get3A_600 = arith.constant 480 : index
            %get3A_601 = tpu.vector_load %arg9[%get3A_599, %get3A_600] {strides = array<i32>} : memref<32x768xf32, #tpu.memory_space<vmem>>, vector<1x16xf32>,
            %get3A_602 = vector.shape_cast %get3A_601 : vector<1x16xf32> to vector<16xf32>
            %mul3A_603 = arith.mulf %get3A_602, %gather3A_296 : vector<16xf32>
            %swap3A_604 = arith.index_cast %add3A_299 : i32 to index
            %swap3A_605 = arith.constant 480 : index
            %swap3A_606 = tpu.vector_load %arg9[%swap3A_604, %swap3A_605] {strides = array<i32>} : memref<32x768xf32, #tpu.memory_space<vmem>>, vector<1x16xf32>,
            %swap3A_607 = vector.shape_cast %swap3A_606 : vector<1x16xf32> to vector<16xf32>
            %swap3A_608 = vector.shape_cast %mul3A_603 : vector<16xf32> to vector<1x16xf32>
            tpu.vector_store %arg9[%swap3A_604, %swap3A_605], %swap3A_608 {strides = array<i32>} : memref<32x768xf32, #tpu.memory_space<vmem>>, vector<1x16xf32>,
            %get3A_609 = arith.index_cast %add3A_299 : i32 to index
            %get3A_610 = arith.constant 496 : index
            %get3A_611 = tpu.vector_load %arg9[%get3A_609, %get3A_610] {strides = array<i32>} : memref<32x768xf32, #tpu.memory_space<vmem>>, vector<1x16xf32>,
            %get3A_612 = vector.shape_cast %get3A_611 : vector<1x16xf32> to vector<16xf32>
            %mul3A_613 = arith.mulf %get3A_612, %gather3A_296 : vector<16xf32>
            %swap3A_614 = arith.index_cast %add3A_299 : i32 to index
            %swap3A_615 = arith.constant 496 : index
            %swap3A_616 = tpu.vector_load %arg9[%swap3A_614, %swap3A_615] {strides = array<i32>} : memref<32x768xf32, #tpu.memory_space<vmem>>, vector<1x16xf32>,
            %swap3A_617 = vector.shape_cast %swap3A_616 : vector<1x16xf32> to vector<16xf32>
            %swap3A_618 = vector.shape_cast %mul3A_613 : vector<16xf32> to vector<1x16xf32>
            tpu.vector_store %arg9[%swap3A_614, %swap3A_615], %swap3A_618 {strides = array<i32>} : memref<32x768xf32, #tpu.memory_space<vmem>>, vector<1x16xf32>,
            %get3A_619 = arith.index_cast %add3A_299 : i32 to index
            %get3A_620 = arith.constant 512 : index
            %get3A_621 = tpu.vector_load %arg9[%get3A_619, %get3A_620] {strides = array<i32>} : memref<32x768xf32, #tpu.memory_space<vmem>>, vector<1x16xf32>,
            %get3A_622 = vector.shape_cast %get3A_621 : vector<1x16xf32> to vector<16xf32>
            %mul3A_623 = arith.mulf %get3A_622, %gather3A_296 : vector<16xf32>
            %swap3A_624 = arith.index_cast %add3A_299 : i32 to index
            %swap3A_625 = arith.constant 512 : index
            %swap3A_626 = tpu.vector_load %arg9[%swap3A_624, %swap3A_625] {strides = array<i32>} : memref<32x768xf32, #tpu.memory_space<vmem>>, vector<1x16xf32>,
            %swap3A_627 = vector.shape_cast %swap3A_626 : vector<1x16xf32> to vector<16xf32>
            %swap3A_628 = vector.shape_cast %mul3A_623 : vector<16xf32> to vector<1x16xf32>
            tpu.vector_store %arg9[%swap3A_624, %swap3A_625], %swap3A_628 {strides = array<i32>} : memref<32x768xf32, #tpu.memory_space<vmem>>, vector<1x16xf32>,
            %get3A_629 = arith.index_cast %add3A_299 : i32 to index
            %get3A_630 = arith.constant 528 : index
            %get3A_631 = tpu.vector_load %arg9[%get3A_629, %get3A_630] {strides = array<i32>} : memref<32x768xf32, #tpu.memory_space<vmem>>, vector<1x16xf32>,
            %get3A_632 = vector.shape_cast %get3A_631 : vector<1x16xf32> to vector<16xf32>
            %mul3A_633 = arith.mulf %get3A_632, %gather3A_296 : vector<16xf32>
            %swap3A_634 = arith.index_cast %add3A_299 : i32 to index
            %swap3A_635 = arith.constant 528 : index
            %swap3A_636 = tpu.vector_load %arg9[%swap3A_634, %swap3A_635] {strides = array<i32>} : memref<32x768xf32, #tpu.memory_space<vmem>>, vector<1x16xf32>,
            %swap3A_637 = vector.shape_cast %swap3A_636 : vector<1x16xf32> to vector<16xf32>
            %swap3A_638 = vector.shape_cast %mul3A_633 : vector<16xf32> to vector<1x16xf32>
            tpu.vector_store %arg9[%swap3A_634, %swap3A_635], %swap3A_638 {strides = array<i32>} : memref<32x768xf32, #tpu.memory_space<vmem>>, vector<1x16xf32>,
            %get3A_639 = arith.index_cast %add3A_299 : i32 to index
            %get3A_640 = arith.constant 544 : index
            %get3A_641 = tpu.vector_load %arg9[%get3A_639, %get3A_640] {strides = array<i32>} : memref<32x768xf32, #tpu.memory_space<vmem>>, vector<1x16xf32>,
            %get3A_642 = vector.shape_cast %get3A_641 : vector<1x16xf32> to vector<16xf32>
            %mul3A_643 = arith.mulf %get3A_642, %gather3A_296 : vector<16xf32>
            %swap3A_644 = arith.index_cast %add3A_299 : i32 to index
            %swap3A_645 = arith.constant 544 : index
            %swap3A_646 = tpu.vector_load %arg9[%swap3A_644, %swap3A_645] {strides = array<i32>} : memref<32x768xf32, #tpu.memory_space<vmem>>, vector<1x16xf32>,
            %swap3A_647 = vector.shape_cast %swap3A_646 : vector<1x16xf32> to vector<16xf32>
            %swap3A_648 = vector.shape_cast %mul3A_643 : vector<16xf32> to vector<1x16xf32>
            tpu.vector_store %arg9[%swap3A_644, %swap3A_645], %swap3A_648 {strides = array<i32>} : memref<32x768xf32, #tpu.memory_space<vmem>>, vector<1x16xf32>,
            %get3A_649 = arith.index_cast %add3A_299 : i32 to index
            %get3A_650 = arith.constant 560 : index
            %get3A_651 = tpu.vector_load %arg9[%get3A_649, %get3A_650] {strides = array<i32>} : memref<32x768xf32, #tpu.memory_space<vmem>>, vector<1x16xf32>,
            %get3A_652 = vector.shape_cast %get3A_651 : vector<1x16xf32> to vector<16xf32>
            %mul3A_653 = arith.mulf %get3A_652, %gather3A_296 : vector<16xf32>
            %swap3A_654 = arith.index_cast %add3A_299 : i32 to index
            %swap3A_655 = arith.constant 560 : index
            %swap3A_656 = tpu.vector_load %arg9[%swap3A_654, %swap3A_655] {strides = array<i32>} : memref<32x768xf32, #tpu.memory_space<vmem>>, vector<1x16xf32>,
            %swap3A_657 = vector.shape_cast %swap3A_656 : vector<1x16xf32> to vector<16xf32>
            %swap3A_658 = vector.shape_cast %mul3A_653 : vector<16xf32> to vector<1x16xf32>
            tpu.vector_store %arg9[%swap3A_654, %swap3A_655], %swap3A_658 {strides = array<i32>} : memref<32x768xf32, #tpu.memory_space<vmem>>, vector<1x16xf32>,
            %get3A_659 = arith.index_cast %add3A_299 : i32 to index
            %get3A_660 = arith.constant 576 : index
            %get3A_661 = tpu.vector_load %arg9[%get3A_659, %get3A_660] {strides = array<i32>} : memref<32x768xf32, #tpu.memory_space<vmem>>, vector<1x16xf32>,
            %get3A_662 = vector.shape_cast %get3A_661 : vector<1x16xf32> to vector<16xf32>
            %mul3A_663 = arith.mulf %get3A_662, %gather3A_296 : vector<16xf32>
            %swap3A_664 = arith.index_cast %add3A_299 : i32 to index
            %swap3A_665 = arith.constant 576 : index
            %swap3A_666 = tpu.vector_load %arg9[%swap3A_664, %swap3A_665] {strides = array<i32>} : memref<32x768xf32, #tpu.memory_space<vmem>>, vector<1x16xf32>,
            %swap3A_667 = vector.shape_cast %swap3A_666 : vector<1x16xf32> to vector<16xf32>
            %swap3A_668 = vector.shape_cast %mul3A_663 : vector<16xf32> to vector<1x16xf32>
            tpu.vector_store %arg9[%swap3A_664, %swap3A_665], %swap3A_668 {strides = array<i32>} : memref<32x768xf32, #tpu.memory_space<vmem>>, vector<1x16xf32>,
            %get3A_669 = arith.index_cast %add3A_299 : i32 to index
            %get3A_670 = arith.constant 592 : index
            %get3A_671 = tpu.vector_load %arg9[%get3A_669, %get3A_670] {strides = array<i32>} : memref<32x768xf32, #tpu.memory_space<vmem>>, vector<1x16xf32>,
            %get3A_672 = vector.shape_cast %get3A_671 : vector<1x16xf32> to vector<16xf32>
            %mul3A_673 = arith.mulf %get3A_672, %gather3A_296 : vector<16xf32>
            %swap3A_674 = arith.index_cast %add3A_299 : i32 to index
            %swap3A_675 = arith.constant 592 : index
            %swap3A_676 = tpu.vector_load %arg9[%swap3A_674, %swap3A_675] {strides = array<i32>} : memref<32x768xf32, #tpu.memory_space<vmem>>, vector<1x16xf32>,
            %swap3A_677 = vector.shape_cast %swap3A_676 : vector<1x16xf32> to vector<16xf32>
            %swap3A_678 = vector.shape_cast %mul3A_673 : vector<16xf32> to vector<1x16xf32>
            tpu.vector_store %arg9[%swap3A_674, %swap3A_675], %swap3A_678 {strides = array<i32>} : memref<32x768xf32, #tpu.memory_space<vmem>>, vector<1x16xf32>,
            %get3A_679 = arith.index_cast %add3A_299 : i32 to index
            %get3A_680 = arith.constant 608 : index
            %get3A_681 = tpu.vector_load %arg9[%get3A_679, %get3A_680] {strides = array<i32>} : memref<32x768xf32, #tpu.memory_space<vmem>>, vector<1x16xf32>,
            %get3A_682 = vector.shape_cast %get3A_681 : vector<1x16xf32> to vector<16xf32>
            %mul3A_683 = arith.mulf %get3A_682, %gather3A_296 : vector<16xf32>
            %swap3A_684 = arith.index_cast %add3A_299 : i32 to index
            %swap3A_685 = arith.constant 608 : index
            %swap3A_686 = tpu.vector_load %arg9[%swap3A_684, %swap3A_685] {strides = array<i32>} : memref<32x768xf32, #tpu.memory_space<vmem>>, vector<1x16xf32>,
            %swap3A_687 = vector.shape_cast %swap3A_686 : vector<1x16xf32> to vector<16xf32>
            %swap3A_688 = vector.shape_cast %mul3A_683 : vector<16xf32> to vector<1x16xf32>
            tpu.vector_store %arg9[%swap3A_684, %swap3A_685], %swap3A_688 {strides = array<i32>} : memref<32x768xf32, #tpu.memory_space<vmem>>, vector<1x16xf32>,
            %get3A_689 = arith.index_cast %add3A_299 : i32 to index
            %get3A_690 = arith.constant 624 : index
            %get3A_691 = tpu.vector_load %arg9[%get3A_689, %get3A_690] {strides = array<i32>} : memref<32x768xf32, #tpu.memory_space<vmem>>, vector<1x16xf32>,
            %get3A_692 = vector.shape_cast %get3A_691 : vector<1x16xf32> to vector<16xf32>
            %mul3A_693 = arith.mulf %get3A_692, %gather3A_296 : vector<16xf32>
            %swap3A_694 = arith.index_cast %add3A_299 : i32 to index
            %swap3A_695 = arith.constant 624 : index
            %swap3A_696 = tpu.vector_load %arg9[%swap3A_694, %swap3A_695] {strides = array<i32>} : memref<32x768xf32, #tpu.memory_space<vmem>>, vector<1x16xf32>,
            %swap3A_697 = vector.shape_cast %swap3A_696 : vector<1x16xf32> to vector<16xf32>
            %swap3A_698 = vector.shape_cast %mul3A_693 : vector<16xf32> to vector<1x16xf32>
            tpu.vector_store %arg9[%swap3A_694, %swap3A_695], %swap3A_698 {strides = array<i32>} : memref<32x768xf32, #tpu.memory_space<vmem>>, vector<1x16xf32>,
            %get3A_699 = arith.index_cast %add3A_299 : i32 to index
            %get3A_700 = arith.constant 640 : index
            %get3A_701 = tpu.vector_load %arg9[%get3A_699, %get3A_700] {strides = array<i32>} : memref<32x768xf32, #tpu.memory_space<vmem>>, vector<1x16xf32>,
            %get3A_702 = vector.shape_cast %get3A_701 : vector<1x16xf32> to vector<16xf32>
            %mul3A_703 = arith.mulf %get3A_702, %gather3A_296 : vector<16xf32>
            %swap3A_704 = arith.index_cast %add3A_299 : i32 to index
            %swap3A_705 = arith.constant 640 : index
            %swap3A_706 = tpu.vector_load %arg9[%swap3A_704, %swap3A_705] {strides = array<i32>} : memref<32x768xf32, #tpu.memory_space<vmem>>, vector<1x16xf32>,
            %swap3A_707 = vector.shape_cast %swap3A_706 : vector<1x16xf32> to vector<16xf32>
            %swap3A_708 = vector.shape_cast %mul3A_703 : vector<16xf32> to vector<1x16xf32>
            tpu.vector_store %arg9[%swap3A_704, %swap3A_705], %swap3A_708 {strides = array<i32>} : memref<32x768xf32, #tpu.memory_space<vmem>>, vector<1x16xf32>,
            %get3A_709 = arith.index_cast %add3A_299 : i32 to index
            %get3A_710 = arith.constant 656 : index
            %get3A_711 = tpu.vector_load %arg9[%get3A_709, %get3A_710] {strides = array<i32>} : memref<32x768xf32, #tpu.memory_space<vmem>>, vector<1x16xf32>,
            %get3A_712 = vector.shape_cast %get3A_711 : vector<1x16xf32> to vector<16xf32>
            %mul3A_713 = arith.mulf %get3A_712, %gather3A_296 : vector<16xf32>
            %swap3A_714 = arith.index_cast %add3A_299 : i32 to index
            %swap3A_715 = arith.constant 656 : index
            %swap3A_716 = tpu.vector_load %arg9[%swap3A_714, %swap3A_715] {strides = array<i32>} : memref<32x768xf32, #tpu.memory_space<vmem>>, vector<1x16xf32>,
            %swap3A_717 = vector.shape_cast %swap3A_716 : vector<1x16xf32> to vector<16xf32>
            %swap3A_718 = vector.shape_cast %mul3A_713 : vector<16xf32> to vector<1x16xf32>
            tpu.vector_store %arg9[%swap3A_714, %swap3A_715], %swap3A_718 {strides = array<i32>} : memref<32x768xf32, #tpu.memory_space<vmem>>, vector<1x16xf32>,
            %get3A_719 = arith.index_cast %add3A_299 : i32 to index
            %get3A_720 = arith.constant 672 : index
            %get3A_721 = tpu.vector_load %arg9[%get3A_719, %get3A_720] {strides = array<i32>} : memref<32x768xf32, #tpu.memory_space<vmem>>, vector<1x16xf32>,
            %get3A_722 = vector.shape_cast %get3A_721 : vector<1x16xf32> to vector<16xf32>
            %mul3A_723 = arith.mulf %get3A_722, %gather3A_296 : vector<16xf32>
            %swap3A_724 = arith.index_cast %add3A_299 : i32 to index
            %swap3A_725 = arith.constant 672 : index
            %swap3A_726 = tpu.vector_load %arg9[%swap3A_724, %swap3A_725] {strides = array<i32>} : memref<32x768xf32, #tpu.memory_space<vmem>>, vector<1x16xf32>,
            %swap3A_727 = vector.shape_cast %swap3A_726 : vector<1x16xf32> to vector<16xf32>
            %swap3A_728 = vector.shape_cast %mul3A_723 : vector<16xf32> to vector<1x16xf32>
            tpu.vector_store %arg9[%swap3A_724, %swap3A_725], %swap3A_728 {strides = array<i32>} : memref<32x768xf32, #tpu.memory_space<vmem>>, vector<1x16xf32>,
            %get3A_729 = arith.index_cast %add3A_299 : i32 to index
            %get3A_730 = arith.constant 688 : index
            %get3A_731 = tpu.vector_load %arg9[%get3A_729, %get3A_730] {strides = array<i32>} : memref<32x768xf32, #tpu.memory_space<vmem>>, vector<1x16xf32>,
            %get3A_732 = vector.shape_cast %get3A_731 : vector<1x16xf32> to vector<16xf32>
            %mul3A_733 = arith.mulf %get3A_732, %gather3A_296 : vector<16xf32>
            %swap3A_734 = arith.index_cast %add3A_299 : i32 to index
            %swap3A_735 = arith.constant 688 : index
            %swap3A_736 = tpu.vector_load %arg9[%swap3A_734, %swap3A_735] {strides = array<i32>} : memref<32x768xf32, #tpu.memory_space<vmem>>, vector<1x16xf32>,
            %swap3A_737 = vector.shape_cast %swap3A_736 : vector<1x16xf32> to vector<16xf32>
            %swap3A_738 = vector.shape_cast %mul3A_733 : vector<16xf32> to vector<1x16xf32>
            tpu.vector_store %arg9[%swap3A_734, %swap3A_735], %swap3A_738 {strides = array<i32>} : memref<32x768xf32, #tpu.memory_space<vmem>>, vector<1x16xf32>,
            %get3A_739 = arith.index_cast %add3A_299 : i32 to index
            %get3A_740 = arith.constant 704 : index
            %get3A_741 = tpu.vector_load %arg9[%get3A_739, %get3A_740] {strides = array<i32>} : memref<32x768xf32, #tpu.memory_space<vmem>>, vector<1x16xf32>,
            %get3A_742 = vector.shape_cast %get3A_741 : vector<1x16xf32> to vector<16xf32>
            %mul3A_743 = arith.mulf %get3A_742, %gather3A_296 : vector<16xf32>
            %swap3A_744 = arith.index_cast %add3A_299 : i32 to index
            %swap3A_745 = arith.constant 704 : index
            %swap3A_746 = tpu.vector_load %arg9[%swap3A_744, %swap3A_745] {strides = array<i32>} : memref<32x768xf32, #tpu.memory_space<vmem>>, vector<1x16xf32>,
            %swap3A_747 = vector.shape_cast %swap3A_746 : vector<1x16xf32> to vector<16xf32>
            %swap3A_748 = vector.shape_cast %mul3A_743 : vector<16xf32> to vector<1x16xf32>
            tpu.vector_store %arg9[%swap3A_744, %swap3A_745], %swap3A_748 {strides = array<i32>} : memref<32x768xf32, #tpu.memory_space<vmem>>, vector<1x16xf32>,
            %get3A_749 = arith.index_cast %add3A_299 : i32 to index
            %get3A_750 = arith.constant 720 : index
            %get3A_751 = tpu.vector_load %arg9[%get3A_749, %get3A_750] {strides = array<i32>} : memref<32x768xf32, #tpu.memory_space<vmem>>, vector<1x16xf32>,
            %get3A_752 = vector.shape_cast %get3A_751 : vector<1x16xf32> to vector<16xf32>
            %mul3A_753 = arith.mulf %get3A_752, %gather3A_296 : vector<16xf32>
            %swap3A_754 = arith.index_cast %add3A_299 : i32 to index
            %swap3A_755 = arith.constant 720 : index
            %swap3A_756 = tpu.vector_load %arg9[%swap3A_754, %swap3A_755] {strides = array<i32>} : memref<32x768xf32, #tpu.memory_space<vmem>>, vector<1x16xf32>,
            %swap3A_757 = vector.shape_cast %swap3A_756 : vector<1x16xf32> to vector<16xf32>
            %swap3A_758 = vector.shape_cast %mul3A_753 : vector<16xf32> to vector<1x16xf32>
            tpu.vector_store %arg9[%swap3A_754, %swap3A_755], %swap3A_758 {strides = array<i32>} : memref<32x768xf32, #tpu.memory_space<vmem>>, vector<1x16xf32>,
            %get3A_759 = arith.index_cast %add3A_299 : i32 to index
            %get3A_760 = arith.constant 736 : index
            %get3A_761 = tpu.vector_load %arg9[%get3A_759, %get3A_760] {strides = array<i32>} : memref<32x768xf32, #tpu.memory_space<vmem>>, vector<1x16xf32>,
            %get3A_762 = vector.shape_cast %get3A_761 : vector<1x16xf32> to vector<16xf32>
            %mul3A_763 = arith.mulf %get3A_762, %gather3A_296 : vector<16xf32>
            %swap3A_764 = arith.index_cast %add3A_299 : i32 to index
            %swap3A_765 = arith.constant 736 : index
            %swap3A_766 = tpu.vector_load %arg9[%swap3A_764, %swap3A_765] {strides = array<i32>} : memref<32x768xf32, #tpu.memory_space<vmem>>, vector<1x16xf32>,
            %swap3A_767 = vector.shape_cast %swap3A_766 : vector<1x16xf32> to vector<16xf32>
            %swap3A_768 = vector.shape_cast %mul3A_763 : vector<16xf32> to vector<1x16xf32>
            tpu.vector_store %arg9[%swap3A_764, %swap3A_765], %swap3A_768 {strides = array<i32>} : memref<32x768xf32, #tpu.memory_space<vmem>>, vector<1x16xf32>,
            %get3A_769 = arith.index_cast %add3A_299 : i32 to index
            %get3A_770 = arith.constant 752 : index
            %get3A_771 = tpu.vector_load %arg9[%get3A_769, %get3A_770] {strides = array<i32>} : memref<32x768xf32, #tpu.memory_space<vmem>>, vector<1x16xf32>,
            %get3A_772 = vector.shape_cast %get3A_771 : vector<1x16xf32> to vector<16xf32>
            %mul3A_773 = arith.mulf %get3A_772, %gather3A_296 : vector<16xf32>
            %swap3A_774 = arith.index_cast %add3A_299 : i32 to index
            %swap3A_775 = arith.constant 752 : index
            %swap3A_776 = tpu.vector_load %arg9[%swap3A_774, %swap3A_775] {strides = array<i32>} : memref<32x768xf32, #tpu.memory_space<vmem>>, vector<1x16xf32>,
            %swap3A_777 = vector.shape_cast %swap3A_776 : vector<1x16xf32> to vector<16xf32>
            %swap3A_778 = vector.shape_cast %mul3A_773 : vector<16xf32> to vector<1x16xf32>
            tpu.vector_store %arg9[%swap3A_774, %swap3A_775], %swap3A_778 {strides = array<i32>} : memref<32x768xf32, #tpu.memory_space<vmem>>, vector<1x16xf32>,
            %scan3A_779 = arith.constant 0 : i32
            scf.yield %scan3A_779 : i32
          }
          %scan3A_282 = arith.constant 16 : i32
          %scan3A_283 = arith.constant 0 : i32
          scf.yield %scan3A_283 : i32
        }
        %scan3A_267 = arith.constant 2 : i32
      } else {
      }
      %mul3A_203 = arith.constant 32 : i32
      %mul3A_204 = arith.muli %add3A_189, %mul3A_203 : i32
      %add3A_205 = arith.addi %mul3A_2, %mul3A_204 : i32
      %dma_start3A_206 = arith.constant 0 : i32
      %dma_start3A_207 = tpu.memref_slice %arg5[%add3A_205, %dma_start3A_206] : memref<32768x768xf32, #tpu.memory_space<hbm>> -> memref<32x768xf32, #tpu.memory_space<hbm>>
      %dma_start3A_208 = arith.constant 0 : i32
      %dma_start3A_209 = tpu.memref_slice %arg5[%add3A_205, %dma_start3A_208] : memref<32768x768xf32, #tpu.memory_space<hbm>> -> memref<32x768xf32, #tpu.memory_space<hbm>>
      tpu.enqueue_dma source(%arg9 : memref<32x768xf32, #tpu.memory_space<vmem>>) target(%dma_start3A_209 : memref<32x768xf32, #tpu.memory_space<hbm>>) target_semaphore(%arg17 : memref<!tpu.dma_semaphore, #tpu.memory_space<semaphore_mem>>)
      %mul3A_210 = arith.constant 4 : i32
      %mul3A_211 = arith.muli %scan3A_163, %mul3A_210 : i32
      %add3A_212 = arith.constant 2 : i32
      %add3A_213 = arith.addi %mul3A_211, %add3A_212 : i32
      %lt3A_214 = arith.constant 7 : i32
      %lt3A_215 = arith.cmpi slt, %scan3A_163, %lt3A_214 : i32
      %convert_element_type3A_216 = arith.extui %lt3A_215 : i1 to i32
      %cond3A_217 = arith.constant 0 : i32
      %cond3A_218 = arith.cmpi ne, %convert_element_type3A_216, %cond3A_217 : i32
      scf.if %cond3A_218 {
        %dma_wait3A_259 = arith.constant 0 : i32
        %dma_wait3A_260 = tpu.memref_slice %arg5[%mul3A_2, %dma_wait3A_259] : memref<32768x768xf32, #tpu.memory_space<hbm>> -> memref<32x768xf32, #tpu.memory_space<hbm>>
        %dma_wait3A_261 = arith.constant 0 : i32
        %dma_wait3A_262 = tpu.memref_slice %arg5[%mul3A_2, %dma_wait3A_261] : memref<32768x768xf32, #tpu.memory_space<hbm>> -> memref<32x768xf32, #tpu.memory_space<hbm>>
        tpu.wait_dma2 semaphore(%arg16 : memref<!tpu.dma_semaphore, #tpu.memory_space<semaphore_mem>>) src(%arg8 : memref<32x768xf32, #tpu.memory_space<vmem>>) dst(%dma_wait3A_262 : memref<32x768xf32, #tpu.memory_space<hbm>>)
        %add3A_263 = arith.constant 2 : i32
        %add3A_264 = arith.addi %add3A_213, %add3A_263 : i32
        %mul3A_265 = arith.constant 32 : i32
        %mul3A_266 = arith.muli %add3A_264, %mul3A_265 : i32
        %dma_start3A_267 = tpu.memref_slice %arg6[%mul3A_266] : memref<1024xi32, #tpu.memory_space<vmem>> -> memref<32xi32, #tpu.memory_space<vmem>>
        %dma_start3A_268 = arith.constant 0 : i32
        %dma_start3A_269 = arith.constant 0 : i32
        %dma_start3A_270 = tpu.memref_slice %arg4[%dma_start3A_268, %dma_start3A_269] : memref<8192x768xf32, #tpu.memory_space<hbm>> -> memref<8192x768xf32, #tpu.memory_space<hbm>>
        tpu.enqueue_indirect_dma source(%dma_start3A_270 : memref<8192x768xf32, #tpu.memory_space<hbm>>) target(%arg8 : memref<32x768xf32, #tpu.memory_space<vmem>>) offsets(%dma_start3A_267 : memref<32xi32, #tpu.memory_space<vmem>>) semaphore(%arg12 : memref<!tpu.dma_semaphore, #tpu.memory_space<semaphore_mem>>)
      } else {
      }
      %dma_wait3A_219 = arith.constant 0 : i32
      %dma_wait3A_220 = tpu.memref_slice %arg6[%dma_wait3A_219] : memref<1024xi32, #tpu.memory_space<vmem>> -> memref<32xi32, #tpu.memory_space<vmem>>
      %dma_wait3A_221 = arith.constant 0 : i32
      %dma_wait3A_222 = arith.constant 0 : i32
      %dma_wait3A_223 = tpu.memref_slice %arg4[%dma_wait3A_221, %dma_wait3A_222] : memref<8192x768xf32, #tpu.memory_space<hbm>> -> memref<8192x768xf32, #tpu.memory_space<hbm>>
      tpu.wait_indirect_dma semaphore(%arg14 : memref<!tpu.dma_semaphore, #tpu.memory_space<semaphore_mem>>) src(%dma_wait3A_223 : memref<8192x768xf32, #tpu.memory_space<hbm>>) dst(%arg10 : memref<32x768xf32, #tpu.memory_space<vmem>>)
      %convert_element_type3A_224 = arith.extui %not3A_140 : i1 to i32
      %cond3A_225 = arith.constant 0 : i32
      %cond3A_226 = arith.cmpi ne, %convert_element_type3A_224, %cond3A_225 : i32
      scf.if %cond3A_226 {
        %mul3A_259 = arith.constant 32 : i32
        %mul3A_260 = arith.muli %add3A_213, %mul3A_259 : i32
        %scan3A_261 = arith.constant 0 : i32
        %scan3A_262 = arith.constant 0 : i32
        %scan3A_263 = arith.constant 2 : i32
        %scan3A_264 = arith.addi %scan3A_262, %scan3A_263 : i32
        %scan3A_265 = arith.constant 1 : i32
        %scan3A_266 = scf.for %scan3A_268 = %scan3A_262 to %scan3A_264 step %scan3A_265 iter_args(%scan3A_269 = %scan3A_261) -> (i32)  : i32 {
          %mul3A_270 = arith.constant 16 : i32
          %mul3A_271 = arith.muli %scan3A_268, %mul3A_270 : i32
          %add3A_272 = arith.addi %mul3A_260, %mul3A_271 : i32
          %get3A_273 = arith.index_cast %add3A_272 : i32 to index
          %get3A_274 = tpu.vector_load %arg7[%get3A_273] {strides = array<i32>} : memref<1024xf32, #tpu.memory_space<vmem>>, vector<16xf32>,
          %get3A_275 = vector.shape_cast %get3A_274 : vector<16xf32> to vector<16xf32>
          %scan3A_276 = arith.constant 0 : i32
          %scan3A_277 = arith.constant 0 : i32
          %scan3A_278 = arith.constant 16 : i32
          %scan3A_279 = arith.addi %scan3A_277, %scan3A_278 : i32
          %scan3A_280 = arith.constant 1 : i32
          %scan3A_281 = scf.for %scan3A_284 = %scan3A_277 to %scan3A_279 step %scan3A_280 iter_args(%scan3A_285 = %scan3A_276) -> (i32)  : i32 {
            %broadcast_in_dim3A_286 = vector.broadcast %scan3A_284 : i32 to vector<16xi32>
            %lt3A_287 = arith.constant 0 : i32
            %lt3A_288 = vector.broadcast %lt3A_287 : i32 to vector<16xi32>
            %lt3A_289 = arith.cmpi slt, %broadcast_in_dim3A_286, %lt3A_288 : vector<16xi32>
            %add3A_290 = arith.constant 16 : i32
            %add3A_291 = vector.broadcast %add3A_290 : i32 to vector<16xi32>
            %add3A_292 = arith.addi %broadcast_in_dim3A_286, %add3A_291 : vector<16xi32>
            %select_n3A_293 = arith.select %lt3A_289, %add3A_292, %broadcast_in_dim3A_286 : vector<16xi1>, vector<16xi32>
            %broadcast_in_dim3A_294 = vector.shape_cast %select_n3A_293 : vector<16xi32> to vector<16x1xi32>
            %gather3A_295 = vector.shape_cast %broadcast_in_dim3A_294 : vector<16x1xi32> to vector<16xi32>
            %gather3A_296 = tpu.dynamic_gather %get3A_275[%gather3A_295] in [0] : vector<16xf32>, vector<16xi32> -> vector<16xf32>
            %mul3A_297 = arith.constant 16 : i32
            %mul3A_298 = arith.muli %scan3A_268, %mul3A_297 : i32
            %add3A_299 = arith.addi %mul3A_298, %scan3A_284 : i32
            %get3A_300 = arith.index_cast %add3A_299 : i32 to index
            %get3A_301 = arith.constant 0 : index
            %get3A_302 = tpu.vector_load %arg10[%get3A_300, %get3A_301] {strides = array<i32>} : memref<32x768xf32, #tpu.memory_space<vmem>>, vector<1x16xf32>,
            %get3A_303 = vector.shape_cast %get3A_302 : vector<1x16xf32> to vector<16xf32>
            %mul3A_304 = arith.mulf %get3A_303, %gather3A_296 : vector<16xf32>
            %swap3A = arith.index_cast %add3A_299 : i32 to index
            %swap3A_305 = arith.constant 0 : index
            %swap3A_306 = tpu.vector_load %arg10[%swap3A, %swap3A_305] {strides = array<i32>} : memref<32x768xf32, #tpu.memory_space<vmem>>, vector<1x16xf32>,
            %swap3A_307 = vector.shape_cast %swap3A_306 : vector<1x16xf32> to vector<16xf32>
            %swap3A_308 = vector.shape_cast %mul3A_304 : vector<16xf32> to vector<1x16xf32>
            tpu.vector_store %arg10[%swap3A, %swap3A_305], %swap3A_308 {strides = array<i32>} : memref<32x768xf32, #tpu.memory_space<vmem>>, vector<1x16xf32>,
            %get3A_309 = arith.index_cast %add3A_299 : i32 to index
            %get3A_310 = arith.constant 16 : index
            %get3A_311 = tpu.vector_load %arg10[%get3A_309, %get3A_310] {strides = array<i32>} : memref<32x768xf32, #tpu.memory_space<vmem>>, vector<1x16xf32>,
            %get3A_312 = vector.shape_cast %get3A_311 : vector<1x16xf32> to vector<16xf32>
            %mul3A_313 = arith.mulf %get3A_312, %gather3A_296 : vector<16xf32>
            %swap3A_314 = arith.index_cast %add3A_299 : i32 to index
            %swap3A_315 = arith.constant 16 : index
            %swap3A_316 = tpu.vector_load %arg10[%swap3A_314, %swap3A_315] {strides = array<i32>} : memref<32x768xf32, #tpu.memory_space<vmem>>, vector<1x16xf32>,
            %swap3A_317 = vector.shape_cast %swap3A_316 : vector<1x16xf32> to vector<16xf32>
            %swap3A_318 = vector.shape_cast %mul3A_313 : vector<16xf32> to vector<1x16xf32>
            tpu.vector_store %arg10[%swap3A_314, %swap3A_315], %swap3A_318 {strides = array<i32>} : memref<32x768xf32, #tpu.memory_space<vmem>>, vector<1x16xf32>,
            %get3A_319 = arith.index_cast %add3A_299 : i32 to index
            %get3A_320 = arith.constant 32 : index
            %get3A_321 = tpu.vector_load %arg10[%get3A_319, %get3A_320] {strides = array<i32>} : memref<32x768xf32, #tpu.memory_space<vmem>>, vector<1x16xf32>,
            %get3A_322 = vector.shape_cast %get3A_321 : vector<1x16xf32> to vector<16xf32>
            %mul3A_323 = arith.mulf %get3A_322, %gather3A_296 : vector<16xf32>
            %swap3A_324 = arith.index_cast %add3A_299 : i32 to index
            %swap3A_325 = arith.constant 32 : index
            %swap3A_326 = tpu.vector_load %arg10[%swap3A_324, %swap3A_325] {strides = array<i32>} : memref<32x768xf32, #tpu.memory_space<vmem>>, vector<1x16xf32>,
            %swap3A_327 = vector.shape_cast %swap3A_326 : vector<1x16xf32> to vector<16xf32>
            %swap3A_328 = vector.shape_cast %mul3A_323 : vector<16xf32> to vector<1x16xf32>
            tpu.vector_store %arg10[%swap3A_324, %swap3A_325], %swap3A_328 {strides = array<i32>} : memref<32x768xf32, #tpu.memory_space<vmem>>, vector<1x16xf32>,
            %get3A_329 = arith.index_cast %add3A_299 : i32 to index
            %get3A_330 = arith.constant 48 : index
            %get3A_331 = tpu.vector_load %arg10[%get3A_329, %get3A_330] {strides = array<i32>} : memref<32x768xf32, #tpu.memory_space<vmem>>, vector<1x16xf32>,
            %get3A_332 = vector.shape_cast %get3A_331 : vector<1x16xf32> to vector<16xf32>
            %mul3A_333 = arith.mulf %get3A_332, %gather3A_296 : vector<16xf32>
            %swap3A_334 = arith.index_cast %add3A_299 : i32 to index
            %swap3A_335 = arith.constant 48 : index
            %swap3A_336 = tpu.vector_load %arg10[%swap3A_334, %swap3A_335] {strides = array<i32>} : memref<32x768xf32, #tpu.memory_space<vmem>>, vector<1x16xf32>,
            %swap3A_337 = vector.shape_cast %swap3A_336 : vector<1x16xf32> to vector<16xf32>
            %swap3A_338 = vector.shape_cast %mul3A_333 : vector<16xf32> to vector<1x16xf32>
            tpu.vector_store %arg10[%swap3A_334, %swap3A_335], %swap3A_338 {strides = array<i32>} : memref<32x768xf32, #tpu.memory_space<vmem>>, vector<1x16xf32>,
            %get3A_339 = arith.index_cast %add3A_299 : i32 to index
            %get3A_340 = arith.constant 64 : index
            %get3A_341 = tpu.vector_load %arg10[%get3A_339, %get3A_340] {strides = array<i32>} : memref<32x768xf32, #tpu.memory_space<vmem>>, vector<1x16xf32>,
            %get3A_342 = vector.shape_cast %get3A_341 : vector<1x16xf32> to vector<16xf32>
            %mul3A_343 = arith.mulf %get3A_342, %gather3A_296 : vector<16xf32>
            %swap3A_344 = arith.index_cast %add3A_299 : i32 to index
            %swap3A_345 = arith.constant 64 : index
            %swap3A_346 = tpu.vector_load %arg10[%swap3A_344, %swap3A_345] {strides = array<i32>} : memref<32x768xf32, #tpu.memory_space<vmem>>, vector<1x16xf32>,
            %swap3A_347 = vector.shape_cast %swap3A_346 : vector<1x16xf32> to vector<16xf32>
            %swap3A_348 = vector.shape_cast %mul3A_343 : vector<16xf32> to vector<1x16xf32>
            tpu.vector_store %arg10[%swap3A_344, %swap3A_345], %swap3A_348 {strides = array<i32>} : memref<32x768xf32, #tpu.memory_space<vmem>>, vector<1x16xf32>,
            %get3A_349 = arith.index_cast %add3A_299 : i32 to index
            %get3A_350 = arith.constant 80 : index
            %get3A_351 = tpu.vector_load %arg10[%get3A_349, %get3A_350] {strides = array<i32>} : memref<32x768xf32, #tpu.memory_space<vmem>>, vector<1x16xf32>,
            %get3A_352 = vector.shape_cast %get3A_351 : vector<1x16xf32> to vector<16xf32>
            %mul3A_353 = arith.mulf %get3A_352, %gather3A_296 : vector<16xf32>
            %swap3A_354 = arith.index_cast %add3A_299 : i32 to index
            %swap3A_355 = arith.constant 80 : index
            %swap3A_356 = tpu.vector_load %arg10[%swap3A_354, %swap3A_355] {strides = array<i32>} : memref<32x768xf32, #tpu.memory_space<vmem>>, vector<1x16xf32>,
            %swap3A_357 = vector.shape_cast %swap3A_356 : vector<1x16xf32> to vector<16xf32>
            %swap3A_358 = vector.shape_cast %mul3A_353 : vector<16xf32> to vector<1x16xf32>
            tpu.vector_store %arg10[%swap3A_354, %swap3A_355], %swap3A_358 {strides = array<i32>} : memref<32x768xf32, #tpu.memory_space<vmem>>, vector<1x16xf32>,
            %get3A_359 = arith.index_cast %add3A_299 : i32 to index
            %get3A_360 = arith.constant 96 : index
            %get3A_361 = tpu.vector_load %arg10[%get3A_359, %get3A_360] {strides = array<i32>} : memref<32x768xf32, #tpu.memory_space<vmem>>, vector<1x16xf32>,
            %get3A_362 = vector.shape_cast %get3A_361 : vector<1x16xf32> to vector<16xf32>
            %mul3A_363 = arith.mulf %get3A_362, %gather3A_296 : vector<16xf32>
            %swap3A_364 = arith.index_cast %add3A_299 : i32 to index
            %swap3A_365 = arith.constant 96 : index
            %swap3A_366 = tpu.vector_load %arg10[%swap3A_364, %swap3A_365] {strides = array<i32>} : memref<32x768xf32, #tpu.memory_space<vmem>>, vector<1x16xf32>,
            %swap3A_367 = vector.shape_cast %swap3A_366 : vector<1x16xf32> to vector<16xf32>
            %swap3A_368 = vector.shape_cast %mul3A_363 : vector<16xf32> to vector<1x16xf32>
            tpu.vector_store %arg10[%swap3A_364, %swap3A_365], %swap3A_368 {strides = array<i32>} : memref<32x768xf32, #tpu.memory_space<vmem>>, vector<1x16xf32>,
            %get3A_369 = arith.index_cast %add3A_299 : i32 to index
            %get3A_370 = arith.constant 112 : index
            %get3A_371 = tpu.vector_load %arg10[%get3A_369, %get3A_370] {strides = array<i32>} : memref<32x768xf32, #tpu.memory_space<vmem>>, vector<1x16xf32>,
            %get3A_372 = vector.shape_cast %get3A_371 : vector<1x16xf32> to vector<16xf32>
            %mul3A_373 = arith.mulf %get3A_372, %gather3A_296 : vector<16xf32>
            %swap3A_374 = arith.index_cast %add3A_299 : i32 to index
            %swap3A_375 = arith.constant 112 : index
            %swap3A_376 = tpu.vector_load %arg10[%swap3A_374, %swap3A_375] {strides = array<i32>} : memref<32x768xf32, #tpu.memory_space<vmem>>, vector<1x16xf32>,
            %swap3A_377 = vector.shape_cast %swap3A_376 : vector<1x16xf32> to vector<16xf32>
            %swap3A_378 = vector.shape_cast %mul3A_373 : vector<16xf32> to vector<1x16xf32>
            tpu.vector_store %arg10[%swap3A_374, %swap3A_375], %swap3A_378 {strides = array<i32>} : memref<32x768xf32, #tpu.memory_space<vmem>>, vector<1x16xf32>,
            %get3A_379 = arith.index_cast %add3A_299 : i32 to index
            %get3A_380 = arith.constant 128 : index
            %get3A_381 = tpu.vector_load %arg10[%get3A_379, %get3A_380] {strides = array<i32>} : memref<32x768xf32, #tpu.memory_space<vmem>>, vector<1x16xf32>,
            %get3A_382 = vector.shape_cast %get3A_381 : vector<1x16xf32> to vector<16xf32>
            %mul3A_383 = arith.mulf %get3A_382, %gather3A_296 : vector<16xf32>
            %swap3A_384 = arith.index_cast %add3A_299 : i32 to index
            %swap3A_385 = arith.constant 128 : index
            %swap3A_386 = tpu.vector_load %arg10[%swap3A_384, %swap3A_385] {strides = array<i32>} : memref<32x768xf32, #tpu.memory_space<vmem>>, vector<1x16xf32>,
            %swap3A_387 = vector.shape_cast %swap3A_386 : vector<1x16xf32> to vector<16xf32>
            %swap3A_388 = vector.shape_cast %mul3A_383 : vector<16xf32> to vector<1x16xf32>
            tpu.vector_store %arg10[%swap3A_384, %swap3A_385], %swap3A_388 {strides = array<i32>} : memref<32x768xf32, #tpu.memory_space<vmem>>, vector<1x16xf32>,
            %get3A_389 = arith.index_cast %add3A_299 : i32 to index
            %get3A_390 = arith.constant 144 : index
            %get3A_391 = tpu.vector_load %arg10[%get3A_389, %get3A_390] {strides = array<i32>} : memref<32x768xf32, #tpu.memory_space<vmem>>, vector<1x16xf32>,
            %get3A_392 = vector.shape_cast %get3A_391 : vector<1x16xf32> to vector<16xf32>
            %mul3A_393 = arith.mulf %get3A_392, %gather3A_296 : vector<16xf32>
            %swap3A_394 = arith.index_cast %add3A_299 : i32 to index
            %swap3A_395 = arith.constant 144 : index
            %swap3A_396 = tpu.vector_load %arg10[%swap3A_394, %swap3A_395] {strides = array<i32>} : memref<32x768xf32, #tpu.memory_space<vmem>>, vector<1x16xf32>,
            %swap3A_397 = vector.shape_cast %swap3A_396 : vector<1x16xf32> to vector<16xf32>
            %swap3A_398 = vector.shape_cast %mul3A_393 : vector<16xf32> to vector<1x16xf32>
            tpu.vector_store %arg10[%swap3A_394, %swap3A_395], %swap3A_398 {strides = array<i32>} : memref<32x768xf32, #tpu.memory_space<vmem>>, vector<1x16xf32>,
            %get3A_399 = arith.index_cast %add3A_299 : i32 to index
            %get3A_400 = arith.constant 160 : index
            %get3A_401 = tpu.vector_load %arg10[%get3A_399, %get3A_400] {strides = array<i32>} : memref<32x768xf32, #tpu.memory_space<vmem>>, vector<1x16xf32>,
            %get3A_402 = vector.shape_cast %get3A_401 : vector<1x16xf32> to vector<16xf32>
            %mul3A_403 = arith.mulf %get3A_402, %gather3A_296 : vector<16xf32>
            %swap3A_404 = arith.index_cast %add3A_299 : i32 to index
            %swap3A_405 = arith.constant 160 : index
            %swap3A_406 = tpu.vector_load %arg10[%swap3A_404, %swap3A_405] {strides = array<i32>} : memref<32x768xf32, #tpu.memory_space<vmem>>, vector<1x16xf32>,
            %swap3A_407 = vector.shape_cast %swap3A_406 : vector<1x16xf32> to vector<16xf32>
            %swap3A_408 = vector.shape_cast %mul3A_403 : vector<16xf32> to vector<1x16xf32>
            tpu.vector_store %arg10[%swap3A_404, %swap3A_405], %swap3A_408 {strides = array<i32>} : memref<32x768xf32, #tpu.memory_space<vmem>>, vector<1x16xf32>,
            %get3A_409 = arith.index_cast %add3A_299 : i32 to index
            %get3A_410 = arith.constant 176 : index
            %get3A_411 = tpu.vector_load %arg10[%get3A_409, %get3A_410] {strides = array<i32>} : memref<32x768xf32, #tpu.memory_space<vmem>>, vector<1x16xf32>,
            %get3A_412 = vector.shape_cast %get3A_411 : vector<1x16xf32> to vector<16xf32>
            %mul3A_413 = arith.mulf %get3A_412, %gather3A_296 : vector<16xf32>
            %swap3A_414 = arith.index_cast %add3A_299 : i32 to index
            %swap3A_415 = arith.constant 176 : index
            %swap3A_416 = tpu.vector_load %arg10[%swap3A_414, %swap3A_415] {strides = array<i32>} : memref<32x768xf32, #tpu.memory_space<vmem>>, vector<1x16xf32>,
            %swap3A_417 = vector.shape_cast %swap3A_416 : vector<1x16xf32> to vector<16xf32>
            %swap3A_418 = vector.shape_cast %mul3A_413 : vector<16xf32> to vector<1x16xf32>
            tpu.vector_store %arg10[%swap3A_414, %swap3A_415], %swap3A_418 {strides = array<i32>} : memref<32x768xf32, #tpu.memory_space<vmem>>, vector<1x16xf32>,
            %get3A_419 = arith.index_cast %add3A_299 : i32 to index
            %get3A_420 = arith.constant 192 : index
            %get3A_421 = tpu.vector_load %arg10[%get3A_419, %get3A_420] {strides = array<i32>} : memref<32x768xf32, #tpu.memory_space<vmem>>, vector<1x16xf32>,
            %get3A_422 = vector.shape_cast %get3A_421 : vector<1x16xf32> to vector<16xf32>
            %mul3A_423 = arith.mulf %get3A_422, %gather3A_296 : vector<16xf32>
            %swap3A_424 = arith.index_cast %add3A_299 : i32 to index
            %swap3A_425 = arith.constant 192 : index
            %swap3A_426 = tpu.vector_load %arg10[%swap3A_424, %swap3A_425] {strides = array<i32>} : memref<32x768xf32, #tpu.memory_space<vmem>>, vector<1x16xf32>,
            %swap3A_427 = vector.shape_cast %swap3A_426 : vector<1x16xf32> to vector<16xf32>
            %swap3A_428 = vector.shape_cast %mul3A_423 : vector<16xf32> to vector<1x16xf32>
            tpu.vector_store %arg10[%swap3A_424, %swap3A_425], %swap3A_428 {strides = array<i32>} : memref<32x768xf32, #tpu.memory_space<vmem>>, vector<1x16xf32>,
            %get3A_429 = arith.index_cast %add3A_299 : i32 to index
            %get3A_430 = arith.constant 208 : index
            %get3A_431 = tpu.vector_load %arg10[%get3A_429, %get3A_430] {strides = array<i32>} : memref<32x768xf32, #tpu.memory_space<vmem>>, vector<1x16xf32>,
            %get3A_432 = vector.shape_cast %get3A_431 : vector<1x16xf32> to vector<16xf32>
            %mul3A_433 = arith.mulf %get3A_432, %gather3A_296 : vector<16xf32>
            %swap3A_434 = arith.index_cast %add3A_299 : i32 to index
            %swap3A_435 = arith.constant 208 : index
            %swap3A_436 = tpu.vector_load %arg10[%swap3A_434, %swap3A_435] {strides = array<i32>} : memref<32x768xf32, #tpu.memory_space<vmem>>, vector<1x16xf32>,
            %swap3A_437 = vector.shape_cast %swap3A_436 : vector<1x16xf32> to vector<16xf32>
            %swap3A_438 = vector.shape_cast %mul3A_433 : vector<16xf32> to vector<1x16xf32>
            tpu.vector_store %arg10[%swap3A_434, %swap3A_435], %swap3A_438 {strides = array<i32>} : memref<32x768xf32, #tpu.memory_space<vmem>>, vector<1x16xf32>,
            %get3A_439 = arith.index_cast %add3A_299 : i32 to index
            %get3A_440 = arith.constant 224 : index
            %get3A_441 = tpu.vector_load %arg10[%get3A_439, %get3A_440] {strides = array<i32>} : memref<32x768xf32, #tpu.memory_space<vmem>>, vector<1x16xf32>,
            %get3A_442 = vector.shape_cast %get3A_441 : vector<1x16xf32> to vector<16xf32>
            %mul3A_443 = arith.mulf %get3A_442, %gather3A_296 : vector<16xf32>
            %swap3A_444 = arith.index_cast %add3A_299 : i32 to index
            %swap3A_445 = arith.constant 224 : index
            %swap3A_446 = tpu.vector_load %arg10[%swap3A_444, %swap3A_445] {strides = array<i32>} : memref<32x768xf32, #tpu.memory_space<vmem>>, vector<1x16xf32>,
            %swap3A_447 = vector.shape_cast %swap3A_446 : vector<1x16xf32> to vector<16xf32>
            %swap3A_448 = vector.shape_cast %mul3A_443 : vector<16xf32> to vector<1x16xf32>
            tpu.vector_store %arg10[%swap3A_444, %swap3A_445], %swap3A_448 {strides = array<i32>} : memref<32x768xf32, #tpu.memory_space<vmem>>, vector<1x16xf32>,
            %get3A_449 = arith.index_cast %add3A_299 : i32 to index
            %get3A_450 = arith.constant 240 : index
            %get3A_451 = tpu.vector_load %arg10[%get3A_449, %get3A_450] {strides = array<i32>} : memref<32x768xf32, #tpu.memory_space<vmem>>, vector<1x16xf32>,
            %get3A_452 = vector.shape_cast %get3A_451 : vector<1x16xf32> to vector<16xf32>
            %mul3A_453 = arith.mulf %get3A_452, %gather3A_296 : vector<16xf32>
            %swap3A_454 = arith.index_cast %add3A_299 : i32 to index
            %swap3A_455 = arith.constant 240 : index
            %swap3A_456 = tpu.vector_load %arg10[%swap3A_454, %swap3A_455] {strides = array<i32>} : memref<32x768xf32, #tpu.memory_space<vmem>>, vector<1x16xf32>,
            %swap3A_457 = vector.shape_cast %swap3A_456 : vector<1x16xf32> to vector<16xf32>
            %swap3A_458 = vector.shape_cast %mul3A_453 : vector<16xf32> to vector<1x16xf32>
            tpu.vector_store %arg10[%swap3A_454, %swap3A_455], %swap3A_458 {strides = array<i32>} : memref<32x768xf32, #tpu.memory_space<vmem>>, vector<1x16xf32>,
            %get3A_459 = arith.index_cast %add3A_299 : i32 to index
            %get3A_460 = arith.constant 256 : index
            %get3A_461 = tpu.vector_load %arg10[%get3A_459, %get3A_460] {strides = array<i32>} : memref<32x768xf32, #tpu.memory_space<vmem>>, vector<1x16xf32>,
            %get3A_462 = vector.shape_cast %get3A_461 : vector<1x16xf32> to vector<16xf32>
            %mul3A_463 = arith.mulf %get3A_462, %gather3A_296 : vector<16xf32>
            %swap3A_464 = arith.index_cast %add3A_299 : i32 to index
            %swap3A_465 = arith.constant 256 : index
            %swap3A_466 = tpu.vector_load %arg10[%swap3A_464, %swap3A_465] {strides = array<i32>} : memref<32x768xf32, #tpu.memory_space<vmem>>, vector<1x16xf32>,
            %swap3A_467 = vector.shape_cast %swap3A_466 : vector<1x16xf32> to vector<16xf32>
            %swap3A_468 = vector.shape_cast %mul3A_463 : vector<16xf32> to vector<1x16xf32>
            tpu.vector_store %arg10[%swap3A_464, %swap3A_465], %swap3A_468 {strides = array<i32>} : memref<32x768xf32, #tpu.memory_space<vmem>>, vector<1x16xf32>,
            %get3A_469 = arith.index_cast %add3A_299 : i32 to index
            %get3A_470 = arith.constant 272 : index
            %get3A_471 = tpu.vector_load %arg10[%get3A_469, %get3A_470] {strides = array<i32>} : memref<32x768xf32, #tpu.memory_space<vmem>>, vector<1x16xf32>,
            %get3A_472 = vector.shape_cast %get3A_471 : vector<1x16xf32> to vector<16xf32>
            %mul3A_473 = arith.mulf %get3A_472, %gather3A_296 : vector<16xf32>
            %swap3A_474 = arith.index_cast %add3A_299 : i32 to index
            %swap3A_475 = arith.constant 272 : index
            %swap3A_476 = tpu.vector_load %arg10[%swap3A_474, %swap3A_475] {strides = array<i32>} : memref<32x768xf32, #tpu.memory_space<vmem>>, vector<1x16xf32>,
            %swap3A_477 = vector.shape_cast %swap3A_476 : vector<1x16xf32> to vector<16xf32>
            %swap3A_478 = vector.shape_cast %mul3A_473 : vector<16xf32> to vector<1x16xf32>
            tpu.vector_store %arg10[%swap3A_474, %swap3A_475], %swap3A_478 {strides = array<i32>} : memref<32x768xf32, #tpu.memory_space<vmem>>, vector<1x16xf32>,
            %get3A_479 = arith.index_cast %add3A_299 : i32 to index
            %get3A_480 = arith.constant 288 : index
            %get3A_481 = tpu.vector_load %arg10[%get3A_479, %get3A_480] {strides = array<i32>} : memref<32x768xf32, #tpu.memory_space<vmem>>, vector<1x16xf32>,
            %get3A_482 = vector.shape_cast %get3A_481 : vector<1x16xf32> to vector<16xf32>
            %mul3A_483 = arith.mulf %get3A_482, %gather3A_296 : vector<16xf32>
            %swap3A_484 = arith.index_cast %add3A_299 : i32 to index
            %swap3A_485 = arith.constant 288 : index
            %swap3A_486 = tpu.vector_load %arg10[%swap3A_484, %swap3A_485] {strides = array<i32>} : memref<32x768xf32, #tpu.memory_space<vmem>>, vector<1x16xf32>,
            %swap3A_487 = vector.shape_cast %swap3A_486 : vector<1x16xf32> to vector<16xf32>
            %swap3A_488 = vector.shape_cast %mul3A_483 : vector<16xf32> to vector<1x16xf32>
            tpu.vector_store %arg10[%swap3A_484, %swap3A_485], %swap3A_488 {strides = array<i32>} : memref<32x768xf32, #tpu.memory_space<vmem>>, vector<1x16xf32>,
            %get3A_489 = arith.index_cast %add3A_299 : i32 to index
            %get3A_490 = arith.constant 304 : index
            %get3A_491 = tpu.vector_load %arg10[%get3A_489, %get3A_490] {strides = array<i32>} : memref<32x768xf32, #tpu.memory_space<vmem>>, vector<1x16xf32>,
            %get3A_492 = vector.shape_cast %get3A_491 : vector<1x16xf32> to vector<16xf32>
            %mul3A_493 = arith.mulf %get3A_492, %gather3A_296 : vector<16xf32>
            %swap3A_494 = arith.index_cast %add3A_299 : i32 to index
            %swap3A_495 = arith.constant 304 : index
            %swap3A_496 = tpu.vector_load %arg10[%swap3A_494, %swap3A_495] {strides = array<i32>} : memref<32x768xf32, #tpu.memory_space<vmem>>, vector<1x16xf32>,
            %swap3A_497 = vector.shape_cast %swap3A_496 : vector<1x16xf32> to vector<16xf32>
            %swap3A_498 = vector.shape_cast %mul3A_493 : vector<16xf32> to vector<1x16xf32>
            tpu.vector_store %arg10[%swap3A_494, %swap3A_495], %swap3A_498 {strides = array<i32>} : memref<32x768xf32, #tpu.memory_space<vmem>>, vector<1x16xf32>,
            %get3A_499 = arith.index_cast %add3A_299 : i32 to index
            %get3A_500 = arith.constant 320 : index
            %get3A_501 = tpu.vector_load %arg10[%get3A_499, %get3A_500] {strides = array<i32>} : memref<32x768xf32, #tpu.memory_space<vmem>>, vector<1x16xf32>,
            %get3A_502 = vector.shape_cast %get3A_501 : vector<1x16xf32> to vector<16xf32>
            %mul3A_503 = arith.mulf %get3A_502, %gather3A_296 : vector<16xf32>
            %swap3A_504 = arith.index_cast %add3A_299 : i32 to index
            %swap3A_505 = arith.constant 320 : index
            %swap3A_506 = tpu.vector_load %arg10[%swap3A_504, %swap3A_505] {strides = array<i32>} : memref<32x768xf32, #tpu.memory_space<vmem>>, vector<1x16xf32>,
            %swap3A_507 = vector.shape_cast %swap3A_506 : vector<1x16xf32> to vector<16xf32>
            %swap3A_508 = vector.shape_cast %mul3A_503 : vector<16xf32> to vector<1x16xf32>
            tpu.vector_store %arg10[%swap3A_504, %swap3A_505], %swap3A_508 {strides = array<i32>} : memref<32x768xf32, #tpu.memory_space<vmem>>, vector<1x16xf32>,
            %get3A_509 = arith.index_cast %add3A_299 : i32 to index
            %get3A_510 = arith.constant 336 : index
            %get3A_511 = tpu.vector_load %arg10[%get3A_509, %get3A_510] {strides = array<i32>} : memref<32x768xf32, #tpu.memory_space<vmem>>, vector<1x16xf32>,
            %get3A_512 = vector.shape_cast %get3A_511 : vector<1x16xf32> to vector<16xf32>
            %mul3A_513 = arith.mulf %get3A_512, %gather3A_296 : vector<16xf32>
            %swap3A_514 = arith.index_cast %add3A_299 : i32 to index
            %swap3A_515 = arith.constant 336 : index
            %swap3A_516 = tpu.vector_load %arg10[%swap3A_514, %swap3A_515] {strides = array<i32>} : memref<32x768xf32, #tpu.memory_space<vmem>>, vector<1x16xf32>,
            %swap3A_517 = vector.shape_cast %swap3A_516 : vector<1x16xf32> to vector<16xf32>
            %swap3A_518 = vector.shape_cast %mul3A_513 : vector<16xf32> to vector<1x16xf32>
            tpu.vector_store %arg10[%swap3A_514, %swap3A_515], %swap3A_518 {strides = array<i32>} : memref<32x768xf32, #tpu.memory_space<vmem>>, vector<1x16xf32>,
            %get3A_519 = arith.index_cast %add3A_299 : i32 to index
            %get3A_520 = arith.constant 352 : index
            %get3A_521 = tpu.vector_load %arg10[%get3A_519, %get3A_520] {strides = array<i32>} : memref<32x768xf32, #tpu.memory_space<vmem>>, vector<1x16xf32>,
            %get3A_522 = vector.shape_cast %get3A_521 : vector<1x16xf32> to vector<16xf32>
            %mul3A_523 = arith.mulf %get3A_522, %gather3A_296 : vector<16xf32>
            %swap3A_524 = arith.index_cast %add3A_299 : i32 to index
            %swap3A_525 = arith.constant 352 : index
            %swap3A_526 = tpu.vector_load %arg10[%swap3A_524, %swap3A_525] {strides = array<i32>} : memref<32x768xf32, #tpu.memory_space<vmem>>, vector<1x16xf32>,
            %swap3A_527 = vector.shape_cast %swap3A_526 : vector<1x16xf32> to vector<16xf32>
            %swap3A_528 = vector.shape_cast %mul3A_523 : vector<16xf32> to vector<1x16xf32>
            tpu.vector_store %arg10[%swap3A_524, %swap3A_525], %swap3A_528 {strides = array<i32>} : memref<32x768xf32, #tpu.memory_space<vmem>>, vector<1x16xf32>,
            %get3A_529 = arith.index_cast %add3A_299 : i32 to index
            %get3A_530 = arith.constant 368 : index
            %get3A_531 = tpu.vector_load %arg10[%get3A_529, %get3A_530] {strides = array<i32>} : memref<32x768xf32, #tpu.memory_space<vmem>>, vector<1x16xf32>,
            %get3A_532 = vector.shape_cast %get3A_531 : vector<1x16xf32> to vector<16xf32>
            %mul3A_533 = arith.mulf %get3A_532, %gather3A_296 : vector<16xf32>
            %swap3A_534 = arith.index_cast %add3A_299 : i32 to index
            %swap3A_535 = arith.constant 368 : index
            %swap3A_536 = tpu.vector_load %arg10[%swap3A_534, %swap3A_535] {strides = array<i32>} : memref<32x768xf32, #tpu.memory_space<vmem>>, vector<1x16xf32>,
            %swap3A_537 = vector.shape_cast %swap3A_536 : vector<1x16xf32> to vector<16xf32>
            %swap3A_538 = vector.shape_cast %mul3A_533 : vector<16xf32> to vector<1x16xf32>
            tpu.vector_store %arg10[%swap3A_534, %swap3A_535], %swap3A_538 {strides = array<i32>} : memref<32x768xf32, #tpu.memory_space<vmem>>, vector<1x16xf32>,
            %get3A_539 = arith.index_cast %add3A_299 : i32 to index
            %get3A_540 = arith.constant 384 : index
            %get3A_541 = tpu.vector_load %arg10[%get3A_539, %get3A_540] {strides = array<i32>} : memref<32x768xf32, #tpu.memory_space<vmem>>, vector<1x16xf32>,
            %get3A_542 = vector.shape_cast %get3A_541 : vector<1x16xf32> to vector<16xf32>
            %mul3A_543 = arith.mulf %get3A_542, %gather3A_296 : vector<16xf32>
            %swap3A_544 = arith.index_cast %add3A_299 : i32 to index
            %swap3A_545 = arith.constant 384 : index
            %swap3A_546 = tpu.vector_load %arg10[%swap3A_544, %swap3A_545] {strides = array<i32>} : memref<32x768xf32, #tpu.memory_space<vmem>>, vector<1x16xf32>,
            %swap3A_547 = vector.shape_cast %swap3A_546 : vector<1x16xf32> to vector<16xf32>
            %swap3A_548 = vector.shape_cast %mul3A_543 : vector<16xf32> to vector<1x16xf32>
            tpu.vector_store %arg10[%swap3A_544, %swap3A_545], %swap3A_548 {strides = array<i32>} : memref<32x768xf32, #tpu.memory_space<vmem>>, vector<1x16xf32>,
            %get3A_549 = arith.index_cast %add3A_299 : i32 to index
            %get3A_550 = arith.constant 400 : index
            %get3A_551 = tpu.vector_load %arg10[%get3A_549, %get3A_550] {strides = array<i32>} : memref<32x768xf32, #tpu.memory_space<vmem>>, vector<1x16xf32>,
            %get3A_552 = vector.shape_cast %get3A_551 : vector<1x16xf32> to vector<16xf32>
            %mul3A_553 = arith.mulf %get3A_552, %gather3A_296 : vector<16xf32>
            %swap3A_554 = arith.index_cast %add3A_299 : i32 to index
            %swap3A_555 = arith.constant 400 : index
            %swap3A_556 = tpu.vector_load %arg10[%swap3A_554, %swap3A_555] {strides = array<i32>} : memref<32x768xf32, #tpu.memory_space<vmem>>, vector<1x16xf32>,
            %swap3A_557 = vector.shape_cast %swap3A_556 : vector<1x16xf32> to vector<16xf32>
            %swap3A_558 = vector.shape_cast %mul3A_553 : vector<16xf32> to vector<1x16xf32>
            tpu.vector_store %arg10[%swap3A_554, %swap3A_555], %swap3A_558 {strides = array<i32>} : memref<32x768xf32, #tpu.memory_space<vmem>>, vector<1x16xf32>,
            %get3A_559 = arith.index_cast %add3A_299 : i32 to index
            %get3A_560 = arith.constant 416 : index
            %get3A_561 = tpu.vector_load %arg10[%get3A_559, %get3A_560] {strides = array<i32>} : memref<32x768xf32, #tpu.memory_space<vmem>>, vector<1x16xf32>,
            %get3A_562 = vector.shape_cast %get3A_561 : vector<1x16xf32> to vector<16xf32>
            %mul3A_563 = arith.mulf %get3A_562, %gather3A_296 : vector<16xf32>
            %swap3A_564 = arith.index_cast %add3A_299 : i32 to index
            %swap3A_565 = arith.constant 416 : index
            %swap3A_566 = tpu.vector_load %arg10[%swap3A_564, %swap3A_565] {strides = array<i32>} : memref<32x768xf32, #tpu.memory_space<vmem>>, vector<1x16xf32>,
            %swap3A_567 = vector.shape_cast %swap3A_566 : vector<1x16xf32> to vector<16xf32>
            %swap3A_568 = vector.shape_cast %mul3A_563 : vector<16xf32> to vector<1x16xf32>
            tpu.vector_store %arg10[%swap3A_564, %swap3A_565], %swap3A_568 {strides = array<i32>} : memref<32x768xf32, #tpu.memory_space<vmem>>, vector<1x16xf32>,
            %get3A_569 = arith.index_cast %add3A_299 : i32 to index
            %get3A_570 = arith.constant 432 : index
            %get3A_571 = tpu.vector_load %arg10[%get3A_569, %get3A_570] {strides = array<i32>} : memref<32x768xf32, #tpu.memory_space<vmem>>, vector<1x16xf32>,
            %get3A_572 = vector.shape_cast %get3A_571 : vector<1x16xf32> to vector<16xf32>
            %mul3A_573 = arith.mulf %get3A_572, %gather3A_296 : vector<16xf32>
            %swap3A_574 = arith.index_cast %add3A_299 : i32 to index
            %swap3A_575 = arith.constant 432 : index
            %swap3A_576 = tpu.vector_load %arg10[%swap3A_574, %swap3A_575] {strides = array<i32>} : memref<32x768xf32, #tpu.memory_space<vmem>>, vector<1x16xf32>,
            %swap3A_577 = vector.shape_cast %swap3A_576 : vector<1x16xf32> to vector<16xf32>
            %swap3A_578 = vector.shape_cast %mul3A_573 : vector<16xf32> to vector<1x16xf32>
            tpu.vector_store %arg10[%swap3A_574, %swap3A_575], %swap3A_578 {strides = array<i32>} : memref<32x768xf32, #tpu.memory_space<vmem>>, vector<1x16xf32>,
            %get3A_579 = arith.index_cast %add3A_299 : i32 to index
            %get3A_580 = arith.constant 448 : index
            %get3A_581 = tpu.vector_load %arg10[%get3A_579, %get3A_580] {strides = array<i32>} : memref<32x768xf32, #tpu.memory_space<vmem>>, vector<1x16xf32>,
            %get3A_582 = vector.shape_cast %get3A_581 : vector<1x16xf32> to vector<16xf32>
            %mul3A_583 = arith.mulf %get3A_582, %gather3A_296 : vector<16xf32>
            %swap3A_584 = arith.index_cast %add3A_299 : i32 to index
            %swap3A_585 = arith.constant 448 : index
            %swap3A_586 = tpu.vector_load %arg10[%swap3A_584, %swap3A_585] {strides = array<i32>} : memref<32x768xf32, #tpu.memory_space<vmem>>, vector<1x16xf32>,
            %swap3A_587 = vector.shape_cast %swap3A_586 : vector<1x16xf32> to vector<16xf32>
            %swap3A_588 = vector.shape_cast %mul3A_583 : vector<16xf32> to vector<1x16xf32>
            tpu.vector_store %arg10[%swap3A_584, %swap3A_585], %swap3A_588 {strides = array<i32>} : memref<32x768xf32, #tpu.memory_space<vmem>>, vector<1x16xf32>,
            %get3A_589 = arith.index_cast %add3A_299 : i32 to index
            %get3A_590 = arith.constant 464 : index
            %get3A_591 = tpu.vector_load %arg10[%get3A_589, %get3A_590] {strides = array<i32>} : memref<32x768xf32, #tpu.memory_space<vmem>>, vector<1x16xf32>,
            %get3A_592 = vector.shape_cast %get3A_591 : vector<1x16xf32> to vector<16xf32>
            %mul3A_593 = arith.mulf %get3A_592, %gather3A_296 : vector<16xf32>
            %swap3A_594 = arith.index_cast %add3A_299 : i32 to index
            %swap3A_595 = arith.constant 464 : index
            %swap3A_596 = tpu.vector_load %arg10[%swap3A_594, %swap3A_595] {strides = array<i32>} : memref<32x768xf32, #tpu.memory_space<vmem>>, vector<1x16xf32>,
            %swap3A_597 = vector.shape_cast %swap3A_596 : vector<1x16xf32> to vector<16xf32>
            %swap3A_598 = vector.shape_cast %mul3A_593 : vector<16xf32> to vector<1x16xf32>
            tpu.vector_store %arg10[%swap3A_594, %swap3A_595], %swap3A_598 {strides = array<i32>} : memref<32x768xf32, #tpu.memory_space<vmem>>, vector<1x16xf32>,
            %get3A_599 = arith.index_cast %add3A_299 : i32 to index
            %get3A_600 = arith.constant 480 : index
            %get3A_601 = tpu.vector_load %arg10[%get3A_599, %get3A_600] {strides = array<i32>} : memref<32x768xf32, #tpu.memory_space<vmem>>, vector<1x16xf32>,
            %get3A_602 = vector.shape_cast %get3A_601 : vector<1x16xf32> to vector<16xf32>
            %mul3A_603 = arith.mulf %get3A_602, %gather3A_296 : vector<16xf32>
            %swap3A_604 = arith.index_cast %add3A_299 : i32 to index
            %swap3A_605 = arith.constant 480 : index
            %swap3A_606 = tpu.vector_load %arg10[%swap3A_604, %swap3A_605] {strides = array<i32>} : memref<32x768xf32, #tpu.memory_space<vmem>>, vector<1x16xf32>,
            %swap3A_607 = vector.shape_cast %swap3A_606 : vector<1x16xf32> to vector<16xf32>
            %swap3A_608 = vector.shape_cast %mul3A_603 : vector<16xf32> to vector<1x16xf32>
            tpu.vector_store %arg10[%swap3A_604, %swap3A_605], %swap3A_608 {strides = array<i32>} : memref<32x768xf32, #tpu.memory_space<vmem>>, vector<1x16xf32>,
            %get3A_609 = arith.index_cast %add3A_299 : i32 to index
            %get3A_610 = arith.constant 496 : index
            %get3A_611 = tpu.vector_load %arg10[%get3A_609, %get3A_610] {strides = array<i32>} : memref<32x768xf32, #tpu.memory_space<vmem>>, vector<1x16xf32>,
            %get3A_612 = vector.shape_cast %get3A_611 : vector<1x16xf32> to vector<16xf32>
            %mul3A_613 = arith.mulf %get3A_612, %gather3A_296 : vector<16xf32>
            %swap3A_614 = arith.index_cast %add3A_299 : i32 to index
            %swap3A_615 = arith.constant 496 : index
            %swap3A_616 = tpu.vector_load %arg10[%swap3A_614, %swap3A_615] {strides = array<i32>} : memref<32x768xf32, #tpu.memory_space<vmem>>, vector<1x16xf32>,
            %swap3A_617 = vector.shape_cast %swap3A_616 : vector<1x16xf32> to vector<16xf32>
            %swap3A_618 = vector.shape_cast %mul3A_613 : vector<16xf32> to vector<1x16xf32>
            tpu.vector_store %arg10[%swap3A_614, %swap3A_615], %swap3A_618 {strides = array<i32>} : memref<32x768xf32, #tpu.memory_space<vmem>>, vector<1x16xf32>,
            %get3A_619 = arith.index_cast %add3A_299 : i32 to index
            %get3A_620 = arith.constant 512 : index
            %get3A_621 = tpu.vector_load %arg10[%get3A_619, %get3A_620] {strides = array<i32>} : memref<32x768xf32, #tpu.memory_space<vmem>>, vector<1x16xf32>,
            %get3A_622 = vector.shape_cast %get3A_621 : vector<1x16xf32> to vector<16xf32>
            %mul3A_623 = arith.mulf %get3A_622, %gather3A_296 : vector<16xf32>
            %swap3A_624 = arith.index_cast %add3A_299 : i32 to index
            %swap3A_625 = arith.constant 512 : index
            %swap3A_626 = tpu.vector_load %arg10[%swap3A_624, %swap3A_625] {strides = array<i32>} : memref<32x768xf32, #tpu.memory_space<vmem>>, vector<1x16xf32>,
            %swap3A_627 = vector.shape_cast %swap3A_626 : vector<1x16xf32> to vector<16xf32>
            %swap3A_628 = vector.shape_cast %mul3A_623 : vector<16xf32> to vector<1x16xf32>
            tpu.vector_store %arg10[%swap3A_624, %swap3A_625], %swap3A_628 {strides = array<i32>} : memref<32x768xf32, #tpu.memory_space<vmem>>, vector<1x16xf32>,
            %get3A_629 = arith.index_cast %add3A_299 : i32 to index
            %get3A_630 = arith.constant 528 : index
            %get3A_631 = tpu.vector_load %arg10[%get3A_629, %get3A_630] {strides = array<i32>} : memref<32x768xf32, #tpu.memory_space<vmem>>, vector<1x16xf32>,
            %get3A_632 = vector.shape_cast %get3A_631 : vector<1x16xf32> to vector<16xf32>
            %mul3A_633 = arith.mulf %get3A_632, %gather3A_296 : vector<16xf32>
            %swap3A_634 = arith.index_cast %add3A_299 : i32 to index
            %swap3A_635 = arith.constant 528 : index
            %swap3A_636 = tpu.vector_load %arg10[%swap3A_634, %swap3A_635] {strides = array<i32>} : memref<32x768xf32, #tpu.memory_space<vmem>>, vector<1x16xf32>,
            %swap3A_637 = vector.shape_cast %swap3A_636 : vector<1x16xf32> to vector<16xf32>
            %swap3A_638 = vector.shape_cast %mul3A_633 : vector<16xf32> to vector<1x16xf32>
            tpu.vector_store %arg10[%swap3A_634, %swap3A_635], %swap3A_638 {strides = array<i32>} : memref<32x768xf32, #tpu.memory_space<vmem>>, vector<1x16xf32>,
            %get3A_639 = arith.index_cast %add3A_299 : i32 to index
            %get3A_640 = arith.constant 544 : index
            %get3A_641 = tpu.vector_load %arg10[%get3A_639, %get3A_640] {strides = array<i32>} : memref<32x768xf32, #tpu.memory_space<vmem>>, vector<1x16xf32>,
            %get3A_642 = vector.shape_cast %get3A_641 : vector<1x16xf32> to vector<16xf32>
            %mul3A_643 = arith.mulf %get3A_642, %gather3A_296 : vector<16xf32>
            %swap3A_644 = arith.index_cast %add3A_299 : i32 to index
            %swap3A_645 = arith.constant 544 : index
            %swap3A_646 = tpu.vector_load %arg10[%swap3A_644, %swap3A_645] {strides = array<i32>} : memref<32x768xf32, #tpu.memory_space<vmem>>, vector<1x16xf32>,
            %swap3A_647 = vector.shape_cast %swap3A_646 : vector<1x16xf32> to vector<16xf32>
            %swap3A_648 = vector.shape_cast %mul3A_643 : vector<16xf32> to vector<1x16xf32>
            tpu.vector_store %arg10[%swap3A_644, %swap3A_645], %swap3A_648 {strides = array<i32>} : memref<32x768xf32, #tpu.memory_space<vmem>>, vector<1x16xf32>,
            %get3A_649 = arith.index_cast %add3A_299 : i32 to index
            %get3A_650 = arith.constant 560 : index
            %get3A_651 = tpu.vector_load %arg10[%get3A_649, %get3A_650] {strides = array<i32>} : memref<32x768xf32, #tpu.memory_space<vmem>>, vector<1x16xf32>,
            %get3A_652 = vector.shape_cast %get3A_651 : vector<1x16xf32> to vector<16xf32>
            %mul3A_653 = arith.mulf %get3A_652, %gather3A_296 : vector<16xf32>
            %swap3A_654 = arith.index_cast %add3A_299 : i32 to index
            %swap3A_655 = arith.constant 560 : index
            %swap3A_656 = tpu.vector_load %arg10[%swap3A_654, %swap3A_655] {strides = array<i32>} : memref<32x768xf32, #tpu.memory_space<vmem>>, vector<1x16xf32>,
            %swap3A_657 = vector.shape_cast %swap3A_656 : vector<1x16xf32> to vector<16xf32>
            %swap3A_658 = vector.shape_cast %mul3A_653 : vector<16xf32> to vector<1x16xf32>
            tpu.vector_store %arg10[%swap3A_654, %swap3A_655], %swap3A_658 {strides = array<i32>} : memref<32x768xf32, #tpu.memory_space<vmem>>, vector<1x16xf32>,
            %get3A_659 = arith.index_cast %add3A_299 : i32 to index
            %get3A_660 = arith.constant 576 : index
            %get3A_661 = tpu.vector_load %arg10[%get3A_659, %get3A_660] {strides = array<i32>} : memref<32x768xf32, #tpu.memory_space<vmem>>, vector<1x16xf32>,
            %get3A_662 = vector.shape_cast %get3A_661 : vector<1x16xf32> to vector<16xf32>
            %mul3A_663 = arith.mulf %get3A_662, %gather3A_296 : vector<16xf32>
            %swap3A_664 = arith.index_cast %add3A_299 : i32 to index
            %swap3A_665 = arith.constant 576 : index
            %swap3A_666 = tpu.vector_load %arg10[%swap3A_664, %swap3A_665] {strides = array<i32>} : memref<32x768xf32, #tpu.memory_space<vmem>>, vector<1x16xf32>,
            %swap3A_667 = vector.shape_cast %swap3A_666 : vector<1x16xf32> to vector<16xf32>
            %swap3A_668 = vector.shape_cast %mul3A_663 : vector<16xf32> to vector<1x16xf32>
            tpu.vector_store %arg10[%swap3A_664, %swap3A_665], %swap3A_668 {strides = array<i32>} : memref<32x768xf32, #tpu.memory_space<vmem>>, vector<1x16xf32>,
            %get3A_669 = arith.index_cast %add3A_299 : i32 to index
            %get3A_670 = arith.constant 592 : index
            %get3A_671 = tpu.vector_load %arg10[%get3A_669, %get3A_670] {strides = array<i32>} : memref<32x768xf32, #tpu.memory_space<vmem>>, vector<1x16xf32>,
            %get3A_672 = vector.shape_cast %get3A_671 : vector<1x16xf32> to vector<16xf32>
            %mul3A_673 = arith.mulf %get3A_672, %gather3A_296 : vector<16xf32>
            %swap3A_674 = arith.index_cast %add3A_299 : i32 to index
            %swap3A_675 = arith.constant 592 : index
            %swap3A_676 = tpu.vector_load %arg10[%swap3A_674, %swap3A_675] {strides = array<i32>} : memref<32x768xf32, #tpu.memory_space<vmem>>, vector<1x16xf32>,
            %swap3A_677 = vector.shape_cast %swap3A_676 : vector<1x16xf32> to vector<16xf32>
            %swap3A_678 = vector.shape_cast %mul3A_673 : vector<16xf32> to vector<1x16xf32>
            tpu.vector_store %arg10[%swap3A_674, %swap3A_675], %swap3A_678 {strides = array<i32>} : memref<32x768xf32, #tpu.memory_space<vmem>>, vector<1x16xf32>,
            %get3A_679 = arith.index_cast %add3A_299 : i32 to index
            %get3A_680 = arith.constant 608 : index
            %get3A_681 = tpu.vector_load %arg10[%get3A_679, %get3A_680] {strides = array<i32>} : memref<32x768xf32, #tpu.memory_space<vmem>>, vector<1x16xf32>,
            %get3A_682 = vector.shape_cast %get3A_681 : vector<1x16xf32> to vector<16xf32>
            %mul3A_683 = arith.mulf %get3A_682, %gather3A_296 : vector<16xf32>
            %swap3A_684 = arith.index_cast %add3A_299 : i32 to index
            %swap3A_685 = arith.constant 608 : index
            %swap3A_686 = tpu.vector_load %arg10[%swap3A_684, %swap3A_685] {strides = array<i32>} : memref<32x768xf32, #tpu.memory_space<vmem>>, vector<1x16xf32>,
            %swap3A_687 = vector.shape_cast %swap3A_686 : vector<1x16xf32> to vector<16xf32>
            %swap3A_688 = vector.shape_cast %mul3A_683 : vector<16xf32> to vector<1x16xf32>
            tpu.vector_store %arg10[%swap3A_684, %swap3A_685], %swap3A_688 {strides = array<i32>} : memref<32x768xf32, #tpu.memory_space<vmem>>, vector<1x16xf32>,
            %get3A_689 = arith.index_cast %add3A_299 : i32 to index
            %get3A_690 = arith.constant 624 : index
            %get3A_691 = tpu.vector_load %arg10[%get3A_689, %get3A_690] {strides = array<i32>} : memref<32x768xf32, #tpu.memory_space<vmem>>, vector<1x16xf32>,
            %get3A_692 = vector.shape_cast %get3A_691 : vector<1x16xf32> to vector<16xf32>
            %mul3A_693 = arith.mulf %get3A_692, %gather3A_296 : vector<16xf32>
            %swap3A_694 = arith.index_cast %add3A_299 : i32 to index
            %swap3A_695 = arith.constant 624 : index
            %swap3A_696 = tpu.vector_load %arg10[%swap3A_694, %swap3A_695] {strides = array<i32>} : memref<32x768xf32, #tpu.memory_space<vmem>>, vector<1x16xf32>,
            %swap3A_697 = vector.shape_cast %swap3A_696 : vector<1x16xf32> to vector<16xf32>
            %swap3A_698 = vector.shape_cast %mul3A_693 : vector<16xf32> to vector<1x16xf32>
            tpu.vector_store %arg10[%swap3A_694, %swap3A_695], %swap3A_698 {strides = array<i32>} : memref<32x768xf32, #tpu.memory_space<vmem>>, vector<1x16xf32>,
            %get3A_699 = arith.index_cast %add3A_299 : i32 to index
            %get3A_700 = arith.constant 640 : index
            %get3A_701 = tpu.vector_load %arg10[%get3A_699, %get3A_700] {strides = array<i32>} : memref<32x768xf32, #tpu.memory_space<vmem>>, vector<1x16xf32>,
            %get3A_702 = vector.shape_cast %get3A_701 : vector<1x16xf32> to vector<16xf32>
            %mul3A_703 = arith.mulf %get3A_702, %gather3A_296 : vector<16xf32>
            %swap3A_704 = arith.index_cast %add3A_299 : i32 to index
            %swap3A_705 = arith.constant 640 : index
            %swap3A_706 = tpu.vector_load %arg10[%swap3A_704, %swap3A_705] {strides = array<i32>} : memref<32x768xf32, #tpu.memory_space<vmem>>, vector<1x16xf32>,
            %swap3A_707 = vector.shape_cast %swap3A_706 : vector<1x16xf32> to vector<16xf32>
            %swap3A_708 = vector.shape_cast %mul3A_703 : vector<16xf32> to vector<1x16xf32>
            tpu.vector_store %arg10[%swap3A_704, %swap3A_705], %swap3A_708 {strides = array<i32>} : memref<32x768xf32, #tpu.memory_space<vmem>>, vector<1x16xf32>,
            %get3A_709 = arith.index_cast %add3A_299 : i32 to index
            %get3A_710 = arith.constant 656 : index
            %get3A_711 = tpu.vector_load %arg10[%get3A_709, %get3A_710] {strides = array<i32>} : memref<32x768xf32, #tpu.memory_space<vmem>>, vector<1x16xf32>,
            %get3A_712 = vector.shape_cast %get3A_711 : vector<1x16xf32> to vector<16xf32>
            %mul3A_713 = arith.mulf %get3A_712, %gather3A_296 : vector<16xf32>
            %swap3A_714 = arith.index_cast %add3A_299 : i32 to index
            %swap3A_715 = arith.constant 656 : index
            %swap3A_716 = tpu.vector_load %arg10[%swap3A_714, %swap3A_715] {strides = array<i32>} : memref<32x768xf32, #tpu.memory_space<vmem>>, vector<1x16xf32>,
            %swap3A_717 = vector.shape_cast %swap3A_716 : vector<1x16xf32> to vector<16xf32>
            %swap3A_718 = vector.shape_cast %mul3A_713 : vector<16xf32> to vector<1x16xf32>
            tpu.vector_store %arg10[%swap3A_714, %swap3A_715], %swap3A_718 {strides = array<i32>} : memref<32x768xf32, #tpu.memory_space<vmem>>, vector<1x16xf32>,
            %get3A_719 = arith.index_cast %add3A_299 : i32 to index
            %get3A_720 = arith.constant 672 : index
            %get3A_721 = tpu.vector_load %arg10[%get3A_719, %get3A_720] {strides = array<i32>} : memref<32x768xf32, #tpu.memory_space<vmem>>, vector<1x16xf32>,
            %get3A_722 = vector.shape_cast %get3A_721 : vector<1x16xf32> to vector<16xf32>
            %mul3A_723 = arith.mulf %get3A_722, %gather3A_296 : vector<16xf32>
            %swap3A_724 = arith.index_cast %add3A_299 : i32 to index
            %swap3A_725 = arith.constant 672 : index
            %swap3A_726 = tpu.vector_load %arg10[%swap3A_724, %swap3A_725] {strides = array<i32>} : memref<32x768xf32, #tpu.memory_space<vmem>>, vector<1x16xf32>,
            %swap3A_727 = vector.shape_cast %swap3A_726 : vector<1x16xf32> to vector<16xf32>
            %swap3A_728 = vector.shape_cast %mul3A_723 : vector<16xf32> to vector<1x16xf32>
            tpu.vector_store %arg10[%swap3A_724, %swap3A_725], %swap3A_728 {strides = array<i32>} : memref<32x768xf32, #tpu.memory_space<vmem>>, vector<1x16xf32>,
            %get3A_729 = arith.index_cast %add3A_299 : i32 to index
            %get3A_730 = arith.constant 688 : index
            %get3A_731 = tpu.vector_load %arg10[%get3A_729, %get3A_730] {strides = array<i32>} : memref<32x768xf32, #tpu.memory_space<vmem>>, vector<1x16xf32>,
            %get3A_732 = vector.shape_cast %get3A_731 : vector<1x16xf32> to vector<16xf32>
            %mul3A_733 = arith.mulf %get3A_732, %gather3A_296 : vector<16xf32>
            %swap3A_734 = arith.index_cast %add3A_299 : i32 to index
            %swap3A_735 = arith.constant 688 : index
            %swap3A_736 = tpu.vector_load %arg10[%swap3A_734, %swap3A_735] {strides = array<i32>} : memref<32x768xf32, #tpu.memory_space<vmem>>, vector<1x16xf32>,
            %swap3A_737 = vector.shape_cast %swap3A_736 : vector<1x16xf32> to vector<16xf32>
            %swap3A_738 = vector.shape_cast %mul3A_733 : vector<16xf32> to vector<1x16xf32>
            tpu.vector_store %arg10[%swap3A_734, %swap3A_735], %swap3A_738 {strides = array<i32>} : memref<32x768xf32, #tpu.memory_space<vmem>>, vector<1x16xf32>,
            %get3A_739 = arith.index_cast %add3A_299 : i32 to index
            %get3A_740 = arith.constant 704 : index
            %get3A_741 = tpu.vector_load %arg10[%get3A_739, %get3A_740] {strides = array<i32>} : memref<32x768xf32, #tpu.memory_space<vmem>>, vector<1x16xf32>,
            %get3A_742 = vector.shape_cast %get3A_741 : vector<1x16xf32> to vector<16xf32>
            %mul3A_743 = arith.mulf %get3A_742, %gather3A_296 : vector<16xf32>
            %swap3A_744 = arith.index_cast %add3A_299 : i32 to index
            %swap3A_745 = arith.constant 704 : index
            %swap3A_746 = tpu.vector_load %arg10[%swap3A_744, %swap3A_745] {strides = array<i32>} : memref<32x768xf32, #tpu.memory_space<vmem>>, vector<1x16xf32>,
            %swap3A_747 = vector.shape_cast %swap3A_746 : vector<1x16xf32> to vector<16xf32>
            %swap3A_748 = vector.shape_cast %mul3A_743 : vector<16xf32> to vector<1x16xf32>
            tpu.vector_store %arg10[%swap3A_744, %swap3A_745], %swap3A_748 {strides = array<i32>} : memref<32x768xf32, #tpu.memory_space<vmem>>, vector<1x16xf32>,
            %get3A_749 = arith.index_cast %add3A_299 : i32 to index
            %get3A_750 = arith.constant 720 : index
            %get3A_751 = tpu.vector_load %arg10[%get3A_749, %get3A_750] {strides = array<i32>} : memref<32x768xf32, #tpu.memory_space<vmem>>, vector<1x16xf32>,
            %get3A_752 = vector.shape_cast %get3A_751 : vector<1x16xf32> to vector<16xf32>
            %mul3A_753 = arith.mulf %get3A_752, %gather3A_296 : vector<16xf32>
            %swap3A_754 = arith.index_cast %add3A_299 : i32 to index
            %swap3A_755 = arith.constant 720 : index
            %swap3A_756 = tpu.vector_load %arg10[%swap3A_754, %swap3A_755] {strides = array<i32>} : memref<32x768xf32, #tpu.memory_space<vmem>>, vector<1x16xf32>,
            %swap3A_757 = vector.shape_cast %swap3A_756 : vector<1x16xf32> to vector<16xf32>
            %swap3A_758 = vector.shape_cast %mul3A_753 : vector<16xf32> to vector<1x16xf32>
            tpu.vector_store %arg10[%swap3A_754, %swap3A_755], %swap3A_758 {strides = array<i32>} : memref<32x768xf32, #tpu.memory_space<vmem>>, vector<1x16xf32>,
            %get3A_759 = arith.index_cast %add3A_299 : i32 to index
            %get3A_760 = arith.constant 736 : index
            %get3A_761 = tpu.vector_load %arg10[%get3A_759, %get3A_760] {strides = array<i32>} : memref<32x768xf32, #tpu.memory_space<vmem>>, vector<1x16xf32>,
            %get3A_762 = vector.shape_cast %get3A_761 : vector<1x16xf32> to vector<16xf32>
            %mul3A_763 = arith.mulf %get3A_762, %gather3A_296 : vector<16xf32>
            %swap3A_764 = arith.index_cast %add3A_299 : i32 to index
            %swap3A_765 = arith.constant 736 : index
            %swap3A_766 = tpu.vector_load %arg10[%swap3A_764, %swap3A_765] {strides = array<i32>} : memref<32x768xf32, #tpu.memory_space<vmem>>, vector<1x16xf32>,
            %swap3A_767 = vector.shape_cast %swap3A_766 : vector<1x16xf32> to vector<16xf32>
            %swap3A_768 = vector.shape_cast %mul3A_763 : vector<16xf32> to vector<1x16xf32>
            tpu.vector_store %arg10[%swap3A_764, %swap3A_765], %swap3A_768 {strides = array<i32>} : memref<32x768xf32, #tpu.memory_space<vmem>>, vector<1x16xf32>,
            %get3A_769 = arith.index_cast %add3A_299 : i32 to index
            %get3A_770 = arith.constant 752 : index
            %get3A_771 = tpu.vector_load %arg10[%get3A_769, %get3A_770] {strides = array<i32>} : memref<32x768xf32, #tpu.memory_space<vmem>>, vector<1x16xf32>,
            %get3A_772 = vector.shape_cast %get3A_771 : vector<1x16xf32> to vector<16xf32>
            %mul3A_773 = arith.mulf %get3A_772, %gather3A_296 : vector<16xf32>
            %swap3A_774 = arith.index_cast %add3A_299 : i32 to index
            %swap3A_775 = arith.constant 752 : index
            %swap3A_776 = tpu.vector_load %arg10[%swap3A_774, %swap3A_775] {strides = array<i32>} : memref<32x768xf32, #tpu.memory_space<vmem>>, vector<1x16xf32>,
            %swap3A_777 = vector.shape_cast %swap3A_776 : vector<1x16xf32> to vector<16xf32>
            %swap3A_778 = vector.shape_cast %mul3A_773 : vector<16xf32> to vector<1x16xf32>
            tpu.vector_store %arg10[%swap3A_774, %swap3A_775], %swap3A_778 {strides = array<i32>} : memref<32x768xf32, #tpu.memory_space<vmem>>, vector<1x16xf32>,
            %scan3A_779 = arith.constant 0 : i32
            scf.yield %scan3A_779 : i32
          }
          %scan3A_282 = arith.constant 16 : i32
          %scan3A_283 = arith.constant 0 : i32
          scf.yield %scan3A_283 : i32
        }
        %scan3A_267 = arith.constant 2 : i32
      } else {
      }
      %mul3A_227 = arith.constant 32 : i32
      %mul3A_228 = arith.muli %add3A_213, %mul3A_227 : i32
      %add3A_229 = arith.addi %mul3A_2, %mul3A_228 : i32
      %dma_start3A_230 = arith.constant 0 : i32
      %dma_start3A_231 = tpu.memref_slice %arg5[%add3A_229, %dma_start3A_230] : memref<32768x768xf32, #tpu.memory_space<hbm>> -> memref<32x768xf32, #tpu.memory_space<hbm>>
      %dma_start3A_232 = arith.constant 0 : i32
      %dma_start3A_233 = tpu.memref_slice %arg5[%add3A_229, %dma_start3A_232] : memref<32768x768xf32, #tpu.memory_space<hbm>> -> memref<32x768xf32, #tpu.memory_space<hbm>>
      tpu.enqueue_dma source(%arg10 : memref<32x768xf32, #tpu.memory_space<vmem>>) target(%dma_start3A_233 : memref<32x768xf32, #tpu.memory_space<hbm>>) target_semaphore(%arg18 : memref<!tpu.dma_semaphore, #tpu.memory_space<semaphore_mem>>)
      %mul3A_234 = arith.constant 4 : i32
      %mul3A_235 = arith.muli %scan3A_163, %mul3A_234 : i32
      %add3A_236 = arith.constant 3 : i32
      %add3A_237 = arith.addi %mul3A_235, %add3A_236 : i32
      %lt3A_238 = arith.constant 7 : i32
      %lt3A_239 = arith.cmpi slt, %scan3A_163, %lt3A_238 : i32
      %convert_element_type3A_240 = arith.extui %lt3A_239 : i1 to i32
      %cond3A_241 = arith.constant 0 : i32
      %cond3A_242 = arith.cmpi ne, %convert_element_type3A_240, %cond3A_241 : i32
      scf.if %cond3A_242 {
        %dma_wait3A_259 = arith.constant 0 : i32
        %dma_wait3A_260 = tpu.memref_slice %arg5[%mul3A_2, %dma_wait3A_259] : memref<32768x768xf32, #tpu.memory_space<hbm>> -> memref<32x768xf32, #tpu.memory_space<hbm>>
        %dma_wait3A_261 = arith.constant 0 : i32
        %dma_wait3A_262 = tpu.memref_slice %arg5[%mul3A_2, %dma_wait3A_261] : memref<32768x768xf32, #tpu.memory_space<hbm>> -> memref<32x768xf32, #tpu.memory_space<hbm>>
        tpu.wait_dma2 semaphore(%arg17 : memref<!tpu.dma_semaphore, #tpu.memory_space<semaphore_mem>>) src(%arg9 : memref<32x768xf32, #tpu.memory_space<vmem>>) dst(%dma_wait3A_262 : memref<32x768xf32, #tpu.memory_space<hbm>>)
        %add3A_263 = arith.constant 2 : i32
        %add3A_264 = arith.addi %add3A_237, %add3A_263 : i32
        %mul3A_265 = arith.constant 32 : i32
        %mul3A_266 = arith.muli %add3A_264, %mul3A_265 : i32
        %dma_start3A_267 = tpu.memref_slice %arg6[%mul3A_266] : memref<1024xi32, #tpu.memory_space<vmem>> -> memref<32xi32, #tpu.memory_space<vmem>>
        %dma_start3A_268 = arith.constant 0 : i32
        %dma_start3A_269 = arith.constant 0 : i32
        %dma_start3A_270 = tpu.memref_slice %arg4[%dma_start3A_268, %dma_start3A_269] : memref<8192x768xf32, #tpu.memory_space<hbm>> -> memref<8192x768xf32, #tpu.memory_space<hbm>>
        tpu.enqueue_indirect_dma source(%dma_start3A_270 : memref<8192x768xf32, #tpu.memory_space<hbm>>) target(%arg9 : memref<32x768xf32, #tpu.memory_space<vmem>>) offsets(%dma_start3A_267 : memref<32xi32, #tpu.memory_space<vmem>>) semaphore(%arg13 : memref<!tpu.dma_semaphore, #tpu.memory_space<semaphore_mem>>)
      } else {
      }
      %dma_wait3A_243 = arith.constant 0 : i32
      %dma_wait3A_244 = tpu.memref_slice %arg6[%dma_wait3A_243] : memref<1024xi32, #tpu.memory_space<vmem>> -> memref<32xi32, #tpu.memory_space<vmem>>
      %dma_wait3A_245 = arith.constant 0 : i32
      %dma_wait3A_246 = arith.constant 0 : i32
      %dma_wait3A_247 = tpu.memref_slice %arg4[%dma_wait3A_245, %dma_wait3A_246] : memref<8192x768xf32, #tpu.memory_space<hbm>> -> memref<8192x768xf32, #tpu.memory_space<hbm>>
      tpu.wait_indirect_dma semaphore(%arg15 : memref<!tpu.dma_semaphore, #tpu.memory_space<semaphore_mem>>) src(%dma_wait3A_247 : memref<8192x768xf32, #tpu.memory_space<hbm>>) dst(%arg11 : memref<32x768xf32, #tpu.memory_space<vmem>>)
      %convert_element_type3A_248 = arith.extui %not3A_140 : i1 to i32
      %cond3A_249 = arith.constant 0 : i32
      %cond3A_250 = arith.cmpi ne, %convert_element_type3A_248, %cond3A_249 : i32
      scf.if %cond3A_250 {
        %mul3A_259 = arith.constant 32 : i32
        %mul3A_260 = arith.muli %add3A_237, %mul3A_259 : i32
        %scan3A_261 = arith.constant 0 : i32
        %scan3A_262 = arith.constant 0 : i32
        %scan3A_263 = arith.constant 2 : i32
        %scan3A_264 = arith.addi %scan3A_262, %scan3A_263 : i32
        %scan3A_265 = arith.constant 1 : i32
        %scan3A_266 = scf.for %scan3A_268 = %scan3A_262 to %scan3A_264 step %scan3A_265 iter_args(%scan3A_269 = %scan3A_261) -> (i32)  : i32 {
          %mul3A_270 = arith.constant 16 : i32
          %mul3A_271 = arith.muli %scan3A_268, %mul3A_270 : i32
          %add3A_272 = arith.addi %mul3A_260, %mul3A_271 : i32
          %get3A_273 = arith.index_cast %add3A_272 : i32 to index
          %get3A_274 = tpu.vector_load %arg7[%get3A_273] {strides = array<i32>} : memref<1024xf32, #tpu.memory_space<vmem>>, vector<16xf32>,
          %get3A_275 = vector.shape_cast %get3A_274 : vector<16xf32> to vector<16xf32>
          %scan3A_276 = arith.constant 0 : i32
          %scan3A_277 = arith.constant 0 : i32
          %scan3A_278 = arith.constant 16 : i32
          %scan3A_279 = arith.addi %scan3A_277, %scan3A_278 : i32
          %scan3A_280 = arith.constant 1 : i32
          %scan3A_281 = scf.for %scan3A_284 = %scan3A_277 to %scan3A_279 step %scan3A_280 iter_args(%scan3A_285 = %scan3A_276) -> (i32)  : i32 {
            %broadcast_in_dim3A_286 = vector.broadcast %scan3A_284 : i32 to vector<16xi32>
            %lt3A_287 = arith.constant 0 : i32
            %lt3A_288 = vector.broadcast %lt3A_287 : i32 to vector<16xi32>
            %lt3A_289 = arith.cmpi slt, %broadcast_in_dim3A_286, %lt3A_288 : vector<16xi32>
            %add3A_290 = arith.constant 16 : i32
            %add3A_291 = vector.broadcast %add3A_290 : i32 to vector<16xi32>
            %add3A_292 = arith.addi %broadcast_in_dim3A_286, %add3A_291 : vector<16xi32>
            %select_n3A_293 = arith.select %lt3A_289, %add3A_292, %broadcast_in_dim3A_286 : vector<16xi1>, vector<16xi32>
            %broadcast_in_dim3A_294 = vector.shape_cast %select_n3A_293 : vector<16xi32> to vector<16x1xi32>
            %gather3A_295 = vector.shape_cast %broadcast_in_dim3A_294 : vector<16x1xi32> to vector<16xi32>
            %gather3A_296 = tpu.dynamic_gather %get3A_275[%gather3A_295] in [0] : vector<16xf32>, vector<16xi32> -> vector<16xf32>
            %mul3A_297 = arith.constant 16 : i32
            %mul3A_298 = arith.muli %scan3A_268, %mul3A_297 : i32
            %add3A_299 = arith.addi %mul3A_298, %scan3A_284 : i32
            %get3A_300 = arith.index_cast %add3A_299 : i32 to index
            %get3A_301 = arith.constant 0 : index
            %get3A_302 = tpu.vector_load %arg11[%get3A_300, %get3A_301] {strides = array<i32>} : memref<32x768xf32, #tpu.memory_space<vmem>>, vector<1x16xf32>,
            %get3A_303 = vector.shape_cast %get3A_302 : vector<1x16xf32> to vector<16xf32>
            %mul3A_304 = arith.mulf %get3A_303, %gather3A_296 : vector<16xf32>
            %swap3A = arith.index_cast %add3A_299 : i32 to index
            %swap3A_305 = arith.constant 0 : index
            %swap3A_306 = tpu.vector_load %arg11[%swap3A, %swap3A_305] {strides = array<i32>} : memref<32x768xf32, #tpu.memory_space<vmem>>, vector<1x16xf32>,
            %swap3A_307 = vector.shape_cast %swap3A_306 : vector<1x16xf32> to vector<16xf32>
            %swap3A_308 = vector.shape_cast %mul3A_304 : vector<16xf32> to vector<1x16xf32>
            tpu.vector_store %arg11[%swap3A, %swap3A_305], %swap3A_308 {strides = array<i32>} : memref<32x768xf32, #tpu.memory_space<vmem>>, vector<1x16xf32>,
            %get3A_309 = arith.index_cast %add3A_299 : i32 to index
            %get3A_310 = arith.constant 16 : index
            %get3A_311 = tpu.vector_load %arg11[%get3A_309, %get3A_310] {strides = array<i32>} : memref<32x768xf32, #tpu.memory_space<vmem>>, vector<1x16xf32>,
            %get3A_312 = vector.shape_cast %get3A_311 : vector<1x16xf32> to vector<16xf32>
            %mul3A_313 = arith.mulf %get3A_312, %gather3A_296 : vector<16xf32>
            %swap3A_314 = arith.index_cast %add3A_299 : i32 to index
            %swap3A_315 = arith.constant 16 : index
            %swap3A_316 = tpu.vector_load %arg11[%swap3A_314, %swap3A_315] {strides = array<i32>} : memref<32x768xf32, #tpu.memory_space<vmem>>, vector<1x16xf32>,
            %swap3A_317 = vector.shape_cast %swap3A_316 : vector<1x16xf32> to vector<16xf32>
            %swap3A_318 = vector.shape_cast %mul3A_313 : vector<16xf32> to vector<1x16xf32>
            tpu.vector_store %arg11[%swap3A_314, %swap3A_315], %swap3A_318 {strides = array<i32>} : memref<32x768xf32, #tpu.memory_space<vmem>>, vector<1x16xf32>,
            %get3A_319 = arith.index_cast %add3A_299 : i32 to index
            %get3A_320 = arith.constant 32 : index
            %get3A_321 = tpu.vector_load %arg11[%get3A_319, %get3A_320] {strides = array<i32>} : memref<32x768xf32, #tpu.memory_space<vmem>>, vector<1x16xf32>,
            %get3A_322 = vector.shape_cast %get3A_321 : vector<1x16xf32> to vector<16xf32>
            %mul3A_323 = arith.mulf %get3A_322, %gather3A_296 : vector<16xf32>
            %swap3A_324 = arith.index_cast %add3A_299 : i32 to index
            %swap3A_325 = arith.constant 32 : index
            %swap3A_326 = tpu.vector_load %arg11[%swap3A_324, %swap3A_325] {strides = array<i32>} : memref<32x768xf32, #tpu.memory_space<vmem>>, vector<1x16xf32>,
            %swap3A_327 = vector.shape_cast %swap3A_326 : vector<1x16xf32> to vector<16xf32>
            %swap3A_328 = vector.shape_cast %mul3A_323 : vector<16xf32> to vector<1x16xf32>
            tpu.vector_store %arg11[%swap3A_324, %swap3A_325], %swap3A_328 {strides = array<i32>} : memref<32x768xf32, #tpu.memory_space<vmem>>, vector<1x16xf32>,
            %get3A_329 = arith.index_cast %add3A_299 : i32 to index
            %get3A_330 = arith.constant 48 : index
            %get3A_331 = tpu.vector_load %arg11[%get3A_329, %get3A_330] {strides = array<i32>} : memref<32x768xf32, #tpu.memory_space<vmem>>, vector<1x16xf32>,
            %get3A_332 = vector.shape_cast %get3A_331 : vector<1x16xf32> to vector<16xf32>
            %mul3A_333 = arith.mulf %get3A_332, %gather3A_296 : vector<16xf32>
            %swap3A_334 = arith.index_cast %add3A_299 : i32 to index
            %swap3A_335 = arith.constant 48 : index
            %swap3A_336 = tpu.vector_load %arg11[%swap3A_334, %swap3A_335] {strides = array<i32>} : memref<32x768xf32, #tpu.memory_space<vmem>>, vector<1x16xf32>,
            %swap3A_337 = vector.shape_cast %swap3A_336 : vector<1x16xf32> to vector<16xf32>
            %swap3A_338 = vector.shape_cast %mul3A_333 : vector<16xf32> to vector<1x16xf32>
            tpu.vector_store %arg11[%swap3A_334, %swap3A_335], %swap3A_338 {strides = array<i32>} : memref<32x768xf32, #tpu.memory_space<vmem>>, vector<1x16xf32>,
            %get3A_339 = arith.index_cast %add3A_299 : i32 to index
            %get3A_340 = arith.constant 64 : index
            %get3A_341 = tpu.vector_load %arg11[%get3A_339, %get3A_340] {strides = array<i32>} : memref<32x768xf32, #tpu.memory_space<vmem>>, vector<1x16xf32>,
            %get3A_342 = vector.shape_cast %get3A_341 : vector<1x16xf32> to vector<16xf32>
            %mul3A_343 = arith.mulf %get3A_342, %gather3A_296 : vector<16xf32>
            %swap3A_344 = arith.index_cast %add3A_299 : i32 to index
            %swap3A_345 = arith.constant 64 : index
            %swap3A_346 = tpu.vector_load %arg11[%swap3A_344, %swap3A_345] {strides = array<i32>} : memref<32x768xf32, #tpu.memory_space<vmem>>, vector<1x16xf32>,
            %swap3A_347 = vector.shape_cast %swap3A_346 : vector<1x16xf32> to vector<16xf32>
            %swap3A_348 = vector.shape_cast %mul3A_343 : vector<16xf32> to vector<1x16xf32>
            tpu.vector_store %arg11[%swap3A_344, %swap3A_345], %swap3A_348 {strides = array<i32>} : memref<32x768xf32, #tpu.memory_space<vmem>>, vector<1x16xf32>,
            %get3A_349 = arith.index_cast %add3A_299 : i32 to index
            %get3A_350 = arith.constant 80 : index
            %get3A_351 = tpu.vector_load %arg11[%get3A_349, %get3A_350] {strides = array<i32>} : memref<32x768xf32, #tpu.memory_space<vmem>>, vector<1x16xf32>,
            %get3A_352 = vector.shape_cast %get3A_351 : vector<1x16xf32> to vector<16xf32>
            %mul3A_353 = arith.mulf %get3A_352, %gather3A_296 : vector<16xf32>
            %swap3A_354 = arith.index_cast %add3A_299 : i32 to index
            %swap3A_355 = arith.constant 80 : index
            %swap3A_356 = tpu.vector_load %arg11[%swap3A_354, %swap3A_355] {strides = array<i32>} : memref<32x768xf32, #tpu.memory_space<vmem>>, vector<1x16xf32>,
            %swap3A_357 = vector.shape_cast %swap3A_356 : vector<1x16xf32> to vector<16xf32>
            %swap3A_358 = vector.shape_cast %mul3A_353 : vector<16xf32> to vector<1x16xf32>
            tpu.vector_store %arg11[%swap3A_354, %swap3A_355], %swap3A_358 {strides = array<i32>} : memref<32x768xf32, #tpu.memory_space<vmem>>, vector<1x16xf32>,
            %get3A_359 = arith.index_cast %add3A_299 : i32 to index
            %get3A_360 = arith.constant 96 : index
            %get3A_361 = tpu.vector_load %arg11[%get3A_359, %get3A_360] {strides = array<i32>} : memref<32x768xf32, #tpu.memory_space<vmem>>, vector<1x16xf32>,
            %get3A_362 = vector.shape_cast %get3A_361 : vector<1x16xf32> to vector<16xf32>
            %mul3A_363 = arith.mulf %get3A_362, %gather3A_296 : vector<16xf32>
            %swap3A_364 = arith.index_cast %add3A_299 : i32 to index
            %swap3A_365 = arith.constant 96 : index
            %swap3A_366 = tpu.vector_load %arg11[%swap3A_364, %swap3A_365] {strides = array<i32>} : memref<32x768xf32, #tpu.memory_space<vmem>>, vector<1x16xf32>,
            %swap3A_367 = vector.shape_cast %swap3A_366 : vector<1x16xf32> to vector<16xf32>
            %swap3A_368 = vector.shape_cast %mul3A_363 : vector<16xf32> to vector<1x16xf32>
            tpu.vector_store %arg11[%swap3A_364, %swap3A_365], %swap3A_368 {strides = array<i32>} : memref<32x768xf32, #tpu.memory_space<vmem>>, vector<1x16xf32>,
            %get3A_369 = arith.index_cast %add3A_299 : i32 to index
            %get3A_370 = arith.constant 112 : index
            %get3A_371 = tpu.vector_load %arg11[%get3A_369, %get3A_370] {strides = array<i32>} : memref<32x768xf32, #tpu.memory_space<vmem>>, vector<1x16xf32>,
            %get3A_372 = vector.shape_cast %get3A_371 : vector<1x16xf32> to vector<16xf32>
            %mul3A_373 = arith.mulf %get3A_372, %gather3A_296 : vector<16xf32>
            %swap3A_374 = arith.index_cast %add3A_299 : i32 to index
            %swap3A_375 = arith.constant 112 : index
            %swap3A_376 = tpu.vector_load %arg11[%swap3A_374, %swap3A_375] {strides = array<i32>} : memref<32x768xf32, #tpu.memory_space<vmem>>, vector<1x16xf32>,
            %swap3A_377 = vector.shape_cast %swap3A_376 : vector<1x16xf32> to vector<16xf32>
            %swap3A_378 = vector.shape_cast %mul3A_373 : vector<16xf32> to vector<1x16xf32>
            tpu.vector_store %arg11[%swap3A_374, %swap3A_375], %swap3A_378 {strides = array<i32>} : memref<32x768xf32, #tpu.memory_space<vmem>>, vector<1x16xf32>,
            %get3A_379 = arith.index_cast %add3A_299 : i32 to index
            %get3A_380 = arith.constant 128 : index
            %get3A_381 = tpu.vector_load %arg11[%get3A_379, %get3A_380] {strides = array<i32>} : memref<32x768xf32, #tpu.memory_space<vmem>>, vector<1x16xf32>,
            %get3A_382 = vector.shape_cast %get3A_381 : vector<1x16xf32> to vector<16xf32>
            %mul3A_383 = arith.mulf %get3A_382, %gather3A_296 : vector<16xf32>
            %swap3A_384 = arith.index_cast %add3A_299 : i32 to index
            %swap3A_385 = arith.constant 128 : index
            %swap3A_386 = tpu.vector_load %arg11[%swap3A_384, %swap3A_385] {strides = array<i32>} : memref<32x768xf32, #tpu.memory_space<vmem>>, vector<1x16xf32>,
            %swap3A_387 = vector.shape_cast %swap3A_386 : vector<1x16xf32> to vector<16xf32>
            %swap3A_388 = vector.shape_cast %mul3A_383 : vector<16xf32> to vector<1x16xf32>
            tpu.vector_store %arg11[%swap3A_384, %swap3A_385], %swap3A_388 {strides = array<i32>} : memref<32x768xf32, #tpu.memory_space<vmem>>, vector<1x16xf32>,
            %get3A_389 = arith.index_cast %add3A_299 : i32 to index
            %get3A_390 = arith.constant 144 : index
            %get3A_391 = tpu.vector_load %arg11[%get3A_389, %get3A_390] {strides = array<i32>} : memref<32x768xf32, #tpu.memory_space<vmem>>, vector<1x16xf32>,
            %get3A_392 = vector.shape_cast %get3A_391 : vector<1x16xf32> to vector<16xf32>
            %mul3A_393 = arith.mulf %get3A_392, %gather3A_296 : vector<16xf32>
            %swap3A_394 = arith.index_cast %add3A_299 : i32 to index
            %swap3A_395 = arith.constant 144 : index
            %swap3A_396 = tpu.vector_load %arg11[%swap3A_394, %swap3A_395] {strides = array<i32>} : memref<32x768xf32, #tpu.memory_space<vmem>>, vector<1x16xf32>,
            %swap3A_397 = vector.shape_cast %swap3A_396 : vector<1x16xf32> to vector<16xf32>
            %swap3A_398 = vector.shape_cast %mul3A_393 : vector<16xf32> to vector<1x16xf32>
            tpu.vector_store %arg11[%swap3A_394, %swap3A_395], %swap3A_398 {strides = array<i32>} : memref<32x768xf32, #tpu.memory_space<vmem>>, vector<1x16xf32>,
            %get3A_399 = arith.index_cast %add3A_299 : i32 to index
            %get3A_400 = arith.constant 160 : index
            %get3A_401 = tpu.vector_load %arg11[%get3A_399, %get3A_400] {strides = array<i32>} : memref<32x768xf32, #tpu.memory_space<vmem>>, vector<1x16xf32>,
            %get3A_402 = vector.shape_cast %get3A_401 : vector<1x16xf32> to vector<16xf32>
            %mul3A_403 = arith.mulf %get3A_402, %gather3A_296 : vector<16xf32>
            %swap3A_404 = arith.index_cast %add3A_299 : i32 to index
            %swap3A_405 = arith.constant 160 : index
            %swap3A_406 = tpu.vector_load %arg11[%swap3A_404, %swap3A_405] {strides = array<i32>} : memref<32x768xf32, #tpu.memory_space<vmem>>, vector<1x16xf32>,
            %swap3A_407 = vector.shape_cast %swap3A_406 : vector<1x16xf32> to vector<16xf32>
            %swap3A_408 = vector.shape_cast %mul3A_403 : vector<16xf32> to vector<1x16xf32>
            tpu.vector_store %arg11[%swap3A_404, %swap3A_405], %swap3A_408 {strides = array<i32>} : memref<32x768xf32, #tpu.memory_space<vmem>>, vector<1x16xf32>,
            %get3A_409 = arith.index_cast %add3A_299 : i32 to index
            %get3A_410 = arith.constant 176 : index
            %get3A_411 = tpu.vector_load %arg11[%get3A_409, %get3A_410] {strides = array<i32>} : memref<32x768xf32, #tpu.memory_space<vmem>>, vector<1x16xf32>,
            %get3A_412 = vector.shape_cast %get3A_411 : vector<1x16xf32> to vector<16xf32>
            %mul3A_413 = arith.mulf %get3A_412, %gather3A_296 : vector<16xf32>
            %swap3A_414 = arith.index_cast %add3A_299 : i32 to index
            %swap3A_415 = arith.constant 176 : index
            %swap3A_416 = tpu.vector_load %arg11[%swap3A_414, %swap3A_415] {strides = array<i32>} : memref<32x768xf32, #tpu.memory_space<vmem>>, vector<1x16xf32>,
            %swap3A_417 = vector.shape_cast %swap3A_416 : vector<1x16xf32> to vector<16xf32>
            %swap3A_418 = vector.shape_cast %mul3A_413 : vector<16xf32> to vector<1x16xf32>
            tpu.vector_store %arg11[%swap3A_414, %swap3A_415], %swap3A_418 {strides = array<i32>} : memref<32x768xf32, #tpu.memory_space<vmem>>, vector<1x16xf32>,
            %get3A_419 = arith.index_cast %add3A_299 : i32 to index
            %get3A_420 = arith.constant 192 : index
            %get3A_421 = tpu.vector_load %arg11[%get3A_419, %get3A_420] {strides = array<i32>} : memref<32x768xf32, #tpu.memory_space<vmem>>, vector<1x16xf32>,
            %get3A_422 = vector.shape_cast %get3A_421 : vector<1x16xf32> to vector<16xf32>
            %mul3A_423 = arith.mulf %get3A_422, %gather3A_296 : vector<16xf32>
            %swap3A_424 = arith.index_cast %add3A_299 : i32 to index
            %swap3A_425 = arith.constant 192 : index
            %swap3A_426 = tpu.vector_load %arg11[%swap3A_424, %swap3A_425] {strides = array<i32>} : memref<32x768xf32, #tpu.memory_space<vmem>>, vector<1x16xf32>,
            %swap3A_427 = vector.shape_cast %swap3A_426 : vector<1x16xf32> to vector<16xf32>
            %swap3A_428 = vector.shape_cast %mul3A_423 : vector<16xf32> to vector<1x16xf32>
            tpu.vector_store %arg11[%swap3A_424, %swap3A_425], %swap3A_428 {strides = array<i32>} : memref<32x768xf32, #tpu.memory_space<vmem>>, vector<1x16xf32>,
            %get3A_429 = arith.index_cast %add3A_299 : i32 to index
            %get3A_430 = arith.constant 208 : index
            %get3A_431 = tpu.vector_load %arg11[%get3A_429, %get3A_430] {strides = array<i32>} : memref<32x768xf32, #tpu.memory_space<vmem>>, vector<1x16xf32>,
            %get3A_432 = vector.shape_cast %get3A_431 : vector<1x16xf32> to vector<16xf32>
            %mul3A_433 = arith.mulf %get3A_432, %gather3A_296 : vector<16xf32>
            %swap3A_434 = arith.index_cast %add3A_299 : i32 to index
            %swap3A_435 = arith.constant 208 : index
            %swap3A_436 = tpu.vector_load %arg11[%swap3A_434, %swap3A_435] {strides = array<i32>} : memref<32x768xf32, #tpu.memory_space<vmem>>, vector<1x16xf32>,
            %swap3A_437 = vector.shape_cast %swap3A_436 : vector<1x16xf32> to vector<16xf32>
            %swap3A_438 = vector.shape_cast %mul3A_433 : vector<16xf32> to vector<1x16xf32>
            tpu.vector_store %arg11[%swap3A_434, %swap3A_435], %swap3A_438 {strides = array<i32>} : memref<32x768xf32, #tpu.memory_space<vmem>>, vector<1x16xf32>,
            %get3A_439 = arith.index_cast %add3A_299 : i32 to index
            %get3A_440 = arith.constant 224 : index
            %get3A_441 = tpu.vector_load %arg11[%get3A_439, %get3A_440] {strides = array<i32>} : memref<32x768xf32, #tpu.memory_space<vmem>>, vector<1x16xf32>,
            %get3A_442 = vector.shape_cast %get3A_441 : vector<1x16xf32> to vector<16xf32>
            %mul3A_443 = arith.mulf %get3A_442, %gather3A_296 : vector<16xf32>
            %swap3A_444 = arith.index_cast %add3A_299 : i32 to index
            %swap3A_445 = arith.constant 224 : index
            %swap3A_446 = tpu.vector_load %arg11[%swap3A_444, %swap3A_445] {strides = array<i32>} : memref<32x768xf32, #tpu.memory_space<vmem>>, vector<1x16xf32>,
            %swap3A_447 = vector.shape_cast %swap3A_446 : vector<1x16xf32> to vector<16xf32>
            %swap3A_448 = vector.shape_cast %mul3A_443 : vector<16xf32> to vector<1x16xf32>
            tpu.vector_store %arg11[%swap3A_444, %swap3A_445], %swap3A_448 {strides = array<i32>} : memref<32x768xf32, #tpu.memory_space<vmem>>, vector<1x16xf32>,
            %get3A_449 = arith.index_cast %add3A_299 : i32 to index
            %get3A_450 = arith.constant 240 : index
            %get3A_451 = tpu.vector_load %arg11[%get3A_449, %get3A_450] {strides = array<i32>} : memref<32x768xf32, #tpu.memory_space<vmem>>, vector<1x16xf32>,
            %get3A_452 = vector.shape_cast %get3A_451 : vector<1x16xf32> to vector<16xf32>
            %mul3A_453 = arith.mulf %get3A_452, %gather3A_296 : vector<16xf32>
            %swap3A_454 = arith.index_cast %add3A_299 : i32 to index
            %swap3A_455 = arith.constant 240 : index
            %swap3A_456 = tpu.vector_load %arg11[%swap3A_454, %swap3A_455] {strides = array<i32>} : memref<32x768xf32, #tpu.memory_space<vmem>>, vector<1x16xf32>,
            %swap3A_457 = vector.shape_cast %swap3A_456 : vector<1x16xf32> to vector<16xf32>
            %swap3A_458 = vector.shape_cast %mul3A_453 : vector<16xf32> to vector<1x16xf32>
            tpu.vector_store %arg11[%swap3A_454, %swap3A_455], %swap3A_458 {strides = array<i32>} : memref<32x768xf32, #tpu.memory_space<vmem>>, vector<1x16xf32>,
            %get3A_459 = arith.index_cast %add3A_299 : i32 to index
            %get3A_460 = arith.constant 256 : index
            %get3A_461 = tpu.vector_load %arg11[%get3A_459, %get3A_460] {strides = array<i32>} : memref<32x768xf32, #tpu.memory_space<vmem>>, vector<1x16xf32>,
            %get3A_462 = vector.shape_cast %get3A_461 : vector<1x16xf32> to vector<16xf32>
            %mul3A_463 = arith.mulf %get3A_462, %gather3A_296 : vector<16xf32>
            %swap3A_464 = arith.index_cast %add3A_299 : i32 to index
            %swap3A_465 = arith.constant 256 : index
            %swap3A_466 = tpu.vector_load %arg11[%swap3A_464, %swap3A_465] {strides = array<i32>} : memref<32x768xf32, #tpu.memory_space<vmem>>, vector<1x16xf32>,
            %swap3A_467 = vector.shape_cast %swap3A_466 : vector<1x16xf32> to vector<16xf32>
            %swap3A_468 = vector.shape_cast %mul3A_463 : vector<16xf32> to vector<1x16xf32>
            tpu.vector_store %arg11[%swap3A_464, %swap3A_465], %swap3A_468 {strides = array<i32>} : memref<32x768xf32, #tpu.memory_space<vmem>>, vector<1x16xf32>,
            %get3A_469 = arith.index_cast %add3A_299 : i32 to index
            %get3A_470 = arith.constant 272 : index
            %get3A_471 = tpu.vector_load %arg11[%get3A_469, %get3A_470] {strides = array<i32>} : memref<32x768xf32, #tpu.memory_space<vmem>>, vector<1x16xf32>,
            %get3A_472 = vector.shape_cast %get3A_471 : vector<1x16xf32> to vector<16xf32>
            %mul3A_473 = arith.mulf %get3A_472, %gather3A_296 : vector<16xf32>
            %swap3A_474 = arith.index_cast %add3A_299 : i32 to index
            %swap3A_475 = arith.constant 272 : index
            %swap3A_476 = tpu.vector_load %arg11[%swap3A_474, %swap3A_475] {strides = array<i32>} : memref<32x768xf32, #tpu.memory_space<vmem>>, vector<1x16xf32>,
            %swap3A_477 = vector.shape_cast %swap3A_476 : vector<1x16xf32> to vector<16xf32>
            %swap3A_478 = vector.shape_cast %mul3A_473 : vector<16xf32> to vector<1x16xf32>
            tpu.vector_store %arg11[%swap3A_474, %swap3A_475], %swap3A_478 {strides = array<i32>} : memref<32x768xf32, #tpu.memory_space<vmem>>, vector<1x16xf32>,
            %get3A_479 = arith.index_cast %add3A_299 : i32 to index
            %get3A_480 = arith.constant 288 : index
            %get3A_481 = tpu.vector_load %arg11[%get3A_479, %get3A_480] {strides = array<i32>} : memref<32x768xf32, #tpu.memory_space<vmem>>, vector<1x16xf32>,
            %get3A_482 = vector.shape_cast %get3A_481 : vector<1x16xf32> to vector<16xf32>
            %mul3A_483 = arith.mulf %get3A_482, %gather3A_296 : vector<16xf32>
            %swap3A_484 = arith.index_cast %add3A_299 : i32 to index
            %swap3A_485 = arith.constant 288 : index
            %swap3A_486 = tpu.vector_load %arg11[%swap3A_484, %swap3A_485] {strides = array<i32>} : memref<32x768xf32, #tpu.memory_space<vmem>>, vector<1x16xf32>,
            %swap3A_487 = vector.shape_cast %swap3A_486 : vector<1x16xf32> to vector<16xf32>
            %swap3A_488 = vector.shape_cast %mul3A_483 : vector<16xf32> to vector<1x16xf32>
            tpu.vector_store %arg11[%swap3A_484, %swap3A_485], %swap3A_488 {strides = array<i32>} : memref<32x768xf32, #tpu.memory_space<vmem>>, vector<1x16xf32>,
            %get3A_489 = arith.index_cast %add3A_299 : i32 to index
            %get3A_490 = arith.constant 304 : index
            %get3A_491 = tpu.vector_load %arg11[%get3A_489, %get3A_490] {strides = array<i32>} : memref<32x768xf32, #tpu.memory_space<vmem>>, vector<1x16xf32>,
            %get3A_492 = vector.shape_cast %get3A_491 : vector<1x16xf32> to vector<16xf32>
            %mul3A_493 = arith.mulf %get3A_492, %gather3A_296 : vector<16xf32>
            %swap3A_494 = arith.index_cast %add3A_299 : i32 to index
            %swap3A_495 = arith.constant 304 : index
            %swap3A_496 = tpu.vector_load %arg11[%swap3A_494, %swap3A_495] {strides = array<i32>} : memref<32x768xf32, #tpu.memory_space<vmem>>, vector<1x16xf32>,
            %swap3A_497 = vector.shape_cast %swap3A_496 : vector<1x16xf32> to vector<16xf32>
            %swap3A_498 = vector.shape_cast %mul3A_493 : vector<16xf32> to vector<1x16xf32>
            tpu.vector_store %arg11[%swap3A_494, %swap3A_495], %swap3A_498 {strides = array<i32>} : memref<32x768xf32, #tpu.memory_space<vmem>>, vector<1x16xf32>,
            %get3A_499 = arith.index_cast %add3A_299 : i32 to index
            %get3A_500 = arith.constant 320 : index
            %get3A_501 = tpu.vector_load %arg11[%get3A_499, %get3A_500] {strides = array<i32>} : memref<32x768xf32, #tpu.memory_space<vmem>>, vector<1x16xf32>,
            %get3A_502 = vector.shape_cast %get3A_501 : vector<1x16xf32> to vector<16xf32>
            %mul3A_503 = arith.mulf %get3A_502, %gather3A_296 : vector<16xf32>
            %swap3A_504 = arith.index_cast %add3A_299 : i32 to index
            %swap3A_505 = arith.constant 320 : index
            %swap3A_506 = tpu.vector_load %arg11[%swap3A_504, %swap3A_505] {strides = array<i32>} : memref<32x768xf32, #tpu.memory_space<vmem>>, vector<1x16xf32>,
            %swap3A_507 = vector.shape_cast %swap3A_506 : vector<1x16xf32> to vector<16xf32>
            %swap3A_508 = vector.shape_cast %mul3A_503 : vector<16xf32> to vector<1x16xf32>
            tpu.vector_store %arg11[%swap3A_504, %swap3A_505], %swap3A_508 {strides = array<i32>} : memref<32x768xf32, #tpu.memory_space<vmem>>, vector<1x16xf32>,
            %get3A_509 = arith.index_cast %add3A_299 : i32 to index
            %get3A_510 = arith.constant 336 : index
            %get3A_511 = tpu.vector_load %arg11[%get3A_509, %get3A_510] {strides = array<i32>} : memref<32x768xf32, #tpu.memory_space<vmem>>, vector<1x16xf32>,
            %get3A_512 = vector.shape_cast %get3A_511 : vector<1x16xf32> to vector<16xf32>
            %mul3A_513 = arith.mulf %get3A_512, %gather3A_296 : vector<16xf32>
            %swap3A_514 = arith.index_cast %add3A_299 : i32 to index
            %swap3A_515 = arith.constant 336 : index
            %swap3A_516 = tpu.vector_load %arg11[%swap3A_514, %swap3A_515] {strides = array<i32>} : memref<32x768xf32, #tpu.memory_space<vmem>>, vector<1x16xf32>,
            %swap3A_517 = vector.shape_cast %swap3A_516 : vector<1x16xf32> to vector<16xf32>
            %swap3A_518 = vector.shape_cast %mul3A_513 : vector<16xf32> to vector<1x16xf32>
            tpu.vector_store %arg11[%swap3A_514, %swap3A_515], %swap3A_518 {strides = array<i32>} : memref<32x768xf32, #tpu.memory_space<vmem>>, vector<1x16xf32>,
            %get3A_519 = arith.index_cast %add3A_299 : i32 to index
            %get3A_520 = arith.constant 352 : index
            %get3A_521 = tpu.vector_load %arg11[%get3A_519, %get3A_520] {strides = array<i32>} : memref<32x768xf32, #tpu.memory_space<vmem>>, vector<1x16xf32>,
            %get3A_522 = vector.shape_cast %get3A_521 : vector<1x16xf32> to vector<16xf32>
            %mul3A_523 = arith.mulf %get3A_522, %gather3A_296 : vector<16xf32>
            %swap3A_524 = arith.index_cast %add3A_299 : i32 to index
            %swap3A_525 = arith.constant 352 : index
            %swap3A_526 = tpu.vector_load %arg11[%swap3A_524, %swap3A_525] {strides = array<i32>} : memref<32x768xf32, #tpu.memory_space<vmem>>, vector<1x16xf32>,
            %swap3A_527 = vector.shape_cast %swap3A_526 : vector<1x16xf32> to vector<16xf32>
            %swap3A_528 = vector.shape_cast %mul3A_523 : vector<16xf32> to vector<1x16xf32>
            tpu.vector_store %arg11[%swap3A_524, %swap3A_525], %swap3A_528 {strides = array<i32>} : memref<32x768xf32, #tpu.memory_space<vmem>>, vector<1x16xf32>,
            %get3A_529 = arith.index_cast %add3A_299 : i32 to index
            %get3A_530 = arith.constant 368 : index
            %get3A_531 = tpu.vector_load %arg11[%get3A_529, %get3A_530] {strides = array<i32>} : memref<32x768xf32, #tpu.memory_space<vmem>>, vector<1x16xf32>,
            %get3A_532 = vector.shape_cast %get3A_531 : vector<1x16xf32> to vector<16xf32>
            %mul3A_533 = arith.mulf %get3A_532, %gather3A_296 : vector<16xf32>
            %swap3A_534 = arith.index_cast %add3A_299 : i32 to index
            %swap3A_535 = arith.constant 368 : index
            %swap3A_536 = tpu.vector_load %arg11[%swap3A_534, %swap3A_535] {strides = array<i32>} : memref<32x768xf32, #tpu.memory_space<vmem>>, vector<1x16xf32>,
            %swap3A_537 = vector.shape_cast %swap3A_536 : vector<1x16xf32> to vector<16xf32>
            %swap3A_538 = vector.shape_cast %mul3A_533 : vector<16xf32> to vector<1x16xf32>
            tpu.vector_store %arg11[%swap3A_534, %swap3A_535], %swap3A_538 {strides = array<i32>} : memref<32x768xf32, #tpu.memory_space<vmem>>, vector<1x16xf32>,
            %get3A_539 = arith.index_cast %add3A_299 : i32 to index
            %get3A_540 = arith.constant 384 : index
            %get3A_541 = tpu.vector_load %arg11[%get3A_539, %get3A_540] {strides = array<i32>} : memref<32x768xf32, #tpu.memory_space<vmem>>, vector<1x16xf32>,
            %get3A_542 = vector.shape_cast %get3A_541 : vector<1x16xf32> to vector<16xf32>
            %mul3A_543 = arith.mulf %get3A_542, %gather3A_296 : vector<16xf32>
            %swap3A_544 = arith.index_cast %add3A_299 : i32 to index
            %swap3A_545 = arith.constant 384 : index
            %swap3A_546 = tpu.vector_load %arg11[%swap3A_544, %swap3A_545] {strides = array<i32>} : memref<32x768xf32, #tpu.memory_space<vmem>>, vector<1x16xf32>,
            %swap3A_547 = vector.shape_cast %swap3A_546 : vector<1x16xf32> to vector<16xf32>
            %swap3A_548 = vector.shape_cast %mul3A_543 : vector<16xf32> to vector<1x16xf32>
            tpu.vector_store %arg11[%swap3A_544, %swap3A_545], %swap3A_548 {strides = array<i32>} : memref<32x768xf32, #tpu.memory_space<vmem>>, vector<1x16xf32>,
            %get3A_549 = arith.index_cast %add3A_299 : i32 to index
            %get3A_550 = arith.constant 400 : index
            %get3A_551 = tpu.vector_load %arg11[%get3A_549, %get3A_550] {strides = array<i32>} : memref<32x768xf32, #tpu.memory_space<vmem>>, vector<1x16xf32>,
            %get3A_552 = vector.shape_cast %get3A_551 : vector<1x16xf32> to vector<16xf32>
            %mul3A_553 = arith.mulf %get3A_552, %gather3A_296 : vector<16xf32>
            %swap3A_554 = arith.index_cast %add3A_299 : i32 to index
            %swap3A_555 = arith.constant 400 : index
            %swap3A_556 = tpu.vector_load %arg11[%swap3A_554, %swap3A_555] {strides = array<i32>} : memref<32x768xf32, #tpu.memory_space<vmem>>, vector<1x16xf32>,
            %swap3A_557 = vector.shape_cast %swap3A_556 : vector<1x16xf32> to vector<16xf32>
            %swap3A_558 = vector.shape_cast %mul3A_553 : vector<16xf32> to vector<1x16xf32>
            tpu.vector_store %arg11[%swap3A_554, %swap3A_555], %swap3A_558 {strides = array<i32>} : memref<32x768xf32, #tpu.memory_space<vmem>>, vector<1x16xf32>,
            %get3A_559 = arith.index_cast %add3A_299 : i32 to index
            %get3A_560 = arith.constant 416 : index
            %get3A_561 = tpu.vector_load %arg11[%get3A_559, %get3A_560] {strides = array<i32>} : memref<32x768xf32, #tpu.memory_space<vmem>>, vector<1x16xf32>,
            %get3A_562 = vector.shape_cast %get3A_561 : vector<1x16xf32> to vector<16xf32>
            %mul3A_563 = arith.mulf %get3A_562, %gather3A_296 : vector<16xf32>
            %swap3A_564 = arith.index_cast %add3A_299 : i32 to index
            %swap3A_565 = arith.constant 416 : index
            %swap3A_566 = tpu.vector_load %arg11[%swap3A_564, %swap3A_565] {strides = array<i32>} : memref<32x768xf32, #tpu.memory_space<vmem>>, vector<1x16xf32>,
            %swap3A_567 = vector.shape_cast %swap3A_566 : vector<1x16xf32> to vector<16xf32>
            %swap3A_568 = vector.shape_cast %mul3A_563 : vector<16xf32> to vector<1x16xf32>
            tpu.vector_store %arg11[%swap3A_564, %swap3A_565], %swap3A_568 {strides = array<i32>} : memref<32x768xf32, #tpu.memory_space<vmem>>, vector<1x16xf32>,
            %get3A_569 = arith.index_cast %add3A_299 : i32 to index
            %get3A_570 = arith.constant 432 : index
            %get3A_571 = tpu.vector_load %arg11[%get3A_569, %get3A_570] {strides = array<i32>} : memref<32x768xf32, #tpu.memory_space<vmem>>, vector<1x16xf32>,
            %get3A_572 = vector.shape_cast %get3A_571 : vector<1x16xf32> to vector<16xf32>
            %mul3A_573 = arith.mulf %get3A_572, %gather3A_296 : vector<16xf32>
            %swap3A_574 = arith.index_cast %add3A_299 : i32 to index
            %swap3A_575 = arith.constant 432 : index
            %swap3A_576 = tpu.vector_load %arg11[%swap3A_574, %swap3A_575] {strides = array<i32>} : memref<32x768xf32, #tpu.memory_space<vmem>>, vector<1x16xf32>,
            %swap3A_577 = vector.shape_cast %swap3A_576 : vector<1x16xf32> to vector<16xf32>
            %swap3A_578 = vector.shape_cast %mul3A_573 : vector<16xf32> to vector<1x16xf32>
            tpu.vector_store %arg11[%swap3A_574, %swap3A_575], %swap3A_578 {strides = array<i32>} : memref<32x768xf32, #tpu.memory_space<vmem>>, vector<1x16xf32>,
            %get3A_579 = arith.index_cast %add3A_299 : i32 to index
            %get3A_580 = arith.constant 448 : index
            %get3A_581 = tpu.vector_load %arg11[%get3A_579, %get3A_580] {strides = array<i32>} : memref<32x768xf32, #tpu.memory_space<vmem>>, vector<1x16xf32>,
            %get3A_582 = vector.shape_cast %get3A_581 : vector<1x16xf32> to vector<16xf32>
            %mul3A_583 = arith.mulf %get3A_582, %gather3A_296 : vector<16xf32>
            %swap3A_584 = arith.index_cast %add3A_299 : i32 to index
            %swap3A_585 = arith.constant 448 : index
            %swap3A_586 = tpu.vector_load %arg11[%swap3A_584, %swap3A_585] {strides = array<i32>} : memref<32x768xf32, #tpu.memory_space<vmem>>, vector<1x16xf32>,
            %swap3A_587 = vector.shape_cast %swap3A_586 : vector<1x16xf32> to vector<16xf32>
            %swap3A_588 = vector.shape_cast %mul3A_583 : vector<16xf32> to vector<1x16xf32>
            tpu.vector_store %arg11[%swap3A_584, %swap3A_585], %swap3A_588 {strides = array<i32>} : memref<32x768xf32, #tpu.memory_space<vmem>>, vector<1x16xf32>,
            %get3A_589 = arith.index_cast %add3A_299 : i32 to index
            %get3A_590 = arith.constant 464 : index
            %get3A_591 = tpu.vector_load %arg11[%get3A_589, %get3A_590] {strides = array<i32>} : memref<32x768xf32, #tpu.memory_space<vmem>>, vector<1x16xf32>,
            %get3A_592 = vector.shape_cast %get3A_591 : vector<1x16xf32> to vector<16xf32>
            %mul3A_593 = arith.mulf %get3A_592, %gather3A_296 : vector<16xf32>
            %swap3A_594 = arith.index_cast %add3A_299 : i32 to index
            %swap3A_595 = arith.constant 464 : index
            %swap3A_596 = tpu.vector_load %arg11[%swap3A_594, %swap3A_595] {strides = array<i32>} : memref<32x768xf32, #tpu.memory_space<vmem>>, vector<1x16xf32>,
            %swap3A_597 = vector.shape_cast %swap3A_596 : vector<1x16xf32> to vector<16xf32>
            %swap3A_598 = vector.shape_cast %mul3A_593 : vector<16xf32> to vector<1x16xf32>
            tpu.vector_store %arg11[%swap3A_594, %swap3A_595], %swap3A_598 {strides = array<i32>} : memref<32x768xf32, #tpu.memory_space<vmem>>, vector<1x16xf32>,
            %get3A_599 = arith.index_cast %add3A_299 : i32 to index
            %get3A_600 = arith.constant 480 : index
            %get3A_601 = tpu.vector_load %arg11[%get3A_599, %get3A_600] {strides = array<i32>} : memref<32x768xf32, #tpu.memory_space<vmem>>, vector<1x16xf32>,
            %get3A_602 = vector.shape_cast %get3A_601 : vector<1x16xf32> to vector<16xf32>
            %mul3A_603 = arith.mulf %get3A_602, %gather3A_296 : vector<16xf32>
            %swap3A_604 = arith.index_cast %add3A_299 : i32 to index
            %swap3A_605 = arith.constant 480 : index
            %swap3A_606 = tpu.vector_load %arg11[%swap3A_604, %swap3A_605] {strides = array<i32>} : memref<32x768xf32, #tpu.memory_space<vmem>>, vector<1x16xf32>,
            %swap3A_607 = vector.shape_cast %swap3A_606 : vector<1x16xf32> to vector<16xf32>
            %swap3A_608 = vector.shape_cast %mul3A_603 : vector<16xf32> to vector<1x16xf32>
            tpu.vector_store %arg11[%swap3A_604, %swap3A_605], %swap3A_608 {strides = array<i32>} : memref<32x768xf32, #tpu.memory_space<vmem>>, vector<1x16xf32>,
            %get3A_609 = arith.index_cast %add3A_299 : i32 to index
            %get3A_610 = arith.constant 496 : index
            %get3A_611 = tpu.vector_load %arg11[%get3A_609, %get3A_610] {strides = array<i32>} : memref<32x768xf32, #tpu.memory_space<vmem>>, vector<1x16xf32>,
            %get3A_612 = vector.shape_cast %get3A_611 : vector<1x16xf32> to vector<16xf32>
            %mul3A_613 = arith.mulf %get3A_612, %gather3A_296 : vector<16xf32>
            %swap3A_614 = arith.index_cast %add3A_299 : i32 to index
            %swap3A_615 = arith.constant 496 : index
            %swap3A_616 = tpu.vector_load %arg11[%swap3A_614, %swap3A_615] {strides = array<i32>} : memref<32x768xf32, #tpu.memory_space<vmem>>, vector<1x16xf32>,
            %swap3A_617 = vector.shape_cast %swap3A_616 : vector<1x16xf32> to vector<16xf32>
            %swap3A_618 = vector.shape_cast %mul3A_613 : vector<16xf32> to vector<1x16xf32>
            tpu.vector_store %arg11[%swap3A_614, %swap3A_615], %swap3A_618 {strides = array<i32>} : memref<32x768xf32, #tpu.memory_space<vmem>>, vector<1x16xf32>,
            %get3A_619 = arith.index_cast %add3A_299 : i32 to index
            %get3A_620 = arith.constant 512 : index
            %get3A_621 = tpu.vector_load %arg11[%get3A_619, %get3A_620] {strides = array<i32>} : memref<32x768xf32, #tpu.memory_space<vmem>>, vector<1x16xf32>,
            %get3A_622 = vector.shape_cast %get3A_621 : vector<1x16xf32> to vector<16xf32>
            %mul3A_623 = arith.mulf %get3A_622, %gather3A_296 : vector<16xf32>
            %swap3A_624 = arith.index_cast %add3A_299 : i32 to index
            %swap3A_625 = arith.constant 512 : index
            %swap3A_626 = tpu.vector_load %arg11[%swap3A_624, %swap3A_625] {strides = array<i32>} : memref<32x768xf32, #tpu.memory_space<vmem>>, vector<1x16xf32>,
            %swap3A_627 = vector.shape_cast %swap3A_626 : vector<1x16xf32> to vector<16xf32>
            %swap3A_628 = vector.shape_cast %mul3A_623 : vector<16xf32> to vector<1x16xf32>
            tpu.vector_store %arg11[%swap3A_624, %swap3A_625], %swap3A_628 {strides = array<i32>} : memref<32x768xf32, #tpu.memory_space<vmem>>, vector<1x16xf32>,
            %get3A_629 = arith.index_cast %add3A_299 : i32 to index
            %get3A_630 = arith.constant 528 : index
            %get3A_631 = tpu.vector_load %arg11[%get3A_629, %get3A_630] {strides = array<i32>} : memref<32x768xf32, #tpu.memory_space<vmem>>, vector<1x16xf32>,
            %get3A_632 = vector.shape_cast %get3A_631 : vector<1x16xf32> to vector<16xf32>
            %mul3A_633 = arith.mulf %get3A_632, %gather3A_296 : vector<16xf32>
            %swap3A_634 = arith.index_cast %add3A_299 : i32 to index
            %swap3A_635 = arith.constant 528 : index
            %swap3A_636 = tpu.vector_load %arg11[%swap3A_634, %swap3A_635] {strides = array<i32>} : memref<32x768xf32, #tpu.memory_space<vmem>>, vector<1x16xf32>,
            %swap3A_637 = vector.shape_cast %swap3A_636 : vector<1x16xf32> to vector<16xf32>
            %swap3A_638 = vector.shape_cast %mul3A_633 : vector<16xf32> to vector<1x16xf32>
            tpu.vector_store %arg11[%swap3A_634, %swap3A_635], %swap3A_638 {strides = array<i32>} : memref<32x768xf32, #tpu.memory_space<vmem>>, vector<1x16xf32>,
            %get3A_639 = arith.index_cast %add3A_299 : i32 to index
            %get3A_640 = arith.constant 544 : index
            %get3A_641 = tpu.vector_load %arg11[%get3A_639, %get3A_640] {strides = array<i32>} : memref<32x768xf32, #tpu.memory_space<vmem>>, vector<1x16xf32>,
            %get3A_642 = vector.shape_cast %get3A_641 : vector<1x16xf32> to vector<16xf32>
            %mul3A_643 = arith.mulf %get3A_642, %gather3A_296 : vector<16xf32>
            %swap3A_644 = arith.index_cast %add3A_299 : i32 to index
            %swap3A_645 = arith.constant 544 : index
            %swap3A_646 = tpu.vector_load %arg11[%swap3A_644, %swap3A_645] {strides = array<i32>} : memref<32x768xf32, #tpu.memory_space<vmem>>, vector<1x16xf32>,
            %swap3A_647 = vector.shape_cast %swap3A_646 : vector<1x16xf32> to vector<16xf32>
            %swap3A_648 = vector.shape_cast %mul3A_643 : vector<16xf32> to vector<1x16xf32>
            tpu.vector_store %arg11[%swap3A_644, %swap3A_645], %swap3A_648 {strides = array<i32>} : memref<32x768xf32, #tpu.memory_space<vmem>>, vector<1x16xf32>,
            %get3A_649 = arith.index_cast %add3A_299 : i32 to index
            %get3A_650 = arith.constant 560 : index
            %get3A_651 = tpu.vector_load %arg11[%get3A_649, %get3A_650] {strides = array<i32>} : memref<32x768xf32, #tpu.memory_space<vmem>>, vector<1x16xf32>,
            %get3A_652 = vector.shape_cast %get3A_651 : vector<1x16xf32> to vector<16xf32>
            %mul3A_653 = arith.mulf %get3A_652, %gather3A_296 : vector<16xf32>
            %swap3A_654 = arith.index_cast %add3A_299 : i32 to index
            %swap3A_655 = arith.constant 560 : index
            %swap3A_656 = tpu.vector_load %arg11[%swap3A_654, %swap3A_655] {strides = array<i32>} : memref<32x768xf32, #tpu.memory_space<vmem>>, vector<1x16xf32>,
            %swap3A_657 = vector.shape_cast %swap3A_656 : vector<1x16xf32> to vector<16xf32>
            %swap3A_658 = vector.shape_cast %mul3A_653 : vector<16xf32> to vector<1x16xf32>
            tpu.vector_store %arg11[%swap3A_654, %swap3A_655], %swap3A_658 {strides = array<i32>} : memref<32x768xf32, #tpu.memory_space<vmem>>, vector<1x16xf32>,
            %get3A_659 = arith.index_cast %add3A_299 : i32 to index
            %get3A_660 = arith.constant 576 : index
            %get3A_661 = tpu.vector_load %arg11[%get3A_659, %get3A_660] {strides = array<i32>} : memref<32x768xf32, #tpu.memory_space<vmem>>, vector<1x16xf32>,
            %get3A_662 = vector.shape_cast %get3A_661 : vector<1x16xf32> to vector<16xf32>
            %mul3A_663 = arith.mulf %get3A_662, %gather3A_296 : vector<16xf32>
            %swap3A_664 = arith.index_cast %add3A_299 : i32 to index
            %swap3A_665 = arith.constant 576 : index
            %swap3A_666 = tpu.vector_load %arg11[%swap3A_664, %swap3A_665] {strides = array<i32>} : memref<32x768xf32, #tpu.memory_space<vmem>>, vector<1x16xf32>,
            %swap3A_667 = vector.shape_cast %swap3A_666 : vector<1x16xf32> to vector<16xf32>
            %swap3A_668 = vector.shape_cast %mul3A_663 : vector<16xf32> to vector<1x16xf32>
            tpu.vector_store %arg11[%swap3A_664, %swap3A_665], %swap3A_668 {strides = array<i32>} : memref<32x768xf32, #tpu.memory_space<vmem>>, vector<1x16xf32>,
            %get3A_669 = arith.index_cast %add3A_299 : i32 to index
            %get3A_670 = arith.constant 592 : index
            %get3A_671 = tpu.vector_load %arg11[%get3A_669, %get3A_670] {strides = array<i32>} : memref<32x768xf32, #tpu.memory_space<vmem>>, vector<1x16xf32>,
            %get3A_672 = vector.shape_cast %get3A_671 : vector<1x16xf32> to vector<16xf32>
            %mul3A_673 = arith.mulf %get3A_672, %gather3A_296 : vector<16xf32>
            %swap3A_674 = arith.index_cast %add3A_299 : i32 to index
            %swap3A_675 = arith.constant 592 : index
            %swap3A_676 = tpu.vector_load %arg11[%swap3A_674, %swap3A_675] {strides = array<i32>} : memref<32x768xf32, #tpu.memory_space<vmem>>, vector<1x16xf32>,
            %swap3A_677 = vector.shape_cast %swap3A_676 : vector<1x16xf32> to vector<16xf32>
            %swap3A_678 = vector.shape_cast %mul3A_673 : vector<16xf32> to vector<1x16xf32>
            tpu.vector_store %arg11[%swap3A_674, %swap3A_675], %swap3A_678 {strides = array<i32>} : memref<32x768xf32, #tpu.memory_space<vmem>>, vector<1x16xf32>,
            %get3A_679 = arith.index_cast %add3A_299 : i32 to index
            %get3A_680 = arith.constant 608 : index
            %get3A_681 = tpu.vector_load %arg11[%get3A_679, %get3A_680] {strides = array<i32>} : memref<32x768xf32, #tpu.memory_space<vmem>>, vector<1x16xf32>,
            %get3A_682 = vector.shape_cast %get3A_681 : vector<1x16xf32> to vector<16xf32>
            %mul3A_683 = arith.mulf %get3A_682, %gather3A_296 : vector<16xf32>
            %swap3A_684 = arith.index_cast %add3A_299 : i32 to index
            %swap3A_685 = arith.constant 608 : index
            %swap3A_686 = tpu.vector_load %arg11[%swap3A_684, %swap3A_685] {strides = array<i32>} : memref<32x768xf32, #tpu.memory_space<vmem>>, vector<1x16xf32>,
            %swap3A_687 = vector.shape_cast %swap3A_686 : vector<1x16xf32> to vector<16xf32>
            %swap3A_688 = vector.shape_cast %mul3A_683 : vector<16xf32> to vector<1x16xf32>
            tpu.vector_store %arg11[%swap3A_684, %swap3A_685], %swap3A_688 {strides = array<i32>} : memref<32x768xf32, #tpu.memory_space<vmem>>, vector<1x16xf32>,
            %get3A_689 = arith.index_cast %add3A_299 : i32 to index
            %get3A_690 = arith.constant 624 : index
            %get3A_691 = tpu.vector_load %arg11[%get3A_689, %get3A_690] {strides = array<i32>} : memref<32x768xf32, #tpu.memory_space<vmem>>, vector<1x16xf32>,
            %get3A_692 = vector.shape_cast %get3A_691 : vector<1x16xf32> to vector<16xf32>
            %mul3A_693 = arith.mulf %get3A_692, %gather3A_296 : vector<16xf32>
            %swap3A_694 = arith.index_cast %add3A_299 : i32 to index
            %swap3A_695 = arith.constant 624 : index
            %swap3A_696 = tpu.vector_load %arg11[%swap3A_694, %swap3A_695] {strides = array<i32>} : memref<32x768xf32, #tpu.memory_space<vmem>>, vector<1x16xf32>,
            %swap3A_697 = vector.shape_cast %swap3A_696 : vector<1x16xf32> to vector<16xf32>
            %swap3A_698 = vector.shape_cast %mul3A_693 : vector<16xf32> to vector<1x16xf32>
            tpu.vector_store %arg11[%swap3A_694, %swap3A_695], %swap3A_698 {strides = array<i32>} : memref<32x768xf32, #tpu.memory_space<vmem>>, vector<1x16xf32>,
            %get3A_699 = arith.index_cast %add3A_299 : i32 to index
            %get3A_700 = arith.constant 640 : index
            %get3A_701 = tpu.vector_load %arg11[%get3A_699, %get3A_700] {strides = array<i32>} : memref<32x768xf32, #tpu.memory_space<vmem>>, vector<1x16xf32>,
            %get3A_702 = vector.shape_cast %get3A_701 : vector<1x16xf32> to vector<16xf32>
            %mul3A_703 = arith.mulf %get3A_702, %gather3A_296 : vector<16xf32>
            %swap3A_704 = arith.index_cast %add3A_299 : i32 to index
            %swap3A_705 = arith.constant 640 : index
            %swap3A_706 = tpu.vector_load %arg11[%swap3A_704, %swap3A_705] {strides = array<i32>} : memref<32x768xf32, #tpu.memory_space<vmem>>, vector<1x16xf32>,
            %swap3A_707 = vector.shape_cast %swap3A_706 : vector<1x16xf32> to vector<16xf32>
            %swap3A_708 = vector.shape_cast %mul3A_703 : vector<16xf32> to vector<1x16xf32>
            tpu.vector_store %arg11[%swap3A_704, %swap3A_705], %swap3A_708 {strides = array<i32>} : memref<32x768xf32, #tpu.memory_space<vmem>>, vector<1x16xf32>,
            %get3A_709 = arith.index_cast %add3A_299 : i32 to index
            %get3A_710 = arith.constant 656 : index
            %get3A_711 = tpu.vector_load %arg11[%get3A_709, %get3A_710] {strides = array<i32>} : memref<32x768xf32, #tpu.memory_space<vmem>>, vector<1x16xf32>,
            %get3A_712 = vector.shape_cast %get3A_711 : vector<1x16xf32> to vector<16xf32>
            %mul3A_713 = arith.mulf %get3A_712, %gather3A_296 : vector<16xf32>
            %swap3A_714 = arith.index_cast %add3A_299 : i32 to index
            %swap3A_715 = arith.constant 656 : index
            %swap3A_716 = tpu.vector_load %arg11[%swap3A_714, %swap3A_715] {strides = array<i32>} : memref<32x768xf32, #tpu.memory_space<vmem>>, vector<1x16xf32>,
            %swap3A_717 = vector.shape_cast %swap3A_716 : vector<1x16xf32> to vector<16xf32>
            %swap3A_718 = vector.shape_cast %mul3A_713 : vector<16xf32> to vector<1x16xf32>
            tpu.vector_store %arg11[%swap3A_714, %swap3A_715], %swap3A_718 {strides = array<i32>} : memref<32x768xf32, #tpu.memory_space<vmem>>, vector<1x16xf32>,
            %get3A_719 = arith.index_cast %add3A_299 : i32 to index
            %get3A_720 = arith.constant 672 : index
            %get3A_721 = tpu.vector_load %arg11[%get3A_719, %get3A_720] {strides = array<i32>} : memref<32x768xf32, #tpu.memory_space<vmem>>, vector<1x16xf32>,
            %get3A_722 = vector.shape_cast %get3A_721 : vector<1x16xf32> to vector<16xf32>
            %mul3A_723 = arith.mulf %get3A_722, %gather3A_296 : vector<16xf32>
            %swap3A_724 = arith.index_cast %add3A_299 : i32 to index
            %swap3A_725 = arith.constant 672 : index
            %swap3A_726 = tpu.vector_load %arg11[%swap3A_724, %swap3A_725] {strides = array<i32>} : memref<32x768xf32, #tpu.memory_space<vmem>>, vector<1x16xf32>,
            %swap3A_727 = vector.shape_cast %swap3A_726 : vector<1x16xf32> to vector<16xf32>
            %swap3A_728 = vector.shape_cast %mul3A_723 : vector<16xf32> to vector<1x16xf32>
            tpu.vector_store %arg11[%swap3A_724, %swap3A_725], %swap3A_728 {strides = array<i32>} : memref<32x768xf32, #tpu.memory_space<vmem>>, vector<1x16xf32>,
            %get3A_729 = arith.index_cast %add3A_299 : i32 to index
            %get3A_730 = arith.constant 688 : index
            %get3A_731 = tpu.vector_load %arg11[%get3A_729, %get3A_730] {strides = array<i32>} : memref<32x768xf32, #tpu.memory_space<vmem>>, vector<1x16xf32>,
            %get3A_732 = vector.shape_cast %get3A_731 : vector<1x16xf32> to vector<16xf32>
            %mul3A_733 = arith.mulf %get3A_732, %gather3A_296 : vector<16xf32>
            %swap3A_734 = arith.index_cast %add3A_299 : i32 to index
            %swap3A_735 = arith.constant 688 : index
            %swap3A_736 = tpu.vector_load %arg11[%swap3A_734, %swap3A_735] {strides = array<i32>} : memref<32x768xf32, #tpu.memory_space<vmem>>, vector<1x16xf32>,
            %swap3A_737 = vector.shape_cast %swap3A_736 : vector<1x16xf32> to vector<16xf32>
            %swap3A_738 = vector.shape_cast %mul3A_733 : vector<16xf32> to vector<1x16xf32>
            tpu.vector_store %arg11[%swap3A_734, %swap3A_735], %swap3A_738 {strides = array<i32>} : memref<32x768xf32, #tpu.memory_space<vmem>>, vector<1x16xf32>,
            %get3A_739 = arith.index_cast %add3A_299 : i32 to index
            %get3A_740 = arith.constant 704 : index
            %get3A_741 = tpu.vector_load %arg11[%get3A_739, %get3A_740] {strides = array<i32>} : memref<32x768xf32, #tpu.memory_space<vmem>>, vector<1x16xf32>,
            %get3A_742 = vector.shape_cast %get3A_741 : vector<1x16xf32> to vector<16xf32>
            %mul3A_743 = arith.mulf %get3A_742, %gather3A_296 : vector<16xf32>
            %swap3A_744 = arith.index_cast %add3A_299 : i32 to index
            %swap3A_745 = arith.constant 704 : index
            %swap3A_746 = tpu.vector_load %arg11[%swap3A_744, %swap3A_745] {strides = array<i32>} : memref<32x768xf32, #tpu.memory_space<vmem>>, vector<1x16xf32>,
            %swap3A_747 = vector.shape_cast %swap3A_746 : vector<1x16xf32> to vector<16xf32>
            %swap3A_748 = vector.shape_cast %mul3A_743 : vector<16xf32> to vector<1x16xf32>
            tpu.vector_store %arg11[%swap3A_744, %swap3A_745], %swap3A_748 {strides = array<i32>} : memref<32x768xf32, #tpu.memory_space<vmem>>, vector<1x16xf32>,
            %get3A_749 = arith.index_cast %add3A_299 : i32 to index
            %get3A_750 = arith.constant 720 : index
            %get3A_751 = tpu.vector_load %arg11[%get3A_749, %get3A_750] {strides = array<i32>} : memref<32x768xf32, #tpu.memory_space<vmem>>, vector<1x16xf32>,
            %get3A_752 = vector.shape_cast %get3A_751 : vector<1x16xf32> to vector<16xf32>
            %mul3A_753 = arith.mulf %get3A_752, %gather3A_296 : vector<16xf32>
            %swap3A_754 = arith.index_cast %add3A_299 : i32 to index
            %swap3A_755 = arith.constant 720 : index
            %swap3A_756 = tpu.vector_load %arg11[%swap3A_754, %swap3A_755] {strides = array<i32>} : memref<32x768xf32, #tpu.memory_space<vmem>>, vector<1x16xf32>,
            %swap3A_757 = vector.shape_cast %swap3A_756 : vector<1x16xf32> to vector<16xf32>
            %swap3A_758 = vector.shape_cast %mul3A_753 : vector<16xf32> to vector<1x16xf32>
            tpu.vector_store %arg11[%swap3A_754, %swap3A_755], %swap3A_758 {strides = array<i32>} : memref<32x768xf32, #tpu.memory_space<vmem>>, vector<1x16xf32>,
            %get3A_759 = arith.index_cast %add3A_299 : i32 to index
            %get3A_760 = arith.constant 736 : index
            %get3A_761 = tpu.vector_load %arg11[%get3A_759, %get3A_760] {strides = array<i32>} : memref<32x768xf32, #tpu.memory_space<vmem>>, vector<1x16xf32>,
            %get3A_762 = vector.shape_cast %get3A_761 : vector<1x16xf32> to vector<16xf32>
            %mul3A_763 = arith.mulf %get3A_762, %gather3A_296 : vector<16xf32>
            %swap3A_764 = arith.index_cast %add3A_299 : i32 to index
            %swap3A_765 = arith.constant 736 : index
            %swap3A_766 = tpu.vector_load %arg11[%swap3A_764, %swap3A_765] {strides = array<i32>} : memref<32x768xf32, #tpu.memory_space<vmem>>, vector<1x16xf32>,
            %swap3A_767 = vector.shape_cast %swap3A_766 : vector<1x16xf32> to vector<16xf32>
            %swap3A_768 = vector.shape_cast %mul3A_763 : vector<16xf32> to vector<1x16xf32>
            tpu.vector_store %arg11[%swap3A_764, %swap3A_765], %swap3A_768 {strides = array<i32>} : memref<32x768xf32, #tpu.memory_space<vmem>>, vector<1x16xf32>,
            %get3A_769 = arith.index_cast %add3A_299 : i32 to index
            %get3A_770 = arith.constant 752 : index
            %get3A_771 = tpu.vector_load %arg11[%get3A_769, %get3A_770] {strides = array<i32>} : memref<32x768xf32, #tpu.memory_space<vmem>>, vector<1x16xf32>,
            %get3A_772 = vector.shape_cast %get3A_771 : vector<1x16xf32> to vector<16xf32>
            %mul3A_773 = arith.mulf %get3A_772, %gather3A_296 : vector<16xf32>
            %swap3A_774 = arith.index_cast %add3A_299 : i32 to index
            %swap3A_775 = arith.constant 752 : index
            %swap3A_776 = tpu.vector_load %arg11[%swap3A_774, %swap3A_775] {strides = array<i32>} : memref<32x768xf32, #tpu.memory_space<vmem>>, vector<1x16xf32>,
            %swap3A_777 = vector.shape_cast %swap3A_776 : vector<1x16xf32> to vector<16xf32>
            %swap3A_778 = vector.shape_cast %mul3A_773 : vector<16xf32> to vector<1x16xf32>
            tpu.vector_store %arg11[%swap3A_774, %swap3A_775], %swap3A_778 {strides = array<i32>} : memref<32x768xf32, #tpu.memory_space<vmem>>, vector<1x16xf32>,
            %scan3A_779 = arith.constant 0 : i32
            scf.yield %scan3A_779 : i32
          }
          %scan3A_282 = arith.constant 16 : i32
          %scan3A_283 = arith.constant 0 : i32
          scf.yield %scan3A_283 : i32
        }
        %scan3A_267 = arith.constant 2 : i32
      } else {
      }
      %mul3A_251 = arith.constant 32 : i32
      %mul3A_252 = arith.muli %add3A_237, %mul3A_251 : i32
      %add3A_253 = arith.addi %mul3A_2, %mul3A_252 : i32
      %dma_start3A_254 = arith.constant 0 : i32
      %dma_start3A_255 = tpu.memref_slice %arg5[%add3A_253, %dma_start3A_254] : memref<32768x768xf32, #tpu.memory_space<hbm>> -> memref<32x768xf32, #tpu.memory_space<hbm>>
      %dma_start3A_256 = arith.constant 0 : i32
      %dma_start3A_257 = tpu.memref_slice %arg5[%add3A_253, %dma_start3A_256] : memref<32768x768xf32, #tpu.memory_space<hbm>> -> memref<32x768xf32, #tpu.memory_space<hbm>>
      tpu.enqueue_dma source(%arg11 : memref<32x768xf32, #tpu.memory_space<vmem>>) target(%dma_start3A_257 : memref<32x768xf32, #tpu.memory_space<hbm>>) target_semaphore(%arg19 : memref<!tpu.dma_semaphore, #tpu.memory_space<semaphore_mem>>)
      %scan3A_258 = arith.constant 0 : i32
      scf.yield %scan3A_258 : i32
    }
    %scan3A_147 = arith.constant 8 : i32
    %dma_wait3A = arith.constant 0 : i32
    %dma_wait3A_148 = tpu.memref_slice %arg5[%mul3A_2, %dma_wait3A] : memref<32768x768xf32, #tpu.memory_space<hbm>> -> memref<32x768xf32, #tpu.memory_space<hbm>>
    %dma_wait3A_149 = arith.constant 0 : i32
    %dma_wait3A_150 = tpu.memref_slice %arg5[%mul3A_2, %dma_wait3A_149] : memref<32768x768xf32, #tpu.memory_space<hbm>> -> memref<32x768xf32, #tpu.memory_space<hbm>>
    tpu.wait_dma2 semaphore(%arg16 : memref<!tpu.dma_semaphore, #tpu.memory_space<semaphore_mem>>) src(%arg8 : memref<32x768xf32, #tpu.memory_space<vmem>>) dst(%dma_wait3A_150 : memref<32x768xf32, #tpu.memory_space<hbm>>)
    %dma_wait3A_151 = arith.constant 0 : i32
    %dma_wait3A_152 = tpu.memref_slice %arg5[%mul3A_2, %dma_wait3A_151] : memref<32768x768xf32, #tpu.memory_space<hbm>> -> memref<32x768xf32, #tpu.memory_space<hbm>>
    %dma_wait3A_153 = arith.constant 0 : i32
    %dma_wait3A_154 = tpu.memref_slice %arg5[%mul3A_2, %dma_wait3A_153] : memref<32768x768xf32, #tpu.memory_space<hbm>> -> memref<32x768xf32, #tpu.memory_space<hbm>>
    tpu.wait_dma2 semaphore(%arg17 : memref<!tpu.dma_semaphore, #tpu.memory_space<semaphore_mem>>) src(%arg9 : memref<32x768xf32, #tpu.memory_space<vmem>>) dst(%dma_wait3A_154 : memref<32x768xf32, #tpu.memory_space<hbm>>)
    %dma_wait3A_155 = arith.constant 0 : i32
    %dma_wait3A_156 = tpu.memref_slice %arg5[%mul3A_2, %dma_wait3A_155] : memref<32768x768xf32, #tpu.memory_space<hbm>> -> memref<32x768xf32, #tpu.memory_space<hbm>>
    %dma_wait3A_157 = arith.constant 0 : i32
    %dma_wait3A_158 = tpu.memref_slice %arg5[%mul3A_2, %dma_wait3A_157] : memref<32768x768xf32, #tpu.memory_space<hbm>> -> memref<32x768xf32, #tpu.memory_space<hbm>>
    tpu.wait_dma2 semaphore(%arg18 : memref<!tpu.dma_semaphore, #tpu.memory_space<semaphore_mem>>) src(%arg10 : memref<32x768xf32, #tpu.memory_space<vmem>>) dst(%dma_wait3A_158 : memref<32x768xf32, #tpu.memory_space<hbm>>)
    %dma_wait3A_159 = arith.constant 0 : i32
    %dma_wait3A_160 = tpu.memref_slice %arg5[%mul3A_2, %dma_wait3A_159] : memref<32768x768xf32, #tpu.memory_space<hbm>> -> memref<32x768xf32, #tpu.memory_space<hbm>>
    %dma_wait3A_161 = arith.constant 0 : i32
    %dma_wait3A_162 = tpu.memref_slice %arg5[%mul3A_2, %dma_wait3A_161] : memref<32768x768xf32, #tpu.memory_space<hbm>> -> memref<32x768xf32, #tpu.memory_space<hbm>>
    tpu.wait_dma2 semaphore(%arg19 : memref<!tpu.dma_semaphore, #tpu.memory_space<semaphore_mem>>) src(%arg11 : memref<32x768xf32, #tpu.memory_space<vmem>>) dst(%dma_wait3A_162 : memref<32x768xf32, #tpu.memory_space<hbm>>)
    return
  }
}

</mosaic_0001>

<sc_bundles>
// kernel: kernel.3.cloned.1.call-start
scs
__scs_entry_jumppad:
0x0: {  	(pc) =	sbr.rel $0x88, $3  }
0x1: {  	(tag) =	ssettag $0x0;
	lr =	simm.s32 $0x1  }
0x2: {  	[smem:$0x3F9E] =	sst lr;
	_ =	strace $0xD0000000  }
0x3: {  	_ = 	snop  }
0x4: {  	_ = 	snop  }
0x5: {  	_ = 	snop  }
0x6: {  	_ = 	snop  }
0x7: {  	_ = 	snop  }
__scs_overlays_trampoline_lowered:
0x8: {  	[smem:$0x3FAD] =	sst s0  }
0x9: {  	[smem:$0x3FAE] =	sst s1  }
0xa: {  	[smem:$0x3FAF] =	sst s2  }
0xb: {  	[smem:$0x3FB0] =	sst s3  }
0xc: {  	[smem:$0x3FB1] =	sst s4  }
0xd: {  	[smem:$0x3FB2] =	sst s5  }
0xe: {  	[smem:$0x3FB3] =	sst s6  }
0xf: {  	[smem:$0x3FB4] =	sst s7  }
0x10: {  	[smem:$0x3FB5] =	sst s8  }
0x11: {  	[smem:$0x3FB6] =	sst s9;
	s0 =	simm.s32 @!p0 $0x0  }
0x12: {  	s1 =	sld [smem:$0x3F9C];
	s0 =	simm.s32 @p0 $0x1  }
0x13: {  	[smem:$0x3FB7] =	sst s0;
	s0 =	simm.s32 @!p1 $0x0  }
0x14: {  	s2 =	sld [smem:$0x3F9B];
	s0 =	simm.s32 @p1 $0x1  }
0x15: {  	[smem:$0x3FB8] =	sst s0;
	s0 =	simm.s32 @!p2 $0x0  }
0x16: {  	s3 =	sld [smem:$0x3FDB];
	s0 =	simm.s32 @p2 $0x1  }
0x17: {  	s4 =	simm.s32 $0x1BF5;
	[smem:$0x3FBA] =	sst s0  }
0x18: {  	s0 =	sld [smem:$0x3F9D];
	_ =	swait.ge [sflag:s4], $0x0  }
0x19: {  	s7 =	sld [smem:$0x3F9E]  }
0x1a: {  	s8 =	sadd.s32 $0xFFFFE003, lr  }
0x1b: {  	s9 =	sadd.s32 $0xFFFFFEF7, lr;
	s5 =	simm.s32 $0xFFFFFFFF;
	p2 =	slt.u32 s8, $0xFFFFF086  }
0x1c: {  	p1 =	slt.u32 s9, $0xF7A;
	s5 =	simm.s32 @!p2 $0x0  }
0x1d: {  	s5 =	simm.s32 @p1 $0x1;
	p0 =	seq.s32 s7, s2  }
0x1e: {  	s7 =	smul.u32 @!p0 $0xF7A, s2;
	p2 =	seq.s32 @!p0 s5, $0x0  }
0x1f: {  	s9 =	smul.u32 $0xF7A, s1;
	s8 =	simm.s32 @!p0 $0x1BF5;
	p2 =	por !p2, p0  }
0x20: {  	[sflag:s8] =	ssyncset.s32 @!p0 $0xFFFFF086;
	s6 =	sadd.s32 @!p0 s3, s7;
	s7 =	simm.s32 @!p0 $0x108  }
0x21: {  	s3 =	sadd.s32 s3, s9;
	s6 =	sadd.s32 @!p0 $0x88, s6;
	s7 =	simm.s32 @p2 $0x1082  }
0x22: {  	[simem:s7], [sflag:s8] =	dma.local @!p0 [hbm:s6], $0xF7A  }
0x23: {  	s9 =	sor.u32 $0xD0000000, s2;
	s6 =	simm.s32 $0x108;
	_ =	swait.ge @!p0 [sflag:s8], $0x0  }
0x24: {  	s3 =	sadd.s32 $0x88, s3;
	s6 =	simm.s32 @!p1 $0x1082;
	[sflag:s4] =	ssyncset.s32 $0xFFFFF086  }
0x25: {  	[simem:s6], [sflag:s4] =	dma.local [hbm:s3], $0xF7A  }
0x26: {  	[smem:$0x3F9E] =	sst s1;
	(tag) =	ssettag s2;
	_ =	strace s9  }
0x27: {  	s1 =	sld [smem:$0x3FAE]  }
0x28: {  	s2 =	sld [smem:$0x3FAF]  }
0x29: {  	s4 =	sld [smem:$0x3FB1]  }
0x2a: {  	p0 =	seq.s32 s5, $0x0;
	s5 =	sld [smem:$0x3FB2]  }
0x2b: {  	s6 =	sld [smem:$0x3FB3]  }
0x2c: {  	s7 =	sld [smem:$0x3FB4]  }
0x2d: {  	s3 =	simm.s32 $0x108;
	s8 =	sld [smem:$0x3FB5]  }
0x2e: {  	s3 =	simm.s32 @!p0 $0x1082;
	s9 =	sld [smem:$0x3FB6]  }
0x2f: {  	lr =	sadd.s32 s0, s3;
	s0 =	sld [smem:$0x3FAD]  }
0x30: {  	s3 =	sld [smem:$0x3FB0]  }
0x31: {  	[smem:$0x3FB9] =	sst s10  }
0x32: {  	s10 =	sld [smem:$0x3FB7];
	_ =	sdelay $0x3  }
0x33: {  	p0 =	seq.s32 s10, $0x1;
	s10 =	sld [smem:$0x3FB9];
	_ =	sdelay $0x3  }
0x34: {  	[smem:$0x3FB9] =	sst s10  }
0x35: {  	s10 =	sld [smem:$0x3FB8];
	_ =	sdelay $0x3  }
0x36: {  	p1 =	seq.s32 s10, $0x1;
	s10 =	sld [smem:$0x3FB9];
	_ =	sdelay $0x3  }
0x37: {  	[smem:$0x3FB9] =	sst s10  }
0x38: {  	s10 =	sld [smem:$0x3FBA]  }
0x39: {  	_ = 	snop;
	(pc) =	sbr.ind lr, $3  }
0x3a: {  	_ = 	snop  }
0x3b: {  	_ = 	snop  }
0x3c: {  	p2 =	seq.s32 s10, $0x1;
	s10 =	sld [smem:$0x3FB9]  }
0x3d: {  	_ =	shalt  }
0x3e: {  	_ =	shalt  }
0x3f: {  	_ =	shalt  }
0x40: {  	_ =	shalt  }
0x41: {  	_ =	shalt  }
0x42: {  	_ =	shalt  }
0x43: {  	_ =	shalt  }
0x44: {  	_ =	shalt  }
0x45: {  	_ =	shalt  }
0x46: {  	_ =	shalt  }
0x47: {  	_ =	shalt  }
0x48: {  	_ =	shalt  }
0x49: {  	_ =	shalt  }
0x4a: {  	_ =	shalt  }
0x4b: {  	_ =	shalt  }
0x4c: {  	_ =	shalt  }
0x4d: {  	_ =	shalt  }
0x4e: {  	_ =	shalt  }
0x4f: {  	_ =	shalt  }
0x50: {  	_ =	shalt  }
0x51: {  	_ =	shalt  }
0x52: {  	_ =	shalt  }
0x53: {  	_ =	shalt  }
0x54: {  	_ =	shalt  }
0x55: {  	_ =	shalt  }
0x56: {  	_ =	shalt  }
0x57: {  	_ =	shalt  }
0x58: {  	_ =	shalt  }
0x59: {  	_ =	shalt  }
0x5a: {  	_ =	shalt  }
0x5b: {  	_ =	shalt  }
0x5c: {  	_ =	shalt  }
0x5d: {  	_ =	shalt  }
0x5e: {  	_ =	shalt  }
0x5f: {  	_ =	shalt  }
0x60: {  	_ =	shalt  }
0x61: {  	_ =	shalt  }
0x62: {  	_ =	shalt  }
0x63: {  	_ =	shalt  }
0x64: {  	_ =	shalt  }
0x65: {  	_ =	shalt  }
0x66: {  	_ =	shalt  }
0x67: {  	_ =	shalt  }
0x68: {  	_ =	shalt  }
0x69: {  	_ =	shalt  }
0x6a: {  	_ =	shalt  }
0x6b: {  	_ =	shalt  }
0x6c: {  	_ =	shalt  }
0x6d: {  	_ =	shalt  }
0x6e: {  	_ =	shalt  }
0x6f: {  	_ =	shalt  }
0x70: {  	_ =	shalt  }
0x71: {  	_ =	shalt  }
0x72: {  	_ =	shalt  }
0x73: {  	_ =	shalt  }
0x74: {  	_ =	shalt  }
0x75: {  	_ =	shalt  }
0x76: {  	_ =	shalt  }
0x77: {  	_ =	shalt  }
0x78: {  	_ =	shalt  }
0x79: {  	_ =	shalt  }
0x7a: {  	_ =	shalt  }
0x7b: {  	_ =	shalt  }
0x7c: {  	_ =	shalt  }
0x7d: {  	_ =	shalt  }
0x7e: {  	_ =	shalt  }
0x7f: {  	_ =	shalt  }
0x80: {  	_ =	shalt  }
0x81: {  	_ =	shalt  }
0x82: {  	_ =	shalt  }
0x83: {  	_ =	shalt  }
0x84: {  	_ =	shalt  }
0x85: {  	_ =	shalt  }
0x86: {  	_ =	shalt  }
0x87: {  	_ =	shalt  }
.Lfunc_end0:
.L_simem_size_0:
called_computation_lowered:
.L_overlay_start_0:
0x88: {  	s2 =	sld [smem:$0x3FD9]  }
0x89: {  	s3 =	sld [smem:$0x3FFE];
	_ =	sdelay $0x1  }
0x8a: {  	s1 =	srdreg.scid  }
0x8b: {  	s0 =	sand.u32 $0x1, s1  }
0x8c: {  	s17 =	sshll.u32 s0, $0xA;
	s2 =	sadd.s32 s3, s2  }
0x8d: {  	s2 =	sadd.s32 s2, s17  }
0x8e: {  	[smem:$0x3FC5] =	sst s2  }
0x8f: {  	_ = 	snop  }
0x90: {  	s2 =	sld [smem:$0x3FC8]  }
0x91: {  	s18 =	sld [smem:$0x3FC7]  }
0x92: {  	s4 =	sld [smem:$0x3FD0];
	(tm) =	ssettm $0x1  }
0x93: {  	s5 =	sld [smem:$0x3FFB];
	_ =	sdelay $0x3  }
0x94: {  	_ =	strace s5  }
0x95: {  	s5 =	sld [smem:$0x3FFC];
	_ =	sdelay $0x3  }
0x96: {  	_ =	strace s5  }
0x97: {  	s5 =	sld [smem:$0x3FFD];
	_ =	sdelay $0x3  }
0x98: {  	_ =	strace s5  }
0x99: {  	_ =	strace $0x8FFFFFFF  }
0x9a: {  	s19 =	sld [smem:$0x3FDB];
	_ =	sdelay $0x1  }
0x9b: {  	s6 =	simm.s32 $_scs_section_size  }
0x9c: {  	s7 =	simm.s32 $_size__tile_overlayer_lowered;
	s8 =	simm.s32 $_tile_overlayer_lowered  }
0x9d: {  	s22 =	simm.s32 $0x1BFF;
	s21 =	sshll.u32 s8, $0x1;
	s5 =	sadd.s32 s6, s19  }
0x9e: {  	s9 =	simm.s32 $0x0;
	s20 =	sshll.u32 s7, $0x1;
	s7 =	sadd.s32 s21, s5  }
0x9f: {  	[timem:s9], [sflag:s22] =	dma.local [hbm:s7], s20  }
0xa0: {  	_ =	swait.ge [sflag:s22], s20  }
0xa1: {  	s6 =	ssub.s32 $0x0, s20;
	[sflag:s22] =	ssyncset.done $0x0  }
0xa2: {  	[sflag:s22] =	ssyncadd.s32 s6;
	_ =	sdelay $0x1  }
0xa3: {  	s23 =	simm.s32 $0x1B8B  }
0xa4: {  	_ =	swait.ge [sflag:s23], $0x1  }
0xa5: {  	[sflag:s23] =	ssyncset.done $0x0  }
0xa6: {  	s25 =	simm.s32 $0x1B8E;
	s24 =	sld [smem:$0x3FFE];
	[sflag:s23] =	ssyncadd.s32 $0xFFFFFFFF  }
0xa7: {  	s26 =	simm.s32 $execute0_lowered;
	[smem:$0x3FD2] =	sst s25  }
0xa8: {  	s7 =	sshll.u32 s26, $0x1;
	_ =	strace $0x80000046;
	[dreg:$0x1] =	wrdreg $0xFFFFFFFF  }
0xa9: {  	s28 =	simm.s32 $_size_execute0_lowered;
	s5 =	sadd.s32 s5, s7;
	[dreg:$0x0] =	wrdreg $0x0  }
0xaa: {  	s7 =	sshll.u32 s28, $0x1;
	[dreg:$0x2] =	wrdreg s5  }
0xab: {  	[dreg:$0x3] =	wrdreg s7  }
0xac: {  	[dreg:$0x4] =	wrdreg $0xC0  }
0xad: {  	_ =	task [dreg:s9], $0x5FFFF  }
0xae: {  	[dreg:$0x1] =	wrdreg $0xFFFFFFFF  }
0xaf: {  	[dreg:$0x0] =	wrdreg $0x60  }
0xb0: {  	[dreg:$0x2] =	wrdreg s24  }
0xb1: {  	[dreg:$0x3] =	wrdreg s2  }
0xb2: {  	[dreg:$0x4] =	wrdreg s18  }
0xb3: {  	[dreg:$0x5] =	wrdreg s4  }
0xb4: {  	[dreg:$0x6] =	wrdreg $0x9  }
0xb5: {  	_ =	task.clear_ibuf [dreg:s9], $0x7FFFF;
	_ =	strace $0x90000046  }
0xb6: {  	s29 =	simm.s32 $0x9;
	_ =	strace $0x80000048  }
0xb7: {  	_ =	swait.ge [sflag:s29], $0x1  }
0xb8: {  	[sflag:s29] =	ssyncadd.s32 $0xFFFFFFFF  }
0xb9: {  	_ =	strace $0x90000048  }
0xba: {  	_ =	sfence  }
0xbb: {  	s30 =	sld [smem:$0x0];
	_ =	sdelay $0x2  }
0xbc: {  	s31 =	sshll.u32 s1, $0xD;
	s1 =	sshrl.u32 s1, $0x2  }
0xbd: {  	s3 =	sand.u32 $0x4000, s31;
	s1 =	sadd.s32 s1, s30  }
0xbe: {  	s0 =	sor.u32 s3, s0;
	s1 =	sshll.u32 s1, $0x11  }
0xbf: {  	s0 =	sor.u32 s1, s0  }
0xc0: {  	s0 =	sadd.s32 $0x8F2B, s0  }
0xc1: {  	[sflag:s0] =	ssyncadd.remote.s32 $0x1  }
0xc2: {  	_ =	sfence.sel $0xFFFF  }
0xc3: {  	[dreg:$0x0] =	wrdreg $0xFFFFFFFF;
	(pc) =	sbr.abs _section_cstart, $3  }
0xc4: {  	[dreg:$0x1] =	wrdreg $0xFFFFFFFF  }
0xc5: {  	_ =	task.clear_ibuf [dreg:s9], $0x2FFFF;
	_ =	strace $0x9FFFFFFF  }
0xc6: {  	(tm) =	ssettm $0x7FFFFFFF  }
0xc7: {  	_ =	shalt  }
tec
execute0_lowered:
.L_overlay_start_1:
0x0: {  	(tag) =	ssettag $0x1  }
0x1: {  	s0 =	rddreg [dreg:$0x0]  }
0x2: {  	s10 =	simm.s32 $0x9;
	s12 =	simm.s32 $0x800;
	s24 =	simm.s32 $0x6800  }
0x3: {  	s1 =	rddreg [dreg:$0x1];
	v0 =	vimm.s32 $0x76543210;
	v1 =	vimm.s32 $0xFEDCBA98;
	v2 =	vimm.s32 $0x3210FEDC  }
0x4: {  	s3 =	srdreg.scid;
	s2 =	rddreg [dreg:$0x2];
	v3 =	vimm.s32 $0xBA987654;
	v4 =	vimm.s32 $0x10FEDCBA;
	v5 =	vimm.s32 $0x98765432  }
0x5: {  	s4 =	stileid.u32;
	s16 =	simm.s32 $0xC800;
	v6 =	vimm.s32 $0xFEDCBA9;
	v7 =	vimm.s32 $0x87654321;
	s31 =	simm.s32 $0x12800  }
0x6: {  	s22 =	simm.s32 $0x1;
	s23 =	simm.s32 $0x2;
	vm0 =	vmmov $0xffff;
	s28 =	simm.s32 $0x4;
	v2 =	vunpack.c.l.s4.s8 v2;
	v3 =	vunpack.c.l.s4.s8 v3  }
0x7: {  	s30 =	simm.s32 $0x6;
	s11 =	simm.s32 $0x0;
	s6 =	sand.u32 $0x1, s3;
	v0 =	vunpack.c.l.s4.s8 v0;
	v4 =	vunpack.c.l.s4.s8 v4;
	v5 =	vunpack.c.l.s4.s8 v5  }
0x8: {  	s3 =	rddreg [dreg:$0x3];
	s4 =	sshll.u32 s4, $0xB;
	v6 =	vunpack.c.l.s4.s8 v6;
	s5 =	sshll.u32 s6, $0xA;
	v2 =	vunpack.c.0.s8.s32 v2;
	v3 =	vunpack.c.0.s8.s32 v3  }
0x9: {  	s9 =	sadd.s32 $0x200, s2;
	v7 =	vunpack.c.l.s4.s8 v7;
	v1 =	vunpack.c.l.s4.s8 v1;
	s6 =	ssub.s32 $0x2, s6;
	s4 =	sor.u32 s5, s4;
	v4 =	vunpack.c.0.s8.s32 v4  }
0xa: {  	s5 =	simm.s32 $0x0;
	s8 =	sshrl.u32 s6, $0x1;
	v5 =	vunpack.c.0.s8.s32 v5;
	s7 =	sshrl.u32 s4, $0x3;
	v8 =	vcombine.low v3, v2;
	v2 =	vunpack.c.0.s8.s32 v6  }
.Ltmp0:
0xb: {  	[smem:$0x7FF] =	sst s5;
	s6 =	ssub.s32 s6, s8;
	v3 =	vunpack.c.0.s8.s32 v7;
	v6 =	vlaneseq.u32;
	v7 =	vunpack.c.0.s8.s32 v1;
	(pc) =	sbr.rel .LBB2_1-.Ltmp0, $4  }
0xc: {  	s8 =	sadd.s32 $0x100, s2;
	s0 =	sadd.s32 s7, s0;
	s26 =	sadd.s32 s1, s7;
	v5 =	vcombine.low v5, v4;
	v4 =	vunpack.c.0.s8.s32 v0;
	v1 =	vshrl.u32 v6, $0x3  }
0xd: {  	_ =	strace $0x80000047;
	s29 =	smax.u32 s6, $0x1;
	[dreg:$0x6] =	wrdreg s26;
	v0 =	vand.u32 $0x7, v6;
	v9 =	vcombine.low v3, v2;
	v1 =	vmul.u32 $0x8, v1  }
0xe: {  	s1 =	simm.s32 $0x7;
	s0 =	sadd.s32 $0x400, s0;
	[dreg:$0x7] =	wrdreg s29;
	v3 =	vand.u32 $0xF, v7;
	v2 =	vor.u32 $0x8, v6;
	v5 =	vand.u32 $0xF, v5  }
0xf: {  	s26 =	simm.s32 $0x3;
	[dreg:$0x5] =	wrdreg s0;
	s0 =	simm.s32 $0x8;
	v3 =	vcombine.low v3, v4;
	v4 =	vand.u32 $0xF, v8;
	v6 =	vand.u32 $0xF, v9  }
.LBB2_25:
0x10: {  	s6 =	simm.s32 $0x5  }
0x11: {  	_ =	swait.ge [sflag:s6], $0x6000  }
0x12: {  	[sflag:s6] =	ssyncset.done $0x0  }
0x13: {  	[sflag:s6] =	ssyncadd.s32 $0xFFFFA000  }
0x14: {  	_ =	swait.ge [sflag:s30], $0x6000  }
0x15: {  	[sflag:s30] =	ssyncset.done $0x0  }
0x16: {  	[sflag:s30] =	ssyncadd.s32 $0xFFFFA000  }
0x17: {  	_ =	swait.ge [sflag:s1], $0x6000  }
0x18: {  	[sflag:s1] =	ssyncset.done $0x0  }
0x19: {  	[sflag:s1] =	ssyncadd.s32 $0xFFFFA000  }
0x1a: {  	_ =	swait.ge [sflag:s0], $0x6000  }
0x1b: {  	s11 =	sadd.s32 $0x1, s11;
	s29 =	rddreg [dreg:$0x7]  }
0x1c: {  	p0 =	sne.s32 s11, s29  }
.Ltmp1:
0x1d: {  	_ = 	snop;
	(pc) =	sbr.rel @!p0 .LBB2_26-.Ltmp1, $3  }
0x1e: {  	_ =	sdelay $0x1  }
0x1f: {  	[sflag:s0] =	ssyncset.done $0x0  }
0x20: {  	[sflag:s0] =	ssyncadd.s32 $0xFFFFA000  }
.LBB2_1:
0x21: {  	s6 =	rddreg [dreg:$0x5]  }
0x22: {  	[tilespmem:s5], [sflag:$0x9] =	stream.linear.gather [hbm4b:s6+s5], $0x400, $0x38;
	[tilespmem:$0x18800] =	vst v63  }
0x23: {  	_ =	swait.ge [sflag:s10], $0x400  }
0x24: {  	[sflag:s10] =	ssyncset.done $0x0  }
0x25: {  	s7 =	simm.s32 $0x400;
	s25 =	rddreg [dreg:$0x6];
	[sflag:s10] =	ssyncadd.s32 $0xFFFFFC00  }
0x26: {  	[tilespmem:s7], [sflag:$0x9] =	stream.linear.gather [hbm4b:s25+s5], $0x400, $0x38;
	[tilespmem:$0x18800] =	vst v63  }
0x27: {  	_ =	swait.ge [sflag:s10], $0x400  }
0x28: {  	[sflag:s10] =	ssyncset.done $0x0  }
0x29: {  	[sflag:s10] =	ssyncadd.s32 $0xFFFFFC00  }
0x2a: {  	v7 =	vld [tilespmem:$0x0];
	_ =	sdelay $0x4  }
0x2b: {  	v8 =	vshrl.u32 v7, $0x3  }
0x2c: {  	v8 =	vmul.u32 $0x30, v8  }
0x2d: {  	v7 =	vand.u32 $0x7, v7  }
0x2e: {  	v7 =	vor.u32 v7, v8  }
0x2f: {  	v8 =	vperm.xlane v7, v0;
	_ =	sdelay $0x1  }
0x30: {  	v8 =	vadd.s32 v1, v8;
	_ =	sdelay $0x3  }
0x31: {  	v7 =	vperm.xlane v7, v2  }
0x32: {  	[tilespmem:s12], [sflag:$0x1] =	stream.indirect_vreg.gather [hbm4b:s2+s5], $0x80, v8, vm0, $0xb8;
	[tilespmem:$0x18800] =	vst v63  }
0x33: {  	s29 =	simm.s32 $0x1000;
	v7 =	vadd.s32 v1, v7  }
0x34: {  	[tilespmem:s29], [sflag:$0x1] =	stream.indirect_vreg.gather [hbm4b:s8+s5], $0x80, v8, vm0, $0xb8;
	[tilespmem:$0x18800] =	vst v63  }
0x35: {  	s7 =	simm.s32 $0x1800  }
0x36: {  	[tilespmem:s7], [sflag:$0x1] =	stream.indirect_vreg.gather [hbm4b:s9+s5], $0x80, v8, vm0, $0xb8;
	[tilespmem:$0x18800] =	vst v63  }
0x37: {  	s13 =	simm.s32 $0x2000  }
0x38: {  	[tilespmem:s13], [sflag:$0x1] =	stream.indirect_vreg.gather [hbm4b:s2+s5], $0x80, v7, vm0, $0xb8;
	[tilespmem:$0x18800] =	vst v63  }
0x39: {  	s14 =	simm.s32 $0x2800  }
0x3a: {  	[tilespmem:s14], [sflag:$0x1] =	stream.indirect_vreg.gather [hbm4b:s8+s5], $0x80, v7, vm0, $0xb8;
	[tilespmem:$0x18800] =	vst v63  }
0x3b: {  	s15 =	simm.s32 $0x3000  }
0x3c: {  	[tilespmem:s15], [sflag:$0x1] =	stream.indirect_vreg.gather [hbm4b:s9+s5], $0x80, v7, vm0, $0xb8;
	[tilespmem:$0x18800] =	vst v63  }
0x3d: {  	v7 =	vld [tilespmem:$0x10];
	_ =	sdelay $0x4  }
0x3e: {  	v8 =	vshrl.u32 v7, $0x3  }
0x3f: {  	v8 =	vmul.u32 $0x30, v8  }
0x40: {  	v7 =	vand.u32 $0x7, v7  }
0x41: {  	v7 =	vor.u32 v7, v8  }
0x42: {  	v8 =	vperm.xlane v7, v0;
	_ =	sdelay $0x1  }
0x43: {  	v8 =	vadd.s32 v1, v8;
	_ =	sdelay $0x3  }
0x44: {  	s17 =	simm.s32 $0x3800;
	v7 =	vperm.xlane v7, v2  }
0x45: {  	[tilespmem:s17], [sflag:$0x1] =	stream.indirect_vreg.gather [hbm4b:s2+s5], $0x80, v8, vm0, $0xb8;
	[tilespmem:$0x18800] =	vst v63  }
0x46: {  	s18 =	simm.s32 $0x4000;
	v7 =	vadd.s32 v1, v7  }
0x47: {  	[tilespmem:s18], [sflag:$0x1] =	stream.indirect_vreg.gather [hbm4b:s8+s5], $0x80, v8, vm0, $0xb8;
	[tilespmem:$0x18800] =	vst v63  }
0x48: {  	s19 =	simm.s32 $0x4800  }
0x49: {  	[tilespmem:s19], [sflag:$0x1] =	stream.indirect_vreg.gather [hbm4b:s9+s5], $0x80, v8, vm0, $0xb8;
	[tilespmem:$0x18800] =	vst v63  }
0x4a: {  	s20 =	simm.s32 $0x5000  }
0x4b: {  	[tilespmem:s20], [sflag:$0x1] =	stream.indirect_vreg.gather [hbm4b:s2+s5], $0x80, v7, vm0, $0xb8;
	[tilespmem:$0x18800] =	vst v63  }
0x4c: {  	s21 =	simm.s32 $0x5800  }
0x4d: {  	[tilespmem:s21], [sflag:$0x1] =	stream.indirect_vreg.gather [hbm4b:s8+s5], $0x80, v7, vm0, $0xb8;
	[tilespmem:$0x18800] =	vst v63  }
0x4e: {  	s25 =	simm.s32 $0x6000  }
0x4f: {  	[tilespmem:s25], [sflag:$0x1] =	stream.indirect_vreg.gather [hbm4b:s9+s5], $0x80, v7, vm0, $0xb8;
	[tilespmem:$0x18800] =	vst v63  }
0x50: {  	v7 =	vld [tilespmem:$0x20];
	_ =	sdelay $0x4  }
0x51: {  	v8 =	vshrl.u32 v7, $0x3  }
0x52: {  	v8 =	vmul.u32 $0x30, v8  }
0x53: {  	v7 =	vand.u32 $0x7, v7  }
0x54: {  	v7 =	vor.u32 v7, v8  }
0x55: {  	v8 =	vperm.xlane v7, v0;
	_ =	sdelay $0x1  }
0x56: {  	v8 =	vadd.s32 v1, v8;
	_ =	sdelay $0x3  }
0x57: {  	v7 =	vperm.xlane v7, v2  }
0x58: {  	[tilespmem:s24], [sflag:$0x2] =	stream.indirect_vreg.gather [hbm4b:s2+s5], $0x80, v8, vm0, $0xb8;
	[tilespmem:$0x18800] =	vst v63  }
0x59: {  	s29 =	simm.s32 $0x7000;
	v7 =	vadd.s32 v1, v7  }
0x5a: {  	[tilespmem:s29], [sflag:$0x2] =	stream.indirect_vreg.gather [hbm4b:s8+s5], $0x80, v8, vm0, $0xb8;
	[tilespmem:$0x18800] =	vst v63  }
0x5b: {  	s7 =	simm.s32 $0x7800  }
0x5c: {  	[tilespmem:s7], [sflag:$0x2] =	stream.indirect_vreg.gather [hbm4b:s9+s5], $0x80, v8, vm0, $0xb8;
	[tilespmem:$0x18800] =	vst v63  }
0x5d: {  	s13 =	simm.s32 $0x8000  }
0x5e: {  	[tilespmem:s13], [sflag:$0x2] =	stream.indirect_vreg.gather [hbm4b:s2+s5], $0x80, v7, vm0, $0xb8;
	[tilespmem:$0x18800] =	vst v63  }
0x5f: {  	s14 =	simm.s32 $0x8800  }
0x60: {  	[tilespmem:s14], [sflag:$0x2] =	stream.indirect_vreg.gather [hbm4b:s8+s5], $0x80, v7, vm0, $0xb8;
	[tilespmem:$0x18800] =	vst v63  }
0x61: {  	s15 =	simm.s32 $0x9000  }
0x62: {  	[tilespmem:s15], [sflag:$0x2] =	stream.indirect_vreg.gather [hbm4b:s9+s5], $0x80, v7, vm0, $0xb8;
	[tilespmem:$0x18800] =	vst v63  }
0x63: {  	v7 =	vld [tilespmem:$0x30];
	_ =	sdelay $0x4  }
0x64: {  	v8 =	vshrl.u32 v7, $0x3  }
0x65: {  	v8 =	vmul.u32 $0x30, v8  }
0x66: {  	v7 =	vand.u32 $0x7, v7  }
0x67: {  	v7 =	vor.u32 v7, v8  }
0x68: {  	v8 =	vperm.xlane v7, v0;
	_ =	sdelay $0x1  }
0x69: {  	v8 =	vadd.s32 v1, v8;
	_ =	sdelay $0x3  }
0x6a: {  	s17 =	simm.s32 $0x9800;
	v7 =	vperm.xlane v7, v2  }
0x6b: {  	[tilespmem:s17], [sflag:$0x2] =	stream.indirect_vreg.gather [hbm4b:s2+s5], $0x80, v8, vm0, $0xb8;
	[tilespmem:$0x18800] =	vst v63  }
0x6c: {  	s18 =	simm.s32 $0xA000;
	v7 =	vadd.s32 v1, v7  }
0x6d: {  	[tilespmem:s18], [sflag:$0x2] =	stream.indirect_vreg.gather [hbm4b:s8+s5], $0x80, v8, vm0, $0xb8;
	[tilespmem:$0x18800] =	vst v63  }
0x6e: {  	s19 =	simm.s32 $0xA800  }
0x6f: {  	[tilespmem:s19], [sflag:$0x2] =	stream.indirect_vreg.gather [hbm4b:s9+s5], $0x80, v8, vm0, $0xb8;
	[tilespmem:$0x18800] =	vst v63  }
0x70: {  	s20 =	simm.s32 $0xB000  }
0x71: {  	[tilespmem:s20], [sflag:$0x2] =	stream.indirect_vreg.gather [hbm4b:s2+s5], $0x80, v7, vm0, $0xb8;
	[tilespmem:$0x18800] =	vst v63  }
0x72: {  	s21 =	simm.s32 $0xB800  }
0x73: {  	[tilespmem:s21], [sflag:$0x2] =	stream.indirect_vreg.gather [hbm4b:s8+s5], $0x80, v7, vm0, $0xb8;
	[tilespmem:$0x18800] =	vst v63  }
0x74: {  	s25 =	simm.s32 $0xC000  }
0x75: {  	[tilespmem:s25], [sflag:$0x2] =	stream.indirect_vreg.gather [hbm4b:s9+s5], $0x80, v7, vm0, $0xb8;
	[tilespmem:$0x18800] =	vst v63  }
0x76: {  	v7 =	vld [tilespmem:$0x40];
	_ =	sdelay $0x4  }
0x77: {  	v8 =	vshrl.u32 v7, $0x3  }
0x78: {  	v8 =	vmul.u32 $0x30, v8  }
0x79: {  	v7 =	vand.u32 $0x7, v7  }
0x7a: {  	v7 =	vor.u32 v7, v8  }
0x7b: {  	v8 =	vperm.xlane v7, v0;
	_ =	sdelay $0x1  }
0x7c: {  	v8 =	vadd.s32 v1, v8;
	_ =	sdelay $0x3  }
0x7d: {  	v7 =	vperm.xlane v7, v2  }
0x7e: {  	[tilespmem:s16], [sflag:$0x3] =	stream.indirect_vreg.gather [hbm4b:s2+s5], $0x80, v8, vm0, $0xb8;
	[tilespmem:$0x18800] =	vst v63  }
0x7f: {  	s29 =	simm.s32 $0xD000;
	v7 =	vadd.s32 v1, v7  }
0x80: {  	[tilespmem:s29], [sflag:$0x3] =	stream.indirect_vreg.gather [hbm4b:s8+s5], $0x80, v8, vm0, $0xb8;
	[tilespmem:$0x18800] =	vst v63  }
0x81: {  	s7 =	simm.s32 $0xD800  }
0x82: {  	[tilespmem:s7], [sflag:$0x3] =	stream.indirect_vreg.gather [hbm4b:s9+s5], $0x80, v8, vm0, $0xb8;
	[tilespmem:$0x18800] =	vst v63  }
0x83: {  	s13 =	simm.s32 $0xE000  }
0x84: {  	[tilespmem:s13], [sflag:$0x3] =	stream.indirect_vreg.gather [hbm4b:s2+s5], $0x80, v7, vm0, $0xb8;
	[tilespmem:$0x18800] =	vst v63  }
0x85: {  	s14 =	simm.s32 $0xE800  }
0x86: {  	[tilespmem:s14], [sflag:$0x3] =	stream.indirect_vreg.gather [hbm4b:s8+s5], $0x80, v7, vm0, $0xb8;
	[tilespmem:$0x18800] =	vst v63  }
0x87: {  	s15 =	simm.s32 $0xF000  }
0x88: {  	[tilespmem:s15], [sflag:$0x3] =	stream.indirect_vreg.gather [hbm4b:s9+s5], $0x80, v7, vm0, $0xb8;
	[tilespmem:$0x18800] =	vst v63  }
0x89: {  	v7 =	vld [tilespmem:$0x50];
	_ =	sdelay $0x4  }
0x8a: {  	v8 =	vshrl.u32 v7, $0x3  }
0x8b: {  	v8 =	vmul.u32 $0x30, v8  }
0x8c: {  	v7 =	vand.u32 $0x7, v7  }
0x8d: {  	v7 =	vor.u32 v7, v8  }
0x8e: {  	v8 =	vperm.xlane v7, v0;
	_ =	sdelay $0x1  }
0x8f: {  	v8 =	vadd.s32 v1, v8;
	_ =	sdelay $0x3  }
0x90: {  	s17 =	simm.s32 $0xF800;
	v7 =	vperm.xlane v7, v2  }
0x91: {  	[tilespmem:s17], [sflag:$0x3] =	stream.indirect_vreg.gather [hbm4b:s2+s5], $0x80, v8, vm0, $0xb8;
	[tilespmem:$0x18800] =	vst v63  }
0x92: {  	s18 =	simm.s32 $0x10000;
	v7 =	vadd.s32 v1, v7  }
0x93: {  	[tilespmem:s18], [sflag:$0x3] =	stream.indirect_vreg.gather [hbm4b:s8+s5], $0x80, v8, vm0, $0xb8;
	[tilespmem:$0x18800] =	vst v63  }
0x94: {  	s19 =	simm.s32 $0x10800  }
0x95: {  	[tilespmem:s19], [sflag:$0x3] =	stream.indirect_vreg.gather [hbm4b:s9+s5], $0x80, v8, vm0, $0xb8;
	[tilespmem:$0x18800] =	vst v63  }
0x96: {  	s20 =	simm.s32 $0x11000  }
0x97: {  	[tilespmem:s20], [sflag:$0x3] =	stream.indirect_vreg.gather [hbm4b:s2+s5], $0x80, v7, vm0, $0xb8;
	[tilespmem:$0x18800] =	vst v63  }
0x98: {  	s21 =	simm.s32 $0x11800  }
0x99: {  	[tilespmem:s21], [sflag:$0x3] =	stream.indirect_vreg.gather [hbm4b:s8+s5], $0x80, v7, vm0, $0xb8;
	[tilespmem:$0x18800] =	vst v63  }
0x9a: {  	s25 =	simm.s32 $0x12000  }
0x9b: {  	[tilespmem:s25], [sflag:$0x3] =	stream.indirect_vreg.gather [hbm4b:s9+s5], $0x80, v7, vm0, $0xb8;
	[tilespmem:$0x18800] =	vst v63  }
0x9c: {  	v7 =	vld [tilespmem:$0x60];
	_ =	sdelay $0x4  }
0x9d: {  	v8 =	vshrl.u32 v7, $0x3  }
0x9e: {  	v8 =	vmul.u32 $0x30, v8  }
0x9f: {  	v7 =	vand.u32 $0x7, v7  }
0xa0: {  	v7 =	vor.u32 v7, v8  }
0xa1: {  	v8 =	vperm.xlane v7, v0;
	_ =	sdelay $0x1  }
0xa2: {  	v8 =	vadd.s32 v1, v8;
	_ =	sdelay $0x3  }
0xa3: {  	v7 =	vperm.xlane v7, v2  }
0xa4: {  	[tilespmem:s31], [sflag:$0x4] =	stream.indirect_vreg.gather [hbm4b:s2+s5], $0x80, v8, vm0, $0xb8;
	[tilespmem:$0x18800] =	vst v63  }
0xa5: {  	s29 =	simm.s32 $0x13000;
	v7 =	vadd.s32 v1, v7  }
0xa6: {  	[tilespmem:s29], [sflag:$0x4] =	stream.indirect_vreg.gather [hbm4b:s8+s5], $0x80, v8, vm0, $0xb8;
	[tilespmem:$0x18800] =	vst v63  }
0xa7: {  	s7 =	simm.s32 $0x13800  }
0xa8: {  	[tilespmem:s7], [sflag:$0x4] =	stream.indirect_vreg.gather [hbm4b:s9+s5], $0x80, v8, vm0, $0xb8;
	[tilespmem:$0x18800] =	vst v63  }
0xa9: {  	s13 =	simm.s32 $0x14000  }
0xaa: {  	[tilespmem:s13], [sflag:$0x4] =	stream.indirect_vreg.gather [hbm4b:s2+s5], $0x80, v7, vm0, $0xb8;
	[tilespmem:$0x18800] =	vst v63  }
0xab: {  	s14 =	simm.s32 $0x14800  }
0xac: {  	[tilespmem:s14], [sflag:$0x4] =	stream.indirect_vreg.gather [hbm4b:s8+s5], $0x80, v7, vm0, $0xb8;
	[tilespmem:$0x18800] =	vst v63  }
0xad: {  	s15 =	simm.s32 $0x15000  }
0xae: {  	[tilespmem:s15], [sflag:$0x4] =	stream.indirect_vreg.gather [hbm4b:s9+s5], $0x80, v7, vm0, $0xb8;
	[tilespmem:$0x18800] =	vst v63  }
0xaf: {  	v7 =	vld [tilespmem:$0x70];
	_ =	sdelay $0x4  }
0xb0: {  	v8 =	vshrl.u32 v7, $0x3  }
0xb1: {  	v8 =	vmul.u32 $0x30, v8  }
0xb2: {  	v7 =	vand.u32 $0x7, v7  }
0xb3: {  	v7 =	vor.u32 v7, v8  }
0xb4: {  	v8 =	vperm.xlane v7, v0;
	_ =	sdelay $0x1  }
0xb5: {  	v8 =	vadd.s32 v1, v8;
	_ =	sdelay $0x3  }
0xb6: {  	s17 =	simm.s32 $0x15800;
	v7 =	vperm.xlane v7, v2  }
0xb7: {  	[tilespmem:s17], [sflag:$0x4] =	stream.indirect_vreg.gather [hbm4b:s2+s5], $0x80, v8, vm0, $0xb8;
	[tilespmem:$0x18800] =	vst v63  }
0xb8: {  	s18 =	simm.s32 $0x16000;
	v7 =	vadd.s32 v1, v7  }
0xb9: {  	[tilespmem:s18], [sflag:$0x4] =	stream.indirect_vreg.gather [hbm4b:s8+s5], $0x80, v8, vm0, $0xb8;
	[tilespmem:$0x18800] =	vst v63  }
0xba: {  	s19 =	simm.s32 $0x16800  }
0xbb: {  	[tilespmem:s19], [sflag:$0x4] =	stream.indirect_vreg.gather [hbm4b:s9+s5], $0x80, v8, vm0, $0xb8;
	[tilespmem:$0x18800] =	vst v63  }
0xbc: {  	s20 =	simm.s32 $0x17000  }
0xbd: {  	[tilespmem:s20], [sflag:$0x4] =	stream.indirect_vreg.gather [hbm4b:s2+s5], $0x80, v7, vm0, $0xb8;
	[tilespmem:$0x18800] =	vst v63  }
0xbe: {  	s21 =	simm.s32 $0x17800  }
0xbf: {  	[tilespmem:s21], [sflag:$0x4] =	stream.indirect_vreg.gather [hbm4b:s8+s5], $0x80, v7, vm0, $0xb8;
	[tilespmem:$0x18800] =	vst v63  }
0xc0: {  	s25 =	simm.s32 $0x18000  }
0xc1: {  	[tilespmem:s25], [sflag:$0x4] =	stream.indirect_vreg.gather [hbm4b:s9+s5], $0x80, v7, vm0, $0xb8;
	[tilespmem:$0x18800] =	vst v63  }
0xc2: {  	v7 =	vld [tilespmem:$0x400];
	_ =	sdelay $0x3  }
0xc3: {  	s29 =	simm.s32 $0x10  }
0xc4: {  	s6 =	simm.s32 $0x80;
	v8 =	vld [tilespmem:s29+$0x400];
	v9 =	vmov v7  }
.LBB2_2:
0xc5: {  	p0 =	sne.s32 s6, $0xFC0  }
.Ltmp2:
0xc6: {  	_ = 	snop;
	(pc) =	sbr.rel @p0 .LBB2_2-.Ltmp2, $3  }
0xc7: {  	_ =	sdelay $0x1  }
0xc8: {  	s7 =	sshra.s32 s6, $0x2;
	s6 =	sadd.s32 $0x40, s6;
	v7 =	vmin.f32 v7, v8;
	v9 =	vmax.f32 v9, v8  }
0xc9: {  	v8 =	vld [tilespmem:s7+$0x400]  }
0xca: {  	_ =	sdelay $0x3  }
0xcb: {  	v7 =	vmin.f32 v7, v8  }
0xcc: {  	v8 =	vmax.f32 v9, v8;
	v63 =	vperm.xlane v7, v3  }
0xcd: {  	v10 =	vperm.xlane v8, v3  }
0xce: {  	v7 =	vmin.f32 v7, v63  }
0xcf: {  	v8 =	vmax.f32 v8, v10;
	v9 =	vperm.xlane v7, v4  }
0xd0: {  	v10 =	vperm.xlane v8, v4  }
0xd1: {  	v7 =	vmin.f32 v7, v9  }
0xd2: {  	v8 =	vmax.f32 v8, v10;
	v9 =	vperm.xlane v7, v5  }
0xd3: {  	v10 =	vperm.xlane v8, v5  }
0xd4: {  	v7 =	vmin.f32 v7, v9  }
0xd5: {  	v8 =	vmax.f32 v8, v10;
	v9 =	vperm.xlane v7, v6  }
0xd6: {  	v10 =	vperm.xlane v8, v6  }
0xd7: {  	v7 =	vmin.f32 v7, v9  }
0xd8: {  	v8 =	vmax.f32 v8, v10;
	(v2sf) =	vpush v7, $0x0  }
0xd9: {  	(v2sf) =	vpush v8, $0x0;
	_ =	sdelay $0xd  }
.Ltmp3:
0xda: {  	s6 =	spop (v2sf);
	(pc) =	sbr.rel .LBB2_4-.Ltmp3, $4  }
0xdb: {  	s7 =	spop (v2sf)  }
0xdc: {  	p0 =	sne.f32 s6, $1.000000000e+00;
	p1 =	sne.f32 s7, $1.000000000e+00  }
0xdd: {  	_ = 	snop  }
0xde: {  	s13 =	simm.s32 $0x0;
	p0 =	por p0, p1  }
.LBB2_24:
0xdf: {  	s13 =	sadd.s32 $0x1, s13  }
0xe0: {  	s6 =	sadd.s32 s4, s14;
	p1 =	sne.s32 s13, $0x8  }
.Ltmp4:
0xe1: {  	s6 =	sshrl.u32 s6, $0x3;
	(pc) =	sbr.rel @!p1 .LBB2_25-.Ltmp4, $3  }
0xe2: {  	s6 =	smul.u32 $0x300, s6;
	_ =	sdelay $0x1  }
0xe3: {  	s6 =	sadd.s32 s3, s6  }
0xe4: {  	[hbm4b:s6+s5] =	stream.linear.scatter [tilespmem:s31], [sflag:$0x8], $0x6000, $0x38;
	[tilespmem:$0x18800] =	vst v63  }
.LBB2_4:
0xe5: {  	p1 =	seq.s32 s13, $0x0  }
0xe6: {  	s6 =	simm.s32 @!p1 $0x7  }
0xe7: {  	_ =	swait.ge @!p1 [sflag:s6], $0x6000  }
0xe8: {  	s7 =	sshll.u32 @!p1 s13, $0x7;
	[sflag:s6] =	ssyncset.done @!p1 $0x0  }
0xe9: {  	s15 =	sand.u32 @!p1 $0x3FFFFF80, s7;
	[sflag:s6] =	ssyncadd.s32 @!p1 $0xFFFFA000  }
0xea: {  	v7 =	vld @!p1 [tilespmem:s15+$0x40];
	_ =	sdelay $0x4  }
0xeb: {  	v8 =	vshrl.u32 @!p1 v7, $0x3  }
0xec: {  	v8 =	vmul.u32 @!p1 $0x30, v8  }
0xed: {  	v9 =	vlaneseq.u32 @!p1;
	v7 =	vand.u32 @!p1 $0x7, v7  }
0xee: {  	v10 =	vor.u32 @!p1 v7, v8;
	v8 =	vand.u32 @!p1 $0x7, v9;
	v7 =	vshrl.u32 @!p1 v9, $0x3  }
0xef: {  	v11 =	vperm.xlane @!p1 v10, v8;
	v7 =	vmul.u32 @!p1 $0x8, v7;
	_ =	sdelay $0x1  }
0xf0: {  	v11 =	vadd.s32 @!p1 v7, v11;
	_ =	sdelay $0x2  }
0xf1: {  	v9 =	vor.u32 @!p1 $0x8, v9  }
0xf2: {  	vm1 =	vmmov @!p1 $0xffff;
	s14 =	simm.s32 @!p1 $0x0;
	s6 =	simm.s32 @!p1 $0xC800;
	v10 =	vperm.xlane @!p1 v10, v9  }
0xf3: {  	[tilespmem:s6], [sflag:$0x3] =	stream.indirect_vreg.gather @!p1 [hbm4b:s2+s14], $0x80, v11, vm1, $0xb8;
	[tilespmem:$0x18800] =	vst v63  }
0xf4: {  	v10 =	vadd.s32 @!p1 v7, v10;
	s6 =	simm.s32 @!p1 $0xD000  }
0xf5: {  	[tilespmem:s6], [sflag:$0x3] =	stream.indirect_vreg.gather @!p1 [hbm4b:s8+s14], $0x80, v11, vm1, $0xb8;
	[tilespmem:$0x18800] =	vst v63  }
0xf6: {  	s6 =	simm.s32 @!p1 $0xD800  }
0xf7: {  	[tilespmem:s6], [sflag:$0x3] =	stream.indirect_vreg.gather @!p1 [hbm4b:s9+s14], $0x80, v11, vm1, $0xb8;
	[tilespmem:$0x18800] =	vst v63  }
0xf8: {  	s6 =	simm.s32 @!p1 $0xE000  }
0xf9: {  	[tilespmem:s6], [sflag:$0x3] =	stream.indirect_vreg.gather @!p1 [hbm4b:s2+s14], $0x80, v10, vm1, $0xb8;
	[tilespmem:$0x18800] =	vst v63  }
0xfa: {  	s6 =	simm.s32 @!p1 $0xE800  }
0xfb: {  	[tilespmem:s6], [sflag:$0x3] =	stream.indirect_vreg.gather @!p1 [hbm4b:s8+s14], $0x80, v10, vm1, $0xb8;
	[tilespmem:$0x18800] =	vst v63  }
0xfc: {  	s6 =	simm.s32 @!p1 $0xF000  }
0xfd: {  	[tilespmem:s6], [sflag:$0x3] =	stream.indirect_vreg.gather @!p1 [hbm4b:s9+s14], $0x80, v10, vm1, $0xb8;
	[tilespmem:$0x18800] =	vst v63  }
0xfe: {  	v10 =	vld @!p1 [tilespmem:s15+$0x50];
	_ =	sdelay $0x4  }
0xff: {  	v11 =	vshrl.u32 @!p1 v10, $0x3  }
0x100: {  	v11 =	vmul.u32 @!p1 $0x30, v11  }
0x101: {  	v10 =	vand.u32 @!p1 $0x7, v10  }
0x102: {  	v10 =	vor.u32 @!p1 v10, v11  }
0x103: {  	v11 =	vperm.xlane @!p1 v10, v8;
	_ =	sdelay $0x1  }
0x104: {  	v11 =	vadd.s32 @!p1 v7, v11;
	_ =	sdelay $0x3  }
0x105: {  	s6 =	simm.s32 @!p1 $0xF800;
	v10 =	vperm.xlane @!p1 v10, v9  }
0x106: {  	[tilespmem:s6], [sflag:$0x3] =	stream.indirect_vreg.gather @!p1 [hbm4b:s2+s14], $0x80, v11, vm1, $0xb8;
	[tilespmem:$0x18800] =	vst v63  }
0x107: {  	v10 =	vadd.s32 @!p1 v7, v10;
	s6 =	simm.s32 @!p1 $0x10000  }
0x108: {  	[tilespmem:s6], [sflag:$0x3] =	stream.indirect_vreg.gather @!p1 [hbm4b:s8+s14], $0x80, v11, vm1, $0xb8;
	[tilespmem:$0x18800] =	vst v63  }
0x109: {  	s6 =	simm.s32 @!p1 $0x10800  }
0x10a: {  	[tilespmem:s6], [sflag:$0x3] =	stream.indirect_vreg.gather @!p1 [hbm4b:s9+s14], $0x80, v11, vm1, $0xb8;
	[tilespmem:$0x18800] =	vst v63  }
0x10b: {  	s6 =	simm.s32 @!p1 $0x11000  }
0x10c: {  	[tilespmem:s6], [sflag:$0x3] =	stream.indirect_vreg.gather @!p1 [hbm4b:s2+s14], $0x80, v10, vm1, $0xb8;
	[tilespmem:$0x18800] =	vst v63  }
0x10d: {  	s6 =	simm.s32 @!p1 $0x11800  }
0x10e: {  	[tilespmem:s6], [sflag:$0x3] =	stream.indirect_vreg.gather @!p1 [hbm4b:s8+s14], $0x80, v10, vm1, $0xb8;
	[tilespmem:$0x18800] =	vst v63  }
.Ltmp5:
0x10f: {  	s6 =	simm.s32 @!p1 $0x12000;
	(pc) =	sbr.rel @!p0 .LBB2_9-.Ltmp5, $4  }
0x110: {  	[tilespmem:s6], [sflag:$0x3] =	stream.indirect_vreg.gather @!p1 [hbm4b:s9+s14], $0x80, v10, vm1, $0xb8;
	[tilespmem:$0x18800] =	vst v63  }
0x111: {  	_ =	swait.ge [sflag:s22], $0x6000  }
0x112: {  	[sflag:s22] =	ssyncset.done $0x0  }
0x113: {  	s17 =	sshll.u32 s13, $0x7;
	[sflag:s22] =	ssyncadd.s32 $0xFFFFA000  }
0x114: {  	s6 =	sand.u32 $0x3FFFFF80, s17  }
0x115: {  	s6 =	sadd.s32 $0x400, s6  }
0x116: {  	s18 =	simm.s32 $0x0;
	p3 =	por $0x1, $0x1;
	s20 =	simm.s32 $0x0;
	v10 =	vmov s6  }
.LBB2_6:
0x117: {  	s6 =	sadd.s32 $0x0, s20  }
0x118: {  	s6 =	sshrl.u32 s6, $0x3  }
0x119: {  	s6 =	smul.u32 $0x6000, s6;
	_ =	sdelay $0x1  }
0x11a: {  	v12 =	vld.idx.msk [tilespmem:v10+s20+$0x0 ss:$0x1], $0xffff;
	s7 =	sand.u32 $0x380, s18;
	s6 =	sshra.s32 s6, $0x2  }
0x11b: {  	s19 =	sor.u32 s7, s6  }
0x11c: {  	v13 =	vld [tilespmem:s19+$0x800]  }
0x11d: {  	v14 =	vld [tilespmem:s19+$0x810]  }
0x11e: {  	v11 =	vmov s18;
	v15 =	vld [tilespmem:s19+$0x820]  }
0x11f: {  	v11 =	vperm.xlane v12, v11;
	v16 =	vld [tilespmem:s19+$0x830]  }
0x120: {  	v17 =	vld [tilespmem:s19+$0x840]  }
0x121: {  	v18 =	vld [tilespmem:s19+$0x850];
	v13 =	vmul.f32 v13, v11  }
0x122: {  	v19 =	vld [tilespmem:s19+$0x860];
	v14 =	vmul.f32 v14, v11  }
0x123: {  	[tilespmem:s19+$0x800] =	vst v13;
	v13 =	vmul.f32 v15, v11;
	v15 =	vld [tilespmem:s19+$0x870]  }
0x124: {  	[tilespmem:s19+$0x810] =	vst v14;
	v14 =	vmul.f32 v16, v11;
	v16 =	vld [tilespmem:s19+$0xC00]  }
0x125: {  	[tilespmem:s19+$0x820] =	vst v13;
	v13 =	vmul.f32 v17, v11;
	v17 =	vld [tilespmem:s19+$0xC10]  }
0x126: {  	[tilespmem:s19+$0x830] =	vst v14;
	v14 =	vmul.f32 v18, v11;
	v18 =	vld [tilespmem:s19+$0xC20]  }
0x127: {  	[tilespmem:s19+$0x840] =	vst v13;
	v13 =	vmul.f32 v19, v11  }
0x128: {  	[tilespmem:s19+$0x850] =	vst v14;
	v14 =	vmul.f32 v15, v11;
	v15 =	vld [tilespmem:s19+$0xC30]  }
0x129: {  	[tilespmem:s19+$0x860] =	vst v13;
	v13 =	vmul.f32 v16, v11;
	v16 =	vld [tilespmem:s19+$0xC40]  }
0x12a: {  	v19 =	vld [tilespmem:s19+$0xC70]  }
0x12b: {  	[tilespmem:s19+$0x870] =	vst v14;
	v14 =	vmul.f32 v17, v11;
	v17 =	vmul.f32 v18, v11;
	v18 =	vld [tilespmem:s19+$0xC60]  }
0x12c: {  	[tilespmem:s19+$0xC00] =	vst v13;
	v13 =	vld [tilespmem:s19+$0xC50]  }
0x12d: {  	[tilespmem:s19+$0xC20] =	vst v17;
	v17 =	vld [tilespmem:s19+$0x1010];
	v15 =	vmul.f32 v15, v11  }
0x12e: {  	[tilespmem:s19+$0xC10] =	vst v14;
	v14 =	vld [tilespmem:s19+$0x1000];
	v16 =	vmul.f32 v16, v11  }
0x12f: {  	[tilespmem:s19+$0xC30] =	vst v15;
	v15 =	vld [tilespmem:s19+$0x1020]  }
0x130: {  	v18 =	vmul.f32 v18, v11;
	[tilespmem:s19+$0xC40] =	vst v16;
	v16 =	vld [tilespmem:s19+$0x1030]  }
0x131: {  	v13 =	vmul.f32 v13, v11  }
0x132: {  	[tilespmem:s19+$0xC60] =	vst v18;
	v18 =	vld [tilespmem:s19+$0x1050];
	v17 =	vmul.f32 v17, v11  }
0x133: {  	v14 =	vmul.f32 v14, v11;
	[tilespmem:s19+$0xC50] =	vst v13;
	v13 =	vld [tilespmem:s19+$0x1040]  }
0x134: {  	v19 =	vmul.f32 v19, v11;
	[tilespmem:s19+$0x1010] =	vst v17;
	v17 =	vld [tilespmem:s19+$0x1060]  }
0x135: {  	[tilespmem:s19+$0x1000] =	vst v14;
	v14 =	vmul.f32 v15, v11;
	v15 =	vld [tilespmem:s19+$0x1400];
	v16 =	vmul.f32 v16, v11  }
0x136: {  	[tilespmem:s19+$0xC70] =	vst v19  }
0x137: {  	v18 =	vmul.f32 v18, v11;
	[tilespmem:s19+$0x1030] =	vst v16;
	v16 =	vld [tilespmem:s19+$0x1420]  }
0x138: {  	[tilespmem:s19+$0x1020] =	vst v14;
	v14 =	vld [tilespmem:s19+$0x1410];
	v13 =	vmul.f32 v13, v11  }
0x139: {  	v19 =	vld [tilespmem:s19+$0x1070];
	v17 =	vmul.f32 v17, v11;
	[tilespmem:s19+$0x1050] =	vst v18  }
0x13a: {  	v18 =	vld [tilespmem:s19+$0x1440];
	[tilespmem:s19+$0x1040] =	vst v13;
	v15 =	vmul.f32 v15, v11  }
0x13b: {  	v13 =	vld [tilespmem:s19+$0x1430];
	[tilespmem:s19+$0x1060] =	vst v17  }
0x13c: {  	v17 =	vld [tilespmem:s19+$0x1450];
	[tilespmem:s19+$0x1400] =	vst v15;
	v15 =	vmul.f32 v16, v11  }
0x13d: {  	v14 =	vmul.f32 v14, v11;
	v16 =	vld [tilespmem:s19+$0x1460]  }
0x13e: {  	v19 =	vmul.f32 v19, v11;
	[tilespmem:s19+$0x1420] =	vst v15;
	v15 =	vld [tilespmem:s19+$0x1470]  }
0x13f: {  	[tilespmem:s19+$0x1410] =	vst v14;
	v14 =	vld [tilespmem:s19+$0x1800];
	v18 =	vmul.f32 v18, v11  }
0x140: {  	[tilespmem:s19+$0x1070] =	vst v19;
	v19 =	vld [tilespmem:s19+$0x1810];
	v13 =	vmul.f32 v13, v11  }
0x141: {  	v17 =	vmul.f32 v17, v11;
	[tilespmem:s19+$0x1440] =	vst v18  }
0x142: {  	[tilespmem:s19+$0x1430] =	vst v13;
	v13 =	vld [tilespmem:s19+$0x1820];
	v16 =	vmul.f32 v16, v11  }
0x143: {  	v18 =	vld [tilespmem:s19+$0x1830];
	[tilespmem:s19+$0x1450] =	vst v17;
	v17 =	vmul.f32 v15, v11  }
0x144: {  	v20 =	vld [tilespmem:s19+$0x1840];
	v14 =	vmul.f32 v14, v11;
	[tilespmem:s19+$0x1460] =	vst v16  }
0x145: {  	v15 =	vld [tilespmem:s19+$0x1850];
	[tilespmem:s19+$0x1470] =	vst v17;
	v17 =	vmul.f32 v19, v11  }
0x146: {  	v16 =	vld [tilespmem:s19+$0x1860];
	[tilespmem:s19+$0x1800] =	vst v14  }
0x147: {  	v14 =	vmul.f32 v13, v11;
	[tilespmem:s19+$0x1810] =	vst v17;
	v17 =	vld [tilespmem:s19+$0x1870]  }
0x148: {  	v13 =	vld [tilespmem:s19+$0x1C00];
	v19 =	vmul.f32 v18, v11  }
0x149: {  	p2 =	por p3, p3;
	s21 =	simm.s32 $0x1;
	s6 =	simm.s32 $0x0;
	v18 =	vmul.f32 v20, v11;
	[tilespmem:s19+$0x1820] =	vst v14;
	v14 =	vld [tilespmem:s19+$0x1C10]  }
.LBB2_7:
0x14a: {  	s7 =	sadd.s32 s21, s20;
	p3 =	sne.s32 s21, $0xF;
	[tilespmem:s19+$0x1830] =	vst v19;
	v15 =	vmul.f32 v15, v11;
	v19 =	vld [tilespmem:s19+$0x1C20]  }
0x14b: {  	s7 =	sshrl.u32 s7, $0x3;
	[tilespmem:s19+$0x1840] =	vst v18;
	v16 =	vmul.f32 v16, v11;
	v18 =	vld [tilespmem:s19+$0x1C30]  }
0x14c: {  	s7 =	smul.u32 $0x6000, s7;
	[tilespmem:s19+$0x1850] =	vst v15;
	v15 =	vmul.f32 v17, v11;
	v17 =	vld [tilespmem:s19+$0x1C40]  }
0x14d: {  	s6 =	sadd.s32 $0x80, s6;
	[tilespmem:s19+$0x1860] =	vst v16;
	v13 =	vmul.f32 v13, v11;
	v16 =	vld [tilespmem:s19+$0x1C50]  }
0x14e: {  	s25 =	sand.u32 $0x380, s6;
	s7 =	sshra.s32 s7, $0x2;
	[tilespmem:s19+$0x1870] =	vst v15;
	v14 =	vmul.f32 v14, v11;
	v15 =	vld [tilespmem:s19+$0x1C60]  }
0x14f: {  	s7 =	sor.u32 s25, s7;
	[tilespmem:s19+$0x1C00] =	vst v13;
	v13 =	vmul.f32 v19, v11;
	v19 =	vld [tilespmem:s19+$0x1C70]  }
0x150: {  	v20 =	vld [tilespmem:s7+$0x800];
	[tilespmem:s19+$0x1C10] =	vst v14;
	v14 =	vmul.f32 v18, v11  }
0x151: {  	v18 =	vld [tilespmem:s7+$0x810];
	[tilespmem:s19+$0x1C20] =	vst v13;
	v13 =	vmul.f32 v17, v11  }
0x152: {  	v17 =	vmov s21;
	v21 =	vld [tilespmem:s7+$0x820];
	[tilespmem:s19+$0x1C30] =	vst v14;
	v14 =	vmul.f32 v16, v11  }
0x153: {  	v16 =	vperm.xlane v12, v17;
	v17 =	vld [tilespmem:s7+$0x830];
	[tilespmem:s19+$0x1C40] =	vst v13;
	v13 =	vmul.f32 v15, v11  }
0x154: {  	v15 =	vld [tilespmem:s7+$0x840];
	[tilespmem:s19+$0x1C50] =	vst v14;
	v14 =	vmul.f32 v19, v11  }
0x155: {  	v11 =	vmov v16;
	v19 =	vmul.f32 v20, v16;
	v20 =	vld [tilespmem:s7+$0x850];
	[tilespmem:s19+$0x1C60] =	vst v13  }
0x156: {  	v13 =	vmul.f32 v18, v11;
	v16 =	vld [tilespmem:s7+$0x860];
	[tilespmem:s19+$0x1C70] =	vst v14;
	s19 =	smov.u32 s7  }
0x157: {  	[tilespmem:s19+$0x800] =	vst v19;
	v14 =	vmul.f32 v21, v11;
	v18 =	vld [tilespmem:s19+$0x870]  }
0x158: {  	[tilespmem:s19+$0x810] =	vst v13;
	v13 =	vmul.f32 v17, v11;
	v17 =	vld [tilespmem:s19+$0xC00]  }
0x159: {  	[tilespmem:s19+$0x820] =	vst v14;
	v14 =	vmul.f32 v15, v11;
	v15 =	vld [tilespmem:s19+$0xC10]  }
0x15a: {  	[tilespmem:s19+$0x830] =	vst v13;
	v13 =	vmul.f32 v20, v11;
	v19 =	vld [tilespmem:s19+$0xC20]  }
0x15b: {  	[tilespmem:s19+$0x840] =	vst v14;
	v14 =	vmul.f32 v16, v11;
	v16 =	vld [tilespmem:s19+$0xC30]  }
0x15c: {  	[tilespmem:s19+$0x850] =	vst v13;
	v13 =	vmul.f32 v18, v11;
	v18 =	vld [tilespmem:s19+$0xC40]  }
0x15d: {  	[tilespmem:s19+$0x860] =	vst v14;
	v14 =	vmul.f32 v17, v11;
	v17 =	vld [tilespmem:s19+$0xC50]  }
0x15e: {  	[tilespmem:s19+$0x870] =	vst v13;
	v13 =	vmul.f32 v15, v11;
	v15 =	vld [tilespmem:s19+$0xC60]  }
0x15f: {  	[tilespmem:s19+$0xC00] =	vst v14;
	v14 =	vmul.f32 v19, v11;
	v19 =	vld [tilespmem:s19+$0xC70]  }
0x160: {  	[tilespmem:s19+$0xC10] =	vst v13;
	v13 =	vmul.f32 v16, v11;
	v16 =	vld [tilespmem:s19+$0x1000]  }
0x161: {  	[tilespmem:s19+$0xC20] =	vst v14;
	v14 =	vmul.f32 v18, v11;
	v18 =	vld [tilespmem:s19+$0x1010]  }
0x162: {  	[tilespmem:s19+$0xC30] =	vst v13;
	v13 =	vmul.f32 v17, v11;
	v17 =	vld [tilespmem:s19+$0x1020]  }
0x163: {  	[tilespmem:s19+$0xC40] =	vst v14;
	v14 =	vmul.f32 v15, v11;
	v15 =	vld [tilespmem:s19+$0x1030]  }
0x164: {  	[tilespmem:s19+$0xC50] =	vst v13;
	v13 =	vmul.f32 v19, v11;
	v19 =	vld [tilespmem:s19+$0x1040]  }
0x165: {  	[tilespmem:s19+$0xC60] =	vst v14;
	v14 =	vmul.f32 v16, v11;
	v16 =	vld [tilespmem:s19+$0x1050]  }
0x166: {  	[tilespmem:s19+$0xC70] =	vst v13;
	v13 =	vmul.f32 v18, v11;
	v18 =	vld [tilespmem:s19+$0x1060]  }
0x167: {  	[tilespmem:s19+$0x1000] =	vst v14;
	v14 =	vmul.f32 v17, v11;
	v17 =	vld [tilespmem:s19+$0x1070]  }
0x168: {  	[tilespmem:s19+$0x1010] =	vst v13;
	v13 =	vmul.f32 v15, v11;
	v15 =	vld [tilespmem:s19+$0x1400]  }
0x169: {  	[tilespmem:s19+$0x1020] =	vst v14;
	v14 =	vmul.f32 v19, v11;
	v19 =	vld [tilespmem:s19+$0x1410]  }
0x16a: {  	[tilespmem:s19+$0x1030] =	vst v13;
	v13 =	vmul.f32 v16, v11;
	v16 =	vld [tilespmem:s19+$0x1420]  }
0x16b: {  	[tilespmem:s19+$0x1040] =	vst v14;
	v14 =	vmul.f32 v18, v11;
	v18 =	vld [tilespmem:s19+$0x1430]  }
0x16c: {  	[tilespmem:s19+$0x1050] =	vst v13;
	v13 =	vmul.f32 v17, v11;
	v17 =	vld [tilespmem:s19+$0x1440]  }
0x16d: {  	[tilespmem:s19+$0x1060] =	vst v14;
	v14 =	vmul.f32 v15, v11;
	v15 =	vld [tilespmem:s19+$0x1450]  }
0x16e: {  	[tilespmem:s19+$0x1070] =	vst v13;
	v13 =	vmul.f32 v19, v11;
	v19 =	vld [tilespmem:s19+$0x1460]  }
0x16f: {  	[tilespmem:s19+$0x1400] =	vst v14;
	v14 =	vmul.f32 v16, v11;
	v16 =	vld [tilespmem:s19+$0x1470]  }
0x170: {  	[tilespmem:s19+$0x1410] =	vst v13;
	v13 =	vmul.f32 v18, v11;
	v18 =	vld [tilespmem:s19+$0x1800]  }
0x171: {  	[tilespmem:s19+$0x1420] =	vst v14;
	v14 =	vmul.f32 v17, v11;
	v17 =	vld [tilespmem:s19+$0x1810]  }
0x172: {  	[tilespmem:s19+$0x1430] =	vst v13;
	v13 =	vmul.f32 v15, v11;
	v20 =	vld [tilespmem:s19+$0x1820]  }
0x173: {  	[tilespmem:s19+$0x1440] =	vst v14;
	v14 =	vmul.f32 v19, v11;
	v19 =	vld [tilespmem:s19+$0x1830]  }
0x174: {  	[tilespmem:s19+$0x1450] =	vst v13;
	v13 =	vmul.f32 v16, v11;
	v21 =	vld [tilespmem:s19+$0x1840]  }
.Ltmp6:
0x175: {  	[tilespmem:s19+$0x1460] =	vst v14;
	v14 =	vmul.f32 v18, v11;
	v15 =	vld [tilespmem:s19+$0x1850];
	(pc) =	sbr.rel @p3 .LBB2_7-.Ltmp6, $4  }
0x176: {  	[tilespmem:s19+$0x1470] =	vst v13;
	v13 =	vmul.f32 v17, v11;
	v16 =	vld [tilespmem:s19+$0x1860]  }
0x177: {  	[tilespmem:s19+$0x1800] =	vst v14;
	v14 =	vmul.f32 v20, v11;
	v17 =	vld [tilespmem:s19+$0x1870]  }
0x178: {  	[tilespmem:s19+$0x1810] =	vst v13;
	v19 =	vmul.f32 v19, v11;
	v13 =	vld [tilespmem:s19+$0x1C00]  }
0x179: {  	s21 =	sadd.s32 $0x1, s21;
	[tilespmem:s19+$0x1820] =	vst v14;
	v18 =	vmul.f32 v21, v11;
	v14 =	vld [tilespmem:s19+$0x1C10]  }
0x17a: {  	[tilespmem:s19+$0x1830] =	vst v19;
	v12 =	vld [tilespmem:s19+$0x1C20];
	v15 =	vmul.f32 v15, v11  }
0x17b: {  	v55 =	vld [tilespmem:s19+$0x1C30];
	[tilespmem:s19+$0x1840] =	vst v18;
	v16 =	vmul.f32 v16, v11  }
0x17c: {  	v56 =	vld [tilespmem:s19+$0x1C40];
	[tilespmem:s19+$0x1850] =	vst v15;
	v17 =	vmul.f32 v17, v11  }
0x17d: {  	v57 =	vld [tilespmem:s19+$0x1C50];
	[tilespmem:s19+$0x1860] =	vst v16;
	v13 =	vmul.f32 v13, v11  }
0x17e: {  	v58 =	vld [tilespmem:s19+$0x1C60];
	[tilespmem:s19+$0x1870] =	vst v17;
	v14 =	vmul.f32 v14, v11  }
0x17f: {  	v59 =	vld [tilespmem:s19+$0x1C70];
	[tilespmem:s19+$0x1C00] =	vst v13;
	v12 =	vmul.f32 v12, v11  }
0x180: {  	v60 =	vmul.f32 v55, v11;
	[tilespmem:s19+$0x1C10] =	vst v14  }
0x181: {  	v61 =	vmul.f32 v56, v11;
	[tilespmem:s19+$0x1C20] =	vst v12  }
.Ltmp7:
0x182: {  	v62 =	vmul.f32 v57, v11;
	[tilespmem:s19+$0x1C30] =	vst v60;
	(pc) =	sbr.rel @p2 .LBB2_6-.Ltmp7, $4  }
0x183: {  	v63 =	vmul.f32 v58, v11;
	[tilespmem:s19+$0x1C40] =	vst v61  }
0x184: {  	v11 =	vmul.f32 v59, v11;
	[tilespmem:s19+$0x1C50] =	vst v62  }
0x185: {  	[tilespmem:s19+$0x1C60] =	vst v63  }
0x186: {  	s20 =	simm.s32 $0x10;
	p3 =	por $0x0, $0x0;
	[tilespmem:s19+$0x1C70] =	vst v11  }
.LBB2_9:
0x187: {  	s6 =	sadd.s32 s4, s17  }
0x188: {  	s6 =	sshrl.u32 s6, $0x3  }
0x189: {  	s6 =	smul.u32 $0x300, s6;
	_ =	sdelay $0x1  }
0x18a: {  	s6 =	sadd.s32 s3, s6  }
0x18b: {  	[hbm4b:s6+s5] =	stream.linear.scatter [tilespmem:s12], [sflag:$0x5], $0x6000, $0x38;
	[tilespmem:$0x18800] =	vst v63  }
0x18c: {  	s6 =	simm.s32 @!p1 $0x8  }
0x18d: {  	_ =	swait.ge @!p1 [sflag:s6], $0x6000  }
0x18e: {  	[sflag:s6] =	ssyncset.done @!p1 $0x0  }
0x18f: {  	[sflag:s6] =	ssyncadd.s32 @!p1 $0xFFFFA000  }
0x190: {  	v10 =	vld @!p1 [tilespmem:s15+$0x60];
	_ =	sdelay $0x4  }
0x191: {  	v11 =	vshrl.u32 @!p1 v10, $0x3  }
0x192: {  	v11 =	vmul.u32 @!p1 $0x30, v11  }
0x193: {  	v10 =	vand.u32 @!p1 $0x7, v10  }
0x194: {  	v10 =	vor.u32 @!p1 v10, v11  }
0x195: {  	v11 =	vperm.xlane @!p1 v10, v8;
	_ =	sdelay $0x1  }
0x196: {  	v11 =	vadd.s32 @!p1 v7, v11;
	_ =	sdelay $0x3  }
0x197: {  	s6 =	simm.s32 @!p1 $0x12800;
	v10 =	vperm.xlane @!p1 v10, v9  }
0x198: {  	[tilespmem:s6], [sflag:$0x4] =	stream.indirect_vreg.gather @!p1 [hbm4b:s2+s14], $0x80, v11, vm1, $0xb8;
	[tilespmem:$0x18800] =	vst v63  }
0x199: {  	v10 =	vadd.s32 @!p1 v7, v10;
	s6 =	simm.s32 @!p1 $0x13000  }
0x19a: {  	[tilespmem:s6], [sflag:$0x4] =	stream.indirect_vreg.gather @!p1 [hbm4b:s8+s14], $0x80, v11, vm1, $0xb8;
	[tilespmem:$0x18800] =	vst v63  }
0x19b: {  	s6 =	simm.s32 @!p1 $0x13800  }
0x19c: {  	[tilespmem:s6], [sflag:$0x4] =	stream.indirect_vreg.gather @!p1 [hbm4b:s9+s14], $0x80, v11, vm1, $0xb8;
	[tilespmem:$0x18800] =	vst v63  }
0x19d: {  	s6 =	simm.s32 @!p1 $0x14000  }
0x19e: {  	[tilespmem:s6], [sflag:$0x4] =	stream.indirect_vreg.gather @!p1 [hbm4b:s2+s14], $0x80, v10, vm1, $0xb8;
	[tilespmem:$0x18800] =	vst v63  }
0x19f: {  	s6 =	simm.s32 @!p1 $0x14800  }
0x1a0: {  	[tilespmem:s6], [sflag:$0x4] =	stream.indirect_vreg.gather @!p1 [hbm4b:s8+s14], $0x80, v10, vm1, $0xb8;
	[tilespmem:$0x18800] =	vst v63  }
0x1a1: {  	s6 =	simm.s32 @!p1 $0x15000  }
0x1a2: {  	[tilespmem:s6], [sflag:$0x4] =	stream.indirect_vreg.gather @!p1 [hbm4b:s9+s14], $0x80, v10, vm1, $0xb8;
	[tilespmem:$0x18800] =	vst v63  }
0x1a3: {  	v10 =	vld @!p1 [tilespmem:s15+$0x70];
	_ =	sdelay $0x4  }
0x1a4: {  	v11 =	vshrl.u32 @!p1 v10, $0x3  }
0x1a5: {  	v11 =	vmul.u32 @!p1 $0x30, v11  }
0x1a6: {  	v10 =	vand.u32 @!p1 $0x7, v10  }
0x1a7: {  	v10 =	vor.u32 @!p1 v10, v11  }
0x1a8: {  	v8 =	vperm.xlane @!p1 v10, v8;
	_ =	sdelay $0x1  }
0x1a9: {  	v8 =	vadd.s32 @!p1 v7, v8;
	_ =	sdelay $0x3  }
0x1aa: {  	s6 =	simm.s32 @!p1 $0x15800;
	v9 =	vperm.xlane @!p1 v10, v9  }
0x1ab: {  	[tilespmem:s6], [sflag:$0x4] =	stream.indirect_vreg.gather @!p1 [hbm4b:s2+s14], $0x80, v8, vm1, $0xb8;
	[tilespmem:$0x18800] =	vst v63  }
0x1ac: {  	v7 =	vadd.s32 @!p1 v7, v9;
	s6 =	simm.s32 @!p1 $0x16000  }
0x1ad: {  	[tilespmem:s6], [sflag:$0x4] =	stream.indirect_vreg.gather @!p1 [hbm4b:s8+s14], $0x80, v8, vm1, $0xb8;
	[tilespmem:$0x18800] =	vst v63  }
0x1ae: {  	s6 =	simm.s32 @!p1 $0x16800  }
0x1af: {  	[tilespmem:s6], [sflag:$0x4] =	stream.indirect_vreg.gather @!p1 [hbm4b:s9+s14], $0x80, v8, vm1, $0xb8;
	[tilespmem:$0x18800] =	vst v63  }
0x1b0: {  	s6 =	simm.s32 @!p1 $0x17000  }
0x1b1: {  	[tilespmem:s6], [sflag:$0x4] =	stream.indirect_vreg.gather @!p1 [hbm4b:s2+s14], $0x80, v7, vm1, $0xb8;
	[tilespmem:$0x18800] =	vst v63  }
0x1b2: {  	s6 =	simm.s32 @!p1 $0x17800  }
0x1b3: {  	[tilespmem:s6], [sflag:$0x4] =	stream.indirect_vreg.gather @!p1 [hbm4b:s8+s14], $0x80, v7, vm1, $0xb8;
	[tilespmem:$0x18800] =	vst v63  }
.Ltmp8:
0x1b4: {  	s6 =	simm.s32 @!p1 $0x18000;
	(pc) =	sbr.rel @!p0 .LBB2_14-.Ltmp8, $4  }
0x1b5: {  	[tilespmem:s6], [sflag:$0x4] =	stream.indirect_vreg.gather @!p1 [hbm4b:s9+s14], $0x80, v7, vm1, $0xb8;
	[tilespmem:$0x18800] =	vst v63  }
0x1b6: {  	s14 =	sshll.u32 s13, $0x2;
	_ =	swait.ge [sflag:s23], $0x6000  }
0x1b7: {  	s29 =	sor.u32 $0x1, s14;
	[sflag:s23] =	ssyncset.done $0x0  }
0x1b8: {  	s15 =	sshll.u32 s29, $0x5;
	[sflag:s23] =	ssyncadd.s32 $0xFFFFA000  }
0x1b9: {  	s6 =	sand.u32 $0x3FFFFFE0, s15  }
0x1ba: {  	s6 =	sadd.s32 $0x400, s6  }
0x1bb: {  	s17 =	simm.s32 $0x0;
	p2 =	por $0x1, $0x1;
	s19 =	simm.s32 $0x0;
	v7 =	vmov s6  }
.LBB2_11:
0x1bc: {  	s6 =	sadd.s32 $0x0, s19  }
0x1bd: {  	s6 =	sshrl.u32 s6, $0x3  }
0x1be: {  	s6 =	smul.u32 $0x6000, s6;
	_ =	sdelay $0x1  }
0x1bf: {  	v9 =	vld.idx.msk [tilespmem:v7+s19+$0x0 ss:$0x1], $0xffff;
	s7 =	sand.u32 $0x380, s17;
	s6 =	sshra.s32 s6, $0x2  }
0x1c0: {  	s18 =	sor.u32 s7, s6  }
0x1c1: {  	v10 =	vld [tilespmem:s18+$0x6800]  }
0x1c2: {  	v11 =	vld [tilespmem:s18+$0x6810]  }
0x1c3: {  	v8 =	vmov s17;
	v12 =	vld [tilespmem:s18+$0x6820]  }
0x1c4: {  	v8 =	vperm.xlane v9, v8;
	v13 =	vld [tilespmem:s18+$0x6830]  }
0x1c5: {  	v14 =	vld [tilespmem:s18+$0x6840]  }
0x1c6: {  	v15 =	vld [tilespmem:s18+$0x6850];
	v10 =	vmul.f32 v10, v8  }
0x1c7: {  	v16 =	vld [tilespmem:s18+$0x6860];
	v11 =	vmul.f32 v11, v8  }
0x1c8: {  	[tilespmem:s18+$0x6800] =	vst v10;
	v10 =	vmul.f32 v12, v8;
	v12 =	vld [tilespmem:s18+$0x6870]  }
0x1c9: {  	[tilespmem:s18+$0x6810] =	vst v11;
	v11 =	vmul.f32 v13, v8;
	v13 =	vld [tilespmem:s18+$0x6C00]  }
0x1ca: {  	[tilespmem:s18+$0x6820] =	vst v10;
	v10 =	vmul.f32 v14, v8;
	v14 =	vld [tilespmem:s18+$0x6C10]  }
0x1cb: {  	[tilespmem:s18+$0x6830] =	vst v11;
	v11 =	vmul.f32 v15, v8;
	v15 =	vld [tilespmem:s18+$0x6C20]  }
0x1cc: {  	[tilespmem:s18+$0x6840] =	vst v10;
	v10 =	vmul.f32 v16, v8  }
0x1cd: {  	[tilespmem:s18+$0x6850] =	vst v11;
	v11 =	vmul.f32 v12, v8;
	v12 =	vld [tilespmem:s18+$0x6C30]  }
0x1ce: {  	[tilespmem:s18+$0x6860] =	vst v10;
	v10 =	vmul.f32 v13, v8;
	v13 =	vld [tilespmem:s18+$0x6C40]  }
0x1cf: {  	v16 =	vld [tilespmem:s18+$0x6C70]  }
0x1d0: {  	[tilespmem:s18+$0x6870] =	vst v11;
	v11 =	vmul.f32 v14, v8;
	v14 =	vmul.f32 v15, v8;
	v15 =	vld [tilespmem:s18+$0x6C60]  }
0x1d1: {  	[tilespmem:s18+$0x6C00] =	vst v10;
	v10 =	vld [tilespmem:s18+$0x6C50]  }
0x1d2: {  	[tilespmem:s18+$0x6C20] =	vst v14;
	v14 =	vld [tilespmem:s18+$0x7010];
	v12 =	vmul.f32 v12, v8  }
0x1d3: {  	[tilespmem:s18+$0x6C10] =	vst v11;
	v11 =	vld [tilespmem:s18+$0x7000];
	v13 =	vmul.f32 v13, v8  }
0x1d4: {  	[tilespmem:s18+$0x6C30] =	vst v12;
	v12 =	vld [tilespmem:s18+$0x7020]  }
0x1d5: {  	v15 =	vmul.f32 v15, v8;
	[tilespmem:s18+$0x6C40] =	vst v13;
	v13 =	vld [tilespmem:s18+$0x7030]  }
0x1d6: {  	v10 =	vmul.f32 v10, v8  }
0x1d7: {  	[tilespmem:s18+$0x6C60] =	vst v15;
	v15 =	vld [tilespmem:s18+$0x7050];
	v14 =	vmul.f32 v14, v8  }
0x1d8: {  	v11 =	vmul.f32 v11, v8;
	[tilespmem:s18+$0x6C50] =	vst v10;
	v10 =	vld [tilespmem:s18+$0x7040]  }
0x1d9: {  	v16 =	vmul.f32 v16, v8;
	[tilespmem:s18+$0x7010] =	vst v14;
	v14 =	vld [tilespmem:s18+$0x7060]  }
0x1da: {  	[tilespmem:s18+$0x7000] =	vst v11;
	v11 =	vmul.f32 v12, v8;
	v12 =	vld [tilespmem:s18+$0x7400];
	v13 =	vmul.f32 v13, v8  }
0x1db: {  	[tilespmem:s18+$0x6C70] =	vst v16  }
0x1dc: {  	v15 =	vmul.f32 v15, v8;
	[tilespmem:s18+$0x7030] =	vst v13;
	v13 =	vld [tilespmem:s18+$0x7420]  }
0x1dd: {  	[tilespmem:s18+$0x7020] =	vst v11;
	v11 =	vld [tilespmem:s18+$0x7410];
	v10 =	vmul.f32 v10, v8  }
0x1de: {  	v16 =	vld [tilespmem:s18+$0x7070];
	v14 =	vmul.f32 v14, v8;
	[tilespmem:s18+$0x7050] =	vst v15  }
0x1df: {  	v15 =	vld [tilespmem:s18+$0x7440];
	[tilespmem:s18+$0x7040] =	vst v10;
	v12 =	vmul.f32 v12, v8  }
0x1e0: {  	v10 =	vld [tilespmem:s18+$0x7430];
	[tilespmem:s18+$0x7060] =	vst v14  }
0x1e1: {  	v14 =	vld [tilespmem:s18+$0x7450];
	[tilespmem:s18+$0x7400] =	vst v12;
	v12 =	vmul.f32 v13, v8  }
0x1e2: {  	v11 =	vmul.f32 v11, v8;
	v13 =	vld [tilespmem:s18+$0x7460]  }
0x1e3: {  	v16 =	vmul.f32 v16, v8;
	[tilespmem:s18+$0x7420] =	vst v12;
	v12 =	vld [tilespmem:s18+$0x7470]  }
0x1e4: {  	[tilespmem:s18+$0x7410] =	vst v11;
	v11 =	vld [tilespmem:s18+$0x7800];
	v15 =	vmul.f32 v15, v8  }
0x1e5: {  	[tilespmem:s18+$0x7070] =	vst v16;
	v16 =	vld [tilespmem:s18+$0x7810];
	v10 =	vmul.f32 v10, v8  }
0x1e6: {  	v14 =	vmul.f32 v14, v8;
	[tilespmem:s18+$0x7440] =	vst v15  }
0x1e7: {  	[tilespmem:s18+$0x7430] =	vst v10;
	v10 =	vld [tilespmem:s18+$0x7820];
	v13 =	vmul.f32 v13, v8  }
0x1e8: {  	v15 =	vld [tilespmem:s18+$0x7830];
	[tilespmem:s18+$0x7450] =	vst v14;
	v14 =	vmul.f32 v12, v8  }
0x1e9: {  	v17 =	vld [tilespmem:s18+$0x7840];
	v11 =	vmul.f32 v11, v8;
	[tilespmem:s18+$0x7460] =	vst v13  }
0x1ea: {  	v12 =	vld [tilespmem:s18+$0x7850];
	[tilespmem:s18+$0x7470] =	vst v14;
	v14 =	vmul.f32 v16, v8  }
0x1eb: {  	v13 =	vld [tilespmem:s18+$0x7860];
	[tilespmem:s18+$0x7800] =	vst v11  }
0x1ec: {  	v11 =	vmul.f32 v10, v8;
	[tilespmem:s18+$0x7810] =	vst v14;
	v14 =	vld [tilespmem:s18+$0x7870]  }
0x1ed: {  	v10 =	vld [tilespmem:s18+$0x7C00];
	v16 =	vmul.f32 v15, v8  }
0x1ee: {  	p1 =	por p2, p2;
	s20 =	simm.s32 $0x1;
	s6 =	simm.s32 $0x0;
	v15 =	vmul.f32 v17, v8;
	[tilespmem:s18+$0x7820] =	vst v11;
	v11 =	vld [tilespmem:s18+$0x7C10]  }
.LBB2_12:
0x1ef: {  	s7 =	sadd.s32 s20, s19;
	p2 =	sne.s32 s20, $0xF;
	[tilespmem:s18+$0x7830] =	vst v16;
	v12 =	vmul.f32 v12, v8;
	v16 =	vld [tilespmem:s18+$0x7C20]  }
0x1f0: {  	s7 =	sshrl.u32 s7, $0x3;
	[tilespmem:s18+$0x7840] =	vst v15;
	v13 =	vmul.f32 v13, v8;
	v15 =	vld [tilespmem:s18+$0x7C30]  }
0x1f1: {  	s7 =	smul.u32 $0x6000, s7;
	[tilespmem:s18+$0x7850] =	vst v12;
	v12 =	vmul.f32 v14, v8;
	v14 =	vld [tilespmem:s18+$0x7C40]  }
0x1f2: {  	s6 =	sadd.s32 $0x80, s6;
	[tilespmem:s18+$0x7860] =	vst v13;
	v10 =	vmul.f32 v10, v8;
	v13 =	vld [tilespmem:s18+$0x7C50]  }
0x1f3: {  	s21 =	sand.u32 $0x380, s6;
	s7 =	sshra.s32 s7, $0x2;
	[tilespmem:s18+$0x7870] =	vst v12;
	v11 =	vmul.f32 v11, v8;
	v12 =	vld [tilespmem:s18+$0x7C60]  }
0x1f4: {  	s7 =	sor.u32 s21, s7;
	[tilespmem:s18+$0x7C00] =	vst v10;
	v10 =	vmul.f32 v16, v8;
	v16 =	vld [tilespmem:s18+$0x7C70]  }
0x1f5: {  	v17 =	vld [tilespmem:s7+$0x6800];
	[tilespmem:s18+$0x7C10] =	vst v11;
	v11 =	vmul.f32 v15, v8  }
0x1f6: {  	v15 =	vld [tilespmem:s7+$0x6810];
	[tilespmem:s18+$0x7C20] =	vst v10;
	v10 =	vmul.f32 v14, v8  }
0x1f7: {  	v14 =	vmov s20;
	v18 =	vld [tilespmem:s7+$0x6820];
	[tilespmem:s18+$0x7C30] =	vst v11;
	v11 =	vmul.f32 v13, v8  }
0x1f8: {  	v13 =	vperm.xlane v9, v14;
	v14 =	vld [tilespmem:s7+$0x6830];
	[tilespmem:s18+$0x7C40] =	vst v10;
	v10 =	vmul.f32 v12, v8  }
0x1f9: {  	v12 =	vld [tilespmem:s7+$0x6840];
	[tilespmem:s18+$0x7C50] =	vst v11;
	v11 =	vmul.f32 v16, v8  }
0x1fa: {  	v8 =	vmov v13;
	v16 =	vmul.f32 v17, v13;
	v17 =	vld [tilespmem:s7+$0x6850];
	[tilespmem:s18+$0x7C60] =	vst v10  }
0x1fb: {  	v10 =	vmul.f32 v15, v8;
	v13 =	vld [tilespmem:s7+$0x6860];
	[tilespmem:s18+$0x7C70] =	vst v11;
	s18 =	smov.u32 s7  }
0x1fc: {  	[tilespmem:s18+$0x6800] =	vst v16;
	v11 =	vmul.f32 v18, v8;
	v15 =	vld [tilespmem:s18+$0x6870]  }
0x1fd: {  	[tilespmem:s18+$0x6810] =	vst v10;
	v10 =	vmul.f32 v14, v8;
	v14 =	vld [tilespmem:s18+$0x6C00]  }
0x1fe: {  	[tilespmem:s18+$0x6820] =	vst v11;
	v11 =	vmul.f32 v12, v8;
	v12 =	vld [tilespmem:s18+$0x6C10]  }
0x1ff: {  	[tilespmem:s18+$0x6830] =	vst v10;
	v10 =	vmul.f32 v17, v8;
	v16 =	vld [tilespmem:s18+$0x6C20]  }
0x200: {  	[tilespmem:s18+$0x6840] =	vst v11;
	v11 =	vmul.f32 v13, v8;
	v13 =	vld [tilespmem:s18+$0x6C30]  }
0x201: {  	[tilespmem:s18+$0x6850] =	vst v10;
	v10 =	vmul.f32 v15, v8;
	v15 =	vld [tilespmem:s18+$0x6C40]  }
0x202: {  	[tilespmem:s18+$0x6860] =	vst v11;
	v11 =	vmul.f32 v14, v8;
	v14 =	vld [tilespmem:s18+$0x6C50]  }
0x203: {  	[tilespmem:s18+$0x6870] =	vst v10;
	v10 =	vmul.f32 v12, v8;
	v12 =	vld [tilespmem:s18+$0x6C60]  }
0x204: {  	[tilespmem:s18+$0x6C00] =	vst v11;
	v11 =	vmul.f32 v16, v8;
	v16 =	vld [tilespmem:s18+$0x6C70]  }
0x205: {  	[tilespmem:s18+$0x6C10] =	vst v10;
	v10 =	vmul.f32 v13, v8;
	v13 =	vld [tilespmem:s18+$0x7000]  }
0x206: {  	[tilespmem:s18+$0x6C20] =	vst v11;
	v11 =	vmul.f32 v15, v8;
	v15 =	vld [tilespmem:s18+$0x7010]  }
0x207: {  	[tilespmem:s18+$0x6C30] =	vst v10;
	v10 =	vmul.f32 v14, v8;
	v14 =	vld [tilespmem:s18+$0x7020]  }
0x208: {  	[tilespmem:s18+$0x6C40] =	vst v11;
	v11 =	vmul.f32 v12, v8;
	v12 =	vld [tilespmem:s18+$0x7030]  }
0x209: {  	[tilespmem:s18+$0x6C50] =	vst v10;
	v10 =	vmul.f32 v16, v8;
	v16 =	vld [tilespmem:s18+$0x7040]  }
0x20a: {  	[tilespmem:s18+$0x6C60] =	vst v11;
	v11 =	vmul.f32 v13, v8;
	v13 =	vld [tilespmem:s18+$0x7050]  }
0x20b: {  	[tilespmem:s18+$0x6C70] =	vst v10;
	v10 =	vmul.f32 v15, v8;
	v15 =	vld [tilespmem:s18+$0x7060]  }
0x20c: {  	[tilespmem:s18+$0x7000] =	vst v11;
	v11 =	vmul.f32 v14, v8;
	v14 =	vld [tilespmem:s18+$0x7070]  }
0x20d: {  	[tilespmem:s18+$0x7010] =	vst v10;
	v10 =	vmul.f32 v12, v8;
	v12 =	vld [tilespmem:s18+$0x7400]  }
0x20e: {  	[tilespmem:s18+$0x7020] =	vst v11;
	v11 =	vmul.f32 v16, v8;
	v16 =	vld [tilespmem:s18+$0x7410]  }
0x20f: {  	[tilespmem:s18+$0x7030] =	vst v10;
	v10 =	vmul.f32 v13, v8;
	v13 =	vld [tilespmem:s18+$0x7420]  }
0x210: {  	[tilespmem:s18+$0x7040] =	vst v11;
	v11 =	vmul.f32 v15, v8;
	v15 =	vld [tilespmem:s18+$0x7430]  }
0x211: {  	[tilespmem:s18+$0x7050] =	vst v10;
	v10 =	vmul.f32 v14, v8;
	v14 =	vld [tilespmem:s18+$0x7440]  }
0x212: {  	[tilespmem:s18+$0x7060] =	vst v11;
	v11 =	vmul.f32 v12, v8;
	v12 =	vld [tilespmem:s18+$0x7450]  }
0x213: {  	[tilespmem:s18+$0x7070] =	vst v10;
	v10 =	vmul.f32 v16, v8;
	v16 =	vld [tilespmem:s18+$0x7460]  }
0x214: {  	[tilespmem:s18+$0x7400] =	vst v11;
	v11 =	vmul.f32 v13, v8;
	v13 =	vld [tilespmem:s18+$0x7470]  }
0x215: {  	[tilespmem:s18+$0x7410] =	vst v10;
	v10 =	vmul.f32 v15, v8;
	v15 =	vld [tilespmem:s18+$0x7800]  }
0x216: {  	[tilespmem:s18+$0x7420] =	vst v11;
	v11 =	vmul.f32 v14, v8;
	v14 =	vld [tilespmem:s18+$0x7810]  }
0x217: {  	[tilespmem:s18+$0x7430] =	vst v10;
	v10 =	vmul.f32 v12, v8;
	v17 =	vld [tilespmem:s18+$0x7820]  }
0x218: {  	[tilespmem:s18+$0x7440] =	vst v11;
	v11 =	vmul.f32 v16, v8;
	v16 =	vld [tilespmem:s18+$0x7830]  }
0x219: {  	[tilespmem:s18+$0x7450] =	vst v10;
	v10 =	vmul.f32 v13, v8;
	v18 =	vld [tilespmem:s18+$0x7840]  }
.Ltmp9:
0x21a: {  	[tilespmem:s18+$0x7460] =	vst v11;
	v11 =	vmul.f32 v15, v8;
	v12 =	vld [tilespmem:s18+$0x7850];
	(pc) =	sbr.rel @p2 .LBB2_12-.Ltmp9, $4  }
0x21b: {  	[tilespmem:s18+$0x7470] =	vst v10;
	v10 =	vmul.f32 v14, v8;
	v13 =	vld [tilespmem:s18+$0x7860]  }
0x21c: {  	[tilespmem:s18+$0x7800] =	vst v11;
	v11 =	vmul.f32 v17, v8;
	v14 =	vld [tilespmem:s18+$0x7870]  }
0x21d: {  	[tilespmem:s18+$0x7810] =	vst v10;
	v16 =	vmul.f32 v16, v8;
	v10 =	vld [tilespmem:s18+$0x7C00]  }
0x21e: {  	s20 =	sadd.s32 $0x1, s20;
	[tilespmem:s18+$0x7820] =	vst v11;
	v15 =	vmul.f32 v18, v8;
	v11 =	vld [tilespmem:s18+$0x7C10]  }
0x21f: {  	[tilespmem:s18+$0x7830] =	vst v16;
	v9 =	vld [tilespmem:s18+$0x7C20];
	v12 =	vmul.f32 v12, v8  }
0x220: {  	v55 =	vld [tilespmem:s18+$0x7C30];
	[tilespmem:s18+$0x7840] =	vst v15;
	v13 =	vmul.f32 v13, v8  }
0x221: {  	v56 =	vld [tilespmem:s18+$0x7C40];
	[tilespmem:s18+$0x7850] =	vst v12;
	v14 =	vmul.f32 v14, v8  }
0x222: {  	v57 =	vld [tilespmem:s18+$0x7C50];
	[tilespmem:s18+$0x7860] =	vst v13;
	v10 =	vmul.f32 v10, v8  }
0x223: {  	v58 =	vld [tilespmem:s18+$0x7C60];
	[tilespmem:s18+$0x7870] =	vst v14;
	v11 =	vmul.f32 v11, v8  }
0x224: {  	v59 =	vld [tilespmem:s18+$0x7C70];
	[tilespmem:s18+$0x7C00] =	vst v10;
	v9 =	vmul.f32 v9, v8  }
0x225: {  	v60 =	vmul.f32 v55, v8;
	[tilespmem:s18+$0x7C10] =	vst v11  }
0x226: {  	v61 =	vmul.f32 v56, v8;
	[tilespmem:s18+$0x7C20] =	vst v9  }
.Ltmp10:
0x227: {  	v62 =	vmul.f32 v57, v8;
	[tilespmem:s18+$0x7C30] =	vst v60;
	(pc) =	sbr.rel @p1 .LBB2_11-.Ltmp10, $4  }
0x228: {  	v63 =	vmul.f32 v58, v8;
	[tilespmem:s18+$0x7C40] =	vst v61  }
0x229: {  	v8 =	vmul.f32 v59, v8;
	[tilespmem:s18+$0x7C50] =	vst v62  }
0x22a: {  	[tilespmem:s18+$0x7C60] =	vst v63  }
0x22b: {  	s19 =	simm.s32 $0x10;
	p2 =	por $0x0, $0x0;
	[tilespmem:s18+$0x7C70] =	vst v8  }
.LBB2_14:
0x22c: {  	s6 =	sadd.s32 s4, s15  }
0x22d: {  	s6 =	sshrl.u32 s6, $0x3  }
0x22e: {  	s6 =	smul.u32 $0x300, s6;
	_ =	sdelay $0x1  }
0x22f: {  	p1 =	seq.s32 s13, $0x7;
	s6 =	sadd.s32 s3, s6  }
0x230: {  	[hbm4b:s6+s5] =	stream.linear.scatter [tilespmem:s24], [sflag:$0x6], $0x6000, $0x38;
	[tilespmem:$0x18800] =	vst v63  }
0x231: {  	s6 =	simm.s32 @!p1 $0x5  }
0x232: {  	_ =	swait.ge @!p1 [sflag:s6], $0x6000  }
0x233: {  	s7 =	sshll.u32 @!p1 s13, $0x7;
	[sflag:s6] =	ssyncset.done @!p1 $0x0  }
0x234: {  	s17 =	sand.u32 @!p1 $0x3FFFFF80, s7;
	[sflag:s6] =	ssyncadd.s32 @!p1 $0xFFFFA000  }
0x235: {  	v7 =	vld @!p1 [tilespmem:s17+$0x80];
	_ =	sdelay $0x4  }
0x236: {  	v8 =	vshrl.u32 @!p1 v7, $0x3  }
0x237: {  	v8 =	vmul.u32 @!p1 $0x30, v8  }
0x238: {  	v9 =	vlaneseq.u32 @!p1;
	v7 =	vand.u32 @!p1 $0x7, v7  }
0x239: {  	v10 =	vor.u32 @!p1 v7, v8;
	v8 =	vand.u32 @!p1 $0x7, v9;
	v7 =	vshrl.u32 @!p1 v9, $0x3  }
0x23a: {  	v11 =	vperm.xlane @!p1 v10, v8;
	v7 =	vmul.u32 @!p1 $0x8, v7;
	_ =	sdelay $0x1  }
0x23b: {  	v11 =	vadd.s32 @!p1 v7, v11;
	_ =	sdelay $0x2  }
0x23c: {  	v9 =	vor.u32 @!p1 $0x8, v9  }
0x23d: {  	vm1 =	vmmov @!p1 $0xffff;
	s15 =	simm.s32 @!p1 $0x0;
	s6 =	simm.s32 @!p1 $0x800;
	v10 =	vperm.xlane @!p1 v10, v9  }
0x23e: {  	[tilespmem:s6], [sflag:$0x1] =	stream.indirect_vreg.gather @!p1 [hbm4b:s2+s15], $0x80, v11, vm1, $0xb8;
	[tilespmem:$0x18800] =	vst v63  }
0x23f: {  	v10 =	vadd.s32 @!p1 v7, v10;
	s6 =	simm.s32 @!p1 $0x1000  }
0x240: {  	[tilespmem:s6], [sflag:$0x1] =	stream.indirect_vreg.gather @!p1 [hbm4b:s8+s15], $0x80, v11, vm1, $0xb8;
	[tilespmem:$0x18800] =	vst v63  }
0x241: {  	s6 =	simm.s32 @!p1 $0x1800  }
0x242: {  	[tilespmem:s6], [sflag:$0x1] =	stream.indirect_vreg.gather @!p1 [hbm4b:s9+s15], $0x80, v11, vm1, $0xb8;
	[tilespmem:$0x18800] =	vst v63  }
0x243: {  	s6 =	simm.s32 @!p1 $0x2000  }
0x244: {  	[tilespmem:s6], [sflag:$0x1] =	stream.indirect_vreg.gather @!p1 [hbm4b:s2+s15], $0x80, v10, vm1, $0xb8;
	[tilespmem:$0x18800] =	vst v63  }
0x245: {  	s6 =	simm.s32 @!p1 $0x2800  }
0x246: {  	[tilespmem:s6], [sflag:$0x1] =	stream.indirect_vreg.gather @!p1 [hbm4b:s8+s15], $0x80, v10, vm1, $0xb8;
	[tilespmem:$0x18800] =	vst v63  }
0x247: {  	s6 =	simm.s32 @!p1 $0x3000  }
0x248: {  	[tilespmem:s6], [sflag:$0x1] =	stream.indirect_vreg.gather @!p1 [hbm4b:s9+s15], $0x80, v10, vm1, $0xb8;
	[tilespmem:$0x18800] =	vst v63  }
0x249: {  	v10 =	vld @!p1 [tilespmem:s17+$0x90];
	_ =	sdelay $0x4  }
0x24a: {  	v11 =	vshrl.u32 @!p1 v10, $0x3  }
0x24b: {  	v11 =	vmul.u32 @!p1 $0x30, v11  }
0x24c: {  	v10 =	vand.u32 @!p1 $0x7, v10  }
0x24d: {  	v10 =	vor.u32 @!p1 v10, v11  }
0x24e: {  	v11 =	vperm.xlane @!p1 v10, v8;
	_ =	sdelay $0x1  }
0x24f: {  	v11 =	vadd.s32 @!p1 v7, v11;
	_ =	sdelay $0x3  }
0x250: {  	s6 =	simm.s32 @!p1 $0x3800;
	v10 =	vperm.xlane @!p1 v10, v9  }
0x251: {  	[tilespmem:s6], [sflag:$0x1] =	stream.indirect_vreg.gather @!p1 [hbm4b:s2+s15], $0x80, v11, vm1, $0xb8;
	[tilespmem:$0x18800] =	vst v63  }
0x252: {  	v10 =	vadd.s32 @!p1 v7, v10;
	s6 =	simm.s32 @!p1 $0x4000  }
0x253: {  	[tilespmem:s6], [sflag:$0x1] =	stream.indirect_vreg.gather @!p1 [hbm4b:s8+s15], $0x80, v11, vm1, $0xb8;
	[tilespmem:$0x18800] =	vst v63  }
0x254: {  	s6 =	simm.s32 @!p1 $0x4800  }
0x255: {  	[tilespmem:s6], [sflag:$0x1] =	stream.indirect_vreg.gather @!p1 [hbm4b:s9+s15], $0x80, v11, vm1, $0xb8;
	[tilespmem:$0x18800] =	vst v63  }
0x256: {  	s6 =	simm.s32 @!p1 $0x5000  }
0x257: {  	[tilespmem:s6], [sflag:$0x1] =	stream.indirect_vreg.gather @!p1 [hbm4b:s2+s15], $0x80, v10, vm1, $0xb8;
	[tilespmem:$0x18800] =	vst v63  }
0x258: {  	s6 =	simm.s32 @!p1 $0x5800  }
0x259: {  	[tilespmem:s6], [sflag:$0x1] =	stream.indirect_vreg.gather @!p1 [hbm4b:s8+s15], $0x80, v10, vm1, $0xb8;
	[tilespmem:$0x18800] =	vst v63  }
.Ltmp11:
0x25a: {  	s6 =	simm.s32 @!p1 $0x6000;
	(pc) =	sbr.rel @!p0 .LBB2_19-.Ltmp11, $4  }
0x25b: {  	[tilespmem:s6], [sflag:$0x1] =	stream.indirect_vreg.gather @!p1 [hbm4b:s9+s15], $0x80, v10, vm1, $0xb8;
	[tilespmem:$0x18800] =	vst v63  }
0x25c: {  	_ =	swait.ge [sflag:s26], $0x6000  }
0x25d: {  	s29 =	sor.u32 $0x2, s14;
	[sflag:s26] =	ssyncset.done $0x0  }
0x25e: {  	s18 =	sshll.u32 s29, $0x5;
	[sflag:s26] =	ssyncadd.s32 $0xFFFFA000  }
0x25f: {  	s6 =	sand.u32 $0x3FFFFFE0, s18  }
0x260: {  	s6 =	sadd.s32 $0x400, s6  }
0x261: {  	s19 =	simm.s32 $0x0;
	p3 =	por $0x1, $0x1;
	s21 =	simm.s32 $0x0;
	v10 =	vmov s6  }
.LBB2_16:
0x262: {  	s6 =	sadd.s32 $0x0, s21  }
0x263: {  	s6 =	sshrl.u32 s6, $0x3  }
0x264: {  	s6 =	smul.u32 $0x6000, s6;
	_ =	sdelay $0x1  }
0x265: {  	v12 =	vld.idx.msk [tilespmem:v10+s21+$0x0 ss:$0x1], $0xffff;
	s7 =	sand.u32 $0x380, s19;
	s6 =	sshra.s32 s6, $0x2  }
0x266: {  	s20 =	sor.u32 s7, s6  }
0x267: {  	v13 =	vld [tilespmem:s20+$0xC800]  }
0x268: {  	v14 =	vld [tilespmem:s20+$0xC810]  }
0x269: {  	v11 =	vmov s19;
	v15 =	vld [tilespmem:s20+$0xC820]  }
0x26a: {  	v11 =	vperm.xlane v12, v11;
	v16 =	vld [tilespmem:s20+$0xC830]  }
0x26b: {  	v17 =	vld [tilespmem:s20+$0xC840]  }
0x26c: {  	v18 =	vld [tilespmem:s20+$0xC850];
	v13 =	vmul.f32 v13, v11  }
0x26d: {  	v19 =	vld [tilespmem:s20+$0xC860];
	v14 =	vmul.f32 v14, v11  }
0x26e: {  	[tilespmem:s20+$0xC800] =	vst v13;
	v13 =	vmul.f32 v15, v11;
	v15 =	vld [tilespmem:s20+$0xC870]  }
0x26f: {  	[tilespmem:s20+$0xC810] =	vst v14;
	v14 =	vmul.f32 v16, v11;
	v16 =	vld [tilespmem:s20+$0xCC00]  }
0x270: {  	[tilespmem:s20+$0xC820] =	vst v13;
	v13 =	vmul.f32 v17, v11;
	v17 =	vld [tilespmem:s20+$0xCC10]  }
0x271: {  	[tilespmem:s20+$0xC830] =	vst v14;
	v14 =	vmul.f32 v18, v11;
	v18 =	vld [tilespmem:s20+$0xCC20]  }
0x272: {  	[tilespmem:s20+$0xC840] =	vst v13;
	v13 =	vmul.f32 v19, v11  }
0x273: {  	[tilespmem:s20+$0xC850] =	vst v14;
	v14 =	vmul.f32 v15, v11;
	v15 =	vld [tilespmem:s20+$0xCC30]  }
0x274: {  	[tilespmem:s20+$0xC860] =	vst v13;
	v13 =	vmul.f32 v16, v11;
	v16 =	vld [tilespmem:s20+$0xCC40]  }
0x275: {  	v19 =	vld [tilespmem:s20+$0xCC70]  }
0x276: {  	[tilespmem:s20+$0xC870] =	vst v14;
	v14 =	vmul.f32 v17, v11;
	v17 =	vmul.f32 v18, v11;
	v18 =	vld [tilespmem:s20+$0xCC60]  }
0x277: {  	[tilespmem:s20+$0xCC00] =	vst v13;
	v13 =	vld [tilespmem:s20+$0xCC50]  }
0x278: {  	[tilespmem:s20+$0xCC20] =	vst v17;
	v17 =	vld [tilespmem:s20+$0xD010];
	v15 =	vmul.f32 v15, v11  }
0x279: {  	[tilespmem:s20+$0xCC10] =	vst v14;
	v14 =	vld [tilespmem:s20+$0xD000];
	v16 =	vmul.f32 v16, v11  }
0x27a: {  	[tilespmem:s20+$0xCC30] =	vst v15;
	v15 =	vld [tilespmem:s20+$0xD020]  }
0x27b: {  	v18 =	vmul.f32 v18, v11;
	[tilespmem:s20+$0xCC40] =	vst v16;
	v16 =	vld [tilespmem:s20+$0xD030]  }
0x27c: {  	v13 =	vmul.f32 v13, v11  }
0x27d: {  	[tilespmem:s20+$0xCC60] =	vst v18;
	v18 =	vld [tilespmem:s20+$0xD050];
	v17 =	vmul.f32 v17, v11  }
0x27e: {  	v14 =	vmul.f32 v14, v11;
	[tilespmem:s20+$0xCC50] =	vst v13;
	v13 =	vld [tilespmem:s20+$0xD040]  }
0x27f: {  	v19 =	vmul.f32 v19, v11;
	[tilespmem:s20+$0xD010] =	vst v17;
	v17 =	vld [tilespmem:s20+$0xD060]  }
0x280: {  	[tilespmem:s20+$0xD000] =	vst v14;
	v14 =	vmul.f32 v15, v11;
	v15 =	vld [tilespmem:s20+$0xD400];
	v16 =	vmul.f32 v16, v11  }
0x281: {  	[tilespmem:s20+$0xCC70] =	vst v19  }
0x282: {  	v18 =	vmul.f32 v18, v11;
	[tilespmem:s20+$0xD030] =	vst v16;
	v16 =	vld [tilespmem:s20+$0xD420]  }
0x283: {  	[tilespmem:s20+$0xD020] =	vst v14;
	v14 =	vld [tilespmem:s20+$0xD410];
	v13 =	vmul.f32 v13, v11  }
0x284: {  	v19 =	vld [tilespmem:s20+$0xD070];
	v17 =	vmul.f32 v17, v11;
	[tilespmem:s20+$0xD050] =	vst v18  }
0x285: {  	v18 =	vld [tilespmem:s20+$0xD440];
	[tilespmem:s20+$0xD040] =	vst v13;
	v15 =	vmul.f32 v15, v11  }
0x286: {  	v13 =	vld [tilespmem:s20+$0xD430];
	[tilespmem:s20+$0xD060] =	vst v17  }
0x287: {  	v17 =	vld [tilespmem:s20+$0xD450];
	[tilespmem:s20+$0xD400] =	vst v15;
	v15 =	vmul.f32 v16, v11  }
0x288: {  	v14 =	vmul.f32 v14, v11;
	v16 =	vld [tilespmem:s20+$0xD460]  }
0x289: {  	v19 =	vmul.f32 v19, v11;
	[tilespmem:s20+$0xD420] =	vst v15;
	v15 =	vld [tilespmem:s20+$0xD470]  }
0x28a: {  	[tilespmem:s20+$0xD410] =	vst v14;
	v14 =	vld [tilespmem:s20+$0xD800];
	v18 =	vmul.f32 v18, v11  }
0x28b: {  	[tilespmem:s20+$0xD070] =	vst v19;
	v19 =	vld [tilespmem:s20+$0xD810];
	v13 =	vmul.f32 v13, v11  }
0x28c: {  	v17 =	vmul.f32 v17, v11;
	[tilespmem:s20+$0xD440] =	vst v18  }
0x28d: {  	[tilespmem:s20+$0xD430] =	vst v13;
	v13 =	vld [tilespmem:s20+$0xD820];
	v16 =	vmul.f32 v16, v11  }
0x28e: {  	v18 =	vld [tilespmem:s20+$0xD830];
	[tilespmem:s20+$0xD450] =	vst v17;
	v17 =	vmul.f32 v15, v11  }
0x28f: {  	v20 =	vld [tilespmem:s20+$0xD840];
	v14 =	vmul.f32 v14, v11;
	[tilespmem:s20+$0xD460] =	vst v16  }
0x290: {  	v15 =	vld [tilespmem:s20+$0xD850];
	[tilespmem:s20+$0xD470] =	vst v17;
	v17 =	vmul.f32 v19, v11  }
0x291: {  	v16 =	vld [tilespmem:s20+$0xD860];
	[tilespmem:s20+$0xD800] =	vst v14  }
0x292: {  	v14 =	vmul.f32 v13, v11;
	[tilespmem:s20+$0xD810] =	vst v17;
	v17 =	vld [tilespmem:s20+$0xD870]  }
0x293: {  	v13 =	vld [tilespmem:s20+$0xDC00];
	v19 =	vmul.f32 v18, v11  }
0x294: {  	p2 =	por p3, p3;
	s6 =	simm.s32 $0x1;
	s7 =	simm.s32 $0x0;
	v18 =	vmul.f32 v20, v11;
	[tilespmem:s20+$0xD820] =	vst v14;
	v14 =	vld [tilespmem:s20+$0xDC10]  }
.LBB2_17:
0x295: {  	s25 =	sadd.s32 s6, s21;
	p3 =	sne.s32 s6, $0xF;
	[tilespmem:s20+$0xD830] =	vst v19;
	v15 =	vmul.f32 v15, v11;
	v19 =	vld [tilespmem:s20+$0xDC20]  }
0x296: {  	s25 =	sshrl.u32 s25, $0x3;
	[tilespmem:s20+$0xD840] =	vst v18;
	v16 =	vmul.f32 v16, v11;
	v18 =	vld [tilespmem:s20+$0xDC30]  }
0x297: {  	s25 =	smul.u32 $0x6000, s25;
	[tilespmem:s20+$0xD850] =	vst v15;
	v15 =	vmul.f32 v17, v11;
	v17 =	vld [tilespmem:s20+$0xDC40]  }
0x298: {  	s7 =	sadd.s32 $0x80, s7;
	[tilespmem:s20+$0xD860] =	vst v16;
	v13 =	vmul.f32 v13, v11;
	v16 =	vld [tilespmem:s20+$0xDC50]  }
0x299: {  	s29 =	sand.u32 $0x380, s7;
	s25 =	sshra.s32 s25, $0x2;
	[tilespmem:s20+$0xD870] =	vst v15;
	v14 =	vmul.f32 v14, v11;
	v15 =	vld [tilespmem:s20+$0xDC60]  }
0x29a: {  	s25 =	sor.u32 s29, s25;
	[tilespmem:s20+$0xDC00] =	vst v13;
	v13 =	vmul.f32 v19, v11;
	v19 =	vld [tilespmem:s20+$0xDC70]  }
0x29b: {  	v20 =	vld [tilespmem:s25+$0xC800];
	[tilespmem:s20+$0xDC10] =	vst v14;
	v14 =	vmul.f32 v18, v11  }
0x29c: {  	v18 =	vld [tilespmem:s25+$0xC810];
	[tilespmem:s20+$0xDC20] =	vst v13;
	v13 =	vmul.f32 v17, v11  }
0x29d: {  	v17 =	vmov s6;
	v21 =	vld [tilespmem:s25+$0xC820];
	[tilespmem:s20+$0xDC30] =	vst v14;
	v14 =	vmul.f32 v16, v11  }
0x29e: {  	v16 =	vperm.xlane v12, v17;
	v17 =	vld [tilespmem:s25+$0xC830];
	[tilespmem:s20+$0xDC40] =	vst v13;
	v13 =	vmul.f32 v15, v11  }
0x29f: {  	v15 =	vld [tilespmem:s25+$0xC840];
	[tilespmem:s20+$0xDC50] =	vst v14;
	v14 =	vmul.f32 v19, v11  }
0x2a0: {  	v11 =	vmov v16;
	v19 =	vmul.f32 v20, v16;
	v20 =	vld [tilespmem:s25+$0xC850];
	[tilespmem:s20+$0xDC60] =	vst v13  }
0x2a1: {  	v13 =	vmul.f32 v18, v11;
	v16 =	vld [tilespmem:s25+$0xC860];
	[tilespmem:s20+$0xDC70] =	vst v14;
	s20 =	smov.u32 s25  }
0x2a2: {  	[tilespmem:s20+$0xC800] =	vst v19;
	v14 =	vmul.f32 v21, v11;
	v18 =	vld [tilespmem:s20+$0xC870]  }
0x2a3: {  	[tilespmem:s20+$0xC810] =	vst v13;
	v13 =	vmul.f32 v17, v11;
	v17 =	vld [tilespmem:s20+$0xCC00]  }
0x2a4: {  	[tilespmem:s20+$0xC820] =	vst v14;
	v14 =	vmul.f32 v15, v11;
	v15 =	vld [tilespmem:s20+$0xCC10]  }
0x2a5: {  	[tilespmem:s20+$0xC830] =	vst v13;
	v13 =	vmul.f32 v20, v11;
	v19 =	vld [tilespmem:s20+$0xCC20]  }
0x2a6: {  	[tilespmem:s20+$0xC840] =	vst v14;
	v14 =	vmul.f32 v16, v11;
	v16 =	vld [tilespmem:s20+$0xCC30]  }
0x2a7: {  	[tilespmem:s20+$0xC850] =	vst v13;
	v13 =	vmul.f32 v18, v11;
	v18 =	vld [tilespmem:s20+$0xCC40]  }
0x2a8: {  	[tilespmem:s20+$0xC860] =	vst v14;
	v14 =	vmul.f32 v17, v11;
	v17 =	vld [tilespmem:s20+$0xCC50]  }
0x2a9: {  	[tilespmem:s20+$0xC870] =	vst v13;
	v13 =	vmul.f32 v15, v11;
	v15 =	vld [tilespmem:s20+$0xCC60]  }
0x2aa: {  	[tilespmem:s20+$0xCC00] =	vst v14;
	v14 =	vmul.f32 v19, v11;
	v19 =	vld [tilespmem:s20+$0xCC70]  }
0x2ab: {  	[tilespmem:s20+$0xCC10] =	vst v13;
	v13 =	vmul.f32 v16, v11;
	v16 =	vld [tilespmem:s20+$0xD000]  }
0x2ac: {  	[tilespmem:s20+$0xCC20] =	vst v14;
	v14 =	vmul.f32 v18, v11;
	v18 =	vld [tilespmem:s20+$0xD010]  }
0x2ad: {  	[tilespmem:s20+$0xCC30] =	vst v13;
	v13 =	vmul.f32 v17, v11;
	v17 =	vld [tilespmem:s20+$0xD020]  }
0x2ae: {  	[tilespmem:s20+$0xCC40] =	vst v14;
	v14 =	vmul.f32 v15, v11;
	v15 =	vld [tilespmem:s20+$0xD030]  }
0x2af: {  	[tilespmem:s20+$0xCC50] =	vst v13;
	v13 =	vmul.f32 v19, v11;
	v19 =	vld [tilespmem:s20+$0xD040]  }
0x2b0: {  	[tilespmem:s20+$0xCC60] =	vst v14;
	v14 =	vmul.f32 v16, v11;
	v16 =	vld [tilespmem:s20+$0xD050]  }
0x2b1: {  	[tilespmem:s20+$0xCC70] =	vst v13;
	v13 =	vmul.f32 v18, v11;
	v18 =	vld [tilespmem:s20+$0xD060]  }
0x2b2: {  	[tilespmem:s20+$0xD000] =	vst v14;
	v14 =	vmul.f32 v17, v11;
	v17 =	vld [tilespmem:s20+$0xD070]  }
0x2b3: {  	[tilespmem:s20+$0xD010] =	vst v13;
	v13 =	vmul.f32 v15, v11;
	v15 =	vld [tilespmem:s20+$0xD400]  }
0x2b4: {  	[tilespmem:s20+$0xD020] =	vst v14;
	v14 =	vmul.f32 v19, v11;
	v19 =	vld [tilespmem:s20+$0xD410]  }
0x2b5: {  	[tilespmem:s20+$0xD030] =	vst v13;
	v13 =	vmul.f32 v16, v11;
	v16 =	vld [tilespmem:s20+$0xD420]  }
0x2b6: {  	[tilespmem:s20+$0xD040] =	vst v14;
	v14 =	vmul.f32 v18, v11;
	v18 =	vld [tilespmem:s20+$0xD430]  }
0x2b7: {  	[tilespmem:s20+$0xD050] =	vst v13;
	v13 =	vmul.f32 v17, v11;
	v17 =	vld [tilespmem:s20+$0xD440]  }
0x2b8: {  	[tilespmem:s20+$0xD060] =	vst v14;
	v14 =	vmul.f32 v15, v11;
	v15 =	vld [tilespmem:s20+$0xD450]  }
0x2b9: {  	[tilespmem:s20+$0xD070] =	vst v13;
	v13 =	vmul.f32 v19, v11;
	v19 =	vld [tilespmem:s20+$0xD460]  }
0x2ba: {  	[tilespmem:s20+$0xD400] =	vst v14;
	v14 =	vmul.f32 v16, v11;
	v16 =	vld [tilespmem:s20+$0xD470]  }
0x2bb: {  	[tilespmem:s20+$0xD410] =	vst v13;
	v13 =	vmul.f32 v18, v11;
	v18 =	vld [tilespmem:s20+$0xD800]  }
0x2bc: {  	[tilespmem:s20+$0xD420] =	vst v14;
	v14 =	vmul.f32 v17, v11;
	v17 =	vld [tilespmem:s20+$0xD810]  }
0x2bd: {  	[tilespmem:s20+$0xD430] =	vst v13;
	v13 =	vmul.f32 v15, v11;
	v20 =	vld [tilespmem:s20+$0xD820]  }
0x2be: {  	[tilespmem:s20+$0xD440] =	vst v14;
	v14 =	vmul.f32 v19, v11;
	v19 =	vld [tilespmem:s20+$0xD830]  }
0x2bf: {  	[tilespmem:s20+$0xD450] =	vst v13;
	v13 =	vmul.f32 v16, v11;
	v21 =	vld [tilespmem:s20+$0xD840]  }
.Ltmp12:
0x2c0: {  	[tilespmem:s20+$0xD460] =	vst v14;
	v14 =	vmul.f32 v18, v11;
	v15 =	vld [tilespmem:s20+$0xD850];
	(pc) =	sbr.rel @p3 .LBB2_17-.Ltmp12, $4  }
0x2c1: {  	[tilespmem:s20+$0xD470] =	vst v13;
	v13 =	vmul.f32 v17, v11;
	v16 =	vld [tilespmem:s20+$0xD860]  }
0x2c2: {  	[tilespmem:s20+$0xD800] =	vst v14;
	v14 =	vmul.f32 v20, v11;
	v17 =	vld [tilespmem:s20+$0xD870]  }
0x2c3: {  	[tilespmem:s20+$0xD810] =	vst v13;
	v19 =	vmul.f32 v19, v11;
	v13 =	vld [tilespmem:s20+$0xDC00]  }
0x2c4: {  	s6 =	sadd.s32 $0x1, s6;
	[tilespmem:s20+$0xD820] =	vst v14;
	v18 =	vmul.f32 v21, v11;
	v14 =	vld [tilespmem:s20+$0xDC10]  }
0x2c5: {  	[tilespmem:s20+$0xD830] =	vst v19;
	v12 =	vld [tilespmem:s20+$0xDC20];
	v15 =	vmul.f32 v15, v11  }
0x2c6: {  	v55 =	vld [tilespmem:s20+$0xDC30];
	[tilespmem:s20+$0xD840] =	vst v18;
	v16 =	vmul.f32 v16, v11  }
0x2c7: {  	v56 =	vld [tilespmem:s20+$0xDC40];
	[tilespmem:s20+$0xD850] =	vst v15;
	v17 =	vmul.f32 v17, v11  }
0x2c8: {  	v57 =	vld [tilespmem:s20+$0xDC50];
	[tilespmem:s20+$0xD860] =	vst v16;
	v13 =	vmul.f32 v13, v11  }
0x2c9: {  	v58 =	vld [tilespmem:s20+$0xDC60];
	[tilespmem:s20+$0xD870] =	vst v17;
	v14 =	vmul.f32 v14, v11  }
0x2ca: {  	v59 =	vld [tilespmem:s20+$0xDC70];
	[tilespmem:s20+$0xDC00] =	vst v13;
	v12 =	vmul.f32 v12, v11  }
0x2cb: {  	v60 =	vmul.f32 v55, v11;
	[tilespmem:s20+$0xDC10] =	vst v14  }
0x2cc: {  	v61 =	vmul.f32 v56, v11;
	[tilespmem:s20+$0xDC20] =	vst v12  }
.Ltmp13:
0x2cd: {  	v62 =	vmul.f32 v57, v11;
	[tilespmem:s20+$0xDC30] =	vst v60;
	(pc) =	sbr.rel @p2 .LBB2_16-.Ltmp13, $4  }
0x2ce: {  	v63 =	vmul.f32 v58, v11;
	[tilespmem:s20+$0xDC40] =	vst v61  }
0x2cf: {  	v11 =	vmul.f32 v59, v11;
	[tilespmem:s20+$0xDC50] =	vst v62  }
0x2d0: {  	[tilespmem:s20+$0xDC60] =	vst v63  }
0x2d1: {  	s21 =	simm.s32 $0x10;
	p3 =	por $0x0, $0x0;
	[tilespmem:s20+$0xDC70] =	vst v11  }
.LBB2_19:
0x2d2: {  	s6 =	sadd.s32 s4, s18  }
0x2d3: {  	s6 =	sshrl.u32 s6, $0x3  }
0x2d4: {  	s6 =	smul.u32 $0x300, s6;
	_ =	sdelay $0x1  }
0x2d5: {  	s6 =	sadd.s32 s3, s6  }
0x2d6: {  	[hbm4b:s6+s5] =	stream.linear.scatter [tilespmem:s16], [sflag:$0x7], $0x6000, $0x38;
	[tilespmem:$0x18800] =	vst v63  }
0x2d7: {  	s6 =	simm.s32 @!p1 $0x6  }
0x2d8: {  	_ =	swait.ge @!p1 [sflag:s6], $0x6000  }
0x2d9: {  	[sflag:s6] =	ssyncset.done @!p1 $0x0  }
0x2da: {  	[sflag:s6] =	ssyncadd.s32 @!p1 $0xFFFFA000  }
0x2db: {  	v10 =	vld @!p1 [tilespmem:s17+$0xA0];
	_ =	sdelay $0x4  }
0x2dc: {  	v11 =	vshrl.u32 @!p1 v10, $0x3  }
0x2dd: {  	v11 =	vmul.u32 @!p1 $0x30, v11  }
0x2de: {  	v10 =	vand.u32 @!p1 $0x7, v10  }
0x2df: {  	v10 =	vor.u32 @!p1 v10, v11  }
0x2e0: {  	v11 =	vperm.xlane @!p1 v10, v8;
	_ =	sdelay $0x1  }
0x2e1: {  	v11 =	vadd.s32 @!p1 v7, v11;
	_ =	sdelay $0x3  }
0x2e2: {  	s6 =	simm.s32 @!p1 $0x6800;
	v10 =	vperm.xlane @!p1 v10, v9  }
0x2e3: {  	[tilespmem:s6], [sflag:$0x2] =	stream.indirect_vreg.gather @!p1 [hbm4b:s2+s15], $0x80, v11, vm1, $0xb8;
	[tilespmem:$0x18800] =	vst v63  }
0x2e4: {  	v10 =	vadd.s32 @!p1 v7, v10;
	s6 =	simm.s32 @!p1 $0x7000  }
0x2e5: {  	[tilespmem:s6], [sflag:$0x2] =	stream.indirect_vreg.gather @!p1 [hbm4b:s8+s15], $0x80, v11, vm1, $0xb8;
	[tilespmem:$0x18800] =	vst v63  }
0x2e6: {  	s6 =	simm.s32 @!p1 $0x7800  }
0x2e7: {  	[tilespmem:s6], [sflag:$0x2] =	stream.indirect_vreg.gather @!p1 [hbm4b:s9+s15], $0x80, v11, vm1, $0xb8;
	[tilespmem:$0x18800] =	vst v63  }
0x2e8: {  	s6 =	simm.s32 @!p1 $0x8000  }
0x2e9: {  	[tilespmem:s6], [sflag:$0x2] =	stream.indirect_vreg.gather @!p1 [hbm4b:s2+s15], $0x80, v10, vm1, $0xb8;
	[tilespmem:$0x18800] =	vst v63  }
0x2ea: {  	s6 =	simm.s32 @!p1 $0x8800  }
0x2eb: {  	[tilespmem:s6], [sflag:$0x2] =	stream.indirect_vreg.gather @!p1 [hbm4b:s8+s15], $0x80, v10, vm1, $0xb8;
	[tilespmem:$0x18800] =	vst v63  }
0x2ec: {  	s6 =	simm.s32 @!p1 $0x9000  }
0x2ed: {  	[tilespmem:s6], [sflag:$0x2] =	stream.indirect_vreg.gather @!p1 [hbm4b:s9+s15], $0x80, v10, vm1, $0xb8;
	[tilespmem:$0x18800] =	vst v63  }
0x2ee: {  	v10 =	vld @!p1 [tilespmem:s17+$0xB0];
	_ =	sdelay $0x4  }
0x2ef: {  	v11 =	vshrl.u32 @!p1 v10, $0x3  }
0x2f0: {  	v11 =	vmul.u32 @!p1 $0x30, v11  }
0x2f1: {  	v10 =	vand.u32 @!p1 $0x7, v10  }
0x2f2: {  	v10 =	vor.u32 @!p1 v10, v11  }
0x2f3: {  	v8 =	vperm.xlane @!p1 v10, v8;
	_ =	sdelay $0x1  }
0x2f4: {  	v8 =	vadd.s32 @!p1 v7, v8;
	_ =	sdelay $0x3  }
0x2f5: {  	s6 =	simm.s32 @!p1 $0x9800;
	v9 =	vperm.xlane @!p1 v10, v9  }
0x2f6: {  	[tilespmem:s6], [sflag:$0x2] =	stream.indirect_vreg.gather @!p1 [hbm4b:s2+s15], $0x80, v8, vm1, $0xb8;
	[tilespmem:$0x18800] =	vst v63  }
0x2f7: {  	v7 =	vadd.s32 @!p1 v7, v9;
	s6 =	simm.s32 @!p1 $0xA000  }
0x2f8: {  	[tilespmem:s6], [sflag:$0x2] =	stream.indirect_vreg.gather @!p1 [hbm4b:s8+s15], $0x80, v8, vm1, $0xb8;
	[tilespmem:$0x18800] =	vst v63  }
0x2f9: {  	s6 =	simm.s32 @!p1 $0xA800  }
0x2fa: {  	[tilespmem:s6], [sflag:$0x2] =	stream.indirect_vreg.gather @!p1 [hbm4b:s9+s15], $0x80, v8, vm1, $0xb8;
	[tilespmem:$0x18800] =	vst v63  }
0x2fb: {  	s6 =	simm.s32 @!p1 $0xB000  }
0x2fc: {  	[tilespmem:s6], [sflag:$0x2] =	stream.indirect_vreg.gather @!p1 [hbm4b:s2+s15], $0x80, v7, vm1, $0xb8;
	[tilespmem:$0x18800] =	vst v63  }
0x2fd: {  	s6 =	simm.s32 @!p1 $0xB800  }
0x2fe: {  	[tilespmem:s6], [sflag:$0x2] =	stream.indirect_vreg.gather @!p1 [hbm4b:s8+s15], $0x80, v7, vm1, $0xb8;
	[tilespmem:$0x18800] =	vst v63  }
.Ltmp14:
0x2ff: {  	s6 =	simm.s32 @!p1 $0xC000;
	(pc) =	sbr.rel @!p0 .LBB2_24-.Ltmp14, $4  }
0x300: {  	[tilespmem:s6], [sflag:$0x2] =	stream.indirect_vreg.gather @!p1 [hbm4b:s9+s15], $0x80, v7, vm1, $0xb8;
	[tilespmem:$0x18800] =	vst v63  }
0x301: {  	_ =	swait.ge [sflag:s28], $0x6000  }
0x302: {  	s29 =	sor.u32 $0x3, s14;
	[sflag:s28] =	ssyncset.done $0x0  }
0x303: {  	s14 =	sshll.u32 s29, $0x5;
	[sflag:s28] =	ssyncadd.s32 $0xFFFFA000  }
0x304: {  	s6 =	sand.u32 $0x3FFFFFE0, s14  }
0x305: {  	s6 =	sadd.s32 $0x400, s6  }
0x306: {  	s15 =	simm.s32 $0x0;
	p2 =	por $0x1, $0x1;
	s17 =	simm.s32 $0x0;
	v7 =	vmov s6  }
.LBB2_21:
0x307: {  	s6 =	sadd.s32 $0x0, s17  }
0x308: {  	s6 =	sshrl.u32 s6, $0x3  }
0x309: {  	s6 =	smul.u32 $0x6000, s6;
	_ =	sdelay $0x1  }
0x30a: {  	v9 =	vld.idx.msk [tilespmem:v7+s17+$0x0 ss:$0x1], $0xffff;
	s7 =	sand.u32 $0x380, s15;
	s6 =	sshra.s32 s6, $0x2  }
0x30b: {  	s18 =	sor.u32 s7, s6  }
0x30c: {  	v10 =	vld [tilespmem:s18+$0x12800];
	_ =	sdelay $0x1  }
0x30d: {  	v8 =	vmov s15;
	s6 =	sadd.s32 $0x12800, s18  }
0x30e: {  	v8 =	vperm.xlane v9, v8;
	v11 =	vld [tilespmem:s6+$0x420]  }
0x30f: {  	v12 =	vld [tilespmem:s6+$0x60]  }
0x310: {  	v13 =	vld [tilespmem:s6+$0x40];
	v10 =	vmul.f32 v10, v8  }
0x311: {  	v17 =	vld [tilespmem:s6+$0x50]  }
0x312: {  	[tilespmem:s18+$0x12800] =	vst v10;
	v10 =	vld [tilespmem:s6+$0x70]  }
0x313: {  	v11 =	vmul.f32 v11, v8;
	v14 =	vld [tilespmem:s6+$0x20]  }
0x314: {  	v15 =	vld [tilespmem:s6+$0x400];
	v12 =	vmul.f32 v12, v8  }
0x315: {  	v16 =	vld [tilespmem:s6+$0x430];
	v13 =	vmul.f32 v13, v8;
	[tilespmem:s6+$0x420] =	vst v11  }
0x316: {  	v61 =	vmul.f32 v17, v8;
	[tilespmem:s6+$0x60] =	vst v12;
	v12 =	vld [tilespmem:s6+$0x410]  }
0x317: {  	v11 =	vld [tilespmem:s6+$0x440];
	[tilespmem:s6+$0x40] =	vst v13;
	v10 =	vmul.f32 v10, v8  }
0x318: {  	v62 =	vld [tilespmem:s6+$0x30];
	[tilespmem:s6+$0x50] =	vst v61;
	v14 =	vmul.f32 v14, v8  }
0x319: {  	v13 =	vmul.f32 v15, v8;
	[tilespmem:s6+$0x70] =	vst v10;
	v10 =	vld [tilespmem:s6+$0x450]  }
0x31a: {  	v15 =	vmul.f32 v16, v8;
	[tilespmem:s6+$0x20] =	vst v14;
	v14 =	vld [tilespmem:s6+$0x460]  }
0x31b: {  	[tilespmem:s6+$0x400] =	vst v13;
	v13 =	vld [tilespmem:s6+$0x470];
	v12 =	vmul.f32 v12, v8  }
0x31c: {  	[tilespmem:s6+$0x430] =	vst v15;
	v15 =	vld [tilespmem:s6+$0x10];
	v11 =	vmul.f32 v11, v8  }
0x31d: {  	[tilespmem:s6+$0x410] =	vst v12;
	v12 =	vmul.f32 v62, v8  }
0x31e: {  	[tilespmem:s6+$0x440] =	vst v11;
	v10 =	vmul.f32 v10, v8  }
0x31f: {  	[tilespmem:s6+$0x30] =	vst v12;
	v11 =	vmul.f32 v14, v8  }
0x320: {  	[tilespmem:s6+$0x450] =	vst v10;
	v10 =	vmul.f32 v13, v8  }
0x321: {  	[tilespmem:s6+$0x460] =	vst v11;
	v11 =	vmul.f32 v15, v8  }
0x322: {  	[tilespmem:s6+$0x470] =	vst v10  }
0x323: {  	[tilespmem:s6+$0x10] =	vst v11  }
0x324: {  	v10 =	vld [tilespmem:s18+$0x13000];
	_ =	sdelay $0x2  }
0x325: {  	s25 =	sadd.s32 $0x13000, s18  }
0x326: {  	v11 =	vld [tilespmem:s25+$0x40]  }
0x327: {  	v12 =	vld [tilespmem:s25+$0x50];
	v10 =	vmul.f32 v10, v8  }
0x328: {  	v13 =	vld [tilespmem:s25+$0x60]  }
0x329: {  	v14 =	vld [tilespmem:s25+$0x70];
	[tilespmem:s18+$0x13000] =	vst v10  }
0x32a: {  	v10 =	vld [tilespmem:s25+$0x10]  }
0x32b: {  	v11 =	vmul.f32 v11, v8;
	v15 =	vld [tilespmem:s25+$0x20]  }
0x32c: {  	v12 =	vmul.f32 v12, v8;
	v16 =	vld [tilespmem:s25+$0x30]  }
0x32d: {  	[tilespmem:s25+$0x40] =	vst v11;
	v11 =	vmul.f32 v13, v8  }
0x32e: {  	[tilespmem:s25+$0x50] =	vst v12;
	v12 =	vmul.f32 v14, v8  }
0x32f: {  	[tilespmem:s25+$0x60] =	vst v11;
	v10 =	vmul.f32 v10, v8  }
0x330: {  	[tilespmem:s25+$0x70] =	vst v12;
	v11 =	vmul.f32 v15, v8  }
0x331: {  	[tilespmem:s25+$0x10] =	vst v10;
	v10 =	vmul.f32 v16, v8  }
0x332: {  	[tilespmem:s25+$0x20] =	vst v11  }
0x333: {  	[tilespmem:s25+$0x30] =	vst v10  }
0x334: {  	v10 =	vld [tilespmem:s18+$0x13400];
	_ =	sdelay $0x2  }
0x335: {  	s29 =	sadd.s32 $0x13400, s18  }
0x336: {  	v11 =	vld [tilespmem:s29+$0x40]  }
0x337: {  	v12 =	vld [tilespmem:s29+$0x50];
	v10 =	vmul.f32 v10, v8  }
0x338: {  	v13 =	vld [tilespmem:s29+$0x60]  }
0x339: {  	v14 =	vld [tilespmem:s29+$0x70];
	[tilespmem:s18+$0x13400] =	vst v10  }
0x33a: {  	v10 =	vld [tilespmem:s29+$0x10]  }
0x33b: {  	v11 =	vmul.f32 v11, v8;
	v15 =	vld [tilespmem:s29+$0x30]  }
0x33c: {  	v12 =	vmul.f32 v12, v8;
	v63 =	vld [tilespmem:s29+$0x20]  }
0x33d: {  	[tilespmem:s29+$0x40] =	vst v11;
	v11 =	vmul.f32 v13, v8  }
0x33e: {  	[tilespmem:s29+$0x50] =	vst v12;
	v12 =	vmul.f32 v14, v8  }
0x33f: {  	[tilespmem:s29+$0x60] =	vst v11;
	v10 =	vmul.f32 v10, v8  }
0x340: {  	[tilespmem:s29+$0x70] =	vst v12;
	v11 =	vmul.f32 v15, v8  }
0x341: {  	[tilespmem:s29+$0x10] =	vst v10;
	v10 =	vmul.f32 v63, v8  }
0x342: {  	[tilespmem:s29+$0x30] =	vst v11  }
0x343: {  	[tilespmem:s29+$0x20] =	vst v10  }
0x344: {  	s7 =	sadd.s32 $0x13800, s18;
	v10 =	vld [tilespmem:s18+$0x13800]  }
0x345: {  	v11 =	vld [tilespmem:s7+$0x40]  }
0x346: {  	v13 =	vld [tilespmem:s7+$0x50]  }
0x347: {  	v14 =	vld [tilespmem:s7+$0x60];
	_ =	sdelay $0x1  }
0x348: {  	v12 =	vmul.f32 v10, v8  }
0x349: {  	v15 =	vmul.f32 v11, v8  }
0x34a: {  	v10 =	vld [tilespmem:s7+$0x70];
	[tilespmem:s18+$0x13800] =	vst v12  }
0x34b: {  	p1 =	por p2, p2;
	s19 =	simm.s32 $0x1;
	s20 =	simm.s32 $0x0;
	v11 =	vmul.f32 v13, v8;
	v13 =	vmul.f32 v14, v8;
	[tilespmem:s7+$0x40] =	vst v15;
	v12 =	vld [tilespmem:s7+$0x10]  }
.LBB2_22:
0x34c: {  	p2 =	sne.s32 s19, $0xF  }
0x34d: {  	v14 =	vld [tilespmem:s7+$0x20];
	s20 =	sadd.s32 $0x80, s20;
	s6 =	smov.u32 s19;
	s19 =	sadd.s32 $0x1, s19  }
0x34e: {  	[tilespmem:s7+$0x60] =	vst v13;
	_ =	sdelay $0x1  }
0x34f: {  	v13 =	vld [tilespmem:s7+$0x30]  }
0x350: {  	v12 =	vmul.f32 v12, v8  }
0x351: {  	v14 =	vmul.f32 v14, v8  }
0x352: {  	[tilespmem:s7+$0x10] =	vst v12  }
0x353: {  	[tilespmem:s7+$0x20] =	vst v14  }
0x354: {  	v10 =	vmul.f32 v10, v8;
	v12 =	vmul.f32 v13, v8  }
0x355: {  	[tilespmem:s7+$0x50] =	vst v11  }
0x356: {  	[tilespmem:s7+$0x70] =	vst v10;
	_ =	sdelay $0x1  }
0x357: {  	[tilespmem:s7+$0x30] =	vst v12  }
0x358: {  	s7 =	sadd.s32 $0x13C00, s18;
	v10 =	vld [tilespmem:s18+$0x13C00]  }
0x359: {  	v11 =	vld [tilespmem:s7+$0x40]  }
0x35a: {  	v12 =	vld [tilespmem:s7+$0x50]  }
0x35b: {  	v13 =	vld [tilespmem:s7+$0x60]  }
0x35c: {  	v14 =	vld [tilespmem:s7+$0x70]  }
0x35d: {  	s21 =	sadd.s32 s6, s17;
	v10 =	vmul.f32 v10, v8  }
0x35e: {  	s21 =	sshrl.u32 s21, $0x3;
	v11 =	vmul.f32 v11, v8  }
0x35f: {  	s21 =	smul.u32 $0x6000, s21;
	[tilespmem:s18+$0x13C00] =	vst v10;
	v10 =	vmul.f32 v12, v8  }
0x360: {  	v12 =	vld [tilespmem:s7+$0x10];
	[tilespmem:s7+$0x40] =	vst v11;
	v11 =	vmul.f32 v13, v8  }
0x361: {  	s21 =	sshra.s32 s21, $0x2;
	s18 =	sand.u32 $0x380, s20;
	v13 =	vld [tilespmem:s7+$0x20];
	[tilespmem:s7+$0x50] =	vst v10;
	v10 =	vmul.f32 v14, v8  }
0x362: {  	s18 =	sor.u32 s18, s21;
	v14 =	vld [tilespmem:s7+$0x30];
	[tilespmem:s7+$0x60] =	vst v11  }
0x363: {  	[tilespmem:s7+$0x70] =	vst v10;
	_ =	sdelay $0x1  }
0x364: {  	v10 =	vmul.f32 v12, v8  }
0x365: {  	v11 =	vmul.f32 v13, v8  }
0x366: {  	[tilespmem:s7+$0x10] =	vst v10;
	v8 =	vmul.f32 v14, v8  }
0x367: {  	[tilespmem:s7+$0x20] =	vst v11  }
0x368: {  	[tilespmem:s7+$0x30] =	vst v8  }
0x369: {  	s7 =	sadd.s32 $0x12800, s18;
	v10 =	vld [tilespmem:s18+$0x12800]  }
0x36a: {  	v11 =	vld [tilespmem:s7+$0x430]  }
0x36b: {  	v8 =	vmov s6;
	v12 =	vld [tilespmem:s7+$0x420]  }
0x36c: {  	v8 =	vperm.xlane v9, v8;
	v13 =	vld [tilespmem:s7+$0x50]  }
0x36d: {  	v14 =	vld [tilespmem:s7+$0x60]  }
0x36e: {  	v10 =	vmul.f32 v10, v8;
	v15 =	vld [tilespmem:s7+$0x40];
	_ =	sdelay $0x1  }
0x36f: {  	[tilespmem:s18+$0x12800] =	vst v10;
	v10 =	vld [tilespmem:s7+$0x70]  }
0x370: {  	v16 =	vld [tilespmem:s7+$0x20]  }
0x371: {  	v12 =	vmul.f32 v12, v8;
	v14 =	vmul.f32 v14, v8;
	v17 =	vld [tilespmem:s7+$0x400]  }
0x372: {  	v18 =	vld [tilespmem:s7+$0x10]  }
0x373: {  	v15 =	vmul.f32 v15, v8;
	[tilespmem:s7+$0x420] =	vst v12;
	v12 =	vld [tilespmem:s7+$0x440]  }
0x374: {  	v13 =	vmul.f32 v13, v8;
	[tilespmem:s7+$0x60] =	vst v14;
	v10 =	vmul.f32 v10, v8;
	v14 =	vld [tilespmem:s7+$0x410]  }
0x375: {  	v11 =	vmul.f32 v11, v8;
	v16 =	vmul.f32 v16, v8  }
0x376: {  	[tilespmem:s7+$0x40] =	vst v15;
	v15 =	vmul.f32 v17, v8  }
0x377: {  	v17 =	vmul.f32 v18, v8;
	[tilespmem:s7+$0x70] =	vst v10;
	v10 =	vld [tilespmem:s7+$0x450]  }
0x378: {  	[tilespmem:s7+$0x20] =	vst v16;
	v12 =	vmul.f32 v12, v8;
	v16 =	vld [tilespmem:s7+$0x460]  }
0x379: {  	[tilespmem:s7+$0x400] =	vst v15;
	v14 =	vmul.f32 v14, v8;
	v15 =	vld [tilespmem:s7+$0x470]  }
0x37a: {  	v18 =	vld [tilespmem:s7+$0x30];
	[tilespmem:s7+$0x430] =	vst v11  }
0x37b: {  	[tilespmem:s7+$0x440] =	vst v12  }
0x37c: {  	[tilespmem:s7+$0x50] =	vst v13;
	v10 =	vmul.f32 v10, v8  }
0x37d: {  	[tilespmem:s7+$0x410] =	vst v14;
	v11 =	vmul.f32 v16, v8  }
0x37e: {  	[tilespmem:s7+$0x450] =	vst v10;
	v10 =	vmul.f32 v15, v8  }
0x37f: {  	v12 =	vmul.f32 v18, v8;
	[tilespmem:s7+$0x460] =	vst v11  }
0x380: {  	[tilespmem:s7+$0x470] =	vst v10  }
0x381: {  	[tilespmem:s7+$0x30] =	vst v12  }
0x382: {  	[tilespmem:s7+$0x10] =	vst v17  }
0x383: {  	s6 =	sadd.s32 $0x13000, s18;
	v10 =	vld [tilespmem:s18+$0x13000]  }
0x384: {  	v11 =	vld [tilespmem:s6+$0x40]  }
0x385: {  	v12 =	vld [tilespmem:s6+$0x50]  }
0x386: {  	v13 =	vld [tilespmem:s6+$0x60]  }
0x387: {  	v14 =	vld [tilespmem:s6+$0x70]  }
0x388: {  	v10 =	vmul.f32 v10, v8  }
0x389: {  	v11 =	vmul.f32 v11, v8  }
0x38a: {  	[tilespmem:s18+$0x13000] =	vst v10;
	v10 =	vmul.f32 v12, v8  }
0x38b: {  	v12 =	vld [tilespmem:s6+$0x10];
	[tilespmem:s6+$0x40] =	vst v11;
	v11 =	vmul.f32 v13, v8  }
0x38c: {  	v13 =	vld [tilespmem:s6+$0x20];
	[tilespmem:s6+$0x50] =	vst v10;
	v10 =	vmul.f32 v14, v8  }
0x38d: {  	v14 =	vld [tilespmem:s6+$0x30];
	[tilespmem:s6+$0x60] =	vst v11  }
0x38e: {  	[tilespmem:s6+$0x70] =	vst v10;
	_ =	sdelay $0x1  }
0x38f: {  	v10 =	vmul.f32 v12, v8  }
0x390: {  	v11 =	vmul.f32 v13, v8  }
0x391: {  	[tilespmem:s6+$0x10] =	vst v10;
	v10 =	vmul.f32 v14, v8  }
0x392: {  	[tilespmem:s6+$0x20] =	vst v11  }
0x393: {  	[tilespmem:s6+$0x30] =	vst v10  }
0x394: {  	s6 =	sadd.s32 $0x13400, s18;
	v10 =	vld [tilespmem:s18+$0x13400]  }
0x395: {  	v11 =	vld [tilespmem:s6+$0x40]  }
0x396: {  	v12 =	vld [tilespmem:s6+$0x50]  }
0x397: {  	v13 =	vld [tilespmem:s6+$0x60]  }
0x398: {  	v14 =	vld [tilespmem:s6+$0x70]  }
0x399: {  	v10 =	vmul.f32 v10, v8  }
0x39a: {  	v11 =	vmul.f32 v11, v8  }
0x39b: {  	[tilespmem:s18+$0x13400] =	vst v10;
	v10 =	vmul.f32 v12, v8  }
0x39c: {  	v12 =	vld [tilespmem:s6+$0x10];
	[tilespmem:s6+$0x40] =	vst v11;
	v11 =	vmul.f32 v13, v8  }
0x39d: {  	v13 =	vld [tilespmem:s6+$0x30];
	[tilespmem:s6+$0x50] =	vst v10;
	v10 =	vmul.f32 v14, v8  }
0x39e: {  	v14 =	vld [tilespmem:s6+$0x20];
	[tilespmem:s6+$0x60] =	vst v11  }
0x39f: {  	[tilespmem:s6+$0x70] =	vst v10;
	_ =	sdelay $0x1  }
0x3a0: {  	v10 =	vmul.f32 v12, v8  }
0x3a1: {  	v11 =	vmul.f32 v13, v8  }
0x3a2: {  	[tilespmem:s6+$0x10] =	vst v10;
	v10 =	vmul.f32 v14, v8  }
0x3a3: {  	[tilespmem:s6+$0x30] =	vst v11  }
0x3a4: {  	[tilespmem:s6+$0x20] =	vst v10  }
0x3a5: {  	s7 =	sadd.s32 $0x13800, s18;
	v11 =	vld [tilespmem:s18+$0x13800]  }
0x3a6: {  	v12 =	vld [tilespmem:s7+$0x40]  }
0x3a7: {  	v13 =	vld [tilespmem:s7+$0x50]  }
0x3a8: {  	v14 =	vld [tilespmem:s7+$0x60]  }
.Ltmp15:
0x3a9: {  	v10 =	vld [tilespmem:s7+$0x70];
	(pc) =	sbr.rel @p2 .LBB2_22-.Ltmp15, $4  }
0x3aa: {  	v11 =	vmul.f32 v11, v8  }
0x3ab: {  	v15 =	vmul.f32 v12, v8  }
0x3ac: {  	[tilespmem:s18+$0x13800] =	vst v11;
	v11 =	vmul.f32 v13, v8  }
0x3ad: {  	v12 =	vld [tilespmem:s7+$0x10];
	[tilespmem:s7+$0x40] =	vst v15;
	v13 =	vmul.f32 v14, v8  }
0x3ae: {  	v9 =	vld [tilespmem:s7+$0x20]  }
0x3af: {  	v57 =	vld [tilespmem:s7+$0x30];
	_ =	sdelay $0x1  }
0x3b0: {  	v58 =	vmul.f32 v10, v8;
	[tilespmem:s7+$0x50] =	vst v11  }
0x3b1: {  	[tilespmem:s7+$0x60] =	vst v13;
	v12 =	vmul.f32 v12, v8  }
0x3b2: {  	[tilespmem:s7+$0x70] =	vst v58;
	v9 =	vmul.f32 v9, v8  }
0x3b3: {  	v59 =	vmul.f32 v57, v8;
	[tilespmem:s7+$0x10] =	vst v12  }
0x3b4: {  	[tilespmem:s7+$0x20] =	vst v9  }
0x3b5: {  	[tilespmem:s7+$0x30] =	vst v59  }
0x3b6: {  	v9 =	vld [tilespmem:s18+$0x13C00];
	_ =	sdelay $0x2  }
0x3b7: {  	s6 =	sadd.s32 $0x13C00, s18  }
0x3b8: {  	v10 =	vld [tilespmem:s6+$0x40]  }
0x3b9: {  	v11 =	vld [tilespmem:s6+$0x50];
	v9 =	vmul.f32 v9, v8  }
0x3ba: {  	v12 =	vld [tilespmem:s6+$0x60]  }
0x3bb: {  	v60 =	vld [tilespmem:s6+$0x70];
	[tilespmem:s18+$0x13C00] =	vst v9  }
0x3bc: {  	v9 =	vld [tilespmem:s6+$0x10]  }
0x3bd: {  	v10 =	vmul.f32 v10, v8;
	v14 =	vld [tilespmem:s6+$0x20]  }
0x3be: {  	v11 =	vmul.f32 v11, v8;
	v15 =	vld [tilespmem:s6+$0x30]  }
0x3bf: {  	v61 =	vmul.f32 v12, v8;
	[tilespmem:s6+$0x40] =	vst v10  }
0x3c0: {  	v62 =	vmul.f32 v60, v8;
	[tilespmem:s6+$0x50] =	vst v11  }
.Ltmp16:
0x3c1: {  	[tilespmem:s6+$0x60] =	vst v61;
	v9 =	vmul.f32 v9, v8;
	(pc) =	sbr.rel @p1 .LBB2_21-.Ltmp16, $4  }
.Ltmp17:
0x3c2: {  	[tilespmem:s6+$0x70] =	vst v62;
	v63 =	vmul.f32 v14, v8;
	(pc) =	sbr.rel @!p1 .LBB2_24-.Ltmp17, $4  }
0x3c3: {  	v8 =	vmul.f32 v15, v8;
	[tilespmem:s6+$0x10] =	vst v9  }
0x3c4: {  	[tilespmem:s6+$0x20] =	vst v63  }
0x3c5: {  	s17 =	simm.s32 $0x10;
	p2 =	por $0x0, $0x0;
	[tilespmem:s6+$0x30] =	vst v8  }
0x3c6: {  	_ = 	snop  }
.LBB2_26:
0x3c7: {  	_ =	sfence.sel $0x180000  }
0x3c8: {  	[bflag:$0x0] =	sbarrier.arrive $0xFFFF  }
0x3c9: {  	_ =	strace $0x90000047  }
0x3ca: {  	s0 =	stileid.u32;
	[bflag:$0x2] =	sbarrier.arrive $0xFFFF  }
0x3cb: {  	p0 =	sne.s32 s0, $0x0;
	s0 =	rddreg [dreg:$0x4]  }
0x3cc: {  	s0 =	sadd.s32 @!p0 $0x100000, s0  }
0x3cd: {  	[sflag:s0] =	ssyncadd.tile.s32 @!p0 $0x1;
	_ =	shalt  }
.Lfunc_end2:
_tile_overlayer_lowered:
.L_overlay_start_2:
0x3ce: {  	(tag) =	ssettag $0x2  }
0x3cf: {  	s0 =	rddreg [dreg:$0x0];
	s2 =	stileid.u32  }
0x3d0: {  	s1 =	rddreg [dreg:$0x1];
	p0 =	sne.s32 s2, $0x0  }
0x3d1: {  	s3 =	rddreg [dreg:$0x2];
	[bflag:$0x3] =	sbarrier.arrive $0xFFFF;
	s2 =	simm.s32 @!p0 $0x1C09  }
0x3d2: {  	[timem:s3], [sflag:s2] =	dma.local @!p0 [hbm:s0], s1  }
0x3d3: {  	s0 =	simm.s32 @!p0 $0x9  }
0x3d4: {  	_ =	swait.ge @!p0 [sflag:s0], s1  }
0x3d5: {  	s1 =	ssub.s32 @!p0 $0x0, s1;
	[sflag:s0] =	ssyncset.done @!p0 $0x0  }
0x3d6: {  	[sflag:s0] =	ssyncadd.s32 @!p0 s1  }
0x3d7: {  	[bflag:$0x3] =	sbarrier.arrive $0xFFFF  }
0x3d8: {  	_ =	shalt  }

</sc_bundles>
